<compile_context>
chip_gen: v7x
topology: tpu7x:2x2x1
jax: 0.10.2.dev20260603
libtpu: 0.0.44.dev20260713+nightly
codegen_flags: <defaults>
</compile_context>

<pallas_src>
import functools

import jax
import jax.numpy as jnp
from jax import lax
from jax.experimental import pallas as pl
from jax.experimental.pallas import tpu as pltpu
from jax.experimental.pallas import tpu_sc as plsc

D_MODEL = 64
CB = 256
BW = 512
N_CHUNKS = 100


@functools.lru_cache(maxsize=None)
def _make_lookup(batch: int, hist: int, vocab: int, d: int):
    info = plsc.get_sparse_core_info()
    nc, ns = info.num_cores, info.num_subcores
    nw = nc * ns
    assert batch == nw * BW and d == D_MODEL and BW == 2 * CB
    n_chunks = hist * 2

    mesh = plsc.VectorSubcoreMesh(core_axis_name="c", subcore_axis_name="s")

    @functools.partial(
        pl.kernel,
        mesh=mesh,
        out_type=jax.ShapeDtypeStruct((hist, d, batch), jnp.float32),
        compiler_params=pltpu.CompilerParams(
            use_tc_tiling_on_sc=True, needs_layout_passes=False,
            disable_bounds_checks=True),
        scratch_types=[
            [pltpu.VMEM((CB,), jnp.int32)] * 2,
            pltpu.VMEM((2, CB), jnp.int32),
            pltpu.VMEM((2, CB, 128), jnp.float32),
            pltpu.VMEM((2, d, CB + 2), jnp.float32),
            [pltpu.SemaphoreType.DMA] * 2,
            [pltpu.SemaphoreType.DMA] * 2,
            [pltpu.SemaphoreType.DMA] * 2,
            [pltpu.SemaphoreType.DMA] * 2,
        ],
    )
    def lookup_kernel(xsh_hbm, h64_hbm, tab_hbm, out_hbm,
                      idx_v, h64_v, g_v, t_v, isems, hsems, gsems, ssems):
        wid = lax.axis_index("s") * nc + lax.axis_index("c")
        wbase = wid * BW

        def chunk_hb(k):
            return k // 2, wbase + (k % 2) * CB

        def i_copy(k, b):
            h, b0 = chunk_hb(k)
            return pltpu.make_async_copy(
                xsh_hbm.at[h, pl.ds(b0, CB)], idx_v[b], isems[b])

        def h_copy(k, b):
            h, b0 = chunk_hb(k)
            return pltpu.make_async_copy(
                h64_hbm.at[h, pl.ds(b0, CB)], h64_v.at[b], hsems[b])

        def g_copy(k, b):
            return pltpu.make_async_copy(
                tab_hbm.at[idx_v[b]], g_v.at[b], gsems[b])

        def s_copy(k, b):
            h, b0 = chunk_hb(k)
            return pltpu.make_async_copy(
                t_v.at[b, :, pl.ds(0, CB)],
                out_hbm.at[h, :, pl.ds(b0, CB)], ssems[b])

        def transpose(b):
            depth = 4
            lane = lax.iota(jnp.int32, 16)

            def cb_body(cb, carry):
                colv = lane + cb * 16
                hv = h64_v[b, pl.ds(cb * 16, 16)]

                def loadj(j):
                    rowv = (lane + j) & (d - 1)
                    return rowv, plsc.load_gather(g_v.at[b], [colv, hv + rowv])

                def storej(rv):
                    rowv, v = rv
                    plsc.store_scatter(t_v.at[b], [rowv, colv], v)

                pend = [loadj(j) for j in range(depth)]
                for j in range(depth, d):
                    nxt = loadj(j)
                    storej(pend[0])
                    pend = pend[1:] + [nxt]
                for rv in pend:
                    storej(rv)
                return carry

            lax.fori_loop(0, CB // 16, cb_body, 0)

        i_copy(0, 0).start()
        h_copy(0, 0).start()
        i_copy(0, 0).wait()
        g_copy(0, 0).start()
        i_copy(1, 1).start()
        h_copy(1, 1).start()

        def body(kk, carry):
            for b in range(2):
                k = kk * 2 + b
                nb = 1 - b

                @pl.when(k + 1 < n_chunks)
                def _():
                    i_copy(k + 1, nb).wait()
                    g_copy(k + 1, nb).start()

                g_copy(k, b).wait()
                h_copy(k, b).wait()

                @pl.when(k >= 2)
                def _():
                    s_copy(k - 2, b).wait()

                transpose(b)
                s_copy(k, b).start()

                @pl.when(k + 2 < n_chunks)
                def _():
                    i_copy(k + 2, b).start()
                    h_copy(k + 2, b).start()

            return carry

        lax.fori_loop(0, n_chunks // 2, body, 0)

        s_copy(n_chunks - 2, 0).wait()
        s_copy(n_chunks - 1, 1).wait()

    return lookup_kernel


_TBLK = 8192


@functools.lru_cache(maxsize=None)
def _make_pairer(vocab: int, d: int):
    n_blk = -(-vocab // (2 * _TBLK))

    def body(in_ref, out_ref):
        a = in_ref[...]
        out_ref[...] = jnp.concatenate(
            [a[:, :_TBLK].T, a[:, _TBLK:].T], axis=1)

    return pl.pallas_call(
        body,
        grid=(n_blk,),
        in_specs=[pl.BlockSpec((d, 2 * _TBLK), lambda i: (0, i))],
        out_specs=pl.BlockSpec((_TBLK, 2 * d), lambda i: (i, 0)),
        out_shape=jax.ShapeDtypeStruct((n_blk * _TBLK, 2 * d), jnp.float32),
    )


def kernel(x, table):
    batch, hist = x.shape
    vocab, d = table.shape
    xi = x.astype(jnp.int32)
    xsh = ((xi // (2 * _TBLK)) * _TBLK + xi % _TBLK).T
    h64 = (((xi // _TBLK) & 1) << 6).T
    tab = _make_pairer(vocab, d)(table.T)
    out = _make_lookup(batch, hist, vocab, d)(xsh, h64, tab)
    return out.transpose(2, 0, 1)

# --- scband reference (transcript-rebuilt; emitter-appended) ---
"""Pipeline reference for scband-embeddings-446676599289 (READ-ONLY COPY).

The authoritative reference and input builder live on the scoring server;
editing this copy changes nothing except your own understanding.
"""

import jax, jax.numpy as jnp
import numpy as np

VOCAB = 1000000
D_MODEL = 64
BATCH = 16384
HIST = 50

def setup_inputs(seed: int = 0) -> dict:
    key = jax.random.key(seed)
    k_idx, k_tab = jax.random.split(key)
    x = jax.random.randint(k_idx, (BATCH, HIST), 0, VOCAB, dtype=jnp.int64 if jax.config.read('jax_enable_x64') else jnp.int32)
    table = jax.random.normal(k_tab, (VOCAB, D_MODEL), dtype=jnp.float32)
    return {"x": x, "table": table}

def reference(x, table):
    # nn.Embedding forward: gather rows of the table by index
    embed = jnp.take(table, x, axis=0)
    return embed

if __name__ == "__main__":
    import jax
    _d = setup_inputs()
    print(jax.jit(kernel)(*tuple(_d.values())))

</pallas_src>

<mosaic_0001>
#map = affine_map<(d0, d1) -> (0, 0)>
#map1 = affine_map<(d0, d1) -> (0, 0, 0)>
module attributes {stable_mosaic.version = 14 : i64} {
  func.func @lookup_kernel(%arg0: i32, %arg1: i32, %arg2: memref<50x16384xi32, #tpu.memory_space<hbm>>, %arg3: memref<50x16384xi32, #tpu.memory_space<hbm>>, %arg4: memref<507904x128xf32, #tpu.memory_space<hbm>>, %arg5: memref<50x64x16384xf32, #tpu.memory_space<hbm>>, %arg6: memref<256xi32, #tpu.memory_space<vmem>>, %arg7: memref<256xi32, #tpu.memory_space<vmem>>, %arg8: memref<2x256xi32, #tpu.memory_space<vmem>>, %arg9: memref<2x256x128xf32, #tpu.memory_space<vmem>>, %arg10: memref<2x64x258xf32, #tpu.memory_space<vmem>>, %arg11: memref<!tpu.dma_semaphore, #tpu.memory_space<semaphore_mem>>, %arg12: memref<!tpu.dma_semaphore, #tpu.memory_space<semaphore_mem>>, %arg13: memref<!tpu.dma_semaphore, #tpu.memory_space<semaphore_mem>>, %arg14: memref<!tpu.dma_semaphore, #tpu.memory_space<semaphore_mem>>, %arg15: memref<!tpu.dma_semaphore, #tpu.memory_space<semaphore_mem>>, %arg16: memref<!tpu.dma_semaphore, #tpu.memory_space<semaphore_mem>>, %arg17: memref<!tpu.dma_semaphore, #tpu.memory_space<semaphore_mem>>, %arg18: memref<!tpu.dma_semaphore, #tpu.memory_space<semaphore_mem>>) attributes {dimension_semantics = [#tpu.dimension_semantics<core_parallel>, #tpu.dimension_semantics<subcore_parallel>], iteration_bounds = array<i64: 2, 16>, scalar_prefetch = 0 : i64, scratch_operands = 13 : i64, tpu.core_type = #tpu.core_type<sc_vector_subcore>, window_params = [{transform_indices = #map}, {transform_indices = #map}, {transform_indices = #map}, {transform_indices = #map1}]} {
    %mul3A = arith.constant 2 : i32
    %mul3A_0 = arith.muli %arg1, %mul3A : i32
    %add3A = arith.addi %mul3A_0, %arg0 : i32
    %mul3A_1 = arith.constant 512 : i32
    %mul3A_2 = arith.muli %add3A, %mul3A_1 : i32
    %add3A_3 = arith.constant 0 : i32
    %add3A_4 = arith.addi %mul3A_2, %add3A_3 : i32
    %dma_start3A = arith.constant 0 : i32
    %dma_start3A_5 = tpu.memref_slice %arg2[%dma_start3A, %add3A_4] : memref<50x16384xi32, #tpu.memory_space<hbm>> -> memref<1x256xi32, #tpu.memory_space<hbm>>
    %dma_start3A_6 = tpu.memref_squeeze %dma_start3A_5 : memref<1x256xi32, #tpu.memory_space<hbm>> -> memref<256xi32, #tpu.memory_space<hbm>>
    %dma_start3A_7 = tpu.memref_slice %arg2[%dma_start3A, %add3A_4] : memref<50x16384xi32, #tpu.memory_space<hbm>> -> memref<1x256xi32, #tpu.memory_space<hbm>>
    %dma_start3A_8 = tpu.memref_squeeze %dma_start3A_7 : memref<1x256xi32, #tpu.memory_space<hbm>> -> memref<256xi32, #tpu.memory_space<hbm>>
    tpu.enqueue_dma source(%dma_start3A_8 : memref<256xi32, #tpu.memory_space<hbm>>) target(%arg6 : memref<256xi32, #tpu.memory_space<vmem>>) target_semaphore(%arg11 : memref<!tpu.dma_semaphore, #tpu.memory_space<semaphore_mem>>)
    %add3A_9 = arith.constant 0 : i32
    %add3A_10 = arith.addi %mul3A_2, %add3A_9 : i32
    %dma_start3A_11 = arith.constant 0 : i32
    %dma_start3A_12 = arith.constant 0 : i32
    %dma_start3A_13 = arith.constant 0 : i32
    %dma_start3A_14 = tpu.memref_slice %arg8[%dma_start3A_12, %dma_start3A_13] : memref<2x256xi32, #tpu.memory_space<vmem>> -> memref<1x256xi32, #tpu.memory_space<vmem>>
    %dma_start3A_15 = tpu.memref_squeeze %dma_start3A_14 : memref<1x256xi32, #tpu.memory_space<vmem>> -> memref<256xi32, #tpu.memory_space<vmem>>
    %dma_start3A_16 = tpu.memref_slice %arg3[%dma_start3A_11, %add3A_10] : memref<50x16384xi32, #tpu.memory_space<hbm>> -> memref<1x256xi32, #tpu.memory_space<hbm>>
    %dma_start3A_17 = tpu.memref_squeeze %dma_start3A_16 : memref<1x256xi32, #tpu.memory_space<hbm>> -> memref<256xi32, #tpu.memory_space<hbm>>
    %dma_start3A_18 = arith.constant 0 : i32
    %dma_start3A_19 = tpu.memref_slice %arg8[%dma_start3A_12, %dma_start3A_18] : memref<2x256xi32, #tpu.memory_space<vmem>> -> memref<1x256xi32, #tpu.memory_space<vmem>>
    %dma_start3A_20 = tpu.memref_squeeze %dma_start3A_19 : memref<1x256xi32, #tpu.memory_space<vmem>> -> memref<256xi32, #tpu.memory_space<vmem>>
    %dma_start3A_21 = tpu.memref_slice %arg3[%dma_start3A_11, %add3A_10] : memref<50x16384xi32, #tpu.memory_space<hbm>> -> memref<1x256xi32, #tpu.memory_space<hbm>>
    %dma_start3A_22 = tpu.memref_squeeze %dma_start3A_21 : memref<1x256xi32, #tpu.memory_space<hbm>> -> memref<256xi32, #tpu.memory_space<hbm>>
    tpu.enqueue_dma source(%dma_start3A_22 : memref<256xi32, #tpu.memory_space<hbm>>) target(%dma_start3A_20 : memref<256xi32, #tpu.memory_space<vmem>>) target_semaphore(%arg13 : memref<!tpu.dma_semaphore, #tpu.memory_space<semaphore_mem>>)
    %add3A_23 = arith.constant 0 : i32
    %add3A_24 = arith.addi %mul3A_2, %add3A_23 : i32
    %dma_wait3A = arith.constant 0 : i32
    %dma_wait3A_25 = tpu.memref_slice %arg2[%dma_wait3A, %add3A_24] : memref<50x16384xi32, #tpu.memory_space<hbm>> -> memref<1x256xi32, #tpu.memory_space<hbm>>
    %dma_wait3A_26 = tpu.memref_squeeze %dma_wait3A_25 : memref<1x256xi32, #tpu.memory_space<hbm>> -> memref<256xi32, #tpu.memory_space<hbm>>
    %dma_wait3A_27 = tpu.memref_slice %arg2[%dma_wait3A, %add3A_24] : memref<50x16384xi32, #tpu.memory_space<hbm>> -> memref<1x256xi32, #tpu.memory_space<hbm>>
    %dma_wait3A_28 = tpu.memref_squeeze %dma_wait3A_27 : memref<1x256xi32, #tpu.memory_space<hbm>> -> memref<256xi32, #tpu.memory_space<hbm>>
    tpu.wait_dma2 semaphore(%arg11 : memref<!tpu.dma_semaphore, #tpu.memory_space<semaphore_mem>>) src(%dma_wait3A_28 : memref<256xi32, #tpu.memory_space<hbm>>) dst(%arg6 : memref<256xi32, #tpu.memory_space<vmem>>)
    %dma_start3A_29 = arith.constant 0 : i32
    %dma_start3A_30 = arith.constant 0 : i32
    %dma_start3A_31 = arith.constant 0 : i32
    %dma_start3A_32 = tpu.memref_slice %arg9[%dma_start3A_29, %dma_start3A_30, %dma_start3A_31] : memref<2x256x128xf32, #tpu.memory_space<vmem>> -> memref<1x256x128xf32, #tpu.memory_space<vmem>>
    %dma_start3A_33 = tpu.memref_squeeze %dma_start3A_32 : memref<1x256x128xf32, #tpu.memory_space<vmem>> -> memref<256x128xf32, #tpu.memory_space<vmem>>
    %dma_start3A_34 = arith.constant 0 : i32
    %dma_start3A_35 = arith.constant 0 : i32
    %dma_start3A_36 = tpu.memref_slice %arg4[%dma_start3A_34, %dma_start3A_35] : memref<507904x128xf32, #tpu.memory_space<hbm>> -> memref<507904x128xf32, #tpu.memory_space<hbm>>
    tpu.enqueue_indirect_dma source(%dma_start3A_36 : memref<507904x128xf32, #tpu.memory_space<hbm>>) target(%dma_start3A_33 : memref<256x128xf32, #tpu.memory_space<vmem>>) offsets(%arg6 : memref<256xi32, #tpu.memory_space<vmem>>) semaphore(%arg15 : memref<!tpu.dma_semaphore, #tpu.memory_space<semaphore_mem>>)
    %add3A_37 = arith.constant 256 : i32
    %add3A_38 = arith.addi %mul3A_2, %add3A_37 : i32
    %dma_start3A_39 = arith.constant 0 : i32
    %dma_start3A_40 = tpu.memref_slice %arg2[%dma_start3A_39, %add3A_38] : memref<50x16384xi32, #tpu.memory_space<hbm>> -> memref<1x256xi32, #tpu.memory_space<hbm>>
    %dma_start3A_41 = tpu.memref_squeeze %dma_start3A_40 : memref<1x256xi32, #tpu.memory_space<hbm>> -> memref<256xi32, #tpu.memory_space<hbm>>
    %dma_start3A_42 = tpu.memref_slice %arg2[%dma_start3A_39, %add3A_38] : memref<50x16384xi32, #tpu.memory_space<hbm>> -> memref<1x256xi32, #tpu.memory_space<hbm>>
    %dma_start3A_43 = tpu.memref_squeeze %dma_start3A_42 : memref<1x256xi32, #tpu.memory_space<hbm>> -> memref<256xi32, #tpu.memory_space<hbm>>
    tpu.enqueue_dma source(%dma_start3A_43 : memref<256xi32, #tpu.memory_space<hbm>>) target(%arg7 : memref<256xi32, #tpu.memory_space<vmem>>) target_semaphore(%arg12 : memref<!tpu.dma_semaphore, #tpu.memory_space<semaphore_mem>>)
    %add3A_44 = arith.constant 256 : i32
    %add3A_45 = arith.addi %mul3A_2, %add3A_44 : i32
    %dma_start3A_46 = arith.constant 0 : i32
    %dma_start3A_47 = arith.constant 1 : i32
    %dma_start3A_48 = arith.constant 0 : i32
    %dma_start3A_49 = tpu.memref_slice %arg8[%dma_start3A_47, %dma_start3A_48] : memref<2x256xi32, #tpu.memory_space<vmem>> -> memref<1x256xi32, #tpu.memory_space<vmem>>
    %dma_start3A_50 = tpu.memref_squeeze %dma_start3A_49 : memref<1x256xi32, #tpu.memory_space<vmem>> -> memref<256xi32, #tpu.memory_space<vmem>>
    %dma_start3A_51 = tpu.memref_slice %arg3[%dma_start3A_46, %add3A_45] : memref<50x16384xi32, #tpu.memory_space<hbm>> -> memref<1x256xi32, #tpu.memory_space<hbm>>
    %dma_start3A_52 = tpu.memref_squeeze %dma_start3A_51 : memref<1x256xi32, #tpu.memory_space<hbm>> -> memref<256xi32, #tpu.memory_space<hbm>>
    %dma_start3A_53 = arith.constant 0 : i32
    %dma_start3A_54 = tpu.memref_slice %arg8[%dma_start3A_47, %dma_start3A_53] : memref<2x256xi32, #tpu.memory_space<vmem>> -> memref<1x256xi32, #tpu.memory_space<vmem>>
    %dma_start3A_55 = tpu.memref_squeeze %dma_start3A_54 : memref<1x256xi32, #tpu.memory_space<vmem>> -> memref<256xi32, #tpu.memory_space<vmem>>
    %dma_start3A_56 = tpu.memref_slice %arg3[%dma_start3A_46, %add3A_45] : memref<50x16384xi32, #tpu.memory_space<hbm>> -> memref<1x256xi32, #tpu.memory_space<hbm>>
    %dma_start3A_57 = tpu.memref_squeeze %dma_start3A_56 : memref<1x256xi32, #tpu.memory_space<hbm>> -> memref<256xi32, #tpu.memory_space<hbm>>
    tpu.enqueue_dma source(%dma_start3A_57 : memref<256xi32, #tpu.memory_space<hbm>>) target(%dma_start3A_55 : memref<256xi32, #tpu.memory_space<vmem>>) target_semaphore(%arg14 : memref<!tpu.dma_semaphore, #tpu.memory_space<semaphore_mem>>)
    %scan3A = arith.constant 0 : i32
    %scan3A_58 = arith.constant 0 : i32
    %scan3A_59 = arith.constant 50 : i32
    %scan3A_60 = arith.addi %scan3A_58, %scan3A_59 : i32
    %scan3A_61 = arith.constant 1 : i32
    scf.for %scan3A_99 = %scan3A_58 to %scan3A_60 step %scan3A_61  : i32 {
      %mul3A_100 = arith.constant 2 : i32
      %mul3A_101 = arith.muli %scan3A_99, %mul3A_100 : i32
      %add3A_102 = arith.constant 0 : i32
      %add3A_103 = arith.addi %mul3A_101, %add3A_102 : i32
      %add3A_104 = arith.constant 1 : i32
      %add3A_105 = arith.addi %add3A_103, %add3A_104 : i32
      %lt3A = arith.constant 100 : i32
      %lt3A_106 = arith.cmpi slt, %add3A_105, %lt3A : i32
      %convert_element_type3A = arith.extui %lt3A_106 : i1 to i32
      %cond3A = arith.constant 0 : i32
      %cond3A_107 = arith.cmpi ne, %convert_element_type3A, %cond3A : i32
      scf.if %cond3A_107 {
        %add3A_386 = arith.constant 1 : i32
        %add3A_387 = arith.addi %add3A_103, %add3A_386 : i32
        %jit3A_388 = arith.constant 2 : i32
        %div3A_389 = arith.divsi %add3A_387, %jit3A_388 : i32
        %sign3A_390 = arith.constant 0 : i32
        %sign3A_391 = arith.cmpi sgt, %add3A_387, %sign3A_390 : i32
        %sign3A_392 = arith.extui %sign3A_391 : i1 to i32
        %sign3A_393 = arith.constant 0 : i32
        %sign3A_394 = arith.cmpi slt, %add3A_387, %sign3A_393 : i32
        %sign3A_395 = arith.extui %sign3A_394 : i1 to i32
        %sign3A_396 = arith.subi %sign3A_392, %sign3A_395 : i32
        %sign3A_397 = arith.constant 0 : i32
        %sign3A_398 = arith.cmpi sgt, %jit3A_388, %sign3A_397 : i32
        %sign3A_399 = arith.extui %sign3A_398 : i1 to i32
        %sign3A_400 = arith.constant 0 : i32
        %sign3A_401 = arith.cmpi slt, %jit3A_388, %sign3A_400 : i32
        %sign3A_402 = arith.extui %sign3A_401 : i1 to i32
        %sign3A_403 = arith.subi %sign3A_399, %sign3A_402 : i32
        %ne3A_404 = arith.cmpi ne, %sign3A_396, %sign3A_403 : i32
        %rem3A_405 = arith.remsi %add3A_387, %jit3A_388 : i32
        %ne3A_406 = arith.constant 0 : i32
        %ne3A_407 = arith.cmpi ne, %rem3A_405, %ne3A_406 : i32
        %and3A_408 = arith.andi %ne3A_404, %ne3A_407 : i1
        %sub3A_409 = arith.constant 1 : i32
        %sub3A_410 = arith.subi %div3A_389, %sub3A_409 : i32
        %select_n3A_411 = arith.select %and3A_408, %sub3A_410, %div3A_389 : i32
        %jit3A_412 = arith.constant 2 : i32
        %eq3A_413 = arith.constant 0 : i32
        %eq3A_414 = arith.cmpi eq, %jit3A_412, %eq3A_413 : i32
        %jit3A_415 = arith.constant 1 : i32
        %select_n3A_416 = arith.select %eq3A_414, %jit3A_415, %jit3A_412 : i32
        %rem3A_417 = arith.remsi %add3A_387, %select_n3A_416 : i32
        %ne3A_418 = arith.constant 0 : i32
        %ne3A_419 = arith.cmpi ne, %rem3A_417, %ne3A_418 : i32
        %lt3A_420 = arith.constant 0 : i32
        %lt3A_421 = arith.cmpi slt, %rem3A_417, %lt3A_420 : i32
        %lt3A_422 = arith.constant 0 : i32
        %lt3A_423 = arith.cmpi slt, %select_n3A_416, %lt3A_422 : i32
        %ne3A_424 = arith.xori %lt3A_421, %lt3A_423 : i1
        %and3A_425 = arith.andi %ne3A_424, %ne3A_419 : i1
        %add3A_426 = arith.addi %rem3A_417, %select_n3A_416 : i32
        %select_n3A_427 = arith.select %and3A_425, %add3A_426, %rem3A_417 : i32
        %mul3A_428 = arith.constant 256 : i32
        %mul3A_429 = arith.muli %select_n3A_427, %mul3A_428 : i32
        %add3A_430 = arith.addi %mul3A_2, %mul3A_429 : i32
        %dma_wait3A_431 = tpu.memref_slice %arg2[%select_n3A_411, %add3A_430] : memref<50x16384xi32, #tpu.memory_space<hbm>> -> memref<1x256xi32, #tpu.memory_space<hbm>>
        %dma_wait3A_432 = tpu.memref_squeeze %dma_wait3A_431 : memref<1x256xi32, #tpu.memory_space<hbm>> -> memref<256xi32, #tpu.memory_space<hbm>>
        %dma_wait3A_433 = tpu.memref_slice %arg2[%select_n3A_411, %add3A_430] : memref<50x16384xi32, #tpu.memory_space<hbm>> -> memref<1x256xi32, #tpu.memory_space<hbm>>
        %dma_wait3A_434 = tpu.memref_squeeze %dma_wait3A_433 : memref<1x256xi32, #tpu.memory_space<hbm>> -> memref<256xi32, #tpu.memory_space<hbm>>
        tpu.wait_dma2 semaphore(%arg12 : memref<!tpu.dma_semaphore, #tpu.memory_space<semaphore_mem>>) src(%dma_wait3A_434 : memref<256xi32, #tpu.memory_space<hbm>>) dst(%arg7 : memref<256xi32, #tpu.memory_space<vmem>>)
        %add3A_435 = arith.constant 1 : i32
        %add3A_436 = arith.addi %add3A_103, %add3A_435 : i32
        %dma_start3A_437 = arith.constant 1 : i32
        %dma_start3A_438 = arith.constant 0 : i32
        %dma_start3A_439 = arith.constant 0 : i32
        %dma_start3A_440 = tpu.memref_slice %arg9[%dma_start3A_437, %dma_start3A_438, %dma_start3A_439] : memref<2x256x128xf32, #tpu.memory_space<vmem>> -> memref<1x256x128xf32, #tpu.memory_space<vmem>>
        %dma_start3A_441 = tpu.memref_squeeze %dma_start3A_440 : memref<1x256x128xf32, #tpu.memory_space<vmem>> -> memref<256x128xf32, #tpu.memory_space<vmem>>
        %dma_start3A_442 = arith.constant 0 : i32
        %dma_start3A_443 = arith.constant 0 : i32
        %dma_start3A_444 = tpu.memref_slice %arg4[%dma_start3A_442, %dma_start3A_443] : memref<507904x128xf32, #tpu.memory_space<hbm>> -> memref<507904x128xf32, #tpu.memory_space<hbm>>
        tpu.enqueue_indirect_dma source(%dma_start3A_444 : memref<507904x128xf32, #tpu.memory_space<hbm>>) target(%dma_start3A_441 : memref<256x128xf32, #tpu.memory_space<vmem>>) offsets(%arg7 : memref<256xi32, #tpu.memory_space<vmem>>) semaphore(%arg16 : memref<!tpu.dma_semaphore, #tpu.memory_space<semaphore_mem>>)
      } else {
      }
      %dma_wait3A_108 = arith.constant 0 : i32
      %dma_wait3A_109 = arith.constant 0 : i32
      %dma_wait3A_110 = arith.constant 0 : i32
      %dma_wait3A_111 = tpu.memref_slice %arg9[%dma_wait3A_108, %dma_wait3A_109, %dma_wait3A_110] : memref<2x256x128xf32, #tpu.memory_space<vmem>> -> memref<1x256x128xf32, #tpu.memory_space<vmem>>
      %dma_wait3A_112 = tpu.memref_squeeze %dma_wait3A_111 : memref<1x256x128xf32, #tpu.memory_space<vmem>> -> memref<256x128xf32, #tpu.memory_space<vmem>>
      %dma_wait3A_113 = arith.constant 0 : i32
      %dma_wait3A_114 = arith.constant 0 : i32
      %dma_wait3A_115 = tpu.memref_slice %arg4[%dma_wait3A_113, %dma_wait3A_114] : memref<507904x128xf32, #tpu.memory_space<hbm>> -> memref<507904x128xf32, #tpu.memory_space<hbm>>
      tpu.wait_indirect_dma semaphore(%arg15 : memref<!tpu.dma_semaphore, #tpu.memory_space<semaphore_mem>>) src(%dma_wait3A_115 : memref<507904x128xf32, #tpu.memory_space<hbm>>) dst(%dma_wait3A_112 : memref<256x128xf32, #tpu.memory_space<vmem>>)
      %jit3A = arith.constant 2 : i32
      %div3A = arith.divsi %add3A_103, %jit3A : i32
      %sign3A = arith.constant 0 : i32
      %sign3A_116 = arith.cmpi sgt, %add3A_103, %sign3A : i32
      %sign3A_117 = arith.extui %sign3A_116 : i1 to i32
      %sign3A_118 = arith.constant 0 : i32
      %sign3A_119 = arith.cmpi slt, %add3A_103, %sign3A_118 : i32
      %sign3A_120 = arith.extui %sign3A_119 : i1 to i32
      %sign3A_121 = arith.subi %sign3A_117, %sign3A_120 : i32
      %sign3A_122 = arith.constant 0 : i32
      %sign3A_123 = arith.cmpi sgt, %jit3A, %sign3A_122 : i32
      %sign3A_124 = arith.extui %sign3A_123 : i1 to i32
      %sign3A_125 = arith.constant 0 : i32
      %sign3A_126 = arith.cmpi slt, %jit3A, %sign3A_125 : i32
      %sign3A_127 = arith.extui %sign3A_126 : i1 to i32
      %sign3A_128 = arith.subi %sign3A_124, %sign3A_127 : i32
      %ne3A = arith.cmpi ne, %sign3A_121, %sign3A_128 : i32
      %rem3A = arith.remsi %add3A_103, %jit3A : i32
      %ne3A_129 = arith.constant 0 : i32
      %ne3A_130 = arith.cmpi ne, %rem3A, %ne3A_129 : i32
      %and3A = arith.andi %ne3A, %ne3A_130 : i1
      %sub3A = arith.constant 1 : i32
      %sub3A_131 = arith.subi %div3A, %sub3A : i32
      %select_n3A = arith.select %and3A, %sub3A_131, %div3A : i32
      %jit3A_132 = arith.constant 2 : i32
      %eq3A = arith.constant 0 : i32
      %eq3A_133 = arith.cmpi eq, %jit3A_132, %eq3A : i32
      %jit3A_134 = arith.constant 1 : i32
      %select_n3A_135 = arith.select %eq3A_133, %jit3A_134, %jit3A_132 : i32
      %rem3A_136 = arith.remsi %add3A_103, %select_n3A_135 : i32
      %ne3A_137 = arith.constant 0 : i32
      %ne3A_138 = arith.cmpi ne, %rem3A_136, %ne3A_137 : i32
      %lt3A_139 = arith.constant 0 : i32
      %lt3A_140 = arith.cmpi slt, %rem3A_136, %lt3A_139 : i32
      %lt3A_141 = arith.constant 0 : i32
      %lt3A_142 = arith.cmpi slt, %select_n3A_135, %lt3A_141 : i32
      %ne3A_143 = arith.xori %lt3A_140, %lt3A_142 : i1
      %and3A_144 = arith.andi %ne3A_143, %ne3A_138 : i1
      %add3A_145 = arith.addi %rem3A_136, %select_n3A_135 : i32
      %select_n3A_146 = arith.select %and3A_144, %add3A_145, %rem3A_136 : i32
      %mul3A_147 = arith.constant 256 : i32
      %mul3A_148 = arith.muli %select_n3A_146, %mul3A_147 : i32
      %add3A_149 = arith.addi %mul3A_2, %mul3A_148 : i32
      %dma_wait3A_150 = arith.constant 0 : i32
      %dma_wait3A_151 = arith.constant 0 : i32
      %dma_wait3A_152 = tpu.memref_slice %arg8[%dma_wait3A_150, %dma_wait3A_151] : memref<2x256xi32, #tpu.memory_space<vmem>> -> memref<1x256xi32, #tpu.memory_space<vmem>>
      %dma_wait3A_153 = tpu.memref_squeeze %dma_wait3A_152 : memref<1x256xi32, #tpu.memory_space<vmem>> -> memref<256xi32, #tpu.memory_space<vmem>>
      %dma_wait3A_154 = tpu.memref_slice %arg3[%select_n3A, %add3A_149] : memref<50x16384xi32, #tpu.memory_space<hbm>> -> memref<1x256xi32, #tpu.memory_space<hbm>>
      %dma_wait3A_155 = tpu.memref_squeeze %dma_wait3A_154 : memref<1x256xi32, #tpu.memory_space<hbm>> -> memref<256xi32, #tpu.memory_space<hbm>>
      %dma_wait3A_156 = arith.constant 0 : i32
      %dma_wait3A_157 = tpu.memref_slice %arg8[%dma_wait3A_150, %dma_wait3A_156] : memref<2x256xi32, #tpu.memory_space<vmem>> -> memref<1x256xi32, #tpu.memory_space<vmem>>
      %dma_wait3A_158 = tpu.memref_squeeze %dma_wait3A_157 : memref<1x256xi32, #tpu.memory_space<vmem>> -> memref<256xi32, #tpu.memory_space<vmem>>
      %dma_wait3A_159 = tpu.memref_slice %arg3[%select_n3A, %add3A_149] : memref<50x16384xi32, #tpu.memory_space<hbm>> -> memref<1x256xi32, #tpu.memory_space<hbm>>
      %dma_wait3A_160 = tpu.memref_squeeze %dma_wait3A_159 : memref<1x256xi32, #tpu.memory_space<hbm>> -> memref<256xi32, #tpu.memory_space<hbm>>
      tpu.wait_dma2 semaphore(%arg13 : memref<!tpu.dma_semaphore, #tpu.memory_space<semaphore_mem>>) src(%dma_wait3A_160 : memref<256xi32, #tpu.memory_space<hbm>>) dst(%dma_wait3A_158 : memref<256xi32, #tpu.memory_space<vmem>>)
      %ge3A = arith.constant 2 : i32
      %ge3A_161 = arith.cmpi sge, %add3A_103, %ge3A : i32
      %convert_element_type3A_162 = arith.extui %ge3A_161 : i1 to i32
      %cond3A_163 = arith.constant 0 : i32
      %cond3A_164 = arith.cmpi ne, %convert_element_type3A_162, %cond3A_163 : i32
      scf.if %cond3A_164 {
        %sub3A_386 = arith.constant 2 : i32
        %sub3A_387 = arith.subi %add3A_103, %sub3A_386 : i32
        %jit3A_388 = arith.constant 2 : i32
        %div3A_389 = arith.divsi %sub3A_387, %jit3A_388 : i32
        %sign3A_390 = arith.constant 0 : i32
        %sign3A_391 = arith.cmpi sgt, %sub3A_387, %sign3A_390 : i32
        %sign3A_392 = arith.extui %sign3A_391 : i1 to i32
        %sign3A_393 = arith.constant 0 : i32
        %sign3A_394 = arith.cmpi slt, %sub3A_387, %sign3A_393 : i32
        %sign3A_395 = arith.extui %sign3A_394 : i1 to i32
        %sign3A_396 = arith.subi %sign3A_392, %sign3A_395 : i32
        %sign3A_397 = arith.constant 0 : i32
        %sign3A_398 = arith.cmpi sgt, %jit3A_388, %sign3A_397 : i32
        %sign3A_399 = arith.extui %sign3A_398 : i1 to i32
        %sign3A_400 = arith.constant 0 : i32
        %sign3A_401 = arith.cmpi slt, %jit3A_388, %sign3A_400 : i32
        %sign3A_402 = arith.extui %sign3A_401 : i1 to i32
        %sign3A_403 = arith.subi %sign3A_399, %sign3A_402 : i32
        %ne3A_404 = arith.cmpi ne, %sign3A_396, %sign3A_403 : i32
        %rem3A_405 = arith.remsi %sub3A_387, %jit3A_388 : i32
        %ne3A_406 = arith.constant 0 : i32
        %ne3A_407 = arith.cmpi ne, %rem3A_405, %ne3A_406 : i32
        %and3A_408 = arith.andi %ne3A_404, %ne3A_407 : i1
        %sub3A_409 = arith.constant 1 : i32
        %sub3A_410 = arith.subi %div3A_389, %sub3A_409 : i32
        %select_n3A_411 = arith.select %and3A_408, %sub3A_410, %div3A_389 : i32
        %jit3A_412 = arith.constant 2 : i32
        %eq3A_413 = arith.constant 0 : i32
        %eq3A_414 = arith.cmpi eq, %jit3A_412, %eq3A_413 : i32
        %jit3A_415 = arith.constant 1 : i32
        %select_n3A_416 = arith.select %eq3A_414, %jit3A_415, %jit3A_412 : i32
        %rem3A_417 = arith.remsi %sub3A_387, %select_n3A_416 : i32
        %ne3A_418 = arith.constant 0 : i32
        %ne3A_419 = arith.cmpi ne, %rem3A_417, %ne3A_418 : i32
        %lt3A_420 = arith.constant 0 : i32
        %lt3A_421 = arith.cmpi slt, %rem3A_417, %lt3A_420 : i32
        %lt3A_422 = arith.constant 0 : i32
        %lt3A_423 = arith.cmpi slt, %select_n3A_416, %lt3A_422 : i32
        %ne3A_424 = arith.xori %lt3A_421, %lt3A_423 : i1
        %and3A_425 = arith.andi %ne3A_424, %ne3A_419 : i1
        %add3A_426 = arith.addi %rem3A_417, %select_n3A_416 : i32
        %select_n3A_427 = arith.select %and3A_425, %add3A_426, %rem3A_417 : i32
        %mul3A_428 = arith.constant 256 : i32
        %mul3A_429 = arith.muli %select_n3A_427, %mul3A_428 : i32
        %add3A_430 = arith.addi %mul3A_2, %mul3A_429 : i32
        %dma_wait3A_431 = arith.constant 0 : i32
        %dma_wait3A_432 = arith.constant 0 : i32
        %dma_wait3A_433 = arith.constant 0 : i32
        %dma_wait3A_434 = tpu.memref_slice %arg10[%dma_wait3A_431, %dma_wait3A_432, %dma_wait3A_433] : memref<2x64x258xf32, #tpu.memory_space<vmem>> -> memref<1x64x256xf32, #tpu.memory_space<vmem>>
        %dma_wait3A_435 = tpu.memref_squeeze %dma_wait3A_434 : memref<1x64x256xf32, #tpu.memory_space<vmem>> -> memref<64x256xf32, #tpu.memory_space<vmem>>
        %dma_wait3A_436 = arith.constant 0 : i32
        %dma_wait3A_437 = tpu.memref_slice %arg5[%select_n3A_411, %dma_wait3A_436, %add3A_430] : memref<50x64x16384xf32, #tpu.memory_space<hbm>> -> memref<1x64x256xf32, #tpu.memory_space<hbm>>
        %dma_wait3A_438 = tpu.memref_squeeze %dma_wait3A_437 : memref<1x64x256xf32, #tpu.memory_space<hbm>> -> memref<64x256xf32, #tpu.memory_space<hbm>>
        %dma_wait3A_439 = arith.constant 0 : i32
        %dma_wait3A_440 = tpu.memref_slice %arg5[%select_n3A_411, %dma_wait3A_439, %add3A_430] : memref<50x64x16384xf32, #tpu.memory_space<hbm>> -> memref<1x64x256xf32, #tpu.memory_space<hbm>>
        %dma_wait3A_441 = tpu.memref_squeeze %dma_wait3A_440 : memref<1x64x256xf32, #tpu.memory_space<hbm>> -> memref<64x256xf32, #tpu.memory_space<hbm>>
        %dma_wait3A_442 = arith.constant 0 : i32
        %dma_wait3A_443 = arith.constant 0 : i32
        %dma_wait3A_444 = tpu.memref_slice %arg10[%dma_wait3A_431, %dma_wait3A_442, %dma_wait3A_443] : memref<2x64x258xf32, #tpu.memory_space<vmem>> -> memref<1x64x256xf32, #tpu.memory_space<vmem>>
        %dma_wait3A_445 = tpu.memref_squeeze %dma_wait3A_444 : memref<1x64x256xf32, #tpu.memory_space<vmem>> -> memref<64x256xf32, #tpu.memory_space<vmem>>
        tpu.wait_dma2 semaphore(%arg17 : memref<!tpu.dma_semaphore, #tpu.memory_space<semaphore_mem>>) src(%dma_wait3A_445 : memref<64x256xf32, #tpu.memory_space<vmem>>) dst(%dma_wait3A_441 : memref<64x256xf32, #tpu.memory_space<hbm>>)
      } else {
      }
      %iota3A = tpu.iota {dimensions = array<i32: 0>} : vector<16xi32>
      %scan3A_165 = arith.constant 0 : i32
      %scan3A_166 = arith.constant 0 : i32
      %scan3A_167 = arith.constant 16 : i32
      %scan3A_168 = arith.addi %scan3A_166, %scan3A_167 : i32
      %scan3A_169 = arith.constant 1 : i32
      scf.for %scan3A_386 = %scan3A_166 to %scan3A_168 step %scan3A_169  : i32 {
        %mul3A_387 = arith.constant 16 : i32
        %mul3A_388 = arith.muli %scan3A_386, %mul3A_387 : i32
        %add3A_389 = vector.broadcast %mul3A_388 : i32 to vector<16xi32>
        %add3A_390 = arith.addi %iota3A, %add3A_389 : vector<16xi32>
        %mul3A_391 = arith.constant 16 : i32
        %mul3A_392 = arith.muli %scan3A_386, %mul3A_391 : i32
        %get3A = arith.constant 0 : i32
        %get3A_393 = arith.index_cast %get3A : i32 to index
        %get3A_394 = arith.index_cast %mul3A_392 : i32 to index
        %get3A_395 = tpu.vector_load %arg8[%get3A_393, %get3A_394] {strides = array<i32>} : memref<2x256xi32, #tpu.memory_space<vmem>>, vector<16xi32>,
        %add3A_396 = arith.constant 0 : i32
        %add3A_397 = vector.broadcast %add3A_396 : i32 to vector<16xi32>
        %add3A_398 = arith.addi %iota3A, %add3A_397 : vector<16xi32>
        %and3A_399 = arith.constant 63 : i32
        %and3A_400 = vector.broadcast %and3A_399 : i32 to vector<16xi32>
        %and3A_401 = arith.andi %add3A_398, %and3A_400 : vector<16xi32>
        %add3A_402 = arith.addi %get3A_395, %and3A_401 : vector<16xi32>
        %gather3A = arith.constant 0 : i32
        %gather3A_403 = arith.constant 0 : i32
        %gather3A_404 = arith.constant 0 : i32
        %gather3A_405 = tpu.memref_slice %arg9[%gather3A, %gather3A_403, %gather3A_404] : memref<2x256x128xf32, #tpu.memory_space<vmem>> -> memref<1x256x128xf32, #tpu.memory_space<vmem>>
        %gather3A_406 = tpu.memref_squeeze %gather3A_405 : memref<1x256x128xf32, #tpu.memory_space<vmem>> -> memref<256x128xf32, #tpu.memory_space<vmem>>
        %gather3A_407 = tpu.vector_load_idx %gather3A_406[%add3A_390, %add3A_402] : memref<256x128xf32, #tpu.memory_space<vmem>>[vector<16xi32>, vector<16xi32>], vector<16xf32>,
        %add3A_408 = arith.constant 1 : i32
        %add3A_409 = vector.broadcast %add3A_408 : i32 to vector<16xi32>
        %add3A_410 = arith.addi %iota3A, %add3A_409 : vector<16xi32>
        %and3A_411 = arith.constant 63 : i32
        %and3A_412 = vector.broadcast %and3A_411 : i32 to vector<16xi32>
        %and3A_413 = arith.andi %add3A_410, %and3A_412 : vector<16xi32>
        %add3A_414 = arith.addi %get3A_395, %and3A_413 : vector<16xi32>
        %gather3A_415 = arith.constant 0 : i32
        %gather3A_416 = arith.constant 0 : i32
        %gather3A_417 = arith.constant 0 : i32
        %gather3A_418 = tpu.memref_slice %arg9[%gather3A_415, %gather3A_416, %gather3A_417] : memref<2x256x128xf32, #tpu.memory_space<vmem>> -> memref<1x256x128xf32, #tpu.memory_space<vmem>>
        %gather3A_419 = tpu.memref_squeeze %gather3A_418 : memref<1x256x128xf32, #tpu.memory_space<vmem>> -> memref<256x128xf32, #tpu.memory_space<vmem>>
        %gather3A_420 = tpu.vector_load_idx %gather3A_419[%add3A_390, %add3A_414] : memref<256x128xf32, #tpu.memory_space<vmem>>[vector<16xi32>, vector<16xi32>], vector<16xf32>,
        %add3A_421 = arith.constant 2 : i32
        %add3A_422 = vector.broadcast %add3A_421 : i32 to vector<16xi32>
        %add3A_423 = arith.addi %iota3A, %add3A_422 : vector<16xi32>
        %and3A_424 = arith.constant 63 : i32
        %and3A_425 = vector.broadcast %and3A_424 : i32 to vector<16xi32>
        %and3A_426 = arith.andi %add3A_423, %and3A_425 : vector<16xi32>
        %add3A_427 = arith.addi %get3A_395, %and3A_426 : vector<16xi32>
        %gather3A_428 = arith.constant 0 : i32
        %gather3A_429 = arith.constant 0 : i32
        %gather3A_430 = arith.constant 0 : i32
        %gather3A_431 = tpu.memref_slice %arg9[%gather3A_428, %gather3A_429, %gather3A_430] : memref<2x256x128xf32, #tpu.memory_space<vmem>> -> memref<1x256x128xf32, #tpu.memory_space<vmem>>
        %gather3A_432 = tpu.memref_squeeze %gather3A_431 : memref<1x256x128xf32, #tpu.memory_space<vmem>> -> memref<256x128xf32, #tpu.memory_space<vmem>>
        %gather3A_433 = tpu.vector_load_idx %gather3A_432[%add3A_390, %add3A_427] : memref<256x128xf32, #tpu.memory_space<vmem>>[vector<16xi32>, vector<16xi32>], vector<16xf32>,
        %add3A_434 = arith.constant 3 : i32
        %add3A_435 = vector.broadcast %add3A_434 : i32 to vector<16xi32>
        %add3A_436 = arith.addi %iota3A, %add3A_435 : vector<16xi32>
        %and3A_437 = arith.constant 63 : i32
        %and3A_438 = vector.broadcast %and3A_437 : i32 to vector<16xi32>
        %and3A_439 = arith.andi %add3A_436, %and3A_438 : vector<16xi32>
        %add3A_440 = arith.addi %get3A_395, %and3A_439 : vector<16xi32>
        %gather3A_441 = arith.constant 0 : i32
        %gather3A_442 = arith.constant 0 : i32
        %gather3A_443 = arith.constant 0 : i32
        %gather3A_444 = tpu.memref_slice %arg9[%gather3A_441, %gather3A_442, %gather3A_443] : memref<2x256x128xf32, #tpu.memory_space<vmem>> -> memref<1x256x128xf32, #tpu.memory_space<vmem>>
        %gather3A_445 = tpu.memref_squeeze %gather3A_444 : memref<1x256x128xf32, #tpu.memory_space<vmem>> -> memref<256x128xf32, #tpu.memory_space<vmem>>
        %gather3A_446 = tpu.vector_load_idx %gather3A_445[%add3A_390, %add3A_440] : memref<256x128xf32, #tpu.memory_space<vmem>>[vector<16xi32>, vector<16xi32>], vector<16xf32>,
        %add3A_447 = arith.constant 4 : i32
        %add3A_448 = vector.broadcast %add3A_447 : i32 to vector<16xi32>
        %add3A_449 = arith.addi %iota3A, %add3A_448 : vector<16xi32>
        %and3A_450 = arith.constant 63 : i32
        %and3A_451 = vector.broadcast %and3A_450 : i32 to vector<16xi32>
        %and3A_452 = arith.andi %add3A_449, %and3A_451 : vector<16xi32>
        %add3A_453 = arith.addi %get3A_395, %and3A_452 : vector<16xi32>
        %gather3A_454 = arith.constant 0 : i32
        %gather3A_455 = arith.constant 0 : i32
        %gather3A_456 = arith.constant 0 : i32
        %gather3A_457 = tpu.memref_slice %arg9[%gather3A_454, %gather3A_455, %gather3A_456] : memref<2x256x128xf32, #tpu.memory_space<vmem>> -> memref<1x256x128xf32, #tpu.memory_space<vmem>>
        %gather3A_458 = tpu.memref_squeeze %gather3A_457 : memref<1x256x128xf32, #tpu.memory_space<vmem>> -> memref<256x128xf32, #tpu.memory_space<vmem>>
        %gather3A_459 = tpu.vector_load_idx %gather3A_458[%add3A_390, %add3A_453] : memref<256x128xf32, #tpu.memory_space<vmem>>[vector<16xi32>, vector<16xi32>], vector<16xf32>,
        %scatter3A = arith.constant 0 : i32
        %scatter3A_460 = arith.constant 0 : i32
        %scatter3A_461 = arith.constant 0 : i32
        %scatter3A_462 = tpu.memref_slice %arg10[%scatter3A, %scatter3A_460, %scatter3A_461] : memref<2x64x258xf32, #tpu.memory_space<vmem>> -> memref<1x64x258xf32, #tpu.memory_space<vmem>>
        %scatter3A_463 = tpu.memref_squeeze %scatter3A_462 : memref<1x64x258xf32, #tpu.memory_space<vmem>> -> memref<64x258xf32, #tpu.memory_space<vmem>>
        tpu.vector_store_idx %scatter3A_463[%and3A_401, %add3A_390], %gather3A_407 : memref<64x258xf32, #tpu.memory_space<vmem>>[vector<16xi32>, vector<16xi32>], vector<16xf32>,
        %add3A_464 = arith.constant 5 : i32
        %add3A_465 = vector.broadcast %add3A_464 : i32 to vector<16xi32>
        %add3A_466 = arith.addi %iota3A, %add3A_465 : vector<16xi32>
        %and3A_467 = arith.constant 63 : i32
        %and3A_468 = vector.broadcast %and3A_467 : i32 to vector<16xi32>
        %and3A_469 = arith.andi %add3A_466, %and3A_468 : vector<16xi32>
        %add3A_470 = arith.addi %get3A_395, %and3A_469 : vector<16xi32>
        %gather3A_471 = arith.constant 0 : i32
        %gather3A_472 = arith.constant 0 : i32
        %gather3A_473 = arith.constant 0 : i32
        %gather3A_474 = tpu.memref_slice %arg9[%gather3A_471, %gather3A_472, %gather3A_473] : memref<2x256x128xf32, #tpu.memory_space<vmem>> -> memref<1x256x128xf32, #tpu.memory_space<vmem>>
        %gather3A_475 = tpu.memref_squeeze %gather3A_474 : memref<1x256x128xf32, #tpu.memory_space<vmem>> -> memref<256x128xf32, #tpu.memory_space<vmem>>
        %gather3A_476 = tpu.vector_load_idx %gather3A_475[%add3A_390, %add3A_470] : memref<256x128xf32, #tpu.memory_space<vmem>>[vector<16xi32>, vector<16xi32>], vector<16xf32>,
        %scatter3A_477 = arith.constant 0 : i32
        %scatter3A_478 = arith.constant 0 : i32
        %scatter3A_479 = arith.constant 0 : i32
        %scatter3A_480 = tpu.memref_slice %arg10[%scatter3A_477, %scatter3A_478, %scatter3A_479] : memref<2x64x258xf32, #tpu.memory_space<vmem>> -> memref<1x64x258xf32, #tpu.memory_space<vmem>>
        %scatter3A_481 = tpu.memref_squeeze %scatter3A_480 : memref<1x64x258xf32, #tpu.memory_space<vmem>> -> memref<64x258xf32, #tpu.memory_space<vmem>>
        tpu.vector_store_idx %scatter3A_481[%and3A_413, %add3A_390], %gather3A_420 : memref<64x258xf32, #tpu.memory_space<vmem>>[vector<16xi32>, vector<16xi32>], vector<16xf32>,
        %add3A_482 = arith.constant 6 : i32
        %add3A_483 = vector.broadcast %add3A_482 : i32 to vector<16xi32>
        %add3A_484 = arith.addi %iota3A, %add3A_483 : vector<16xi32>
        %and3A_485 = arith.constant 63 : i32
        %and3A_486 = vector.broadcast %and3A_485 : i32 to vector<16xi32>
        %and3A_487 = arith.andi %add3A_484, %and3A_486 : vector<16xi32>
        %add3A_488 = arith.addi %get3A_395, %and3A_487 : vector<16xi32>
        %gather3A_489 = arith.constant 0 : i32
        %gather3A_490 = arith.constant 0 : i32
        %gather3A_491 = arith.constant 0 : i32
        %gather3A_492 = tpu.memref_slice %arg9[%gather3A_489, %gather3A_490, %gather3A_491] : memref<2x256x128xf32, #tpu.memory_space<vmem>> -> memref<1x256x128xf32, #tpu.memory_space<vmem>>
        %gather3A_493 = tpu.memref_squeeze %gather3A_492 : memref<1x256x128xf32, #tpu.memory_space<vmem>> -> memref<256x128xf32, #tpu.memory_space<vmem>>
        %gather3A_494 = tpu.vector_load_idx %gather3A_493[%add3A_390, %add3A_488] : memref<256x128xf32, #tpu.memory_space<vmem>>[vector<16xi32>, vector<16xi32>], vector<16xf32>,
        %scatter3A_495 = arith.constant 0 : i32
        %scatter3A_496 = arith.constant 0 : i32
        %scatter3A_497 = arith.constant 0 : i32
        %scatter3A_498 = tpu.memref_slice %arg10[%scatter3A_495, %scatter3A_496, %scatter3A_497] : memref<2x64x258xf32, #tpu.memory_space<vmem>> -> memref<1x64x258xf32, #tpu.memory_space<vmem>>
        %scatter3A_499 = tpu.memref_squeeze %scatter3A_498 : memref<1x64x258xf32, #tpu.memory_space<vmem>> -> memref<64x258xf32, #tpu.memory_space<vmem>>
        tpu.vector_store_idx %scatter3A_499[%and3A_426, %add3A_390], %gather3A_433 : memref<64x258xf32, #tpu.memory_space<vmem>>[vector<16xi32>, vector<16xi32>], vector<16xf32>,
        %add3A_500 = arith.constant 7 : i32
        %add3A_501 = vector.broadcast %add3A_500 : i32 to vector<16xi32>
        %add3A_502 = arith.addi %iota3A, %add3A_501 : vector<16xi32>
        %and3A_503 = arith.constant 63 : i32
        %and3A_504 = vector.broadcast %and3A_503 : i32 to vector<16xi32>
        %and3A_505 = arith.andi %add3A_502, %and3A_504 : vector<16xi32>
        %add3A_506 = arith.addi %get3A_395, %and3A_505 : vector<16xi32>
        %gather3A_507 = arith.constant 0 : i32
        %gather3A_508 = arith.constant 0 : i32
        %gather3A_509 = arith.constant 0 : i32
        %gather3A_510 = tpu.memref_slice %arg9[%gather3A_507, %gather3A_508, %gather3A_509] : memref<2x256x128xf32, #tpu.memory_space<vmem>> -> memref<1x256x128xf32, #tpu.memory_space<vmem>>
        %gather3A_511 = tpu.memref_squeeze %gather3A_510 : memref<1x256x128xf32, #tpu.memory_space<vmem>> -> memref<256x128xf32, #tpu.memory_space<vmem>>
        %gather3A_512 = tpu.vector_load_idx %gather3A_511[%add3A_390, %add3A_506] : memref<256x128xf32, #tpu.memory_space<vmem>>[vector<16xi32>, vector<16xi32>], vector<16xf32>,
        %scatter3A_513 = arith.constant 0 : i32
        %scatter3A_514 = arith.constant 0 : i32
        %scatter3A_515 = arith.constant 0 : i32
        %scatter3A_516 = tpu.memref_slice %arg10[%scatter3A_513, %scatter3A_514, %scatter3A_515] : memref<2x64x258xf32, #tpu.memory_space<vmem>> -> memref<1x64x258xf32, #tpu.memory_space<vmem>>
        %scatter3A_517 = tpu.memref_squeeze %scatter3A_516 : memref<1x64x258xf32, #tpu.memory_space<vmem>> -> memref<64x258xf32, #tpu.memory_space<vmem>>
        tpu.vector_store_idx %scatter3A_517[%and3A_439, %add3A_390], %gather3A_446 : memref<64x258xf32, #tpu.memory_space<vmem>>[vector<16xi32>, vector<16xi32>], vector<16xf32>,
        %add3A_518 = arith.constant 8 : i32
        %add3A_519 = vector.broadcast %add3A_518 : i32 to vector<16xi32>
        %add3A_520 = arith.addi %iota3A, %add3A_519 : vector<16xi32>
        %and3A_521 = arith.constant 63 : i32
        %and3A_522 = vector.broadcast %and3A_521 : i32 to vector<16xi32>
        %and3A_523 = arith.andi %add3A_520, %and3A_522 : vector<16xi32>
        %add3A_524 = arith.addi %get3A_395, %and3A_523 : vector<16xi32>
        %gather3A_525 = arith.constant 0 : i32
        %gather3A_526 = arith.constant 0 : i32
        %gather3A_527 = arith.constant 0 : i32
        %gather3A_528 = tpu.memref_slice %arg9[%gather3A_525, %gather3A_526, %gather3A_527] : memref<2x256x128xf32, #tpu.memory_space<vmem>> -> memref<1x256x128xf32, #tpu.memory_space<vmem>>
        %gather3A_529 = tpu.memref_squeeze %gather3A_528 : memref<1x256x128xf32, #tpu.memory_space<vmem>> -> memref<256x128xf32, #tpu.memory_space<vmem>>
        %gather3A_530 = tpu.vector_load_idx %gather3A_529[%add3A_390, %add3A_524] : memref<256x128xf32, #tpu.memory_space<vmem>>[vector<16xi32>, vector<16xi32>], vector<16xf32>,
        %scatter3A_531 = arith.constant 0 : i32
        %scatter3A_532 = arith.constant 0 : i32
        %scatter3A_533 = arith.constant 0 : i32
        %scatter3A_534 = tpu.memref_slice %arg10[%scatter3A_531, %scatter3A_532, %scatter3A_533] : memref<2x64x258xf32, #tpu.memory_space<vmem>> -> memref<1x64x258xf32, #tpu.memory_space<vmem>>
        %scatter3A_535 = tpu.memref_squeeze %scatter3A_534 : memref<1x64x258xf32, #tpu.memory_space<vmem>> -> memref<64x258xf32, #tpu.memory_space<vmem>>
        tpu.vector_store_idx %scatter3A_535[%and3A_452, %add3A_390], %gather3A_459 : memref<64x258xf32, #tpu.memory_space<vmem>>[vector<16xi32>, vector<16xi32>], vector<16xf32>,
        %add3A_536 = arith.constant 9 : i32
        %add3A_537 = vector.broadcast %add3A_536 : i32 to vector<16xi32>
        %add3A_538 = arith.addi %iota3A, %add3A_537 : vector<16xi32>
        %and3A_539 = arith.constant 63 : i32
        %and3A_540 = vector.broadcast %and3A_539 : i32 to vector<16xi32>
        %and3A_541 = arith.andi %add3A_538, %and3A_540 : vector<16xi32>
        %add3A_542 = arith.addi %get3A_395, %and3A_541 : vector<16xi32>
        %gather3A_543 = arith.constant 0 : i32
        %gather3A_544 = arith.constant 0 : i32
        %gather3A_545 = arith.constant 0 : i32
        %gather3A_546 = tpu.memref_slice %arg9[%gather3A_543, %gather3A_544, %gather3A_545] : memref<2x256x128xf32, #tpu.memory_space<vmem>> -> memref<1x256x128xf32, #tpu.memory_space<vmem>>
        %gather3A_547 = tpu.memref_squeeze %gather3A_546 : memref<1x256x128xf32, #tpu.memory_space<vmem>> -> memref<256x128xf32, #tpu.memory_space<vmem>>
        %gather3A_548 = tpu.vector_load_idx %gather3A_547[%add3A_390, %add3A_542] : memref<256x128xf32, #tpu.memory_space<vmem>>[vector<16xi32>, vector<16xi32>], vector<16xf32>,
        %scatter3A_549 = arith.constant 0 : i32
        %scatter3A_550 = arith.constant 0 : i32
        %scatter3A_551 = arith.constant 0 : i32
        %scatter3A_552 = tpu.memref_slice %arg10[%scatter3A_549, %scatter3A_550, %scatter3A_551] : memref<2x64x258xf32, #tpu.memory_space<vmem>> -> memref<1x64x258xf32, #tpu.memory_space<vmem>>
        %scatter3A_553 = tpu.memref_squeeze %scatter3A_552 : memref<1x64x258xf32, #tpu.memory_space<vmem>> -> memref<64x258xf32, #tpu.memory_space<vmem>>
        tpu.vector_store_idx %scatter3A_553[%and3A_469, %add3A_390], %gather3A_476 : memref<64x258xf32, #tpu.memory_space<vmem>>[vector<16xi32>, vector<16xi32>], vector<16xf32>,
        %add3A_554 = arith.constant 10 : i32
        %add3A_555 = vector.broadcast %add3A_554 : i32 to vector<16xi32>
        %add3A_556 = arith.addi %iota3A, %add3A_555 : vector<16xi32>
        %and3A_557 = arith.constant 63 : i32
        %and3A_558 = vector.broadcast %and3A_557 : i32 to vector<16xi32>
        %and3A_559 = arith.andi %add3A_556, %and3A_558 : vector<16xi32>
        %add3A_560 = arith.addi %get3A_395, %and3A_559 : vector<16xi32>
        %gather3A_561 = arith.constant 0 : i32
        %gather3A_562 = arith.constant 0 : i32
        %gather3A_563 = arith.constant 0 : i32
        %gather3A_564 = tpu.memref_slice %arg9[%gather3A_561, %gather3A_562, %gather3A_563] : memref<2x256x128xf32, #tpu.memory_space<vmem>> -> memref<1x256x128xf32, #tpu.memory_space<vmem>>
        %gather3A_565 = tpu.memref_squeeze %gather3A_564 : memref<1x256x128xf32, #tpu.memory_space<vmem>> -> memref<256x128xf32, #tpu.memory_space<vmem>>
        %gather3A_566 = tpu.vector_load_idx %gather3A_565[%add3A_390, %add3A_560] : memref<256x128xf32, #tpu.memory_space<vmem>>[vector<16xi32>, vector<16xi32>], vector<16xf32>,
        %scatter3A_567 = arith.constant 0 : i32
        %scatter3A_568 = arith.constant 0 : i32
        %scatter3A_569 = arith.constant 0 : i32
        %scatter3A_570 = tpu.memref_slice %arg10[%scatter3A_567, %scatter3A_568, %scatter3A_569] : memref<2x64x258xf32, #tpu.memory_space<vmem>> -> memref<1x64x258xf32, #tpu.memory_space<vmem>>
        %scatter3A_571 = tpu.memref_squeeze %scatter3A_570 : memref<1x64x258xf32, #tpu.memory_space<vmem>> -> memref<64x258xf32, #tpu.memory_space<vmem>>
        tpu.vector_store_idx %scatter3A_571[%and3A_487, %add3A_390], %gather3A_494 : memref<64x258xf32, #tpu.memory_space<vmem>>[vector<16xi32>, vector<16xi32>], vector<16xf32>,
        %add3A_572 = arith.constant 11 : i32
        %add3A_573 = vector.broadcast %add3A_572 : i32 to vector<16xi32>
        %add3A_574 = arith.addi %iota3A, %add3A_573 : vector<16xi32>
        %and3A_575 = arith.constant 63 : i32
        %and3A_576 = vector.broadcast %and3A_575 : i32 to vector<16xi32>
        %and3A_577 = arith.andi %add3A_574, %and3A_576 : vector<16xi32>
        %add3A_578 = arith.addi %get3A_395, %and3A_577 : vector<16xi32>
        %gather3A_579 = arith.constant 0 : i32
        %gather3A_580 = arith.constant 0 : i32
        %gather3A_581 = arith.constant 0 : i32
        %gather3A_582 = tpu.memref_slice %arg9[%gather3A_579, %gather3A_580, %gather3A_581] : memref<2x256x128xf32, #tpu.memory_space<vmem>> -> memref<1x256x128xf32, #tpu.memory_space<vmem>>
        %gather3A_583 = tpu.memref_squeeze %gather3A_582 : memref<1x256x128xf32, #tpu.memory_space<vmem>> -> memref<256x128xf32, #tpu.memory_space<vmem>>
        %gather3A_584 = tpu.vector_load_idx %gather3A_583[%add3A_390, %add3A_578] : memref<256x128xf32, #tpu.memory_space<vmem>>[vector<16xi32>, vector<16xi32>], vector<16xf32>,
        %scatter3A_585 = arith.constant 0 : i32
        %scatter3A_586 = arith.constant 0 : i32
        %scatter3A_587 = arith.constant 0 : i32
        %scatter3A_588 = tpu.memref_slice %arg10[%scatter3A_585, %scatter3A_586, %scatter3A_587] : memref<2x64x258xf32, #tpu.memory_space<vmem>> -> memref<1x64x258xf32, #tpu.memory_space<vmem>>
        %scatter3A_589 = tpu.memref_squeeze %scatter3A_588 : memref<1x64x258xf32, #tpu.memory_space<vmem>> -> memref<64x258xf32, #tpu.memory_space<vmem>>
        tpu.vector_store_idx %scatter3A_589[%and3A_505, %add3A_390], %gather3A_512 : memref<64x258xf32, #tpu.memory_space<vmem>>[vector<16xi32>, vector<16xi32>], vector<16xf32>,
        %add3A_590 = arith.constant 12 : i32
        %add3A_591 = vector.broadcast %add3A_590 : i32 to vector<16xi32>
        %add3A_592 = arith.addi %iota3A, %add3A_591 : vector<16xi32>
        %and3A_593 = arith.constant 63 : i32
        %and3A_594 = vector.broadcast %and3A_593 : i32 to vector<16xi32>
        %and3A_595 = arith.andi %add3A_592, %and3A_594 : vector<16xi32>
        %add3A_596 = arith.addi %get3A_395, %and3A_595 : vector<16xi32>
        %gather3A_597 = arith.constant 0 : i32
        %gather3A_598 = arith.constant 0 : i32
        %gather3A_599 = arith.constant 0 : i32
        %gather3A_600 = tpu.memref_slice %arg9[%gather3A_597, %gather3A_598, %gather3A_599] : memref<2x256x128xf32, #tpu.memory_space<vmem>> -> memref<1x256x128xf32, #tpu.memory_space<vmem>>
        %gather3A_601 = tpu.memref_squeeze %gather3A_600 : memref<1x256x128xf32, #tpu.memory_space<vmem>> -> memref<256x128xf32, #tpu.memory_space<vmem>>
        %gather3A_602 = tpu.vector_load_idx %gather3A_601[%add3A_390, %add3A_596] : memref<256x128xf32, #tpu.memory_space<vmem>>[vector<16xi32>, vector<16xi32>], vector<16xf32>,
        %scatter3A_603 = arith.constant 0 : i32
        %scatter3A_604 = arith.constant 0 : i32
        %scatter3A_605 = arith.constant 0 : i32
        %scatter3A_606 = tpu.memref_slice %arg10[%scatter3A_603, %scatter3A_604, %scatter3A_605] : memref<2x64x258xf32, #tpu.memory_space<vmem>> -> memref<1x64x258xf32, #tpu.memory_space<vmem>>
        %scatter3A_607 = tpu.memref_squeeze %scatter3A_606 : memref<1x64x258xf32, #tpu.memory_space<vmem>> -> memref<64x258xf32, #tpu.memory_space<vmem>>
        tpu.vector_store_idx %scatter3A_607[%and3A_523, %add3A_390], %gather3A_530 : memref<64x258xf32, #tpu.memory_space<vmem>>[vector<16xi32>, vector<16xi32>], vector<16xf32>,
        %add3A_608 = arith.constant 13 : i32
        %add3A_609 = vector.broadcast %add3A_608 : i32 to vector<16xi32>
        %add3A_610 = arith.addi %iota3A, %add3A_609 : vector<16xi32>
        %and3A_611 = arith.constant 63 : i32
        %and3A_612 = vector.broadcast %and3A_611 : i32 to vector<16xi32>
        %and3A_613 = arith.andi %add3A_610, %and3A_612 : vector<16xi32>
        %add3A_614 = arith.addi %get3A_395, %and3A_613 : vector<16xi32>
        %gather3A_615 = arith.constant 0 : i32
        %gather3A_616 = arith.constant 0 : i32
        %gather3A_617 = arith.constant 0 : i32
        %gather3A_618 = tpu.memref_slice %arg9[%gather3A_615, %gather3A_616, %gather3A_617] : memref<2x256x128xf32, #tpu.memory_space<vmem>> -> memref<1x256x128xf32, #tpu.memory_space<vmem>>
        %gather3A_619 = tpu.memref_squeeze %gather3A_618 : memref<1x256x128xf32, #tpu.memory_space<vmem>> -> memref<256x128xf32, #tpu.memory_space<vmem>>
        %gather3A_620 = tpu.vector_load_idx %gather3A_619[%add3A_390, %add3A_614] : memref<256x128xf32, #tpu.memory_space<vmem>>[vector<16xi32>, vector<16xi32>], vector<16xf32>,
        %scatter3A_621 = arith.constant 0 : i32
        %scatter3A_622 = arith.constant 0 : i32
        %scatter3A_623 = arith.constant 0 : i32
        %scatter3A_624 = tpu.memref_slice %arg10[%scatter3A_621, %scatter3A_622, %scatter3A_623] : memref<2x64x258xf32, #tpu.memory_space<vmem>> -> memref<1x64x258xf32, #tpu.memory_space<vmem>>
        %scatter3A_625 = tpu.memref_squeeze %scatter3A_624 : memref<1x64x258xf32, #tpu.memory_space<vmem>> -> memref<64x258xf32, #tpu.memory_space<vmem>>
        tpu.vector_store_idx %scatter3A_625[%and3A_541, %add3A_390], %gather3A_548 : memref<64x258xf32, #tpu.memory_space<vmem>>[vector<16xi32>, vector<16xi32>], vector<16xf32>,
        %add3A_626 = arith.constant 14 : i32
        %add3A_627 = vector.broadcast %add3A_626 : i32 to vector<16xi32>
        %add3A_628 = arith.addi %iota3A, %add3A_627 : vector<16xi32>
        %and3A_629 = arith.constant 63 : i32
        %and3A_630 = vector.broadcast %and3A_629 : i32 to vector<16xi32>
        %and3A_631 = arith.andi %add3A_628, %and3A_630 : vector<16xi32>
        %add3A_632 = arith.addi %get3A_395, %and3A_631 : vector<16xi32>
        %gather3A_633 = arith.constant 0 : i32
        %gather3A_634 = arith.constant 0 : i32
        %gather3A_635 = arith.constant 0 : i32
        %gather3A_636 = tpu.memref_slice %arg9[%gather3A_633, %gather3A_634, %gather3A_635] : memref<2x256x128xf32, #tpu.memory_space<vmem>> -> memref<1x256x128xf32, #tpu.memory_space<vmem>>
        %gather3A_637 = tpu.memref_squeeze %gather3A_636 : memref<1x256x128xf32, #tpu.memory_space<vmem>> -> memref<256x128xf32, #tpu.memory_space<vmem>>
        %gather3A_638 = tpu.vector_load_idx %gather3A_637[%add3A_390, %add3A_632] : memref<256x128xf32, #tpu.memory_space<vmem>>[vector<16xi32>, vector<16xi32>], vector<16xf32>,
        %scatter3A_639 = arith.constant 0 : i32
        %scatter3A_640 = arith.constant 0 : i32
        %scatter3A_641 = arith.constant 0 : i32
        %scatter3A_642 = tpu.memref_slice %arg10[%scatter3A_639, %scatter3A_640, %scatter3A_641] : memref<2x64x258xf32, #tpu.memory_space<vmem>> -> memref<1x64x258xf32, #tpu.memory_space<vmem>>
        %scatter3A_643 = tpu.memref_squeeze %scatter3A_642 : memref<1x64x258xf32, #tpu.memory_space<vmem>> -> memref<64x258xf32, #tpu.memory_space<vmem>>
        tpu.vector_store_idx %scatter3A_643[%and3A_559, %add3A_390], %gather3A_566 : memref<64x258xf32, #tpu.memory_space<vmem>>[vector<16xi32>, vector<16xi32>], vector<16xf32>,
        %add3A_644 = arith.constant 15 : i32
        %add3A_645 = vector.broadcast %add3A_644 : i32 to vector<16xi32>
        %add3A_646 = arith.addi %iota3A, %add3A_645 : vector<16xi32>
        %and3A_647 = arith.constant 63 : i32
        %and3A_648 = vector.broadcast %and3A_647 : i32 to vector<16xi32>
        %and3A_649 = arith.andi %add3A_646, %and3A_648 : vector<16xi32>
        %add3A_650 = arith.addi %get3A_395, %and3A_649 : vector<16xi32>
        %gather3A_651 = arith.constant 0 : i32
        %gather3A_652 = arith.constant 0 : i32
        %gather3A_653 = arith.constant 0 : i32
        %gather3A_654 = tpu.memref_slice %arg9[%gather3A_651, %gather3A_652, %gather3A_653] : memref<2x256x128xf32, #tpu.memory_space<vmem>> -> memref<1x256x128xf32, #tpu.memory_space<vmem>>
        %gather3A_655 = tpu.memref_squeeze %gather3A_654 : memref<1x256x128xf32, #tpu.memory_space<vmem>> -> memref<256x128xf32, #tpu.memory_space<vmem>>
        %gather3A_656 = tpu.vector_load_idx %gather3A_655[%add3A_390, %add3A_650] : memref<256x128xf32, #tpu.memory_space<vmem>>[vector<16xi32>, vector<16xi32>], vector<16xf32>,
        %scatter3A_657 = arith.constant 0 : i32
        %scatter3A_658 = arith.constant 0 : i32
        %scatter3A_659 = arith.constant 0 : i32
        %scatter3A_660 = tpu.memref_slice %arg10[%scatter3A_657, %scatter3A_658, %scatter3A_659] : memref<2x64x258xf32, #tpu.memory_space<vmem>> -> memref<1x64x258xf32, #tpu.memory_space<vmem>>
        %scatter3A_661 = tpu.memref_squeeze %scatter3A_660 : memref<1x64x258xf32, #tpu.memory_space<vmem>> -> memref<64x258xf32, #tpu.memory_space<vmem>>
        tpu.vector_store_idx %scatter3A_661[%and3A_577, %add3A_390], %gather3A_584 : memref<64x258xf32, #tpu.memory_space<vmem>>[vector<16xi32>, vector<16xi32>], vector<16xf32>,
        %add3A_662 = arith.constant 16 : i32
        %add3A_663 = vector.broadcast %add3A_662 : i32 to vector<16xi32>
        %add3A_664 = arith.addi %iota3A, %add3A_663 : vector<16xi32>
        %and3A_665 = arith.constant 63 : i32
        %and3A_666 = vector.broadcast %and3A_665 : i32 to vector<16xi32>
        %and3A_667 = arith.andi %add3A_664, %and3A_666 : vector<16xi32>
        %add3A_668 = arith.addi %get3A_395, %and3A_667 : vector<16xi32>
        %gather3A_669 = arith.constant 0 : i32
        %gather3A_670 = arith.constant 0 : i32
        %gather3A_671 = arith.constant 0 : i32
        %gather3A_672 = tpu.memref_slice %arg9[%gather3A_669, %gather3A_670, %gather3A_671] : memref<2x256x128xf32, #tpu.memory_space<vmem>> -> memref<1x256x128xf32, #tpu.memory_space<vmem>>
        %gather3A_673 = tpu.memref_squeeze %gather3A_672 : memref<1x256x128xf32, #tpu.memory_space<vmem>> -> memref<256x128xf32, #tpu.memory_space<vmem>>
        %gather3A_674 = tpu.vector_load_idx %gather3A_673[%add3A_390, %add3A_668] : memref<256x128xf32, #tpu.memory_space<vmem>>[vector<16xi32>, vector<16xi32>], vector<16xf32>,
        %scatter3A_675 = arith.constant 0 : i32
        %scatter3A_676 = arith.constant 0 : i32
        %scatter3A_677 = arith.constant 0 : i32
        %scatter3A_678 = tpu.memref_slice %arg10[%scatter3A_675, %scatter3A_676, %scatter3A_677] : memref<2x64x258xf32, #tpu.memory_space<vmem>> -> memref<1x64x258xf32, #tpu.memory_space<vmem>>
        %scatter3A_679 = tpu.memref_squeeze %scatter3A_678 : memref<1x64x258xf32, #tpu.memory_space<vmem>> -> memref<64x258xf32, #tpu.memory_space<vmem>>
        tpu.vector_store_idx %scatter3A_679[%and3A_595, %add3A_390], %gather3A_602 : memref<64x258xf32, #tpu.memory_space<vmem>>[vector<16xi32>, vector<16xi32>], vector<16xf32>,
        %add3A_680 = arith.constant 17 : i32
        %add3A_681 = vector.broadcast %add3A_680 : i32 to vector<16xi32>
        %add3A_682 = arith.addi %iota3A, %add3A_681 : vector<16xi32>
        %and3A_683 = arith.constant 63 : i32
        %and3A_684 = vector.broadcast %and3A_683 : i32 to vector<16xi32>
        %and3A_685 = arith.andi %add3A_682, %and3A_684 : vector<16xi32>
        %add3A_686 = arith.addi %get3A_395, %and3A_685 : vector<16xi32>
        %gather3A_687 = arith.constant 0 : i32
        %gather3A_688 = arith.constant 0 : i32
        %gather3A_689 = arith.constant 0 : i32
        %gather3A_690 = tpu.memref_slice %arg9[%gather3A_687, %gather3A_688, %gather3A_689] : memref<2x256x128xf32, #tpu.memory_space<vmem>> -> memref<1x256x128xf32, #tpu.memory_space<vmem>>
        %gather3A_691 = tpu.memref_squeeze %gather3A_690 : memref<1x256x128xf32, #tpu.memory_space<vmem>> -> memref<256x128xf32, #tpu.memory_space<vmem>>
        %gather3A_692 = tpu.vector_load_idx %gather3A_691[%add3A_390, %add3A_686] : memref<256x128xf32, #tpu.memory_space<vmem>>[vector<16xi32>, vector<16xi32>], vector<16xf32>,
        %scatter3A_693 = arith.constant 0 : i32
        %scatter3A_694 = arith.constant 0 : i32
        %scatter3A_695 = arith.constant 0 : i32
        %scatter3A_696 = tpu.memref_slice %arg10[%scatter3A_693, %scatter3A_694, %scatter3A_695] : memref<2x64x258xf32, #tpu.memory_space<vmem>> -> memref<1x64x258xf32, #tpu.memory_space<vmem>>
        %scatter3A_697 = tpu.memref_squeeze %scatter3A_696 : memref<1x64x258xf32, #tpu.memory_space<vmem>> -> memref<64x258xf32, #tpu.memory_space<vmem>>
        tpu.vector_store_idx %scatter3A_697[%and3A_613, %add3A_390], %gather3A_620 : memref<64x258xf32, #tpu.memory_space<vmem>>[vector<16xi32>, vector<16xi32>], vector<16xf32>,
        %add3A_698 = arith.constant 18 : i32
        %add3A_699 = vector.broadcast %add3A_698 : i32 to vector<16xi32>
        %add3A_700 = arith.addi %iota3A, %add3A_699 : vector<16xi32>
        %and3A_701 = arith.constant 63 : i32
        %and3A_702 = vector.broadcast %and3A_701 : i32 to vector<16xi32>
        %and3A_703 = arith.andi %add3A_700, %and3A_702 : vector<16xi32>
        %add3A_704 = arith.addi %get3A_395, %and3A_703 : vector<16xi32>
        %gather3A_705 = arith.constant 0 : i32
        %gather3A_706 = arith.constant 0 : i32
        %gather3A_707 = arith.constant 0 : i32
        %gather3A_708 = tpu.memref_slice %arg9[%gather3A_705, %gather3A_706, %gather3A_707] : memref<2x256x128xf32, #tpu.memory_space<vmem>> -> memref<1x256x128xf32, #tpu.memory_space<vmem>>
        %gather3A_709 = tpu.memref_squeeze %gather3A_708 : memref<1x256x128xf32, #tpu.memory_space<vmem>> -> memref<256x128xf32, #tpu.memory_space<vmem>>
        %gather3A_710 = tpu.vector_load_idx %gather3A_709[%add3A_390, %add3A_704] : memref<256x128xf32, #tpu.memory_space<vmem>>[vector<16xi32>, vector<16xi32>], vector<16xf32>,
        %scatter3A_711 = arith.constant 0 : i32
        %scatter3A_712 = arith.constant 0 : i32
        %scatter3A_713 = arith.constant 0 : i32
        %scatter3A_714 = tpu.memref_slice %arg10[%scatter3A_711, %scatter3A_712, %scatter3A_713] : memref<2x64x258xf32, #tpu.memory_space<vmem>> -> memref<1x64x258xf32, #tpu.memory_space<vmem>>
        %scatter3A_715 = tpu.memref_squeeze %scatter3A_714 : memref<1x64x258xf32, #tpu.memory_space<vmem>> -> memref<64x258xf32, #tpu.memory_space<vmem>>
        tpu.vector_store_idx %scatter3A_715[%and3A_631, %add3A_390], %gather3A_638 : memref<64x258xf32, #tpu.memory_space<vmem>>[vector<16xi32>, vector<16xi32>], vector<16xf32>,
        %add3A_716 = arith.constant 19 : i32
        %add3A_717 = vector.broadcast %add3A_716 : i32 to vector<16xi32>
        %add3A_718 = arith.addi %iota3A, %add3A_717 : vector<16xi32>
        %and3A_719 = arith.constant 63 : i32
        %and3A_720 = vector.broadcast %and3A_719 : i32 to vector<16xi32>
        %and3A_721 = arith.andi %add3A_718, %and3A_720 : vector<16xi32>
        %add3A_722 = arith.addi %get3A_395, %and3A_721 : vector<16xi32>
        %gather3A_723 = arith.constant 0 : i32
        %gather3A_724 = arith.constant 0 : i32
        %gather3A_725 = arith.constant 0 : i32
        %gather3A_726 = tpu.memref_slice %arg9[%gather3A_723, %gather3A_724, %gather3A_725] : memref<2x256x128xf32, #tpu.memory_space<vmem>> -> memref<1x256x128xf32, #tpu.memory_space<vmem>>
        %gather3A_727 = tpu.memref_squeeze %gather3A_726 : memref<1x256x128xf32, #tpu.memory_space<vmem>> -> memref<256x128xf32, #tpu.memory_space<vmem>>
        %gather3A_728 = tpu.vector_load_idx %gather3A_727[%add3A_390, %add3A_722] : memref<256x128xf32, #tpu.memory_space<vmem>>[vector<16xi32>, vector<16xi32>], vector<16xf32>,
        %scatter3A_729 = arith.constant 0 : i32
        %scatter3A_730 = arith.constant 0 : i32
        %scatter3A_731 = arith.constant 0 : i32
        %scatter3A_732 = tpu.memref_slice %arg10[%scatter3A_729, %scatter3A_730, %scatter3A_731] : memref<2x64x258xf32, #tpu.memory_space<vmem>> -> memref<1x64x258xf32, #tpu.memory_space<vmem>>
        %scatter3A_733 = tpu.memref_squeeze %scatter3A_732 : memref<1x64x258xf32, #tpu.memory_space<vmem>> -> memref<64x258xf32, #tpu.memory_space<vmem>>
        tpu.vector_store_idx %scatter3A_733[%and3A_649, %add3A_390], %gather3A_656 : memref<64x258xf32, #tpu.memory_space<vmem>>[vector<16xi32>, vector<16xi32>], vector<16xf32>,
        %add3A_734 = arith.constant 20 : i32
        %add3A_735 = vector.broadcast %add3A_734 : i32 to vector<16xi32>
        %add3A_736 = arith.addi %iota3A, %add3A_735 : vector<16xi32>
        %and3A_737 = arith.constant 63 : i32
        %and3A_738 = vector.broadcast %and3A_737 : i32 to vector<16xi32>
        %and3A_739 = arith.andi %add3A_736, %and3A_738 : vector<16xi32>
        %add3A_740 = arith.addi %get3A_395, %and3A_739 : vector<16xi32>
        %gather3A_741 = arith.constant 0 : i32
        %gather3A_742 = arith.constant 0 : i32
        %gather3A_743 = arith.constant 0 : i32
        %gather3A_744 = tpu.memref_slice %arg9[%gather3A_741, %gather3A_742, %gather3A_743] : memref<2x256x128xf32, #tpu.memory_space<vmem>> -> memref<1x256x128xf32, #tpu.memory_space<vmem>>
        %gather3A_745 = tpu.memref_squeeze %gather3A_744 : memref<1x256x128xf32, #tpu.memory_space<vmem>> -> memref<256x128xf32, #tpu.memory_space<vmem>>
        %gather3A_746 = tpu.vector_load_idx %gather3A_745[%add3A_390, %add3A_740] : memref<256x128xf32, #tpu.memory_space<vmem>>[vector<16xi32>, vector<16xi32>], vector<16xf32>,
        %scatter3A_747 = arith.constant 0 : i32
        %scatter3A_748 = arith.constant 0 : i32
        %scatter3A_749 = arith.constant 0 : i32
        %scatter3A_750 = tpu.memref_slice %arg10[%scatter3A_747, %scatter3A_748, %scatter3A_749] : memref<2x64x258xf32, #tpu.memory_space<vmem>> -> memref<1x64x258xf32, #tpu.memory_space<vmem>>
        %scatter3A_751 = tpu.memref_squeeze %scatter3A_750 : memref<1x64x258xf32, #tpu.memory_space<vmem>> -> memref<64x258xf32, #tpu.memory_space<vmem>>
        tpu.vector_store_idx %scatter3A_751[%and3A_667, %add3A_390], %gather3A_674 : memref<64x258xf32, #tpu.memory_space<vmem>>[vector<16xi32>, vector<16xi32>], vector<16xf32>,
        %add3A_752 = arith.constant 21 : i32
        %add3A_753 = vector.broadcast %add3A_752 : i32 to vector<16xi32>
        %add3A_754 = arith.addi %iota3A, %add3A_753 : vector<16xi32>
        %and3A_755 = arith.constant 63 : i32
        %and3A_756 = vector.broadcast %and3A_755 : i32 to vector<16xi32>
        %and3A_757 = arith.andi %add3A_754, %and3A_756 : vector<16xi32>
        %add3A_758 = arith.addi %get3A_395, %and3A_757 : vector<16xi32>
        %gather3A_759 = arith.constant 0 : i32
        %gather3A_760 = arith.constant 0 : i32
        %gather3A_761 = arith.constant 0 : i32
        %gather3A_762 = tpu.memref_slice %arg9[%gather3A_759, %gather3A_760, %gather3A_761] : memref<2x256x128xf32, #tpu.memory_space<vmem>> -> memref<1x256x128xf32, #tpu.memory_space<vmem>>
        %gather3A_763 = tpu.memref_squeeze %gather3A_762 : memref<1x256x128xf32, #tpu.memory_space<vmem>> -> memref<256x128xf32, #tpu.memory_space<vmem>>
        %gather3A_764 = tpu.vector_load_idx %gather3A_763[%add3A_390, %add3A_758] : memref<256x128xf32, #tpu.memory_space<vmem>>[vector<16xi32>, vector<16xi32>], vector<16xf32>,
        %scatter3A_765 = arith.constant 0 : i32
        %scatter3A_766 = arith.constant 0 : i32
        %scatter3A_767 = arith.constant 0 : i32
        %scatter3A_768 = tpu.memref_slice %arg10[%scatter3A_765, %scatter3A_766, %scatter3A_767] : memref<2x64x258xf32, #tpu.memory_space<vmem>> -> memref<1x64x258xf32, #tpu.memory_space<vmem>>
        %scatter3A_769 = tpu.memref_squeeze %scatter3A_768 : memref<1x64x258xf32, #tpu.memory_space<vmem>> -> memref<64x258xf32, #tpu.memory_space<vmem>>
        tpu.vector_store_idx %scatter3A_769[%and3A_685, %add3A_390], %gather3A_692 : memref<64x258xf32, #tpu.memory_space<vmem>>[vector<16xi32>, vector<16xi32>], vector<16xf32>,
        %add3A_770 = arith.constant 22 : i32
        %add3A_771 = vector.broadcast %add3A_770 : i32 to vector<16xi32>
        %add3A_772 = arith.addi %iota3A, %add3A_771 : vector<16xi32>
        %and3A_773 = arith.constant 63 : i32
        %and3A_774 = vector.broadcast %and3A_773 : i32 to vector<16xi32>
        %and3A_775 = arith.andi %add3A_772, %and3A_774 : vector<16xi32>
        %add3A_776 = arith.addi %get3A_395, %and3A_775 : vector<16xi32>
        %gather3A_777 = arith.constant 0 : i32
        %gather3A_778 = arith.constant 0 : i32
        %gather3A_779 = arith.constant 0 : i32
        %gather3A_780 = tpu.memref_slice %arg9[%gather3A_777, %gather3A_778, %gather3A_779] : memref<2x256x128xf32, #tpu.memory_space<vmem>> -> memref<1x256x128xf32, #tpu.memory_space<vmem>>
        %gather3A_781 = tpu.memref_squeeze %gather3A_780 : memref<1x256x128xf32, #tpu.memory_space<vmem>> -> memref<256x128xf32, #tpu.memory_space<vmem>>
        %gather3A_782 = tpu.vector_load_idx %gather3A_781[%add3A_390, %add3A_776] : memref<256x128xf32, #tpu.memory_space<vmem>>[vector<16xi32>, vector<16xi32>], vector<16xf32>,
        %scatter3A_783 = arith.constant 0 : i32
        %scatter3A_784 = arith.constant 0 : i32
        %scatter3A_785 = arith.constant 0 : i32
        %scatter3A_786 = tpu.memref_slice %arg10[%scatter3A_783, %scatter3A_784, %scatter3A_785] : memref<2x64x258xf32, #tpu.memory_space<vmem>> -> memref<1x64x258xf32, #tpu.memory_space<vmem>>
        %scatter3A_787 = tpu.memref_squeeze %scatter3A_786 : memref<1x64x258xf32, #tpu.memory_space<vmem>> -> memref<64x258xf32, #tpu.memory_space<vmem>>
        tpu.vector_store_idx %scatter3A_787[%and3A_703, %add3A_390], %gather3A_710 : memref<64x258xf32, #tpu.memory_space<vmem>>[vector<16xi32>, vector<16xi32>], vector<16xf32>,
        %add3A_788 = arith.constant 23 : i32
        %add3A_789 = vector.broadcast %add3A_788 : i32 to vector<16xi32>
        %add3A_790 = arith.addi %iota3A, %add3A_789 : vector<16xi32>
        %and3A_791 = arith.constant 63 : i32
        %and3A_792 = vector.broadcast %and3A_791 : i32 to vector<16xi32>
        %and3A_793 = arith.andi %add3A_790, %and3A_792 : vector<16xi32>
        %add3A_794 = arith.addi %get3A_395, %and3A_793 : vector<16xi32>
        %gather3A_795 = arith.constant 0 : i32
        %gather3A_796 = arith.constant 0 : i32
        %gather3A_797 = arith.constant 0 : i32
        %gather3A_798 = tpu.memref_slice %arg9[%gather3A_795, %gather3A_796, %gather3A_797] : memref<2x256x128xf32, #tpu.memory_space<vmem>> -> memref<1x256x128xf32, #tpu.memory_space<vmem>>
        %gather3A_799 = tpu.memref_squeeze %gather3A_798 : memref<1x256x128xf32, #tpu.memory_space<vmem>> -> memref<256x128xf32, #tpu.memory_space<vmem>>
        %gather3A_800 = tpu.vector_load_idx %gather3A_799[%add3A_390, %add3A_794] : memref<256x128xf32, #tpu.memory_space<vmem>>[vector<16xi32>, vector<16xi32>], vector<16xf32>,
        %scatter3A_801 = arith.constant 0 : i32
        %scatter3A_802 = arith.constant 0 : i32
        %scatter3A_803 = arith.constant 0 : i32
        %scatter3A_804 = tpu.memref_slice %arg10[%scatter3A_801, %scatter3A_802, %scatter3A_803] : memref<2x64x258xf32, #tpu.memory_space<vmem>> -> memref<1x64x258xf32, #tpu.memory_space<vmem>>
        %scatter3A_805 = tpu.memref_squeeze %scatter3A_804 : memref<1x64x258xf32, #tpu.memory_space<vmem>> -> memref<64x258xf32, #tpu.memory_space<vmem>>
        tpu.vector_store_idx %scatter3A_805[%and3A_721, %add3A_390], %gather3A_728 : memref<64x258xf32, #tpu.memory_space<vmem>>[vector<16xi32>, vector<16xi32>], vector<16xf32>,
        %add3A_806 = arith.constant 24 : i32
        %add3A_807 = vector.broadcast %add3A_806 : i32 to vector<16xi32>
        %add3A_808 = arith.addi %iota3A, %add3A_807 : vector<16xi32>
        %and3A_809 = arith.constant 63 : i32
        %and3A_810 = vector.broadcast %and3A_809 : i32 to vector<16xi32>
        %and3A_811 = arith.andi %add3A_808, %and3A_810 : vector<16xi32>
        %add3A_812 = arith.addi %get3A_395, %and3A_811 : vector<16xi32>
        %gather3A_813 = arith.constant 0 : i32
        %gather3A_814 = arith.constant 0 : i32
        %gather3A_815 = arith.constant 0 : i32
        %gather3A_816 = tpu.memref_slice %arg9[%gather3A_813, %gather3A_814, %gather3A_815] : memref<2x256x128xf32, #tpu.memory_space<vmem>> -> memref<1x256x128xf32, #tpu.memory_space<vmem>>
        %gather3A_817 = tpu.memref_squeeze %gather3A_816 : memref<1x256x128xf32, #tpu.memory_space<vmem>> -> memref<256x128xf32, #tpu.memory_space<vmem>>
        %gather3A_818 = tpu.vector_load_idx %gather3A_817[%add3A_390, %add3A_812] : memref<256x128xf32, #tpu.memory_space<vmem>>[vector<16xi32>, vector<16xi32>], vector<16xf32>,
        %scatter3A_819 = arith.constant 0 : i32
        %scatter3A_820 = arith.constant 0 : i32
        %scatter3A_821 = arith.constant 0 : i32
        %scatter3A_822 = tpu.memref_slice %arg10[%scatter3A_819, %scatter3A_820, %scatter3A_821] : memref<2x64x258xf32, #tpu.memory_space<vmem>> -> memref<1x64x258xf32, #tpu.memory_space<vmem>>
        %scatter3A_823 = tpu.memref_squeeze %scatter3A_822 : memref<1x64x258xf32, #tpu.memory_space<vmem>> -> memref<64x258xf32, #tpu.memory_space<vmem>>
        tpu.vector_store_idx %scatter3A_823[%and3A_739, %add3A_390], %gather3A_746 : memref<64x258xf32, #tpu.memory_space<vmem>>[vector<16xi32>, vector<16xi32>], vector<16xf32>,
        %add3A_824 = arith.constant 25 : i32
        %add3A_825 = vector.broadcast %add3A_824 : i32 to vector<16xi32>
        %add3A_826 = arith.addi %iota3A, %add3A_825 : vector<16xi32>
        %and3A_827 = arith.constant 63 : i32
        %and3A_828 = vector.broadcast %and3A_827 : i32 to vector<16xi32>
        %and3A_829 = arith.andi %add3A_826, %and3A_828 : vector<16xi32>
        %add3A_830 = arith.addi %get3A_395, %and3A_829 : vector<16xi32>
        %gather3A_831 = arith.constant 0 : i32
        %gather3A_832 = arith.constant 0 : i32
        %gather3A_833 = arith.constant 0 : i32
        %gather3A_834 = tpu.memref_slice %arg9[%gather3A_831, %gather3A_832, %gather3A_833] : memref<2x256x128xf32, #tpu.memory_space<vmem>> -> memref<1x256x128xf32, #tpu.memory_space<vmem>>
        %gather3A_835 = tpu.memref_squeeze %gather3A_834 : memref<1x256x128xf32, #tpu.memory_space<vmem>> -> memref<256x128xf32, #tpu.memory_space<vmem>>
        %gather3A_836 = tpu.vector_load_idx %gather3A_835[%add3A_390, %add3A_830] : memref<256x128xf32, #tpu.memory_space<vmem>>[vector<16xi32>, vector<16xi32>], vector<16xf32>,
        %scatter3A_837 = arith.constant 0 : i32
        %scatter3A_838 = arith.constant 0 : i32
        %scatter3A_839 = arith.constant 0 : i32
        %scatter3A_840 = tpu.memref_slice %arg10[%scatter3A_837, %scatter3A_838, %scatter3A_839] : memref<2x64x258xf32, #tpu.memory_space<vmem>> -> memref<1x64x258xf32, #tpu.memory_space<vmem>>
        %scatter3A_841 = tpu.memref_squeeze %scatter3A_840 : memref<1x64x258xf32, #tpu.memory_space<vmem>> -> memref<64x258xf32, #tpu.memory_space<vmem>>
        tpu.vector_store_idx %scatter3A_841[%and3A_757, %add3A_390], %gather3A_764 : memref<64x258xf32, #tpu.memory_space<vmem>>[vector<16xi32>, vector<16xi32>], vector<16xf32>,
        %add3A_842 = arith.constant 26 : i32
        %add3A_843 = vector.broadcast %add3A_842 : i32 to vector<16xi32>
        %add3A_844 = arith.addi %iota3A, %add3A_843 : vector<16xi32>
        %and3A_845 = arith.constant 63 : i32
        %and3A_846 = vector.broadcast %and3A_845 : i32 to vector<16xi32>
        %and3A_847 = arith.andi %add3A_844, %and3A_846 : vector<16xi32>
        %add3A_848 = arith.addi %get3A_395, %and3A_847 : vector<16xi32>
        %gather3A_849 = arith.constant 0 : i32
        %gather3A_850 = arith.constant 0 : i32
        %gather3A_851 = arith.constant 0 : i32
        %gather3A_852 = tpu.memref_slice %arg9[%gather3A_849, %gather3A_850, %gather3A_851] : memref<2x256x128xf32, #tpu.memory_space<vmem>> -> memref<1x256x128xf32, #tpu.memory_space<vmem>>
        %gather3A_853 = tpu.memref_squeeze %gather3A_852 : memref<1x256x128xf32, #tpu.memory_space<vmem>> -> memref<256x128xf32, #tpu.memory_space<vmem>>
        %gather3A_854 = tpu.vector_load_idx %gather3A_853[%add3A_390, %add3A_848] : memref<256x128xf32, #tpu.memory_space<vmem>>[vector<16xi32>, vector<16xi32>], vector<16xf32>,
        %scatter3A_855 = arith.constant 0 : i32
        %scatter3A_856 = arith.constant 0 : i32
        %scatter3A_857 = arith.constant 0 : i32
        %scatter3A_858 = tpu.memref_slice %arg10[%scatter3A_855, %scatter3A_856, %scatter3A_857] : memref<2x64x258xf32, #tpu.memory_space<vmem>> -> memref<1x64x258xf32, #tpu.memory_space<vmem>>
        %scatter3A_859 = tpu.memref_squeeze %scatter3A_858 : memref<1x64x258xf32, #tpu.memory_space<vmem>> -> memref<64x258xf32, #tpu.memory_space<vmem>>
        tpu.vector_store_idx %scatter3A_859[%and3A_775, %add3A_390], %gather3A_782 : memref<64x258xf32, #tpu.memory_space<vmem>>[vector<16xi32>, vector<16xi32>], vector<16xf32>,
        %add3A_860 = arith.constant 27 : i32
        %add3A_861 = vector.broadcast %add3A_860 : i32 to vector<16xi32>
        %add3A_862 = arith.addi %iota3A, %add3A_861 : vector<16xi32>
        %and3A_863 = arith.constant 63 : i32
        %and3A_864 = vector.broadcast %and3A_863 : i32 to vector<16xi32>
        %and3A_865 = arith.andi %add3A_862, %and3A_864 : vector<16xi32>
        %add3A_866 = arith.addi %get3A_395, %and3A_865 : vector<16xi32>
        %gather3A_867 = arith.constant 0 : i32
        %gather3A_868 = arith.constant 0 : i32
        %gather3A_869 = arith.constant 0 : i32
        %gather3A_870 = tpu.memref_slice %arg9[%gather3A_867, %gather3A_868, %gather3A_869] : memref<2x256x128xf32, #tpu.memory_space<vmem>> -> memref<1x256x128xf32, #tpu.memory_space<vmem>>
        %gather3A_871 = tpu.memref_squeeze %gather3A_870 : memref<1x256x128xf32, #tpu.memory_space<vmem>> -> memref<256x128xf32, #tpu.memory_space<vmem>>
        %gather3A_872 = tpu.vector_load_idx %gather3A_871[%add3A_390, %add3A_866] : memref<256x128xf32, #tpu.memory_space<vmem>>[vector<16xi32>, vector<16xi32>], vector<16xf32>,
        %scatter3A_873 = arith.constant 0 : i32
        %scatter3A_874 = arith.constant 0 : i32
        %scatter3A_875 = arith.constant 0 : i32
        %scatter3A_876 = tpu.memref_slice %arg10[%scatter3A_873, %scatter3A_874, %scatter3A_875] : memref<2x64x258xf32, #tpu.memory_space<vmem>> -> memref<1x64x258xf32, #tpu.memory_space<vmem>>
        %scatter3A_877 = tpu.memref_squeeze %scatter3A_876 : memref<1x64x258xf32, #tpu.memory_space<vmem>> -> memref<64x258xf32, #tpu.memory_space<vmem>>
        tpu.vector_store_idx %scatter3A_877[%and3A_793, %add3A_390], %gather3A_800 : memref<64x258xf32, #tpu.memory_space<vmem>>[vector<16xi32>, vector<16xi32>], vector<16xf32>,
        %add3A_878 = arith.constant 28 : i32
        %add3A_879 = vector.broadcast %add3A_878 : i32 to vector<16xi32>
        %add3A_880 = arith.addi %iota3A, %add3A_879 : vector<16xi32>
        %and3A_881 = arith.constant 63 : i32
        %and3A_882 = vector.broadcast %and3A_881 : i32 to vector<16xi32>
        %and3A_883 = arith.andi %add3A_880, %and3A_882 : vector<16xi32>
        %add3A_884 = arith.addi %get3A_395, %and3A_883 : vector<16xi32>
        %gather3A_885 = arith.constant 0 : i32
        %gather3A_886 = arith.constant 0 : i32
        %gather3A_887 = arith.constant 0 : i32
        %gather3A_888 = tpu.memref_slice %arg9[%gather3A_885, %gather3A_886, %gather3A_887] : memref<2x256x128xf32, #tpu.memory_space<vmem>> -> memref<1x256x128xf32, #tpu.memory_space<vmem>>
        %gather3A_889 = tpu.memref_squeeze %gather3A_888 : memref<1x256x128xf32, #tpu.memory_space<vmem>> -> memref<256x128xf32, #tpu.memory_space<vmem>>
        %gather3A_890 = tpu.vector_load_idx %gather3A_889[%add3A_390, %add3A_884] : memref<256x128xf32, #tpu.memory_space<vmem>>[vector<16xi32>, vector<16xi32>], vector<16xf32>,
        %scatter3A_891 = arith.constant 0 : i32
        %scatter3A_892 = arith.constant 0 : i32
        %scatter3A_893 = arith.constant 0 : i32
        %scatter3A_894 = tpu.memref_slice %arg10[%scatter3A_891, %scatter3A_892, %scatter3A_893] : memref<2x64x258xf32, #tpu.memory_space<vmem>> -> memref<1x64x258xf32, #tpu.memory_space<vmem>>
        %scatter3A_895 = tpu.memref_squeeze %scatter3A_894 : memref<1x64x258xf32, #tpu.memory_space<vmem>> -> memref<64x258xf32, #tpu.memory_space<vmem>>
        tpu.vector_store_idx %scatter3A_895[%and3A_811, %add3A_390], %gather3A_818 : memref<64x258xf32, #tpu.memory_space<vmem>>[vector<16xi32>, vector<16xi32>], vector<16xf32>,
        %add3A_896 = arith.constant 29 : i32
        %add3A_897 = vector.broadcast %add3A_896 : i32 to vector<16xi32>
        %add3A_898 = arith.addi %iota3A, %add3A_897 : vector<16xi32>
        %and3A_899 = arith.constant 63 : i32
        %and3A_900 = vector.broadcast %and3A_899 : i32 to vector<16xi32>
        %and3A_901 = arith.andi %add3A_898, %and3A_900 : vector<16xi32>
        %add3A_902 = arith.addi %get3A_395, %and3A_901 : vector<16xi32>
        %gather3A_903 = arith.constant 0 : i32
        %gather3A_904 = arith.constant 0 : i32
        %gather3A_905 = arith.constant 0 : i32
        %gather3A_906 = tpu.memref_slice %arg9[%gather3A_903, %gather3A_904, %gather3A_905] : memref<2x256x128xf32, #tpu.memory_space<vmem>> -> memref<1x256x128xf32, #tpu.memory_space<vmem>>
        %gather3A_907 = tpu.memref_squeeze %gather3A_906 : memref<1x256x128xf32, #tpu.memory_space<vmem>> -> memref<256x128xf32, #tpu.memory_space<vmem>>
        %gather3A_908 = tpu.vector_load_idx %gather3A_907[%add3A_390, %add3A_902] : memref<256x128xf32, #tpu.memory_space<vmem>>[vector<16xi32>, vector<16xi32>], vector<16xf32>,
        %scatter3A_909 = arith.constant 0 : i32
        %scatter3A_910 = arith.constant 0 : i32
        %scatter3A_911 = arith.constant 0 : i32
        %scatter3A_912 = tpu.memref_slice %arg10[%scatter3A_909, %scatter3A_910, %scatter3A_911] : memref<2x64x258xf32, #tpu.memory_space<vmem>> -> memref<1x64x258xf32, #tpu.memory_space<vmem>>
        %scatter3A_913 = tpu.memref_squeeze %scatter3A_912 : memref<1x64x258xf32, #tpu.memory_space<vmem>> -> memref<64x258xf32, #tpu.memory_space<vmem>>
        tpu.vector_store_idx %scatter3A_913[%and3A_829, %add3A_390], %gather3A_836 : memref<64x258xf32, #tpu.memory_space<vmem>>[vector<16xi32>, vector<16xi32>], vector<16xf32>,
        %add3A_914 = arith.constant 30 : i32
        %add3A_915 = vector.broadcast %add3A_914 : i32 to vector<16xi32>
        %add3A_916 = arith.addi %iota3A, %add3A_915 : vector<16xi32>
        %and3A_917 = arith.constant 63 : i32
        %and3A_918 = vector.broadcast %and3A_917 : i32 to vector<16xi32>
        %and3A_919 = arith.andi %add3A_916, %and3A_918 : vector<16xi32>
        %add3A_920 = arith.addi %get3A_395, %and3A_919 : vector<16xi32>
        %gather3A_921 = arith.constant 0 : i32
        %gather3A_922 = arith.constant 0 : i32
        %gather3A_923 = arith.constant 0 : i32
        %gather3A_924 = tpu.memref_slice %arg9[%gather3A_921, %gather3A_922, %gather3A_923] : memref<2x256x128xf32, #tpu.memory_space<vmem>> -> memref<1x256x128xf32, #tpu.memory_space<vmem>>
        %gather3A_925 = tpu.memref_squeeze %gather3A_924 : memref<1x256x128xf32, #tpu.memory_space<vmem>> -> memref<256x128xf32, #tpu.memory_space<vmem>>
        %gather3A_926 = tpu.vector_load_idx %gather3A_925[%add3A_390, %add3A_920] : memref<256x128xf32, #tpu.memory_space<vmem>>[vector<16xi32>, vector<16xi32>], vector<16xf32>,
        %scatter3A_927 = arith.constant 0 : i32
        %scatter3A_928 = arith.constant 0 : i32
        %scatter3A_929 = arith.constant 0 : i32
        %scatter3A_930 = tpu.memref_slice %arg10[%scatter3A_927, %scatter3A_928, %scatter3A_929] : memref<2x64x258xf32, #tpu.memory_space<vmem>> -> memref<1x64x258xf32, #tpu.memory_space<vmem>>
        %scatter3A_931 = tpu.memref_squeeze %scatter3A_930 : memref<1x64x258xf32, #tpu.memory_space<vmem>> -> memref<64x258xf32, #tpu.memory_space<vmem>>
        tpu.vector_store_idx %scatter3A_931[%and3A_847, %add3A_390], %gather3A_854 : memref<64x258xf32, #tpu.memory_space<vmem>>[vector<16xi32>, vector<16xi32>], vector<16xf32>,
        %add3A_932 = arith.constant 31 : i32
        %add3A_933 = vector.broadcast %add3A_932 : i32 to vector<16xi32>
        %add3A_934 = arith.addi %iota3A, %add3A_933 : vector<16xi32>
        %and3A_935 = arith.constant 63 : i32
        %and3A_936 = vector.broadcast %and3A_935 : i32 to vector<16xi32>
        %and3A_937 = arith.andi %add3A_934, %and3A_936 : vector<16xi32>
        %add3A_938 = arith.addi %get3A_395, %and3A_937 : vector<16xi32>
        %gather3A_939 = arith.constant 0 : i32
        %gather3A_940 = arith.constant 0 : i32
        %gather3A_941 = arith.constant 0 : i32
        %gather3A_942 = tpu.memref_slice %arg9[%gather3A_939, %gather3A_940, %gather3A_941] : memref<2x256x128xf32, #tpu.memory_space<vmem>> -> memref<1x256x128xf32, #tpu.memory_space<vmem>>
        %gather3A_943 = tpu.memref_squeeze %gather3A_942 : memref<1x256x128xf32, #tpu.memory_space<vmem>> -> memref<256x128xf32, #tpu.memory_space<vmem>>
        %gather3A_944 = tpu.vector_load_idx %gather3A_943[%add3A_390, %add3A_938] : memref<256x128xf32, #tpu.memory_space<vmem>>[vector<16xi32>, vector<16xi32>], vector<16xf32>,
        %scatter3A_945 = arith.constant 0 : i32
        %scatter3A_946 = arith.constant 0 : i32
        %scatter3A_947 = arith.constant 0 : i32
        %scatter3A_948 = tpu.memref_slice %arg10[%scatter3A_945, %scatter3A_946, %scatter3A_947] : memref<2x64x258xf32, #tpu.memory_space<vmem>> -> memref<1x64x258xf32, #tpu.memory_space<vmem>>
        %scatter3A_949 = tpu.memref_squeeze %scatter3A_948 : memref<1x64x258xf32, #tpu.memory_space<vmem>> -> memref<64x258xf32, #tpu.memory_space<vmem>>
        tpu.vector_store_idx %scatter3A_949[%and3A_865, %add3A_390], %gather3A_872 : memref<64x258xf32, #tpu.memory_space<vmem>>[vector<16xi32>, vector<16xi32>], vector<16xf32>,
        %add3A_950 = arith.constant 32 : i32
        %add3A_951 = vector.broadcast %add3A_950 : i32 to vector<16xi32>
        %add3A_952 = arith.addi %iota3A, %add3A_951 : vector<16xi32>
        %and3A_953 = arith.constant 63 : i32
        %and3A_954 = vector.broadcast %and3A_953 : i32 to vector<16xi32>
        %and3A_955 = arith.andi %add3A_952, %and3A_954 : vector<16xi32>
        %add3A_956 = arith.addi %get3A_395, %and3A_955 : vector<16xi32>
        %gather3A_957 = arith.constant 0 : i32
        %gather3A_958 = arith.constant 0 : i32
        %gather3A_959 = arith.constant 0 : i32
        %gather3A_960 = tpu.memref_slice %arg9[%gather3A_957, %gather3A_958, %gather3A_959] : memref<2x256x128xf32, #tpu.memory_space<vmem>> -> memref<1x256x128xf32, #tpu.memory_space<vmem>>
        %gather3A_961 = tpu.memref_squeeze %gather3A_960 : memref<1x256x128xf32, #tpu.memory_space<vmem>> -> memref<256x128xf32, #tpu.memory_space<vmem>>
        %gather3A_962 = tpu.vector_load_idx %gather3A_961[%add3A_390, %add3A_956] : memref<256x128xf32, #tpu.memory_space<vmem>>[vector<16xi32>, vector<16xi32>], vector<16xf32>,
        %scatter3A_963 = arith.constant 0 : i32
        %scatter3A_964 = arith.constant 0 : i32
        %scatter3A_965 = arith.constant 0 : i32
        %scatter3A_966 = tpu.memref_slice %arg10[%scatter3A_963, %scatter3A_964, %scatter3A_965] : memref<2x64x258xf32, #tpu.memory_space<vmem>> -> memref<1x64x258xf32, #tpu.memory_space<vmem>>
        %scatter3A_967 = tpu.memref_squeeze %scatter3A_966 : memref<1x64x258xf32, #tpu.memory_space<vmem>> -> memref<64x258xf32, #tpu.memory_space<vmem>>
        tpu.vector_store_idx %scatter3A_967[%and3A_883, %add3A_390], %gather3A_890 : memref<64x258xf32, #tpu.memory_space<vmem>>[vector<16xi32>, vector<16xi32>], vector<16xf32>,
        %add3A_968 = arith.constant 33 : i32
        %add3A_969 = vector.broadcast %add3A_968 : i32 to vector<16xi32>
        %add3A_970 = arith.addi %iota3A, %add3A_969 : vector<16xi32>
        %and3A_971 = arith.constant 63 : i32
        %and3A_972 = vector.broadcast %and3A_971 : i32 to vector<16xi32>
        %and3A_973 = arith.andi %add3A_970, %and3A_972 : vector<16xi32>
        %add3A_974 = arith.addi %get3A_395, %and3A_973 : vector<16xi32>
        %gather3A_975 = arith.constant 0 : i32
        %gather3A_976 = arith.constant 0 : i32
        %gather3A_977 = arith.constant 0 : i32
        %gather3A_978 = tpu.memref_slice %arg9[%gather3A_975, %gather3A_976, %gather3A_977] : memref<2x256x128xf32, #tpu.memory_space<vmem>> -> memref<1x256x128xf32, #tpu.memory_space<vmem>>
        %gather3A_979 = tpu.memref_squeeze %gather3A_978 : memref<1x256x128xf32, #tpu.memory_space<vmem>> -> memref<256x128xf32, #tpu.memory_space<vmem>>
        %gather3A_980 = tpu.vector_load_idx %gather3A_979[%add3A_390, %add3A_974] : memref<256x128xf32, #tpu.memory_space<vmem>>[vector<16xi32>, vector<16xi32>], vector<16xf32>,
        %scatter3A_981 = arith.constant 0 : i32
        %scatter3A_982 = arith.constant 0 : i32
        %scatter3A_983 = arith.constant 0 : i32
        %scatter3A_984 = tpu.memref_slice %arg10[%scatter3A_981, %scatter3A_982, %scatter3A_983] : memref<2x64x258xf32, #tpu.memory_space<vmem>> -> memref<1x64x258xf32, #tpu.memory_space<vmem>>
        %scatter3A_985 = tpu.memref_squeeze %scatter3A_984 : memref<1x64x258xf32, #tpu.memory_space<vmem>> -> memref<64x258xf32, #tpu.memory_space<vmem>>
        tpu.vector_store_idx %scatter3A_985[%and3A_901, %add3A_390], %gather3A_908 : memref<64x258xf32, #tpu.memory_space<vmem>>[vector<16xi32>, vector<16xi32>], vector<16xf32>,
        %add3A_986 = arith.constant 34 : i32
        %add3A_987 = vector.broadcast %add3A_986 : i32 to vector<16xi32>
        %add3A_988 = arith.addi %iota3A, %add3A_987 : vector<16xi32>
        %and3A_989 = arith.constant 63 : i32
        %and3A_990 = vector.broadcast %and3A_989 : i32 to vector<16xi32>
        %and3A_991 = arith.andi %add3A_988, %and3A_990 : vector<16xi32>
        %add3A_992 = arith.addi %get3A_395, %and3A_991 : vector<16xi32>
        %gather3A_993 = arith.constant 0 : i32
        %gather3A_994 = arith.constant 0 : i32
        %gather3A_995 = arith.constant 0 : i32
        %gather3A_996 = tpu.memref_slice %arg9[%gather3A_993, %gather3A_994, %gather3A_995] : memref<2x256x128xf32, #tpu.memory_space<vmem>> -> memref<1x256x128xf32, #tpu.memory_space<vmem>>
        %gather3A_997 = tpu.memref_squeeze %gather3A_996 : memref<1x256x128xf32, #tpu.memory_space<vmem>> -> memref<256x128xf32, #tpu.memory_space<vmem>>
        %gather3A_998 = tpu.vector_load_idx %gather3A_997[%add3A_390, %add3A_992] : memref<256x128xf32, #tpu.memory_space<vmem>>[vector<16xi32>, vector<16xi32>], vector<16xf32>,
        %scatter3A_999 = arith.constant 0 : i32
        %scatter3A_1000 = arith.constant 0 : i32
        %scatter3A_1001 = arith.constant 0 : i32
        %scatter3A_1002 = tpu.memref_slice %arg10[%scatter3A_999, %scatter3A_1000, %scatter3A_1001] : memref<2x64x258xf32, #tpu.memory_space<vmem>> -> memref<1x64x258xf32, #tpu.memory_space<vmem>>
        %scatter3A_1003 = tpu.memref_squeeze %scatter3A_1002 : memref<1x64x258xf32, #tpu.memory_space<vmem>> -> memref<64x258xf32, #tpu.memory_space<vmem>>
        tpu.vector_store_idx %scatter3A_1003[%and3A_919, %add3A_390], %gather3A_926 : memref<64x258xf32, #tpu.memory_space<vmem>>[vector<16xi32>, vector<16xi32>], vector<16xf32>,
        %add3A_1004 = arith.constant 35 : i32
        %add3A_1005 = vector.broadcast %add3A_1004 : i32 to vector<16xi32>
        %add3A_1006 = arith.addi %iota3A, %add3A_1005 : vector<16xi32>
        %and3A_1007 = arith.constant 63 : i32
        %and3A_1008 = vector.broadcast %and3A_1007 : i32 to vector<16xi32>
        %and3A_1009 = arith.andi %add3A_1006, %and3A_1008 : vector<16xi32>
        %add3A_1010 = arith.addi %get3A_395, %and3A_1009 : vector<16xi32>
        %gather3A_1011 = arith.constant 0 : i32
        %gather3A_1012 = arith.constant 0 : i32
        %gather3A_1013 = arith.constant 0 : i32
        %gather3A_1014 = tpu.memref_slice %arg9[%gather3A_1011, %gather3A_1012, %gather3A_1013] : memref<2x256x128xf32, #tpu.memory_space<vmem>> -> memref<1x256x128xf32, #tpu.memory_space<vmem>>
        %gather3A_1015 = tpu.memref_squeeze %gather3A_1014 : memref<1x256x128xf32, #tpu.memory_space<vmem>> -> memref<256x128xf32, #tpu.memory_space<vmem>>
        %gather3A_1016 = tpu.vector_load_idx %gather3A_1015[%add3A_390, %add3A_1010] : memref<256x128xf32, #tpu.memory_space<vmem>>[vector<16xi32>, vector<16xi32>], vector<16xf32>,
        %scatter3A_1017 = arith.constant 0 : i32
        %scatter3A_1018 = arith.constant 0 : i32
        %scatter3A_1019 = arith.constant 0 : i32
        %scatter3A_1020 = tpu.memref_slice %arg10[%scatter3A_1017, %scatter3A_1018, %scatter3A_1019] : memref<2x64x258xf32, #tpu.memory_space<vmem>> -> memref<1x64x258xf32, #tpu.memory_space<vmem>>
        %scatter3A_1021 = tpu.memref_squeeze %scatter3A_1020 : memref<1x64x258xf32, #tpu.memory_space<vmem>> -> memref<64x258xf32, #tpu.memory_space<vmem>>
        tpu.vector_store_idx %scatter3A_1021[%and3A_937, %add3A_390], %gather3A_944 : memref<64x258xf32, #tpu.memory_space<vmem>>[vector<16xi32>, vector<16xi32>], vector<16xf32>,
        %add3A_1022 = arith.constant 36 : i32
        %add3A_1023 = vector.broadcast %add3A_1022 : i32 to vector<16xi32>
        %add3A_1024 = arith.addi %iota3A, %add3A_1023 : vector<16xi32>
        %and3A_1025 = arith.constant 63 : i32
        %and3A_1026 = vector.broadcast %and3A_1025 : i32 to vector<16xi32>
        %and3A_1027 = arith.andi %add3A_1024, %and3A_1026 : vector<16xi32>
        %add3A_1028 = arith.addi %get3A_395, %and3A_1027 : vector<16xi32>
        %gather3A_1029 = arith.constant 0 : i32
        %gather3A_1030 = arith.constant 0 : i32
        %gather3A_1031 = arith.constant 0 : i32
        %gather3A_1032 = tpu.memref_slice %arg9[%gather3A_1029, %gather3A_1030, %gather3A_1031] : memref<2x256x128xf32, #tpu.memory_space<vmem>> -> memref<1x256x128xf32, #tpu.memory_space<vmem>>
        %gather3A_1033 = tpu.memref_squeeze %gather3A_1032 : memref<1x256x128xf32, #tpu.memory_space<vmem>> -> memref<256x128xf32, #tpu.memory_space<vmem>>
        %gather3A_1034 = tpu.vector_load_idx %gather3A_1033[%add3A_390, %add3A_1028] : memref<256x128xf32, #tpu.memory_space<vmem>>[vector<16xi32>, vector<16xi32>], vector<16xf32>,
        %scatter3A_1035 = arith.constant 0 : i32
        %scatter3A_1036 = arith.constant 0 : i32
        %scatter3A_1037 = arith.constant 0 : i32
        %scatter3A_1038 = tpu.memref_slice %arg10[%scatter3A_1035, %scatter3A_1036, %scatter3A_1037] : memref<2x64x258xf32, #tpu.memory_space<vmem>> -> memref<1x64x258xf32, #tpu.memory_space<vmem>>
        %scatter3A_1039 = tpu.memref_squeeze %scatter3A_1038 : memref<1x64x258xf32, #tpu.memory_space<vmem>> -> memref<64x258xf32, #tpu.memory_space<vmem>>
        tpu.vector_store_idx %scatter3A_1039[%and3A_955, %add3A_390], %gather3A_962 : memref<64x258xf32, #tpu.memory_space<vmem>>[vector<16xi32>, vector<16xi32>], vector<16xf32>,
        %add3A_1040 = arith.constant 37 : i32
        %add3A_1041 = vector.broadcast %add3A_1040 : i32 to vector<16xi32>
        %add3A_1042 = arith.addi %iota3A, %add3A_1041 : vector<16xi32>
        %and3A_1043 = arith.constant 63 : i32
        %and3A_1044 = vector.broadcast %and3A_1043 : i32 to vector<16xi32>
        %and3A_1045 = arith.andi %add3A_1042, %and3A_1044 : vector<16xi32>
        %add3A_1046 = arith.addi %get3A_395, %and3A_1045 : vector<16xi32>
        %gather3A_1047 = arith.constant 0 : i32
        %gather3A_1048 = arith.constant 0 : i32
        %gather3A_1049 = arith.constant 0 : i32
        %gather3A_1050 = tpu.memref_slice %arg9[%gather3A_1047, %gather3A_1048, %gather3A_1049] : memref<2x256x128xf32, #tpu.memory_space<vmem>> -> memref<1x256x128xf32, #tpu.memory_space<vmem>>
        %gather3A_1051 = tpu.memref_squeeze %gather3A_1050 : memref<1x256x128xf32, #tpu.memory_space<vmem>> -> memref<256x128xf32, #tpu.memory_space<vmem>>
        %gather3A_1052 = tpu.vector_load_idx %gather3A_1051[%add3A_390, %add3A_1046] : memref<256x128xf32, #tpu.memory_space<vmem>>[vector<16xi32>, vector<16xi32>], vector<16xf32>,
        %scatter3A_1053 = arith.constant 0 : i32
        %scatter3A_1054 = arith.constant 0 : i32
        %scatter3A_1055 = arith.constant 0 : i32
        %scatter3A_1056 = tpu.memref_slice %arg10[%scatter3A_1053, %scatter3A_1054, %scatter3A_1055] : memref<2x64x258xf32, #tpu.memory_space<vmem>> -> memref<1x64x258xf32, #tpu.memory_space<vmem>>
        %scatter3A_1057 = tpu.memref_squeeze %scatter3A_1056 : memref<1x64x258xf32, #tpu.memory_space<vmem>> -> memref<64x258xf32, #tpu.memory_space<vmem>>
        tpu.vector_store_idx %scatter3A_1057[%and3A_973, %add3A_390], %gather3A_980 : memref<64x258xf32, #tpu.memory_space<vmem>>[vector<16xi32>, vector<16xi32>], vector<16xf32>,
        %add3A_1058 = arith.constant 38 : i32
        %add3A_1059 = vector.broadcast %add3A_1058 : i32 to vector<16xi32>
        %add3A_1060 = arith.addi %iota3A, %add3A_1059 : vector<16xi32>
        %and3A_1061 = arith.constant 63 : i32
        %and3A_1062 = vector.broadcast %and3A_1061 : i32 to vector<16xi32>
        %and3A_1063 = arith.andi %add3A_1060, %and3A_1062 : vector<16xi32>
        %add3A_1064 = arith.addi %get3A_395, %and3A_1063 : vector<16xi32>
        %gather3A_1065 = arith.constant 0 : i32
        %gather3A_1066 = arith.constant 0 : i32
        %gather3A_1067 = arith.constant 0 : i32
        %gather3A_1068 = tpu.memref_slice %arg9[%gather3A_1065, %gather3A_1066, %gather3A_1067] : memref<2x256x128xf32, #tpu.memory_space<vmem>> -> memref<1x256x128xf32, #tpu.memory_space<vmem>>
        %gather3A_1069 = tpu.memref_squeeze %gather3A_1068 : memref<1x256x128xf32, #tpu.memory_space<vmem>> -> memref<256x128xf32, #tpu.memory_space<vmem>>
        %gather3A_1070 = tpu.vector_load_idx %gather3A_1069[%add3A_390, %add3A_1064] : memref<256x128xf32, #tpu.memory_space<vmem>>[vector<16xi32>, vector<16xi32>], vector<16xf32>,
        %scatter3A_1071 = arith.constant 0 : i32
        %scatter3A_1072 = arith.constant 0 : i32
        %scatter3A_1073 = arith.constant 0 : i32
        %scatter3A_1074 = tpu.memref_slice %arg10[%scatter3A_1071, %scatter3A_1072, %scatter3A_1073] : memref<2x64x258xf32, #tpu.memory_space<vmem>> -> memref<1x64x258xf32, #tpu.memory_space<vmem>>
        %scatter3A_1075 = tpu.memref_squeeze %scatter3A_1074 : memref<1x64x258xf32, #tpu.memory_space<vmem>> -> memref<64x258xf32, #tpu.memory_space<vmem>>
        tpu.vector_store_idx %scatter3A_1075[%and3A_991, %add3A_390], %gather3A_998 : memref<64x258xf32, #tpu.memory_space<vmem>>[vector<16xi32>, vector<16xi32>], vector<16xf32>,
        %add3A_1076 = arith.constant 39 : i32
        %add3A_1077 = vector.broadcast %add3A_1076 : i32 to vector<16xi32>
        %add3A_1078 = arith.addi %iota3A, %add3A_1077 : vector<16xi32>
        %and3A_1079 = arith.constant 63 : i32
        %and3A_1080 = vector.broadcast %and3A_1079 : i32 to vector<16xi32>
        %and3A_1081 = arith.andi %add3A_1078, %and3A_1080 : vector<16xi32>
        %add3A_1082 = arith.addi %get3A_395, %and3A_1081 : vector<16xi32>
        %gather3A_1083 = arith.constant 0 : i32
        %gather3A_1084 = arith.constant 0 : i32
        %gather3A_1085 = arith.constant 0 : i32
        %gather3A_1086 = tpu.memref_slice %arg9[%gather3A_1083, %gather3A_1084, %gather3A_1085] : memref<2x256x128xf32, #tpu.memory_space<vmem>> -> memref<1x256x128xf32, #tpu.memory_space<vmem>>
        %gather3A_1087 = tpu.memref_squeeze %gather3A_1086 : memref<1x256x128xf32, #tpu.memory_space<vmem>> -> memref<256x128xf32, #tpu.memory_space<vmem>>
        %gather3A_1088 = tpu.vector_load_idx %gather3A_1087[%add3A_390, %add3A_1082] : memref<256x128xf32, #tpu.memory_space<vmem>>[vector<16xi32>, vector<16xi32>], vector<16xf32>,
        %scatter3A_1089 = arith.constant 0 : i32
        %scatter3A_1090 = arith.constant 0 : i32
        %scatter3A_1091 = arith.constant 0 : i32
        %scatter3A_1092 = tpu.memref_slice %arg10[%scatter3A_1089, %scatter3A_1090, %scatter3A_1091] : memref<2x64x258xf32, #tpu.memory_space<vmem>> -> memref<1x64x258xf32, #tpu.memory_space<vmem>>
        %scatter3A_1093 = tpu.memref_squeeze %scatter3A_1092 : memref<1x64x258xf32, #tpu.memory_space<vmem>> -> memref<64x258xf32, #tpu.memory_space<vmem>>
        tpu.vector_store_idx %scatter3A_1093[%and3A_1009, %add3A_390], %gather3A_1016 : memref<64x258xf32, #tpu.memory_space<vmem>>[vector<16xi32>, vector<16xi32>], vector<16xf32>,
        %add3A_1094 = arith.constant 40 : i32
        %add3A_1095 = vector.broadcast %add3A_1094 : i32 to vector<16xi32>
        %add3A_1096 = arith.addi %iota3A, %add3A_1095 : vector<16xi32>
        %and3A_1097 = arith.constant 63 : i32
        %and3A_1098 = vector.broadcast %and3A_1097 : i32 to vector<16xi32>
        %and3A_1099 = arith.andi %add3A_1096, %and3A_1098 : vector<16xi32>
        %add3A_1100 = arith.addi %get3A_395, %and3A_1099 : vector<16xi32>
        %gather3A_1101 = arith.constant 0 : i32
        %gather3A_1102 = arith.constant 0 : i32
        %gather3A_1103 = arith.constant 0 : i32
        %gather3A_1104 = tpu.memref_slice %arg9[%gather3A_1101, %gather3A_1102, %gather3A_1103] : memref<2x256x128xf32, #tpu.memory_space<vmem>> -> memref<1x256x128xf32, #tpu.memory_space<vmem>>
        %gather3A_1105 = tpu.memref_squeeze %gather3A_1104 : memref<1x256x128xf32, #tpu.memory_space<vmem>> -> memref<256x128xf32, #tpu.memory_space<vmem>>
        %gather3A_1106 = tpu.vector_load_idx %gather3A_1105[%add3A_390, %add3A_1100] : memref<256x128xf32, #tpu.memory_space<vmem>>[vector<16xi32>, vector<16xi32>], vector<16xf32>,
        %scatter3A_1107 = arith.constant 0 : i32
        %scatter3A_1108 = arith.constant 0 : i32
        %scatter3A_1109 = arith.constant 0 : i32
        %scatter3A_1110 = tpu.memref_slice %arg10[%scatter3A_1107, %scatter3A_1108, %scatter3A_1109] : memref<2x64x258xf32, #tpu.memory_space<vmem>> -> memref<1x64x258xf32, #tpu.memory_space<vmem>>
        %scatter3A_1111 = tpu.memref_squeeze %scatter3A_1110 : memref<1x64x258xf32, #tpu.memory_space<vmem>> -> memref<64x258xf32, #tpu.memory_space<vmem>>
        tpu.vector_store_idx %scatter3A_1111[%and3A_1027, %add3A_390], %gather3A_1034 : memref<64x258xf32, #tpu.memory_space<vmem>>[vector<16xi32>, vector<16xi32>], vector<16xf32>,
        %add3A_1112 = arith.constant 41 : i32
        %add3A_1113 = vector.broadcast %add3A_1112 : i32 to vector<16xi32>
        %add3A_1114 = arith.addi %iota3A, %add3A_1113 : vector<16xi32>
        %and3A_1115 = arith.constant 63 : i32
        %and3A_1116 = vector.broadcast %and3A_1115 : i32 to vector<16xi32>
        %and3A_1117 = arith.andi %add3A_1114, %and3A_1116 : vector<16xi32>
        %add3A_1118 = arith.addi %get3A_395, %and3A_1117 : vector<16xi32>
        %gather3A_1119 = arith.constant 0 : i32
        %gather3A_1120 = arith.constant 0 : i32
        %gather3A_1121 = arith.constant 0 : i32
        %gather3A_1122 = tpu.memref_slice %arg9[%gather3A_1119, %gather3A_1120, %gather3A_1121] : memref<2x256x128xf32, #tpu.memory_space<vmem>> -> memref<1x256x128xf32, #tpu.memory_space<vmem>>
        %gather3A_1123 = tpu.memref_squeeze %gather3A_1122 : memref<1x256x128xf32, #tpu.memory_space<vmem>> -> memref<256x128xf32, #tpu.memory_space<vmem>>
        %gather3A_1124 = tpu.vector_load_idx %gather3A_1123[%add3A_390, %add3A_1118] : memref<256x128xf32, #tpu.memory_space<vmem>>[vector<16xi32>, vector<16xi32>], vector<16xf32>,
        %scatter3A_1125 = arith.constant 0 : i32
        %scatter3A_1126 = arith.constant 0 : i32
        %scatter3A_1127 = arith.constant 0 : i32
        %scatter3A_1128 = tpu.memref_slice %arg10[%scatter3A_1125, %scatter3A_1126, %scatter3A_1127] : memref<2x64x258xf32, #tpu.memory_space<vmem>> -> memref<1x64x258xf32, #tpu.memory_space<vmem>>
        %scatter3A_1129 = tpu.memref_squeeze %scatter3A_1128 : memref<1x64x258xf32, #tpu.memory_space<vmem>> -> memref<64x258xf32, #tpu.memory_space<vmem>>
        tpu.vector_store_idx %scatter3A_1129[%and3A_1045, %add3A_390], %gather3A_1052 : memref<64x258xf32, #tpu.memory_space<vmem>>[vector<16xi32>, vector<16xi32>], vector<16xf32>,
        %add3A_1130 = arith.constant 42 : i32
        %add3A_1131 = vector.broadcast %add3A_1130 : i32 to vector<16xi32>
        %add3A_1132 = arith.addi %iota3A, %add3A_1131 : vector<16xi32>
        %and3A_1133 = arith.constant 63 : i32
        %and3A_1134 = vector.broadcast %and3A_1133 : i32 to vector<16xi32>
        %and3A_1135 = arith.andi %add3A_1132, %and3A_1134 : vector<16xi32>
        %add3A_1136 = arith.addi %get3A_395, %and3A_1135 : vector<16xi32>
        %gather3A_1137 = arith.constant 0 : i32
        %gather3A_1138 = arith.constant 0 : i32
        %gather3A_1139 = arith.constant 0 : i32
        %gather3A_1140 = tpu.memref_slice %arg9[%gather3A_1137, %gather3A_1138, %gather3A_1139] : memref<2x256x128xf32, #tpu.memory_space<vmem>> -> memref<1x256x128xf32, #tpu.memory_space<vmem>>
        %gather3A_1141 = tpu.memref_squeeze %gather3A_1140 : memref<1x256x128xf32, #tpu.memory_space<vmem>> -> memref<256x128xf32, #tpu.memory_space<vmem>>
        %gather3A_1142 = tpu.vector_load_idx %gather3A_1141[%add3A_390, %add3A_1136] : memref<256x128xf32, #tpu.memory_space<vmem>>[vector<16xi32>, vector<16xi32>], vector<16xf32>,
        %scatter3A_1143 = arith.constant 0 : i32
        %scatter3A_1144 = arith.constant 0 : i32
        %scatter3A_1145 = arith.constant 0 : i32
        %scatter3A_1146 = tpu.memref_slice %arg10[%scatter3A_1143, %scatter3A_1144, %scatter3A_1145] : memref<2x64x258xf32, #tpu.memory_space<vmem>> -> memref<1x64x258xf32, #tpu.memory_space<vmem>>
        %scatter3A_1147 = tpu.memref_squeeze %scatter3A_1146 : memref<1x64x258xf32, #tpu.memory_space<vmem>> -> memref<64x258xf32, #tpu.memory_space<vmem>>
        tpu.vector_store_idx %scatter3A_1147[%and3A_1063, %add3A_390], %gather3A_1070 : memref<64x258xf32, #tpu.memory_space<vmem>>[vector<16xi32>, vector<16xi32>], vector<16xf32>,
        %add3A_1148 = arith.constant 43 : i32
        %add3A_1149 = vector.broadcast %add3A_1148 : i32 to vector<16xi32>
        %add3A_1150 = arith.addi %iota3A, %add3A_1149 : vector<16xi32>
        %and3A_1151 = arith.constant 63 : i32
        %and3A_1152 = vector.broadcast %and3A_1151 : i32 to vector<16xi32>
        %and3A_1153 = arith.andi %add3A_1150, %and3A_1152 : vector<16xi32>
        %add3A_1154 = arith.addi %get3A_395, %and3A_1153 : vector<16xi32>
        %gather3A_1155 = arith.constant 0 : i32
        %gather3A_1156 = arith.constant 0 : i32
        %gather3A_1157 = arith.constant 0 : i32
        %gather3A_1158 = tpu.memref_slice %arg9[%gather3A_1155, %gather3A_1156, %gather3A_1157] : memref<2x256x128xf32, #tpu.memory_space<vmem>> -> memref<1x256x128xf32, #tpu.memory_space<vmem>>
        %gather3A_1159 = tpu.memref_squeeze %gather3A_1158 : memref<1x256x128xf32, #tpu.memory_space<vmem>> -> memref<256x128xf32, #tpu.memory_space<vmem>>
        %gather3A_1160 = tpu.vector_load_idx %gather3A_1159[%add3A_390, %add3A_1154] : memref<256x128xf32, #tpu.memory_space<vmem>>[vector<16xi32>, vector<16xi32>], vector<16xf32>,
        %scatter3A_1161 = arith.constant 0 : i32
        %scatter3A_1162 = arith.constant 0 : i32
        %scatter3A_1163 = arith.constant 0 : i32
        %scatter3A_1164 = tpu.memref_slice %arg10[%scatter3A_1161, %scatter3A_1162, %scatter3A_1163] : memref<2x64x258xf32, #tpu.memory_space<vmem>> -> memref<1x64x258xf32, #tpu.memory_space<vmem>>
        %scatter3A_1165 = tpu.memref_squeeze %scatter3A_1164 : memref<1x64x258xf32, #tpu.memory_space<vmem>> -> memref<64x258xf32, #tpu.memory_space<vmem>>
        tpu.vector_store_idx %scatter3A_1165[%and3A_1081, %add3A_390], %gather3A_1088 : memref<64x258xf32, #tpu.memory_space<vmem>>[vector<16xi32>, vector<16xi32>], vector<16xf32>,
        %add3A_1166 = arith.constant 44 : i32
        %add3A_1167 = vector.broadcast %add3A_1166 : i32 to vector<16xi32>
        %add3A_1168 = arith.addi %iota3A, %add3A_1167 : vector<16xi32>
        %and3A_1169 = arith.constant 63 : i32
        %and3A_1170 = vector.broadcast %and3A_1169 : i32 to vector<16xi32>
        %and3A_1171 = arith.andi %add3A_1168, %and3A_1170 : vector<16xi32>
        %add3A_1172 = arith.addi %get3A_395, %and3A_1171 : vector<16xi32>
        %gather3A_1173 = arith.constant 0 : i32
        %gather3A_1174 = arith.constant 0 : i32
        %gather3A_1175 = arith.constant 0 : i32
        %gather3A_1176 = tpu.memref_slice %arg9[%gather3A_1173, %gather3A_1174, %gather3A_1175] : memref<2x256x128xf32, #tpu.memory_space<vmem>> -> memref<1x256x128xf32, #tpu.memory_space<vmem>>
        %gather3A_1177 = tpu.memref_squeeze %gather3A_1176 : memref<1x256x128xf32, #tpu.memory_space<vmem>> -> memref<256x128xf32, #tpu.memory_space<vmem>>
        %gather3A_1178 = tpu.vector_load_idx %gather3A_1177[%add3A_390, %add3A_1172] : memref<256x128xf32, #tpu.memory_space<vmem>>[vector<16xi32>, vector<16xi32>], vector<16xf32>,
        %scatter3A_1179 = arith.constant 0 : i32
        %scatter3A_1180 = arith.constant 0 : i32
        %scatter3A_1181 = arith.constant 0 : i32
        %scatter3A_1182 = tpu.memref_slice %arg10[%scatter3A_1179, %scatter3A_1180, %scatter3A_1181] : memref<2x64x258xf32, #tpu.memory_space<vmem>> -> memref<1x64x258xf32, #tpu.memory_space<vmem>>
        %scatter3A_1183 = tpu.memref_squeeze %scatter3A_1182 : memref<1x64x258xf32, #tpu.memory_space<vmem>> -> memref<64x258xf32, #tpu.memory_space<vmem>>
        tpu.vector_store_idx %scatter3A_1183[%and3A_1099, %add3A_390], %gather3A_1106 : memref<64x258xf32, #tpu.memory_space<vmem>>[vector<16xi32>, vector<16xi32>], vector<16xf32>,
        %add3A_1184 = arith.constant 45 : i32
        %add3A_1185 = vector.broadcast %add3A_1184 : i32 to vector<16xi32>
        %add3A_1186 = arith.addi %iota3A, %add3A_1185 : vector<16xi32>
        %and3A_1187 = arith.constant 63 : i32
        %and3A_1188 = vector.broadcast %and3A_1187 : i32 to vector<16xi32>
        %and3A_1189 = arith.andi %add3A_1186, %and3A_1188 : vector<16xi32>
        %add3A_1190 = arith.addi %get3A_395, %and3A_1189 : vector<16xi32>
        %gather3A_1191 = arith.constant 0 : i32
        %gather3A_1192 = arith.constant 0 : i32
        %gather3A_1193 = arith.constant 0 : i32
        %gather3A_1194 = tpu.memref_slice %arg9[%gather3A_1191, %gather3A_1192, %gather3A_1193] : memref<2x256x128xf32, #tpu.memory_space<vmem>> -> memref<1x256x128xf32, #tpu.memory_space<vmem>>
        %gather3A_1195 = tpu.memref_squeeze %gather3A_1194 : memref<1x256x128xf32, #tpu.memory_space<vmem>> -> memref<256x128xf32, #tpu.memory_space<vmem>>
        %gather3A_1196 = tpu.vector_load_idx %gather3A_1195[%add3A_390, %add3A_1190] : memref<256x128xf32, #tpu.memory_space<vmem>>[vector<16xi32>, vector<16xi32>], vector<16xf32>,
        %scatter3A_1197 = arith.constant 0 : i32
        %scatter3A_1198 = arith.constant 0 : i32
        %scatter3A_1199 = arith.constant 0 : i32
        %scatter3A_1200 = tpu.memref_slice %arg10[%scatter3A_1197, %scatter3A_1198, %scatter3A_1199] : memref<2x64x258xf32, #tpu.memory_space<vmem>> -> memref<1x64x258xf32, #tpu.memory_space<vmem>>
        %scatter3A_1201 = tpu.memref_squeeze %scatter3A_1200 : memref<1x64x258xf32, #tpu.memory_space<vmem>> -> memref<64x258xf32, #tpu.memory_space<vmem>>
        tpu.vector_store_idx %scatter3A_1201[%and3A_1117, %add3A_390], %gather3A_1124 : memref<64x258xf32, #tpu.memory_space<vmem>>[vector<16xi32>, vector<16xi32>], vector<16xf32>,
        %add3A_1202 = arith.constant 46 : i32
        %add3A_1203 = vector.broadcast %add3A_1202 : i32 to vector<16xi32>
        %add3A_1204 = arith.addi %iota3A, %add3A_1203 : vector<16xi32>
        %and3A_1205 = arith.constant 63 : i32
        %and3A_1206 = vector.broadcast %and3A_1205 : i32 to vector<16xi32>
        %and3A_1207 = arith.andi %add3A_1204, %and3A_1206 : vector<16xi32>
        %add3A_1208 = arith.addi %get3A_395, %and3A_1207 : vector<16xi32>
        %gather3A_1209 = arith.constant 0 : i32
        %gather3A_1210 = arith.constant 0 : i32
        %gather3A_1211 = arith.constant 0 : i32
        %gather3A_1212 = tpu.memref_slice %arg9[%gather3A_1209, %gather3A_1210, %gather3A_1211] : memref<2x256x128xf32, #tpu.memory_space<vmem>> -> memref<1x256x128xf32, #tpu.memory_space<vmem>>
        %gather3A_1213 = tpu.memref_squeeze %gather3A_1212 : memref<1x256x128xf32, #tpu.memory_space<vmem>> -> memref<256x128xf32, #tpu.memory_space<vmem>>
        %gather3A_1214 = tpu.vector_load_idx %gather3A_1213[%add3A_390, %add3A_1208] : memref<256x128xf32, #tpu.memory_space<vmem>>[vector<16xi32>, vector<16xi32>], vector<16xf32>,
        %scatter3A_1215 = arith.constant 0 : i32
        %scatter3A_1216 = arith.constant 0 : i32
        %scatter3A_1217 = arith.constant 0 : i32
        %scatter3A_1218 = tpu.memref_slice %arg10[%scatter3A_1215, %scatter3A_1216, %scatter3A_1217] : memref<2x64x258xf32, #tpu.memory_space<vmem>> -> memref<1x64x258xf32, #tpu.memory_space<vmem>>
        %scatter3A_1219 = tpu.memref_squeeze %scatter3A_1218 : memref<1x64x258xf32, #tpu.memory_space<vmem>> -> memref<64x258xf32, #tpu.memory_space<vmem>>
        tpu.vector_store_idx %scatter3A_1219[%and3A_1135, %add3A_390], %gather3A_1142 : memref<64x258xf32, #tpu.memory_space<vmem>>[vector<16xi32>, vector<16xi32>], vector<16xf32>,
        %add3A_1220 = arith.constant 47 : i32
        %add3A_1221 = vector.broadcast %add3A_1220 : i32 to vector<16xi32>
        %add3A_1222 = arith.addi %iota3A, %add3A_1221 : vector<16xi32>
        %and3A_1223 = arith.constant 63 : i32
        %and3A_1224 = vector.broadcast %and3A_1223 : i32 to vector<16xi32>
        %and3A_1225 = arith.andi %add3A_1222, %and3A_1224 : vector<16xi32>
        %add3A_1226 = arith.addi %get3A_395, %and3A_1225 : vector<16xi32>
        %gather3A_1227 = arith.constant 0 : i32
        %gather3A_1228 = arith.constant 0 : i32
        %gather3A_1229 = arith.constant 0 : i32
        %gather3A_1230 = tpu.memref_slice %arg9[%gather3A_1227, %gather3A_1228, %gather3A_1229] : memref<2x256x128xf32, #tpu.memory_space<vmem>> -> memref<1x256x128xf32, #tpu.memory_space<vmem>>
        %gather3A_1231 = tpu.memref_squeeze %gather3A_1230 : memref<1x256x128xf32, #tpu.memory_space<vmem>> -> memref<256x128xf32, #tpu.memory_space<vmem>>
        %gather3A_1232 = tpu.vector_load_idx %gather3A_1231[%add3A_390, %add3A_1226] : memref<256x128xf32, #tpu.memory_space<vmem>>[vector<16xi32>, vector<16xi32>], vector<16xf32>,
        %scatter3A_1233 = arith.constant 0 : i32
        %scatter3A_1234 = arith.constant 0 : i32
        %scatter3A_1235 = arith.constant 0 : i32
        %scatter3A_1236 = tpu.memref_slice %arg10[%scatter3A_1233, %scatter3A_1234, %scatter3A_1235] : memref<2x64x258xf32, #tpu.memory_space<vmem>> -> memref<1x64x258xf32, #tpu.memory_space<vmem>>
        %scatter3A_1237 = tpu.memref_squeeze %scatter3A_1236 : memref<1x64x258xf32, #tpu.memory_space<vmem>> -> memref<64x258xf32, #tpu.memory_space<vmem>>
        tpu.vector_store_idx %scatter3A_1237[%and3A_1153, %add3A_390], %gather3A_1160 : memref<64x258xf32, #tpu.memory_space<vmem>>[vector<16xi32>, vector<16xi32>], vector<16xf32>,
        %add3A_1238 = arith.constant 48 : i32
        %add3A_1239 = vector.broadcast %add3A_1238 : i32 to vector<16xi32>
        %add3A_1240 = arith.addi %iota3A, %add3A_1239 : vector<16xi32>
        %and3A_1241 = arith.constant 63 : i32
        %and3A_1242 = vector.broadcast %and3A_1241 : i32 to vector<16xi32>
        %and3A_1243 = arith.andi %add3A_1240, %and3A_1242 : vector<16xi32>
        %add3A_1244 = arith.addi %get3A_395, %and3A_1243 : vector<16xi32>
        %gather3A_1245 = arith.constant 0 : i32
        %gather3A_1246 = arith.constant 0 : i32
        %gather3A_1247 = arith.constant 0 : i32
        %gather3A_1248 = tpu.memref_slice %arg9[%gather3A_1245, %gather3A_1246, %gather3A_1247] : memref<2x256x128xf32, #tpu.memory_space<vmem>> -> memref<1x256x128xf32, #tpu.memory_space<vmem>>
        %gather3A_1249 = tpu.memref_squeeze %gather3A_1248 : memref<1x256x128xf32, #tpu.memory_space<vmem>> -> memref<256x128xf32, #tpu.memory_space<vmem>>
        %gather3A_1250 = tpu.vector_load_idx %gather3A_1249[%add3A_390, %add3A_1244] : memref<256x128xf32, #tpu.memory_space<vmem>>[vector<16xi32>, vector<16xi32>], vector<16xf32>,
        %scatter3A_1251 = arith.constant 0 : i32
        %scatter3A_1252 = arith.constant 0 : i32
        %scatter3A_1253 = arith.constant 0 : i32
        %scatter3A_1254 = tpu.memref_slice %arg10[%scatter3A_1251, %scatter3A_1252, %scatter3A_1253] : memref<2x64x258xf32, #tpu.memory_space<vmem>> -> memref<1x64x258xf32, #tpu.memory_space<vmem>>
        %scatter3A_1255 = tpu.memref_squeeze %scatter3A_1254 : memref<1x64x258xf32, #tpu.memory_space<vmem>> -> memref<64x258xf32, #tpu.memory_space<vmem>>
        tpu.vector_store_idx %scatter3A_1255[%and3A_1171, %add3A_390], %gather3A_1178 : memref<64x258xf32, #tpu.memory_space<vmem>>[vector<16xi32>, vector<16xi32>], vector<16xf32>,
        %add3A_1256 = arith.constant 49 : i32
        %add3A_1257 = vector.broadcast %add3A_1256 : i32 to vector<16xi32>
        %add3A_1258 = arith.addi %iota3A, %add3A_1257 : vector<16xi32>
        %and3A_1259 = arith.constant 63 : i32
        %and3A_1260 = vector.broadcast %and3A_1259 : i32 to vector<16xi32>
        %and3A_1261 = arith.andi %add3A_1258, %and3A_1260 : vector<16xi32>
        %add3A_1262 = arith.addi %get3A_395, %and3A_1261 : vector<16xi32>
        %gather3A_1263 = arith.constant 0 : i32
        %gather3A_1264 = arith.constant 0 : i32
        %gather3A_1265 = arith.constant 0 : i32
        %gather3A_1266 = tpu.memref_slice %arg9[%gather3A_1263, %gather3A_1264, %gather3A_1265] : memref<2x256x128xf32, #tpu.memory_space<vmem>> -> memref<1x256x128xf32, #tpu.memory_space<vmem>>
        %gather3A_1267 = tpu.memref_squeeze %gather3A_1266 : memref<1x256x128xf32, #tpu.memory_space<vmem>> -> memref<256x128xf32, #tpu.memory_space<vmem>>
        %gather3A_1268 = tpu.vector_load_idx %gather3A_1267[%add3A_390, %add3A_1262] : memref<256x128xf32, #tpu.memory_space<vmem>>[vector<16xi32>, vector<16xi32>], vector<16xf32>,
        %scatter3A_1269 = arith.constant 0 : i32
        %scatter3A_1270 = arith.constant 0 : i32
        %scatter3A_1271 = arith.constant 0 : i32
        %scatter3A_1272 = tpu.memref_slice %arg10[%scatter3A_1269, %scatter3A_1270, %scatter3A_1271] : memref<2x64x258xf32, #tpu.memory_space<vmem>> -> memref<1x64x258xf32, #tpu.memory_space<vmem>>
        %scatter3A_1273 = tpu.memref_squeeze %scatter3A_1272 : memref<1x64x258xf32, #tpu.memory_space<vmem>> -> memref<64x258xf32, #tpu.memory_space<vmem>>
        tpu.vector_store_idx %scatter3A_1273[%and3A_1189, %add3A_390], %gather3A_1196 : memref<64x258xf32, #tpu.memory_space<vmem>>[vector<16xi32>, vector<16xi32>], vector<16xf32>,
        %add3A_1274 = arith.constant 50 : i32
        %add3A_1275 = vector.broadcast %add3A_1274 : i32 to vector<16xi32>
        %add3A_1276 = arith.addi %iota3A, %add3A_1275 : vector<16xi32>
        %and3A_1277 = arith.constant 63 : i32
        %and3A_1278 = vector.broadcast %and3A_1277 : i32 to vector<16xi32>
        %and3A_1279 = arith.andi %add3A_1276, %and3A_1278 : vector<16xi32>
        %add3A_1280 = arith.addi %get3A_395, %and3A_1279 : vector<16xi32>
        %gather3A_1281 = arith.constant 0 : i32
        %gather3A_1282 = arith.constant 0 : i32
        %gather3A_1283 = arith.constant 0 : i32
        %gather3A_1284 = tpu.memref_slice %arg9[%gather3A_1281, %gather3A_1282, %gather3A_1283] : memref<2x256x128xf32, #tpu.memory_space<vmem>> -> memref<1x256x128xf32, #tpu.memory_space<vmem>>
        %gather3A_1285 = tpu.memref_squeeze %gather3A_1284 : memref<1x256x128xf32, #tpu.memory_space<vmem>> -> memref<256x128xf32, #tpu.memory_space<vmem>>
        %gather3A_1286 = tpu.vector_load_idx %gather3A_1285[%add3A_390, %add3A_1280] : memref<256x128xf32, #tpu.memory_space<vmem>>[vector<16xi32>, vector<16xi32>], vector<16xf32>,
        %scatter3A_1287 = arith.constant 0 : i32
        %scatter3A_1288 = arith.constant 0 : i32
        %scatter3A_1289 = arith.constant 0 : i32
        %scatter3A_1290 = tpu.memref_slice %arg10[%scatter3A_1287, %scatter3A_1288, %scatter3A_1289] : memref<2x64x258xf32, #tpu.memory_space<vmem>> -> memref<1x64x258xf32, #tpu.memory_space<vmem>>
        %scatter3A_1291 = tpu.memref_squeeze %scatter3A_1290 : memref<1x64x258xf32, #tpu.memory_space<vmem>> -> memref<64x258xf32, #tpu.memory_space<vmem>>
        tpu.vector_store_idx %scatter3A_1291[%and3A_1207, %add3A_390], %gather3A_1214 : memref<64x258xf32, #tpu.memory_space<vmem>>[vector<16xi32>, vector<16xi32>], vector<16xf32>,
        %add3A_1292 = arith.constant 51 : i32
        %add3A_1293 = vector.broadcast %add3A_1292 : i32 to vector<16xi32>
        %add3A_1294 = arith.addi %iota3A, %add3A_1293 : vector<16xi32>
        %and3A_1295 = arith.constant 63 : i32
        %and3A_1296 = vector.broadcast %and3A_1295 : i32 to vector<16xi32>
        %and3A_1297 = arith.andi %add3A_1294, %and3A_1296 : vector<16xi32>
        %add3A_1298 = arith.addi %get3A_395, %and3A_1297 : vector<16xi32>
        %gather3A_1299 = arith.constant 0 : i32
        %gather3A_1300 = arith.constant 0 : i32
        %gather3A_1301 = arith.constant 0 : i32
        %gather3A_1302 = tpu.memref_slice %arg9[%gather3A_1299, %gather3A_1300, %gather3A_1301] : memref<2x256x128xf32, #tpu.memory_space<vmem>> -> memref<1x256x128xf32, #tpu.memory_space<vmem>>
        %gather3A_1303 = tpu.memref_squeeze %gather3A_1302 : memref<1x256x128xf32, #tpu.memory_space<vmem>> -> memref<256x128xf32, #tpu.memory_space<vmem>>
        %gather3A_1304 = tpu.vector_load_idx %gather3A_1303[%add3A_390, %add3A_1298] : memref<256x128xf32, #tpu.memory_space<vmem>>[vector<16xi32>, vector<16xi32>], vector<16xf32>,
        %scatter3A_1305 = arith.constant 0 : i32
        %scatter3A_1306 = arith.constant 0 : i32
        %scatter3A_1307 = arith.constant 0 : i32
        %scatter3A_1308 = tpu.memref_slice %arg10[%scatter3A_1305, %scatter3A_1306, %scatter3A_1307] : memref<2x64x258xf32, #tpu.memory_space<vmem>> -> memref<1x64x258xf32, #tpu.memory_space<vmem>>
        %scatter3A_1309 = tpu.memref_squeeze %scatter3A_1308 : memref<1x64x258xf32, #tpu.memory_space<vmem>> -> memref<64x258xf32, #tpu.memory_space<vmem>>
        tpu.vector_store_idx %scatter3A_1309[%and3A_1225, %add3A_390], %gather3A_1232 : memref<64x258xf32, #tpu.memory_space<vmem>>[vector<16xi32>, vector<16xi32>], vector<16xf32>,
        %add3A_1310 = arith.constant 52 : i32
        %add3A_1311 = vector.broadcast %add3A_1310 : i32 to vector<16xi32>
        %add3A_1312 = arith.addi %iota3A, %add3A_1311 : vector<16xi32>
        %and3A_1313 = arith.constant 63 : i32
        %and3A_1314 = vector.broadcast %and3A_1313 : i32 to vector<16xi32>
        %and3A_1315 = arith.andi %add3A_1312, %and3A_1314 : vector<16xi32>
        %add3A_1316 = arith.addi %get3A_395, %and3A_1315 : vector<16xi32>
        %gather3A_1317 = arith.constant 0 : i32
        %gather3A_1318 = arith.constant 0 : i32
        %gather3A_1319 = arith.constant 0 : i32
        %gather3A_1320 = tpu.memref_slice %arg9[%gather3A_1317, %gather3A_1318, %gather3A_1319] : memref<2x256x128xf32, #tpu.memory_space<vmem>> -> memref<1x256x128xf32, #tpu.memory_space<vmem>>
        %gather3A_1321 = tpu.memref_squeeze %gather3A_1320 : memref<1x256x128xf32, #tpu.memory_space<vmem>> -> memref<256x128xf32, #tpu.memory_space<vmem>>
        %gather3A_1322 = tpu.vector_load_idx %gather3A_1321[%add3A_390, %add3A_1316] : memref<256x128xf32, #tpu.memory_space<vmem>>[vector<16xi32>, vector<16xi32>], vector<16xf32>,
        %scatter3A_1323 = arith.constant 0 : i32
        %scatter3A_1324 = arith.constant 0 : i32
        %scatter3A_1325 = arith.constant 0 : i32
        %scatter3A_1326 = tpu.memref_slice %arg10[%scatter3A_1323, %scatter3A_1324, %scatter3A_1325] : memref<2x64x258xf32, #tpu.memory_space<vmem>> -> memref<1x64x258xf32, #tpu.memory_space<vmem>>
        %scatter3A_1327 = tpu.memref_squeeze %scatter3A_1326 : memref<1x64x258xf32, #tpu.memory_space<vmem>> -> memref<64x258xf32, #tpu.memory_space<vmem>>
        tpu.vector_store_idx %scatter3A_1327[%and3A_1243, %add3A_390], %gather3A_1250 : memref<64x258xf32, #tpu.memory_space<vmem>>[vector<16xi32>, vector<16xi32>], vector<16xf32>,
        %add3A_1328 = arith.constant 53 : i32
        %add3A_1329 = vector.broadcast %add3A_1328 : i32 to vector<16xi32>
        %add3A_1330 = arith.addi %iota3A, %add3A_1329 : vector<16xi32>
        %and3A_1331 = arith.constant 63 : i32
        %and3A_1332 = vector.broadcast %and3A_1331 : i32 to vector<16xi32>
        %and3A_1333 = arith.andi %add3A_1330, %and3A_1332 : vector<16xi32>
        %add3A_1334 = arith.addi %get3A_395, %and3A_1333 : vector<16xi32>
        %gather3A_1335 = arith.constant 0 : i32
        %gather3A_1336 = arith.constant 0 : i32
        %gather3A_1337 = arith.constant 0 : i32
        %gather3A_1338 = tpu.memref_slice %arg9[%gather3A_1335, %gather3A_1336, %gather3A_1337] : memref<2x256x128xf32, #tpu.memory_space<vmem>> -> memref<1x256x128xf32, #tpu.memory_space<vmem>>
        %gather3A_1339 = tpu.memref_squeeze %gather3A_1338 : memref<1x256x128xf32, #tpu.memory_space<vmem>> -> memref<256x128xf32, #tpu.memory_space<vmem>>
        %gather3A_1340 = tpu.vector_load_idx %gather3A_1339[%add3A_390, %add3A_1334] : memref<256x128xf32, #tpu.memory_space<vmem>>[vector<16xi32>, vector<16xi32>], vector<16xf32>,
        %scatter3A_1341 = arith.constant 0 : i32
        %scatter3A_1342 = arith.constant 0 : i32
        %scatter3A_1343 = arith.constant 0 : i32
        %scatter3A_1344 = tpu.memref_slice %arg10[%scatter3A_1341, %scatter3A_1342, %scatter3A_1343] : memref<2x64x258xf32, #tpu.memory_space<vmem>> -> memref<1x64x258xf32, #tpu.memory_space<vmem>>
        %scatter3A_1345 = tpu.memref_squeeze %scatter3A_1344 : memref<1x64x258xf32, #tpu.memory_space<vmem>> -> memref<64x258xf32, #tpu.memory_space<vmem>>
        tpu.vector_store_idx %scatter3A_1345[%and3A_1261, %add3A_390], %gather3A_1268 : memref<64x258xf32, #tpu.memory_space<vmem>>[vector<16xi32>, vector<16xi32>], vector<16xf32>,
        %add3A_1346 = arith.constant 54 : i32
        %add3A_1347 = vector.broadcast %add3A_1346 : i32 to vector<16xi32>
        %add3A_1348 = arith.addi %iota3A, %add3A_1347 : vector<16xi32>
        %and3A_1349 = arith.constant 63 : i32
        %and3A_1350 = vector.broadcast %and3A_1349 : i32 to vector<16xi32>
        %and3A_1351 = arith.andi %add3A_1348, %and3A_1350 : vector<16xi32>
        %add3A_1352 = arith.addi %get3A_395, %and3A_1351 : vector<16xi32>
        %gather3A_1353 = arith.constant 0 : i32
        %gather3A_1354 = arith.constant 0 : i32
        %gather3A_1355 = arith.constant 0 : i32
        %gather3A_1356 = tpu.memref_slice %arg9[%gather3A_1353, %gather3A_1354, %gather3A_1355] : memref<2x256x128xf32, #tpu.memory_space<vmem>> -> memref<1x256x128xf32, #tpu.memory_space<vmem>>
        %gather3A_1357 = tpu.memref_squeeze %gather3A_1356 : memref<1x256x128xf32, #tpu.memory_space<vmem>> -> memref<256x128xf32, #tpu.memory_space<vmem>>
        %gather3A_1358 = tpu.vector_load_idx %gather3A_1357[%add3A_390, %add3A_1352] : memref<256x128xf32, #tpu.memory_space<vmem>>[vector<16xi32>, vector<16xi32>], vector<16xf32>,
        %scatter3A_1359 = arith.constant 0 : i32
        %scatter3A_1360 = arith.constant 0 : i32
        %scatter3A_1361 = arith.constant 0 : i32
        %scatter3A_1362 = tpu.memref_slice %arg10[%scatter3A_1359, %scatter3A_1360, %scatter3A_1361] : memref<2x64x258xf32, #tpu.memory_space<vmem>> -> memref<1x64x258xf32, #tpu.memory_space<vmem>>
        %scatter3A_1363 = tpu.memref_squeeze %scatter3A_1362 : memref<1x64x258xf32, #tpu.memory_space<vmem>> -> memref<64x258xf32, #tpu.memory_space<vmem>>
        tpu.vector_store_idx %scatter3A_1363[%and3A_1279, %add3A_390], %gather3A_1286 : memref<64x258xf32, #tpu.memory_space<vmem>>[vector<16xi32>, vector<16xi32>], vector<16xf32>,
        %add3A_1364 = arith.constant 55 : i32
        %add3A_1365 = vector.broadcast %add3A_1364 : i32 to vector<16xi32>
        %add3A_1366 = arith.addi %iota3A, %add3A_1365 : vector<16xi32>
        %and3A_1367 = arith.constant 63 : i32
        %and3A_1368 = vector.broadcast %and3A_1367 : i32 to vector<16xi32>
        %and3A_1369 = arith.andi %add3A_1366, %and3A_1368 : vector<16xi32>
        %add3A_1370 = arith.addi %get3A_395, %and3A_1369 : vector<16xi32>
        %gather3A_1371 = arith.constant 0 : i32
        %gather3A_1372 = arith.constant 0 : i32
        %gather3A_1373 = arith.constant 0 : i32
        %gather3A_1374 = tpu.memref_slice %arg9[%gather3A_1371, %gather3A_1372, %gather3A_1373] : memref<2x256x128xf32, #tpu.memory_space<vmem>> -> memref<1x256x128xf32, #tpu.memory_space<vmem>>
        %gather3A_1375 = tpu.memref_squeeze %gather3A_1374 : memref<1x256x128xf32, #tpu.memory_space<vmem>> -> memref<256x128xf32, #tpu.memory_space<vmem>>
        %gather3A_1376 = tpu.vector_load_idx %gather3A_1375[%add3A_390, %add3A_1370] : memref<256x128xf32, #tpu.memory_space<vmem>>[vector<16xi32>, vector<16xi32>], vector<16xf32>,
        %scatter3A_1377 = arith.constant 0 : i32
        %scatter3A_1378 = arith.constant 0 : i32
        %scatter3A_1379 = arith.constant 0 : i32
        %scatter3A_1380 = tpu.memref_slice %arg10[%scatter3A_1377, %scatter3A_1378, %scatter3A_1379] : memref<2x64x258xf32, #tpu.memory_space<vmem>> -> memref<1x64x258xf32, #tpu.memory_space<vmem>>
        %scatter3A_1381 = tpu.memref_squeeze %scatter3A_1380 : memref<1x64x258xf32, #tpu.memory_space<vmem>> -> memref<64x258xf32, #tpu.memory_space<vmem>>
        tpu.vector_store_idx %scatter3A_1381[%and3A_1297, %add3A_390], %gather3A_1304 : memref<64x258xf32, #tpu.memory_space<vmem>>[vector<16xi32>, vector<16xi32>], vector<16xf32>,
        %add3A_1382 = arith.constant 56 : i32
        %add3A_1383 = vector.broadcast %add3A_1382 : i32 to vector<16xi32>
        %add3A_1384 = arith.addi %iota3A, %add3A_1383 : vector<16xi32>
        %and3A_1385 = arith.constant 63 : i32
        %and3A_1386 = vector.broadcast %and3A_1385 : i32 to vector<16xi32>
        %and3A_1387 = arith.andi %add3A_1384, %and3A_1386 : vector<16xi32>
        %add3A_1388 = arith.addi %get3A_395, %and3A_1387 : vector<16xi32>
        %gather3A_1389 = arith.constant 0 : i32
        %gather3A_1390 = arith.constant 0 : i32
        %gather3A_1391 = arith.constant 0 : i32
        %gather3A_1392 = tpu.memref_slice %arg9[%gather3A_1389, %gather3A_1390, %gather3A_1391] : memref<2x256x128xf32, #tpu.memory_space<vmem>> -> memref<1x256x128xf32, #tpu.memory_space<vmem>>
        %gather3A_1393 = tpu.memref_squeeze %gather3A_1392 : memref<1x256x128xf32, #tpu.memory_space<vmem>> -> memref<256x128xf32, #tpu.memory_space<vmem>>
        %gather3A_1394 = tpu.vector_load_idx %gather3A_1393[%add3A_390, %add3A_1388] : memref<256x128xf32, #tpu.memory_space<vmem>>[vector<16xi32>, vector<16xi32>], vector<16xf32>,
        %scatter3A_1395 = arith.constant 0 : i32
        %scatter3A_1396 = arith.constant 0 : i32
        %scatter3A_1397 = arith.constant 0 : i32
        %scatter3A_1398 = tpu.memref_slice %arg10[%scatter3A_1395, %scatter3A_1396, %scatter3A_1397] : memref<2x64x258xf32, #tpu.memory_space<vmem>> -> memref<1x64x258xf32, #tpu.memory_space<vmem>>
        %scatter3A_1399 = tpu.memref_squeeze %scatter3A_1398 : memref<1x64x258xf32, #tpu.memory_space<vmem>> -> memref<64x258xf32, #tpu.memory_space<vmem>>
        tpu.vector_store_idx %scatter3A_1399[%and3A_1315, %add3A_390], %gather3A_1322 : memref<64x258xf32, #tpu.memory_space<vmem>>[vector<16xi32>, vector<16xi32>], vector<16xf32>,
        %add3A_1400 = arith.constant 57 : i32
        %add3A_1401 = vector.broadcast %add3A_1400 : i32 to vector<16xi32>
        %add3A_1402 = arith.addi %iota3A, %add3A_1401 : vector<16xi32>
        %and3A_1403 = arith.constant 63 : i32
        %and3A_1404 = vector.broadcast %and3A_1403 : i32 to vector<16xi32>
        %and3A_1405 = arith.andi %add3A_1402, %and3A_1404 : vector<16xi32>
        %add3A_1406 = arith.addi %get3A_395, %and3A_1405 : vector<16xi32>
        %gather3A_1407 = arith.constant 0 : i32
        %gather3A_1408 = arith.constant 0 : i32
        %gather3A_1409 = arith.constant 0 : i32
        %gather3A_1410 = tpu.memref_slice %arg9[%gather3A_1407, %gather3A_1408, %gather3A_1409] : memref<2x256x128xf32, #tpu.memory_space<vmem>> -> memref<1x256x128xf32, #tpu.memory_space<vmem>>
        %gather3A_1411 = tpu.memref_squeeze %gather3A_1410 : memref<1x256x128xf32, #tpu.memory_space<vmem>> -> memref<256x128xf32, #tpu.memory_space<vmem>>
        %gather3A_1412 = tpu.vector_load_idx %gather3A_1411[%add3A_390, %add3A_1406] : memref<256x128xf32, #tpu.memory_space<vmem>>[vector<16xi32>, vector<16xi32>], vector<16xf32>,
        %scatter3A_1413 = arith.constant 0 : i32
        %scatter3A_1414 = arith.constant 0 : i32
        %scatter3A_1415 = arith.constant 0 : i32
        %scatter3A_1416 = tpu.memref_slice %arg10[%scatter3A_1413, %scatter3A_1414, %scatter3A_1415] : memref<2x64x258xf32, #tpu.memory_space<vmem>> -> memref<1x64x258xf32, #tpu.memory_space<vmem>>
        %scatter3A_1417 = tpu.memref_squeeze %scatter3A_1416 : memref<1x64x258xf32, #tpu.memory_space<vmem>> -> memref<64x258xf32, #tpu.memory_space<vmem>>
        tpu.vector_store_idx %scatter3A_1417[%and3A_1333, %add3A_390], %gather3A_1340 : memref<64x258xf32, #tpu.memory_space<vmem>>[vector<16xi32>, vector<16xi32>], vector<16xf32>,
        %add3A_1418 = arith.constant 58 : i32
        %add3A_1419 = vector.broadcast %add3A_1418 : i32 to vector<16xi32>
        %add3A_1420 = arith.addi %iota3A, %add3A_1419 : vector<16xi32>
        %and3A_1421 = arith.constant 63 : i32
        %and3A_1422 = vector.broadcast %and3A_1421 : i32 to vector<16xi32>
        %and3A_1423 = arith.andi %add3A_1420, %and3A_1422 : vector<16xi32>
        %add3A_1424 = arith.addi %get3A_395, %and3A_1423 : vector<16xi32>
        %gather3A_1425 = arith.constant 0 : i32
        %gather3A_1426 = arith.constant 0 : i32
        %gather3A_1427 = arith.constant 0 : i32
        %gather3A_1428 = tpu.memref_slice %arg9[%gather3A_1425, %gather3A_1426, %gather3A_1427] : memref<2x256x128xf32, #tpu.memory_space<vmem>> -> memref<1x256x128xf32, #tpu.memory_space<vmem>>
        %gather3A_1429 = tpu.memref_squeeze %gather3A_1428 : memref<1x256x128xf32, #tpu.memory_space<vmem>> -> memref<256x128xf32, #tpu.memory_space<vmem>>
        %gather3A_1430 = tpu.vector_load_idx %gather3A_1429[%add3A_390, %add3A_1424] : memref<256x128xf32, #tpu.memory_space<vmem>>[vector<16xi32>, vector<16xi32>], vector<16xf32>,
        %scatter3A_1431 = arith.constant 0 : i32
        %scatter3A_1432 = arith.constant 0 : i32
        %scatter3A_1433 = arith.constant 0 : i32
        %scatter3A_1434 = tpu.memref_slice %arg10[%scatter3A_1431, %scatter3A_1432, %scatter3A_1433] : memref<2x64x258xf32, #tpu.memory_space<vmem>> -> memref<1x64x258xf32, #tpu.memory_space<vmem>>
        %scatter3A_1435 = tpu.memref_squeeze %scatter3A_1434 : memref<1x64x258xf32, #tpu.memory_space<vmem>> -> memref<64x258xf32, #tpu.memory_space<vmem>>
        tpu.vector_store_idx %scatter3A_1435[%and3A_1351, %add3A_390], %gather3A_1358 : memref<64x258xf32, #tpu.memory_space<vmem>>[vector<16xi32>, vector<16xi32>], vector<16xf32>,
        %add3A_1436 = arith.constant 59 : i32
        %add3A_1437 = vector.broadcast %add3A_1436 : i32 to vector<16xi32>
        %add3A_1438 = arith.addi %iota3A, %add3A_1437 : vector<16xi32>
        %and3A_1439 = arith.constant 63 : i32
        %and3A_1440 = vector.broadcast %and3A_1439 : i32 to vector<16xi32>
        %and3A_1441 = arith.andi %add3A_1438, %and3A_1440 : vector<16xi32>
        %add3A_1442 = arith.addi %get3A_395, %and3A_1441 : vector<16xi32>
        %gather3A_1443 = arith.constant 0 : i32
        %gather3A_1444 = arith.constant 0 : i32
        %gather3A_1445 = arith.constant 0 : i32
        %gather3A_1446 = tpu.memref_slice %arg9[%gather3A_1443, %gather3A_1444, %gather3A_1445] : memref<2x256x128xf32, #tpu.memory_space<vmem>> -> memref<1x256x128xf32, #tpu.memory_space<vmem>>
        %gather3A_1447 = tpu.memref_squeeze %gather3A_1446 : memref<1x256x128xf32, #tpu.memory_space<vmem>> -> memref<256x128xf32, #tpu.memory_space<vmem>>
        %gather3A_1448 = tpu.vector_load_idx %gather3A_1447[%add3A_390, %add3A_1442] : memref<256x128xf32, #tpu.memory_space<vmem>>[vector<16xi32>, vector<16xi32>], vector<16xf32>,
        %scatter3A_1449 = arith.constant 0 : i32
        %scatter3A_1450 = arith.constant 0 : i32
        %scatter3A_1451 = arith.constant 0 : i32
        %scatter3A_1452 = tpu.memref_slice %arg10[%scatter3A_1449, %scatter3A_1450, %scatter3A_1451] : memref<2x64x258xf32, #tpu.memory_space<vmem>> -> memref<1x64x258xf32, #tpu.memory_space<vmem>>
        %scatter3A_1453 = tpu.memref_squeeze %scatter3A_1452 : memref<1x64x258xf32, #tpu.memory_space<vmem>> -> memref<64x258xf32, #tpu.memory_space<vmem>>
        tpu.vector_store_idx %scatter3A_1453[%and3A_1369, %add3A_390], %gather3A_1376 : memref<64x258xf32, #tpu.memory_space<vmem>>[vector<16xi32>, vector<16xi32>], vector<16xf32>,
        %add3A_1454 = arith.constant 60 : i32
        %add3A_1455 = vector.broadcast %add3A_1454 : i32 to vector<16xi32>
        %add3A_1456 = arith.addi %iota3A, %add3A_1455 : vector<16xi32>
        %and3A_1457 = arith.constant 63 : i32
        %and3A_1458 = vector.broadcast %and3A_1457 : i32 to vector<16xi32>
        %and3A_1459 = arith.andi %add3A_1456, %and3A_1458 : vector<16xi32>
        %add3A_1460 = arith.addi %get3A_395, %and3A_1459 : vector<16xi32>
        %gather3A_1461 = arith.constant 0 : i32
        %gather3A_1462 = arith.constant 0 : i32
        %gather3A_1463 = arith.constant 0 : i32
        %gather3A_1464 = tpu.memref_slice %arg9[%gather3A_1461, %gather3A_1462, %gather3A_1463] : memref<2x256x128xf32, #tpu.memory_space<vmem>> -> memref<1x256x128xf32, #tpu.memory_space<vmem>>
        %gather3A_1465 = tpu.memref_squeeze %gather3A_1464 : memref<1x256x128xf32, #tpu.memory_space<vmem>> -> memref<256x128xf32, #tpu.memory_space<vmem>>
        %gather3A_1466 = tpu.vector_load_idx %gather3A_1465[%add3A_390, %add3A_1460] : memref<256x128xf32, #tpu.memory_space<vmem>>[vector<16xi32>, vector<16xi32>], vector<16xf32>,
        %scatter3A_1467 = arith.constant 0 : i32
        %scatter3A_1468 = arith.constant 0 : i32
        %scatter3A_1469 = arith.constant 0 : i32
        %scatter3A_1470 = tpu.memref_slice %arg10[%scatter3A_1467, %scatter3A_1468, %scatter3A_1469] : memref<2x64x258xf32, #tpu.memory_space<vmem>> -> memref<1x64x258xf32, #tpu.memory_space<vmem>>
        %scatter3A_1471 = tpu.memref_squeeze %scatter3A_1470 : memref<1x64x258xf32, #tpu.memory_space<vmem>> -> memref<64x258xf32, #tpu.memory_space<vmem>>
        tpu.vector_store_idx %scatter3A_1471[%and3A_1387, %add3A_390], %gather3A_1394 : memref<64x258xf32, #tpu.memory_space<vmem>>[vector<16xi32>, vector<16xi32>], vector<16xf32>,
        %add3A_1472 = arith.constant 61 : i32
        %add3A_1473 = vector.broadcast %add3A_1472 : i32 to vector<16xi32>
        %add3A_1474 = arith.addi %iota3A, %add3A_1473 : vector<16xi32>
        %and3A_1475 = arith.constant 63 : i32
        %and3A_1476 = vector.broadcast %and3A_1475 : i32 to vector<16xi32>
        %and3A_1477 = arith.andi %add3A_1474, %and3A_1476 : vector<16xi32>
        %add3A_1478 = arith.addi %get3A_395, %and3A_1477 : vector<16xi32>
        %gather3A_1479 = arith.constant 0 : i32
        %gather3A_1480 = arith.constant 0 : i32
        %gather3A_1481 = arith.constant 0 : i32
        %gather3A_1482 = tpu.memref_slice %arg9[%gather3A_1479, %gather3A_1480, %gather3A_1481] : memref<2x256x128xf32, #tpu.memory_space<vmem>> -> memref<1x256x128xf32, #tpu.memory_space<vmem>>
        %gather3A_1483 = tpu.memref_squeeze %gather3A_1482 : memref<1x256x128xf32, #tpu.memory_space<vmem>> -> memref<256x128xf32, #tpu.memory_space<vmem>>
        %gather3A_1484 = tpu.vector_load_idx %gather3A_1483[%add3A_390, %add3A_1478] : memref<256x128xf32, #tpu.memory_space<vmem>>[vector<16xi32>, vector<16xi32>], vector<16xf32>,
        %scatter3A_1485 = arith.constant 0 : i32
        %scatter3A_1486 = arith.constant 0 : i32
        %scatter3A_1487 = arith.constant 0 : i32
        %scatter3A_1488 = tpu.memref_slice %arg10[%scatter3A_1485, %scatter3A_1486, %scatter3A_1487] : memref<2x64x258xf32, #tpu.memory_space<vmem>> -> memref<1x64x258xf32, #tpu.memory_space<vmem>>
        %scatter3A_1489 = tpu.memref_squeeze %scatter3A_1488 : memref<1x64x258xf32, #tpu.memory_space<vmem>> -> memref<64x258xf32, #tpu.memory_space<vmem>>
        tpu.vector_store_idx %scatter3A_1489[%and3A_1405, %add3A_390], %gather3A_1412 : memref<64x258xf32, #tpu.memory_space<vmem>>[vector<16xi32>, vector<16xi32>], vector<16xf32>,
        %add3A_1490 = arith.constant 62 : i32
        %add3A_1491 = vector.broadcast %add3A_1490 : i32 to vector<16xi32>
        %add3A_1492 = arith.addi %iota3A, %add3A_1491 : vector<16xi32>
        %and3A_1493 = arith.constant 63 : i32
        %and3A_1494 = vector.broadcast %and3A_1493 : i32 to vector<16xi32>
        %and3A_1495 = arith.andi %add3A_1492, %and3A_1494 : vector<16xi32>
        %add3A_1496 = arith.addi %get3A_395, %and3A_1495 : vector<16xi32>
        %gather3A_1497 = arith.constant 0 : i32
        %gather3A_1498 = arith.constant 0 : i32
        %gather3A_1499 = arith.constant 0 : i32
        %gather3A_1500 = tpu.memref_slice %arg9[%gather3A_1497, %gather3A_1498, %gather3A_1499] : memref<2x256x128xf32, #tpu.memory_space<vmem>> -> memref<1x256x128xf32, #tpu.memory_space<vmem>>
        %gather3A_1501 = tpu.memref_squeeze %gather3A_1500 : memref<1x256x128xf32, #tpu.memory_space<vmem>> -> memref<256x128xf32, #tpu.memory_space<vmem>>
        %gather3A_1502 = tpu.vector_load_idx %gather3A_1501[%add3A_390, %add3A_1496] : memref<256x128xf32, #tpu.memory_space<vmem>>[vector<16xi32>, vector<16xi32>], vector<16xf32>,
        %scatter3A_1503 = arith.constant 0 : i32
        %scatter3A_1504 = arith.constant 0 : i32
        %scatter3A_1505 = arith.constant 0 : i32
        %scatter3A_1506 = tpu.memref_slice %arg10[%scatter3A_1503, %scatter3A_1504, %scatter3A_1505] : memref<2x64x258xf32, #tpu.memory_space<vmem>> -> memref<1x64x258xf32, #tpu.memory_space<vmem>>
        %scatter3A_1507 = tpu.memref_squeeze %scatter3A_1506 : memref<1x64x258xf32, #tpu.memory_space<vmem>> -> memref<64x258xf32, #tpu.memory_space<vmem>>
        tpu.vector_store_idx %scatter3A_1507[%and3A_1423, %add3A_390], %gather3A_1430 : memref<64x258xf32, #tpu.memory_space<vmem>>[vector<16xi32>, vector<16xi32>], vector<16xf32>,
        %add3A_1508 = arith.constant 63 : i32
        %add3A_1509 = vector.broadcast %add3A_1508 : i32 to vector<16xi32>
        %add3A_1510 = arith.addi %iota3A, %add3A_1509 : vector<16xi32>
        %and3A_1511 = arith.constant 63 : i32
        %and3A_1512 = vector.broadcast %and3A_1511 : i32 to vector<16xi32>
        %and3A_1513 = arith.andi %add3A_1510, %and3A_1512 : vector<16xi32>
        %add3A_1514 = arith.addi %get3A_395, %and3A_1513 : vector<16xi32>
        %gather3A_1515 = arith.constant 0 : i32
        %gather3A_1516 = arith.constant 0 : i32
        %gather3A_1517 = arith.constant 0 : i32
        %gather3A_1518 = tpu.memref_slice %arg9[%gather3A_1515, %gather3A_1516, %gather3A_1517] : memref<2x256x128xf32, #tpu.memory_space<vmem>> -> memref<1x256x128xf32, #tpu.memory_space<vmem>>
        %gather3A_1519 = tpu.memref_squeeze %gather3A_1518 : memref<1x256x128xf32, #tpu.memory_space<vmem>> -> memref<256x128xf32, #tpu.memory_space<vmem>>
        %gather3A_1520 = tpu.vector_load_idx %gather3A_1519[%add3A_390, %add3A_1514] : memref<256x128xf32, #tpu.memory_space<vmem>>[vector<16xi32>, vector<16xi32>], vector<16xf32>,
        %scatter3A_1521 = arith.constant 0 : i32
        %scatter3A_1522 = arith.constant 0 : i32
        %scatter3A_1523 = arith.constant 0 : i32
        %scatter3A_1524 = tpu.memref_slice %arg10[%scatter3A_1521, %scatter3A_1522, %scatter3A_1523] : memref<2x64x258xf32, #tpu.memory_space<vmem>> -> memref<1x64x258xf32, #tpu.memory_space<vmem>>
        %scatter3A_1525 = tpu.memref_squeeze %scatter3A_1524 : memref<1x64x258xf32, #tpu.memory_space<vmem>> -> memref<64x258xf32, #tpu.memory_space<vmem>>
        tpu.vector_store_idx %scatter3A_1525[%and3A_1441, %add3A_390], %gather3A_1448 : memref<64x258xf32, #tpu.memory_space<vmem>>[vector<16xi32>, vector<16xi32>], vector<16xf32>,
        %scatter3A_1526 = arith.constant 0 : i32
        %scatter3A_1527 = arith.constant 0 : i32
        %scatter3A_1528 = arith.constant 0 : i32
        %scatter3A_1529 = tpu.memref_slice %arg10[%scatter3A_1526, %scatter3A_1527, %scatter3A_1528] : memref<2x64x258xf32, #tpu.memory_space<vmem>> -> memref<1x64x258xf32, #tpu.memory_space<vmem>>
        %scatter3A_1530 = tpu.memref_squeeze %scatter3A_1529 : memref<1x64x258xf32, #tpu.memory_space<vmem>> -> memref<64x258xf32, #tpu.memory_space<vmem>>
        tpu.vector_store_idx %scatter3A_1530[%and3A_1459, %add3A_390], %gather3A_1466 : memref<64x258xf32, #tpu.memory_space<vmem>>[vector<16xi32>, vector<16xi32>], vector<16xf32>,
        %scatter3A_1531 = arith.constant 0 : i32
        %scatter3A_1532 = arith.constant 0 : i32
        %scatter3A_1533 = arith.constant 0 : i32
        %scatter3A_1534 = tpu.memref_slice %arg10[%scatter3A_1531, %scatter3A_1532, %scatter3A_1533] : memref<2x64x258xf32, #tpu.memory_space<vmem>> -> memref<1x64x258xf32, #tpu.memory_space<vmem>>
        %scatter3A_1535 = tpu.memref_squeeze %scatter3A_1534 : memref<1x64x258xf32, #tpu.memory_space<vmem>> -> memref<64x258xf32, #tpu.memory_space<vmem>>
        tpu.vector_store_idx %scatter3A_1535[%and3A_1477, %add3A_390], %gather3A_1484 : memref<64x258xf32, #tpu.memory_space<vmem>>[vector<16xi32>, vector<16xi32>], vector<16xf32>,
        %scatter3A_1536 = arith.constant 0 : i32
        %scatter3A_1537 = arith.constant 0 : i32
        %scatter3A_1538 = arith.constant 0 : i32
        %scatter3A_1539 = tpu.memref_slice %arg10[%scatter3A_1536, %scatter3A_1537, %scatter3A_1538] : memref<2x64x258xf32, #tpu.memory_space<vmem>> -> memref<1x64x258xf32, #tpu.memory_space<vmem>>
        %scatter3A_1540 = tpu.memref_squeeze %scatter3A_1539 : memref<1x64x258xf32, #tpu.memory_space<vmem>> -> memref<64x258xf32, #tpu.memory_space<vmem>>
        tpu.vector_store_idx %scatter3A_1540[%and3A_1495, %add3A_390], %gather3A_1502 : memref<64x258xf32, #tpu.memory_space<vmem>>[vector<16xi32>, vector<16xi32>], vector<16xf32>,
        %scatter3A_1541 = arith.constant 0 : i32
        %scatter3A_1542 = arith.constant 0 : i32
        %scatter3A_1543 = arith.constant 0 : i32
        %scatter3A_1544 = tpu.memref_slice %arg10[%scatter3A_1541, %scatter3A_1542, %scatter3A_1543] : memref<2x64x258xf32, #tpu.memory_space<vmem>> -> memref<1x64x258xf32, #tpu.memory_space<vmem>>
        %scatter3A_1545 = tpu.memref_squeeze %scatter3A_1544 : memref<1x64x258xf32, #tpu.memory_space<vmem>> -> memref<64x258xf32, #tpu.memory_space<vmem>>
        tpu.vector_store_idx %scatter3A_1545[%and3A_1513, %add3A_390], %gather3A_1520 : memref<64x258xf32, #tpu.memory_space<vmem>>[vector<16xi32>, vector<16xi32>], vector<16xf32>,
      }
      %scan3A_170 = arith.constant 16 : i32
      %jit3A_171 = arith.constant 2 : i32
      %div3A_172 = arith.divsi %add3A_103, %jit3A_171 : i32
      %sign3A_173 = arith.constant 0 : i32
      %sign3A_174 = arith.cmpi sgt, %add3A_103, %sign3A_173 : i32
      %sign3A_175 = arith.extui %sign3A_174 : i1 to i32
      %sign3A_176 = arith.constant 0 : i32
      %sign3A_177 = arith.cmpi slt, %add3A_103, %sign3A_176 : i32
      %sign3A_178 = arith.extui %sign3A_177 : i1 to i32
      %sign3A_179 = arith.subi %sign3A_175, %sign3A_178 : i32
      %sign3A_180 = arith.constant 0 : i32
      %sign3A_181 = arith.cmpi sgt, %jit3A_171, %sign3A_180 : i32
      %sign3A_182 = arith.extui %sign3A_181 : i1 to i32
      %sign3A_183 = arith.constant 0 : i32
      %sign3A_184 = arith.cmpi slt, %jit3A_171, %sign3A_183 : i32
      %sign3A_185 = arith.extui %sign3A_184 : i1 to i32
      %sign3A_186 = arith.subi %sign3A_182, %sign3A_185 : i32
      %ne3A_187 = arith.cmpi ne, %sign3A_179, %sign3A_186 : i32
      %rem3A_188 = arith.remsi %add3A_103, %jit3A_171 : i32
      %ne3A_189 = arith.constant 0 : i32
      %ne3A_190 = arith.cmpi ne, %rem3A_188, %ne3A_189 : i32
      %and3A_191 = arith.andi %ne3A_187, %ne3A_190 : i1
      %sub3A_192 = arith.constant 1 : i32
      %sub3A_193 = arith.subi %div3A_172, %sub3A_192 : i32
      %select_n3A_194 = arith.select %and3A_191, %sub3A_193, %div3A_172 : i32
      %jit3A_195 = arith.constant 2 : i32
      %eq3A_196 = arith.constant 0 : i32
      %eq3A_197 = arith.cmpi eq, %jit3A_195, %eq3A_196 : i32
      %jit3A_198 = arith.constant 1 : i32
      %select_n3A_199 = arith.select %eq3A_197, %jit3A_198, %jit3A_195 : i32
      %rem3A_200 = arith.remsi %add3A_103, %select_n3A_199 : i32
      %ne3A_201 = arith.constant 0 : i32
      %ne3A_202 = arith.cmpi ne, %rem3A_200, %ne3A_201 : i32
      %lt3A_203 = arith.constant 0 : i32
      %lt3A_204 = arith.cmpi slt, %rem3A_200, %lt3A_203 : i32
      %lt3A_205 = arith.constant 0 : i32
      %lt3A_206 = arith.cmpi slt, %select_n3A_199, %lt3A_205 : i32
      %ne3A_207 = arith.xori %lt3A_204, %lt3A_206 : i1
      %and3A_208 = arith.andi %ne3A_207, %ne3A_202 : i1
      %add3A_209 = arith.addi %rem3A_200, %select_n3A_199 : i32
      %select_n3A_210 = arith.select %and3A_208, %add3A_209, %rem3A_200 : i32
      %mul3A_211 = arith.constant 256 : i32
      %mul3A_212 = arith.muli %select_n3A_210, %mul3A_211 : i32
      %add3A_213 = arith.addi %mul3A_2, %mul3A_212 : i32
      %dma_start3A_214 = arith.constant 0 : i32
      %dma_start3A_215 = arith.constant 0 : i32
      %dma_start3A_216 = arith.constant 0 : i32
      %dma_start3A_217 = tpu.memref_slice %arg10[%dma_start3A_214, %dma_start3A_215, %dma_start3A_216] : memref<2x64x258xf32, #tpu.memory_space<vmem>> -> memref<1x64x256xf32, #tpu.memory_space<vmem>>
      %dma_start3A_218 = tpu.memref_squeeze %dma_start3A_217 : memref<1x64x256xf32, #tpu.memory_space<vmem>> -> memref<64x256xf32, #tpu.memory_space<vmem>>
      %dma_start3A_219 = arith.constant 0 : i32
      %dma_start3A_220 = tpu.memref_slice %arg5[%select_n3A_194, %dma_start3A_219, %add3A_213] : memref<50x64x16384xf32, #tpu.memory_space<hbm>> -> memref<1x64x256xf32, #tpu.memory_space<hbm>>
      %dma_start3A_221 = tpu.memref_squeeze %dma_start3A_220 : memref<1x64x256xf32, #tpu.memory_space<hbm>> -> memref<64x256xf32, #tpu.memory_space<hbm>>
      %dma_start3A_222 = arith.constant 0 : i32
      %dma_start3A_223 = tpu.memref_slice %arg5[%select_n3A_194, %dma_start3A_222, %add3A_213] : memref<50x64x16384xf32, #tpu.memory_space<hbm>> -> memref<1x64x256xf32, #tpu.memory_space<hbm>>
      %dma_start3A_224 = tpu.memref_squeeze %dma_start3A_223 : memref<1x64x256xf32, #tpu.memory_space<hbm>> -> memref<64x256xf32, #tpu.memory_space<hbm>>
      %dma_start3A_225 = arith.constant 0 : i32
      %dma_start3A_226 = arith.constant 0 : i32
      %dma_start3A_227 = tpu.memref_slice %arg10[%dma_start3A_214, %dma_start3A_225, %dma_start3A_226] : memref<2x64x258xf32, #tpu.memory_space<vmem>> -> memref<1x64x256xf32, #tpu.memory_space<vmem>>
      %dma_start3A_228 = tpu.memref_squeeze %dma_start3A_227 : memref<1x64x256xf32, #tpu.memory_space<vmem>> -> memref<64x256xf32, #tpu.memory_space<vmem>>
      tpu.enqueue_dma source(%dma_start3A_228 : memref<64x256xf32, #tpu.memory_space<vmem>>) target(%dma_start3A_224 : memref<64x256xf32, #tpu.memory_space<hbm>>) target_semaphore(%arg17 : memref<!tpu.dma_semaphore, #tpu.memory_space<semaphore_mem>>)
      %add3A_229 = arith.constant 2 : i32
      %add3A_230 = arith.addi %add3A_103, %add3A_229 : i32
      %lt3A_231 = arith.constant 100 : i32
      %lt3A_232 = arith.cmpi slt, %add3A_230, %lt3A_231 : i32
      %convert_element_type3A_233 = arith.extui %lt3A_232 : i1 to i32
      %cond3A_234 = arith.constant 0 : i32
      %cond3A_235 = arith.cmpi ne, %convert_element_type3A_233, %cond3A_234 : i32
      scf.if %cond3A_235 {
        %add3A_386 = arith.constant 2 : i32
        %add3A_387 = arith.addi %add3A_103, %add3A_386 : i32
        %jit3A_388 = arith.constant 2 : i32
        %div3A_389 = arith.divsi %add3A_387, %jit3A_388 : i32
        %sign3A_390 = arith.constant 0 : i32
        %sign3A_391 = arith.cmpi sgt, %add3A_387, %sign3A_390 : i32
        %sign3A_392 = arith.extui %sign3A_391 : i1 to i32
        %sign3A_393 = arith.constant 0 : i32
        %sign3A_394 = arith.cmpi slt, %add3A_387, %sign3A_393 : i32
        %sign3A_395 = arith.extui %sign3A_394 : i1 to i32
        %sign3A_396 = arith.subi %sign3A_392, %sign3A_395 : i32
        %sign3A_397 = arith.constant 0 : i32
        %sign3A_398 = arith.cmpi sgt, %jit3A_388, %sign3A_397 : i32
        %sign3A_399 = arith.extui %sign3A_398 : i1 to i32
        %sign3A_400 = arith.constant 0 : i32
        %sign3A_401 = arith.cmpi slt, %jit3A_388, %sign3A_400 : i32
        %sign3A_402 = arith.extui %sign3A_401 : i1 to i32
        %sign3A_403 = arith.subi %sign3A_399, %sign3A_402 : i32
        %ne3A_404 = arith.cmpi ne, %sign3A_396, %sign3A_403 : i32
        %rem3A_405 = arith.remsi %add3A_387, %jit3A_388 : i32
        %ne3A_406 = arith.constant 0 : i32
        %ne3A_407 = arith.cmpi ne, %rem3A_405, %ne3A_406 : i32
        %and3A_408 = arith.andi %ne3A_404, %ne3A_407 : i1
        %sub3A_409 = arith.constant 1 : i32
        %sub3A_410 = arith.subi %div3A_389, %sub3A_409 : i32
        %select_n3A_411 = arith.select %and3A_408, %sub3A_410, %div3A_389 : i32
        %jit3A_412 = arith.constant 2 : i32
        %eq3A_413 = arith.constant 0 : i32
        %eq3A_414 = arith.cmpi eq, %jit3A_412, %eq3A_413 : i32
        %jit3A_415 = arith.constant 1 : i32
        %select_n3A_416 = arith.select %eq3A_414, %jit3A_415, %jit3A_412 : i32
        %rem3A_417 = arith.remsi %add3A_387, %select_n3A_416 : i32
        %ne3A_418 = arith.constant 0 : i32
        %ne3A_419 = arith.cmpi ne, %rem3A_417, %ne3A_418 : i32
        %lt3A_420 = arith.constant 0 : i32
        %lt3A_421 = arith.cmpi slt, %rem3A_417, %lt3A_420 : i32
        %lt3A_422 = arith.constant 0 : i32
        %lt3A_423 = arith.cmpi slt, %select_n3A_416, %lt3A_422 : i32
        %ne3A_424 = arith.xori %lt3A_421, %lt3A_423 : i1
        %and3A_425 = arith.andi %ne3A_424, %ne3A_419 : i1
        %add3A_426 = arith.addi %rem3A_417, %select_n3A_416 : i32
        %select_n3A_427 = arith.select %and3A_425, %add3A_426, %rem3A_417 : i32
        %mul3A_428 = arith.constant 256 : i32
        %mul3A_429 = arith.muli %select_n3A_427, %mul3A_428 : i32
        %add3A_430 = arith.addi %mul3A_2, %mul3A_429 : i32
        %dma_start3A_431 = tpu.memref_slice %arg2[%select_n3A_411, %add3A_430] : memref<50x16384xi32, #tpu.memory_space<hbm>> -> memref<1x256xi32, #tpu.memory_space<hbm>>
        %dma_start3A_432 = tpu.memref_squeeze %dma_start3A_431 : memref<1x256xi32, #tpu.memory_space<hbm>> -> memref<256xi32, #tpu.memory_space<hbm>>
        %dma_start3A_433 = tpu.memref_slice %arg2[%select_n3A_411, %add3A_430] : memref<50x16384xi32, #tpu.memory_space<hbm>> -> memref<1x256xi32, #tpu.memory_space<hbm>>
        %dma_start3A_434 = tpu.memref_squeeze %dma_start3A_433 : memref<1x256xi32, #tpu.memory_space<hbm>> -> memref<256xi32, #tpu.memory_space<hbm>>
        tpu.enqueue_dma source(%dma_start3A_434 : memref<256xi32, #tpu.memory_space<hbm>>) target(%arg6 : memref<256xi32, #tpu.memory_space<vmem>>) target_semaphore(%arg11 : memref<!tpu.dma_semaphore, #tpu.memory_space<semaphore_mem>>)
        %add3A_435 = arith.constant 2 : i32
        %add3A_436 = arith.addi %add3A_103, %add3A_435 : i32
        %jit3A_437 = arith.constant 2 : i32
        %div3A_438 = arith.divsi %add3A_436, %jit3A_437 : i32
        %sign3A_439 = arith.constant 0 : i32
        %sign3A_440 = arith.cmpi sgt, %add3A_436, %sign3A_439 : i32
        %sign3A_441 = arith.extui %sign3A_440 : i1 to i32
        %sign3A_442 = arith.constant 0 : i32
        %sign3A_443 = arith.cmpi slt, %add3A_436, %sign3A_442 : i32
        %sign3A_444 = arith.extui %sign3A_443 : i1 to i32
        %sign3A_445 = arith.subi %sign3A_441, %sign3A_444 : i32
        %sign3A_446 = arith.constant 0 : i32
        %sign3A_447 = arith.cmpi sgt, %jit3A_437, %sign3A_446 : i32
        %sign3A_448 = arith.extui %sign3A_447 : i1 to i32
        %sign3A_449 = arith.constant 0 : i32
        %sign3A_450 = arith.cmpi slt, %jit3A_437, %sign3A_449 : i32
        %sign3A_451 = arith.extui %sign3A_450 : i1 to i32
        %sign3A_452 = arith.subi %sign3A_448, %sign3A_451 : i32
        %ne3A_453 = arith.cmpi ne, %sign3A_445, %sign3A_452 : i32
        %rem3A_454 = arith.remsi %add3A_436, %jit3A_437 : i32
        %ne3A_455 = arith.constant 0 : i32
        %ne3A_456 = arith.cmpi ne, %rem3A_454, %ne3A_455 : i32
        %and3A_457 = arith.andi %ne3A_453, %ne3A_456 : i1
        %sub3A_458 = arith.constant 1 : i32
        %sub3A_459 = arith.subi %div3A_438, %sub3A_458 : i32
        %select_n3A_460 = arith.select %and3A_457, %sub3A_459, %div3A_438 : i32
        %jit3A_461 = arith.constant 2 : i32
        %eq3A_462 = arith.constant 0 : i32
        %eq3A_463 = arith.cmpi eq, %jit3A_461, %eq3A_462 : i32
        %jit3A_464 = arith.constant 1 : i32
        %select_n3A_465 = arith.select %eq3A_463, %jit3A_464, %jit3A_461 : i32
        %rem3A_466 = arith.remsi %add3A_436, %select_n3A_465 : i32
        %ne3A_467 = arith.constant 0 : i32
        %ne3A_468 = arith.cmpi ne, %rem3A_466, %ne3A_467 : i32
        %lt3A_469 = arith.constant 0 : i32
        %lt3A_470 = arith.cmpi slt, %rem3A_466, %lt3A_469 : i32
        %lt3A_471 = arith.constant 0 : i32
        %lt3A_472 = arith.cmpi slt, %select_n3A_465, %lt3A_471 : i32
        %ne3A_473 = arith.xori %lt3A_470, %lt3A_472 : i1
        %and3A_474 = arith.andi %ne3A_473, %ne3A_468 : i1
        %add3A_475 = arith.addi %rem3A_466, %select_n3A_465 : i32
        %select_n3A_476 = arith.select %and3A_474, %add3A_475, %rem3A_466 : i32
        %mul3A_477 = arith.constant 256 : i32
        %mul3A_478 = arith.muli %select_n3A_476, %mul3A_477 : i32
        %add3A_479 = arith.addi %mul3A_2, %mul3A_478 : i32
        %dma_start3A_480 = arith.constant 0 : i32
        %dma_start3A_481 = arith.constant 0 : i32
        %dma_start3A_482 = tpu.memref_slice %arg8[%dma_start3A_480, %dma_start3A_481] : memref<2x256xi32, #tpu.memory_space<vmem>> -> memref<1x256xi32, #tpu.memory_space<vmem>>
        %dma_start3A_483 = tpu.memref_squeeze %dma_start3A_482 : memref<1x256xi32, #tpu.memory_space<vmem>> -> memref<256xi32, #tpu.memory_space<vmem>>
        %dma_start3A_484 = tpu.memref_slice %arg3[%select_n3A_460, %add3A_479] : memref<50x16384xi32, #tpu.memory_space<hbm>> -> memref<1x256xi32, #tpu.memory_space<hbm>>
        %dma_start3A_485 = tpu.memref_squeeze %dma_start3A_484 : memref<1x256xi32, #tpu.memory_space<hbm>> -> memref<256xi32, #tpu.memory_space<hbm>>
        %dma_start3A_486 = arith.constant 0 : i32
        %dma_start3A_487 = tpu.memref_slice %arg8[%dma_start3A_480, %dma_start3A_486] : memref<2x256xi32, #tpu.memory_space<vmem>> -> memref<1x256xi32, #tpu.memory_space<vmem>>
        %dma_start3A_488 = tpu.memref_squeeze %dma_start3A_487 : memref<1x256xi32, #tpu.memory_space<vmem>> -> memref<256xi32, #tpu.memory_space<vmem>>
        %dma_start3A_489 = tpu.memref_slice %arg3[%select_n3A_460, %add3A_479] : memref<50x16384xi32, #tpu.memory_space<hbm>> -> memref<1x256xi32, #tpu.memory_space<hbm>>
        %dma_start3A_490 = tpu.memref_squeeze %dma_start3A_489 : memref<1x256xi32, #tpu.memory_space<hbm>> -> memref<256xi32, #tpu.memory_space<hbm>>
        tpu.enqueue_dma source(%dma_start3A_490 : memref<256xi32, #tpu.memory_space<hbm>>) target(%dma_start3A_488 : memref<256xi32, #tpu.memory_space<vmem>>) target_semaphore(%arg13 : memref<!tpu.dma_semaphore, #tpu.memory_space<semaphore_mem>>)
      } else {
      }
      %mul3A_236 = arith.constant 2 : i32
      %mul3A_237 = arith.muli %scan3A_99, %mul3A_236 : i32
      %add3A_238 = arith.constant 1 : i32
      %add3A_239 = arith.addi %mul3A_237, %add3A_238 : i32
      %add3A_240 = arith.constant 1 : i32
      %add3A_241 = arith.addi %add3A_239, %add3A_240 : i32
      %lt3A_242 = arith.constant 100 : i32
      %lt3A_243 = arith.cmpi slt, %add3A_241, %lt3A_242 : i32
      %convert_element_type3A_244 = arith.extui %lt3A_243 : i1 to i32
      %cond3A_245 = arith.constant 0 : i32
      %cond3A_246 = arith.cmpi ne, %convert_element_type3A_244, %cond3A_245 : i32
      scf.if %cond3A_246 {
        %add3A_386 = arith.constant 1 : i32
        %add3A_387 = arith.addi %add3A_239, %add3A_386 : i32
        %jit3A_388 = arith.constant 2 : i32
        %div3A_389 = arith.divsi %add3A_387, %jit3A_388 : i32
        %sign3A_390 = arith.constant 0 : i32
        %sign3A_391 = arith.cmpi sgt, %add3A_387, %sign3A_390 : i32
        %sign3A_392 = arith.extui %sign3A_391 : i1 to i32
        %sign3A_393 = arith.constant 0 : i32
        %sign3A_394 = arith.cmpi slt, %add3A_387, %sign3A_393 : i32
        %sign3A_395 = arith.extui %sign3A_394 : i1 to i32
        %sign3A_396 = arith.subi %sign3A_392, %sign3A_395 : i32
        %sign3A_397 = arith.constant 0 : i32
        %sign3A_398 = arith.cmpi sgt, %jit3A_388, %sign3A_397 : i32
        %sign3A_399 = arith.extui %sign3A_398 : i1 to i32
        %sign3A_400 = arith.constant 0 : i32
        %sign3A_401 = arith.cmpi slt, %jit3A_388, %sign3A_400 : i32
        %sign3A_402 = arith.extui %sign3A_401 : i1 to i32
        %sign3A_403 = arith.subi %sign3A_399, %sign3A_402 : i32
        %ne3A_404 = arith.cmpi ne, %sign3A_396, %sign3A_403 : i32
        %rem3A_405 = arith.remsi %add3A_387, %jit3A_388 : i32
        %ne3A_406 = arith.constant 0 : i32
        %ne3A_407 = arith.cmpi ne, %rem3A_405, %ne3A_406 : i32
        %and3A_408 = arith.andi %ne3A_404, %ne3A_407 : i1
        %sub3A_409 = arith.constant 1 : i32
        %sub3A_410 = arith.subi %div3A_389, %sub3A_409 : i32
        %select_n3A_411 = arith.select %and3A_408, %sub3A_410, %div3A_389 : i32
        %jit3A_412 = arith.constant 2 : i32
        %eq3A_413 = arith.constant 0 : i32
        %eq3A_414 = arith.cmpi eq, %jit3A_412, %eq3A_413 : i32
        %jit3A_415 = arith.constant 1 : i32
        %select_n3A_416 = arith.select %eq3A_414, %jit3A_415, %jit3A_412 : i32
        %rem3A_417 = arith.remsi %add3A_387, %select_n3A_416 : i32
        %ne3A_418 = arith.constant 0 : i32
        %ne3A_419 = arith.cmpi ne, %rem3A_417, %ne3A_418 : i32
        %lt3A_420 = arith.constant 0 : i32
        %lt3A_421 = arith.cmpi slt, %rem3A_417, %lt3A_420 : i32
        %lt3A_422 = arith.constant 0 : i32
        %lt3A_423 = arith.cmpi slt, %select_n3A_416, %lt3A_422 : i32
        %ne3A_424 = arith.xori %lt3A_421, %lt3A_423 : i1
        %and3A_425 = arith.andi %ne3A_424, %ne3A_419 : i1
        %add3A_426 = arith.addi %rem3A_417, %select_n3A_416 : i32
        %select_n3A_427 = arith.select %and3A_425, %add3A_426, %rem3A_417 : i32
        %mul3A_428 = arith.constant 256 : i32
        %mul3A_429 = arith.muli %select_n3A_427, %mul3A_428 : i32
        %add3A_430 = arith.addi %mul3A_2, %mul3A_429 : i32
        %dma_wait3A_431 = tpu.memref_slice %arg2[%select_n3A_411, %add3A_430] : memref<50x16384xi32, #tpu.memory_space<hbm>> -> memref<1x256xi32, #tpu.memory_space<hbm>>
        %dma_wait3A_432 = tpu.memref_squeeze %dma_wait3A_431 : memref<1x256xi32, #tpu.memory_space<hbm>> -> memref<256xi32, #tpu.memory_space<hbm>>
        %dma_wait3A_433 = tpu.memref_slice %arg2[%select_n3A_411, %add3A_430] : memref<50x16384xi32, #tpu.memory_space<hbm>> -> memref<1x256xi32, #tpu.memory_space<hbm>>
        %dma_wait3A_434 = tpu.memref_squeeze %dma_wait3A_433 : memref<1x256xi32, #tpu.memory_space<hbm>> -> memref<256xi32, #tpu.memory_space<hbm>>
        tpu.wait_dma2 semaphore(%arg11 : memref<!tpu.dma_semaphore, #tpu.memory_space<semaphore_mem>>) src(%dma_wait3A_434 : memref<256xi32, #tpu.memory_space<hbm>>) dst(%arg6 : memref<256xi32, #tpu.memory_space<vmem>>)
        %add3A_435 = arith.constant 1 : i32
        %add3A_436 = arith.addi %add3A_239, %add3A_435 : i32
        %dma_start3A_437 = arith.constant 0 : i32
        %dma_start3A_438 = arith.constant 0 : i32
        %dma_start3A_439 = arith.constant 0 : i32
        %dma_start3A_440 = tpu.memref_slice %arg9[%dma_start3A_437, %dma_start3A_438, %dma_start3A_439] : memref<2x256x128xf32, #tpu.memory_space<vmem>> -> memref<1x256x128xf32, #tpu.memory_space<vmem>>
        %dma_start3A_441 = tpu.memref_squeeze %dma_start3A_440 : memref<1x256x128xf32, #tpu.memory_space<vmem>> -> memref<256x128xf32, #tpu.memory_space<vmem>>
        %dma_start3A_442 = arith.constant 0 : i32
        %dma_start3A_443 = arith.constant 0 : i32
        %dma_start3A_444 = tpu.memref_slice %arg4[%dma_start3A_442, %dma_start3A_443] : memref<507904x128xf32, #tpu.memory_space<hbm>> -> memref<507904x128xf32, #tpu.memory_space<hbm>>
        tpu.enqueue_indirect_dma source(%dma_start3A_444 : memref<507904x128xf32, #tpu.memory_space<hbm>>) target(%dma_start3A_441 : memref<256x128xf32, #tpu.memory_space<vmem>>) offsets(%arg6 : memref<256xi32, #tpu.memory_space<vmem>>) semaphore(%arg15 : memref<!tpu.dma_semaphore, #tpu.memory_space<semaphore_mem>>)
      } else {
      }
      %dma_wait3A_247 = arith.constant 1 : i32
      %dma_wait3A_248 = arith.constant 0 : i32
      %dma_wait3A_249 = arith.constant 0 : i32
      %dma_wait3A_250 = tpu.memref_slice %arg9[%dma_wait3A_247, %dma_wait3A_248, %dma_wait3A_249] : memref<2x256x128xf32, #tpu.memory_space<vmem>> -> memref<1x256x128xf32, #tpu.memory_space<vmem>>
      %dma_wait3A_251 = tpu.memref_squeeze %dma_wait3A_250 : memref<1x256x128xf32, #tpu.memory_space<vmem>> -> memref<256x128xf32, #tpu.memory_space<vmem>>
      %dma_wait3A_252 = arith.constant 0 : i32
      %dma_wait3A_253 = arith.constant 0 : i32
      %dma_wait3A_254 = tpu.memref_slice %arg4[%dma_wait3A_252, %dma_wait3A_253] : memref<507904x128xf32, #tpu.memory_space<hbm>> -> memref<507904x128xf32, #tpu.memory_space<hbm>>
      tpu.wait_indirect_dma semaphore(%arg16 : memref<!tpu.dma_semaphore, #tpu.memory_space<semaphore_mem>>) src(%dma_wait3A_254 : memref<507904x128xf32, #tpu.memory_space<hbm>>) dst(%dma_wait3A_251 : memref<256x128xf32, #tpu.memory_space<vmem>>)
      %jit3A_255 = arith.constant 2 : i32
      %div3A_256 = arith.divsi %add3A_239, %jit3A_255 : i32
      %sign3A_257 = arith.constant 0 : i32
      %sign3A_258 = arith.cmpi sgt, %add3A_239, %sign3A_257 : i32
      %sign3A_259 = arith.extui %sign3A_258 : i1 to i32
      %sign3A_260 = arith.constant 0 : i32
      %sign3A_261 = arith.cmpi slt, %add3A_239, %sign3A_260 : i32
      %sign3A_262 = arith.extui %sign3A_261 : i1 to i32
      %sign3A_263 = arith.subi %sign3A_259, %sign3A_262 : i32
      %sign3A_264 = arith.constant 0 : i32
      %sign3A_265 = arith.cmpi sgt, %jit3A_255, %sign3A_264 : i32
      %sign3A_266 = arith.extui %sign3A_265 : i1 to i32
      %sign3A_267 = arith.constant 0 : i32
      %sign3A_268 = arith.cmpi slt, %jit3A_255, %sign3A_267 : i32
      %sign3A_269 = arith.extui %sign3A_268 : i1 to i32
      %sign3A_270 = arith.subi %sign3A_266, %sign3A_269 : i32
      %ne3A_271 = arith.cmpi ne, %sign3A_263, %sign3A_270 : i32
      %rem3A_272 = arith.remsi %add3A_239, %jit3A_255 : i32
      %ne3A_273 = arith.constant 0 : i32
      %ne3A_274 = arith.cmpi ne, %rem3A_272, %ne3A_273 : i32
      %and3A_275 = arith.andi %ne3A_271, %ne3A_274 : i1
      %sub3A_276 = arith.constant 1 : i32
      %sub3A_277 = arith.subi %div3A_256, %sub3A_276 : i32
      %select_n3A_278 = arith.select %and3A_275, %sub3A_277, %div3A_256 : i32
      %jit3A_279 = arith.constant 2 : i32
      %eq3A_280 = arith.constant 0 : i32
      %eq3A_281 = arith.cmpi eq, %jit3A_279, %eq3A_280 : i32
      %jit3A_282 = arith.constant 1 : i32
      %select_n3A_283 = arith.select %eq3A_281, %jit3A_282, %jit3A_279 : i32
      %rem3A_284 = arith.remsi %add3A_239, %select_n3A_283 : i32
      %ne3A_285 = arith.constant 0 : i32
      %ne3A_286 = arith.cmpi ne, %rem3A_284, %ne3A_285 : i32
      %lt3A_287 = arith.constant 0 : i32
      %lt3A_288 = arith.cmpi slt, %rem3A_284, %lt3A_287 : i32
      %lt3A_289 = arith.constant 0 : i32
      %lt3A_290 = arith.cmpi slt, %select_n3A_283, %lt3A_289 : i32
      %ne3A_291 = arith.xori %lt3A_288, %lt3A_290 : i1
      %and3A_292 = arith.andi %ne3A_291, %ne3A_286 : i1
      %add3A_293 = arith.addi %rem3A_284, %select_n3A_283 : i32
      %select_n3A_294 = arith.select %and3A_292, %add3A_293, %rem3A_284 : i32
      %mul3A_295 = arith.constant 256 : i32
      %mul3A_296 = arith.muli %select_n3A_294, %mul3A_295 : i32
      %add3A_297 = arith.addi %mul3A_2, %mul3A_296 : i32
      %dma_wait3A_298 = arith.constant 1 : i32
      %dma_wait3A_299 = arith.constant 0 : i32
      %dma_wait3A_300 = tpu.memref_slice %arg8[%dma_wait3A_298, %dma_wait3A_299] : memref<2x256xi32, #tpu.memory_space<vmem>> -> memref<1x256xi32, #tpu.memory_space<vmem>>
      %dma_wait3A_301 = tpu.memref_squeeze %dma_wait3A_300 : memref<1x256xi32, #tpu.memory_space<vmem>> -> memref<256xi32, #tpu.memory_space<vmem>>
      %dma_wait3A_302 = tpu.memref_slice %arg3[%select_n3A_278, %add3A_297] : memref<50x16384xi32, #tpu.memory_space<hbm>> -> memref<1x256xi32, #tpu.memory_space<hbm>>
      %dma_wait3A_303 = tpu.memref_squeeze %dma_wait3A_302 : memref<1x256xi32, #tpu.memory_space<hbm>> -> memref<256xi32, #tpu.memory_space<hbm>>
      %dma_wait3A_304 = arith.constant 0 : i32
      %dma_wait3A_305 = tpu.memref_slice %arg8[%dma_wait3A_298, %dma_wait3A_304] : memref<2x256xi32, #tpu.memory_space<vmem>> -> memref<1x256xi32, #tpu.memory_space<vmem>>
      %dma_wait3A_306 = tpu.memref_squeeze %dma_wait3A_305 : memref<1x256xi32, #tpu.memory_space<vmem>> -> memref<256xi32, #tpu.memory_space<vmem>>
      %dma_wait3A_307 = tpu.memref_slice %arg3[%select_n3A_278, %add3A_297] : memref<50x16384xi32, #tpu.memory_space<hbm>> -> memref<1x256xi32, #tpu.memory_space<hbm>>
      %dma_wait3A_308 = tpu.memref_squeeze %dma_wait3A_307 : memref<1x256xi32, #tpu.memory_space<hbm>> -> memref<256xi32, #tpu.memory_space<hbm>>
      tpu.wait_dma2 semaphore(%arg14 : memref<!tpu.dma_semaphore, #tpu.memory_space<semaphore_mem>>) src(%dma_wait3A_308 : memref<256xi32, #tpu.memory_space<hbm>>) dst(%dma_wait3A_306 : memref<256xi32, #tpu.memory_space<vmem>>)
      %ge3A_309 = arith.constant 2 : i32
      %ge3A_310 = arith.cmpi sge, %add3A_239, %ge3A_309 : i32
      %convert_element_type3A_311 = arith.extui %ge3A_310 : i1 to i32
      %cond3A_312 = arith.constant 0 : i32
      %cond3A_313 = arith.cmpi ne, %convert_element_type3A_311, %cond3A_312 : i32
      scf.if %cond3A_313 {
        %sub3A_386 = arith.constant 2 : i32
        %sub3A_387 = arith.subi %add3A_239, %sub3A_386 : i32
        %jit3A_388 = arith.constant 2 : i32
        %div3A_389 = arith.divsi %sub3A_387, %jit3A_388 : i32
        %sign3A_390 = arith.constant 0 : i32
        %sign3A_391 = arith.cmpi sgt, %sub3A_387, %sign3A_390 : i32
        %sign3A_392 = arith.extui %sign3A_391 : i1 to i32
        %sign3A_393 = arith.constant 0 : i32
        %sign3A_394 = arith.cmpi slt, %sub3A_387, %sign3A_393 : i32
        %sign3A_395 = arith.extui %sign3A_394 : i1 to i32
        %sign3A_396 = arith.subi %sign3A_392, %sign3A_395 : i32
        %sign3A_397 = arith.constant 0 : i32
        %sign3A_398 = arith.cmpi sgt, %jit3A_388, %sign3A_397 : i32
        %sign3A_399 = arith.extui %sign3A_398 : i1 to i32
        %sign3A_400 = arith.constant 0 : i32
        %sign3A_401 = arith.cmpi slt, %jit3A_388, %sign3A_400 : i32
        %sign3A_402 = arith.extui %sign3A_401 : i1 to i32
        %sign3A_403 = arith.subi %sign3A_399, %sign3A_402 : i32
        %ne3A_404 = arith.cmpi ne, %sign3A_396, %sign3A_403 : i32
        %rem3A_405 = arith.remsi %sub3A_387, %jit3A_388 : i32
        %ne3A_406 = arith.constant 0 : i32
        %ne3A_407 = arith.cmpi ne, %rem3A_405, %ne3A_406 : i32
        %and3A_408 = arith.andi %ne3A_404, %ne3A_407 : i1
        %sub3A_409 = arith.constant 1 : i32
        %sub3A_410 = arith.subi %div3A_389, %sub3A_409 : i32
        %select_n3A_411 = arith.select %and3A_408, %sub3A_410, %div3A_389 : i32
        %jit3A_412 = arith.constant 2 : i32
        %eq3A_413 = arith.constant 0 : i32
        %eq3A_414 = arith.cmpi eq, %jit3A_412, %eq3A_413 : i32
        %jit3A_415 = arith.constant 1 : i32
        %select_n3A_416 = arith.select %eq3A_414, %jit3A_415, %jit3A_412 : i32
        %rem3A_417 = arith.remsi %sub3A_387, %select_n3A_416 : i32
        %ne3A_418 = arith.constant 0 : i32
        %ne3A_419 = arith.cmpi ne, %rem3A_417, %ne3A_418 : i32
        %lt3A_420 = arith.constant 0 : i32
        %lt3A_421 = arith.cmpi slt, %rem3A_417, %lt3A_420 : i32
        %lt3A_422 = arith.constant 0 : i32
        %lt3A_423 = arith.cmpi slt, %select_n3A_416, %lt3A_422 : i32
        %ne3A_424 = arith.xori %lt3A_421, %lt3A_423 : i1
        %and3A_425 = arith.andi %ne3A_424, %ne3A_419 : i1
        %add3A_426 = arith.addi %rem3A_417, %select_n3A_416 : i32
        %select_n3A_427 = arith.select %and3A_425, %add3A_426, %rem3A_417 : i32
        %mul3A_428 = arith.constant 256 : i32
        %mul3A_429 = arith.muli %select_n3A_427, %mul3A_428 : i32
        %add3A_430 = arith.addi %mul3A_2, %mul3A_429 : i32
        %dma_wait3A_431 = arith.constant 1 : i32
        %dma_wait3A_432 = arith.constant 0 : i32
        %dma_wait3A_433 = arith.constant 0 : i32
        %dma_wait3A_434 = tpu.memref_slice %arg10[%dma_wait3A_431, %dma_wait3A_432, %dma_wait3A_433] : memref<2x64x258xf32, #tpu.memory_space<vmem>> -> memref<1x64x256xf32, #tpu.memory_space<vmem>>
        %dma_wait3A_435 = tpu.memref_squeeze %dma_wait3A_434 : memref<1x64x256xf32, #tpu.memory_space<vmem>> -> memref<64x256xf32, #tpu.memory_space<vmem>>
        %dma_wait3A_436 = arith.constant 0 : i32
        %dma_wait3A_437 = tpu.memref_slice %arg5[%select_n3A_411, %dma_wait3A_436, %add3A_430] : memref<50x64x16384xf32, #tpu.memory_space<hbm>> -> memref<1x64x256xf32, #tpu.memory_space<hbm>>
        %dma_wait3A_438 = tpu.memref_squeeze %dma_wait3A_437 : memref<1x64x256xf32, #tpu.memory_space<hbm>> -> memref<64x256xf32, #tpu.memory_space<hbm>>
        %dma_wait3A_439 = arith.constant 0 : i32
        %dma_wait3A_440 = tpu.memref_slice %arg5[%select_n3A_411, %dma_wait3A_439, %add3A_430] : memref<50x64x16384xf32, #tpu.memory_space<hbm>> -> memref<1x64x256xf32, #tpu.memory_space<hbm>>
        %dma_wait3A_441 = tpu.memref_squeeze %dma_wait3A_440 : memref<1x64x256xf32, #tpu.memory_space<hbm>> -> memref<64x256xf32, #tpu.memory_space<hbm>>
        %dma_wait3A_442 = arith.constant 0 : i32
        %dma_wait3A_443 = arith.constant 0 : i32
        %dma_wait3A_444 = tpu.memref_slice %arg10[%dma_wait3A_431, %dma_wait3A_442, %dma_wait3A_443] : memref<2x64x258xf32, #tpu.memory_space<vmem>> -> memref<1x64x256xf32, #tpu.memory_space<vmem>>
        %dma_wait3A_445 = tpu.memref_squeeze %dma_wait3A_444 : memref<1x64x256xf32, #tpu.memory_space<vmem>> -> memref<64x256xf32, #tpu.memory_space<vmem>>
        tpu.wait_dma2 semaphore(%arg18 : memref<!tpu.dma_semaphore, #tpu.memory_space<semaphore_mem>>) src(%dma_wait3A_445 : memref<64x256xf32, #tpu.memory_space<vmem>>) dst(%dma_wait3A_441 : memref<64x256xf32, #tpu.memory_space<hbm>>)
      } else {
      }
      %iota3A_314 = tpu.iota {dimensions = array<i32: 0>} : vector<16xi32>
      %scan3A_315 = arith.constant 0 : i32
      %scan3A_316 = arith.constant 0 : i32
      %scan3A_317 = arith.constant 16 : i32
      %scan3A_318 = arith.addi %scan3A_316, %scan3A_317 : i32
      %scan3A_319 = arith.constant 1 : i32
      scf.for %scan3A_386 = %scan3A_316 to %scan3A_318 step %scan3A_319  : i32 {
        %mul3A_387 = arith.constant 16 : i32
        %mul3A_388 = arith.muli %scan3A_386, %mul3A_387 : i32
        %add3A_389 = vector.broadcast %mul3A_388 : i32 to vector<16xi32>
        %add3A_390 = arith.addi %iota3A_314, %add3A_389 : vector<16xi32>
        %mul3A_391 = arith.constant 16 : i32
        %mul3A_392 = arith.muli %scan3A_386, %mul3A_391 : i32
        %get3A = arith.constant 1 : i32
        %get3A_393 = arith.index_cast %get3A : i32 to index
        %get3A_394 = arith.index_cast %mul3A_392 : i32 to index
        %get3A_395 = tpu.vector_load %arg8[%get3A_393, %get3A_394] {strides = array<i32>} : memref<2x256xi32, #tpu.memory_space<vmem>>, vector<16xi32>,
        %add3A_396 = arith.constant 0 : i32
        %add3A_397 = vector.broadcast %add3A_396 : i32 to vector<16xi32>
        %add3A_398 = arith.addi %iota3A_314, %add3A_397 : vector<16xi32>
        %and3A_399 = arith.constant 63 : i32
        %and3A_400 = vector.broadcast %and3A_399 : i32 to vector<16xi32>
        %and3A_401 = arith.andi %add3A_398, %and3A_400 : vector<16xi32>
        %add3A_402 = arith.addi %get3A_395, %and3A_401 : vector<16xi32>
        %gather3A = arith.constant 1 : i32
        %gather3A_403 = arith.constant 0 : i32
        %gather3A_404 = arith.constant 0 : i32
        %gather3A_405 = tpu.memref_slice %arg9[%gather3A, %gather3A_403, %gather3A_404] : memref<2x256x128xf32, #tpu.memory_space<vmem>> -> memref<1x256x128xf32, #tpu.memory_space<vmem>>
        %gather3A_406 = tpu.memref_squeeze %gather3A_405 : memref<1x256x128xf32, #tpu.memory_space<vmem>> -> memref<256x128xf32, #tpu.memory_space<vmem>>
        %gather3A_407 = tpu.vector_load_idx %gather3A_406[%add3A_390, %add3A_402] : memref<256x128xf32, #tpu.memory_space<vmem>>[vector<16xi32>, vector<16xi32>], vector<16xf32>,
        %add3A_408 = arith.constant 1 : i32
        %add3A_409 = vector.broadcast %add3A_408 : i32 to vector<16xi32>
        %add3A_410 = arith.addi %iota3A_314, %add3A_409 : vector<16xi32>
        %and3A_411 = arith.constant 63 : i32
        %and3A_412 = vector.broadcast %and3A_411 : i32 to vector<16xi32>
        %and3A_413 = arith.andi %add3A_410, %and3A_412 : vector<16xi32>
        %add3A_414 = arith.addi %get3A_395, %and3A_413 : vector<16xi32>
        %gather3A_415 = arith.constant 1 : i32
        %gather3A_416 = arith.constant 0 : i32
        %gather3A_417 = arith.constant 0 : i32
        %gather3A_418 = tpu.memref_slice %arg9[%gather3A_415, %gather3A_416, %gather3A_417] : memref<2x256x128xf32, #tpu.memory_space<vmem>> -> memref<1x256x128xf32, #tpu.memory_space<vmem>>
        %gather3A_419 = tpu.memref_squeeze %gather3A_418 : memref<1x256x128xf32, #tpu.memory_space<vmem>> -> memref<256x128xf32, #tpu.memory_space<vmem>>
        %gather3A_420 = tpu.vector_load_idx %gather3A_419[%add3A_390, %add3A_414] : memref<256x128xf32, #tpu.memory_space<vmem>>[vector<16xi32>, vector<16xi32>], vector<16xf32>,
        %add3A_421 = arith.constant 2 : i32
        %add3A_422 = vector.broadcast %add3A_421 : i32 to vector<16xi32>
        %add3A_423 = arith.addi %iota3A_314, %add3A_422 : vector<16xi32>
        %and3A_424 = arith.constant 63 : i32
        %and3A_425 = vector.broadcast %and3A_424 : i32 to vector<16xi32>
        %and3A_426 = arith.andi %add3A_423, %and3A_425 : vector<16xi32>
        %add3A_427 = arith.addi %get3A_395, %and3A_426 : vector<16xi32>
        %gather3A_428 = arith.constant 1 : i32
        %gather3A_429 = arith.constant 0 : i32
        %gather3A_430 = arith.constant 0 : i32
        %gather3A_431 = tpu.memref_slice %arg9[%gather3A_428, %gather3A_429, %gather3A_430] : memref<2x256x128xf32, #tpu.memory_space<vmem>> -> memref<1x256x128xf32, #tpu.memory_space<vmem>>
        %gather3A_432 = tpu.memref_squeeze %gather3A_431 : memref<1x256x128xf32, #tpu.memory_space<vmem>> -> memref<256x128xf32, #tpu.memory_space<vmem>>
        %gather3A_433 = tpu.vector_load_idx %gather3A_432[%add3A_390, %add3A_427] : memref<256x128xf32, #tpu.memory_space<vmem>>[vector<16xi32>, vector<16xi32>], vector<16xf32>,
        %add3A_434 = arith.constant 3 : i32
        %add3A_435 = vector.broadcast %add3A_434 : i32 to vector<16xi32>
        %add3A_436 = arith.addi %iota3A_314, %add3A_435 : vector<16xi32>
        %and3A_437 = arith.constant 63 : i32
        %and3A_438 = vector.broadcast %and3A_437 : i32 to vector<16xi32>
        %and3A_439 = arith.andi %add3A_436, %and3A_438 : vector<16xi32>
        %add3A_440 = arith.addi %get3A_395, %and3A_439 : vector<16xi32>
        %gather3A_441 = arith.constant 1 : i32
        %gather3A_442 = arith.constant 0 : i32
        %gather3A_443 = arith.constant 0 : i32
        %gather3A_444 = tpu.memref_slice %arg9[%gather3A_441, %gather3A_442, %gather3A_443] : memref<2x256x128xf32, #tpu.memory_space<vmem>> -> memref<1x256x128xf32, #tpu.memory_space<vmem>>
        %gather3A_445 = tpu.memref_squeeze %gather3A_444 : memref<1x256x128xf32, #tpu.memory_space<vmem>> -> memref<256x128xf32, #tpu.memory_space<vmem>>
        %gather3A_446 = tpu.vector_load_idx %gather3A_445[%add3A_390, %add3A_440] : memref<256x128xf32, #tpu.memory_space<vmem>>[vector<16xi32>, vector<16xi32>], vector<16xf32>,
        %add3A_447 = arith.constant 4 : i32
        %add3A_448 = vector.broadcast %add3A_447 : i32 to vector<16xi32>
        %add3A_449 = arith.addi %iota3A_314, %add3A_448 : vector<16xi32>
        %and3A_450 = arith.constant 63 : i32
        %and3A_451 = vector.broadcast %and3A_450 : i32 to vector<16xi32>
        %and3A_452 = arith.andi %add3A_449, %and3A_451 : vector<16xi32>
        %add3A_453 = arith.addi %get3A_395, %and3A_452 : vector<16xi32>
        %gather3A_454 = arith.constant 1 : i32
        %gather3A_455 = arith.constant 0 : i32
        %gather3A_456 = arith.constant 0 : i32
        %gather3A_457 = tpu.memref_slice %arg9[%gather3A_454, %gather3A_455, %gather3A_456] : memref<2x256x128xf32, #tpu.memory_space<vmem>> -> memref<1x256x128xf32, #tpu.memory_space<vmem>>
        %gather3A_458 = tpu.memref_squeeze %gather3A_457 : memref<1x256x128xf32, #tpu.memory_space<vmem>> -> memref<256x128xf32, #tpu.memory_space<vmem>>
        %gather3A_459 = tpu.vector_load_idx %gather3A_458[%add3A_390, %add3A_453] : memref<256x128xf32, #tpu.memory_space<vmem>>[vector<16xi32>, vector<16xi32>], vector<16xf32>,
        %scatter3A = arith.constant 1 : i32
        %scatter3A_460 = arith.constant 0 : i32
        %scatter3A_461 = arith.constant 0 : i32
        %scatter3A_462 = tpu.memref_slice %arg10[%scatter3A, %scatter3A_460, %scatter3A_461] : memref<2x64x258xf32, #tpu.memory_space<vmem>> -> memref<1x64x258xf32, #tpu.memory_space<vmem>>
        %scatter3A_463 = tpu.memref_squeeze %scatter3A_462 : memref<1x64x258xf32, #tpu.memory_space<vmem>> -> memref<64x258xf32, #tpu.memory_space<vmem>>
        tpu.vector_store_idx %scatter3A_463[%and3A_401, %add3A_390], %gather3A_407 : memref<64x258xf32, #tpu.memory_space<vmem>>[vector<16xi32>, vector<16xi32>], vector<16xf32>,
        %add3A_464 = arith.constant 5 : i32
        %add3A_465 = vector.broadcast %add3A_464 : i32 to vector<16xi32>
        %add3A_466 = arith.addi %iota3A_314, %add3A_465 : vector<16xi32>
        %and3A_467 = arith.constant 63 : i32
        %and3A_468 = vector.broadcast %and3A_467 : i32 to vector<16xi32>
        %and3A_469 = arith.andi %add3A_466, %and3A_468 : vector<16xi32>
        %add3A_470 = arith.addi %get3A_395, %and3A_469 : vector<16xi32>
        %gather3A_471 = arith.constant 1 : i32
        %gather3A_472 = arith.constant 0 : i32
        %gather3A_473 = arith.constant 0 : i32
        %gather3A_474 = tpu.memref_slice %arg9[%gather3A_471, %gather3A_472, %gather3A_473] : memref<2x256x128xf32, #tpu.memory_space<vmem>> -> memref<1x256x128xf32, #tpu.memory_space<vmem>>
        %gather3A_475 = tpu.memref_squeeze %gather3A_474 : memref<1x256x128xf32, #tpu.memory_space<vmem>> -> memref<256x128xf32, #tpu.memory_space<vmem>>
        %gather3A_476 = tpu.vector_load_idx %gather3A_475[%add3A_390, %add3A_470] : memref<256x128xf32, #tpu.memory_space<vmem>>[vector<16xi32>, vector<16xi32>], vector<16xf32>,
        %scatter3A_477 = arith.constant 1 : i32
        %scatter3A_478 = arith.constant 0 : i32
        %scatter3A_479 = arith.constant 0 : i32
        %scatter3A_480 = tpu.memref_slice %arg10[%scatter3A_477, %scatter3A_478, %scatter3A_479] : memref<2x64x258xf32, #tpu.memory_space<vmem>> -> memref<1x64x258xf32, #tpu.memory_space<vmem>>
        %scatter3A_481 = tpu.memref_squeeze %scatter3A_480 : memref<1x64x258xf32, #tpu.memory_space<vmem>> -> memref<64x258xf32, #tpu.memory_space<vmem>>
        tpu.vector_store_idx %scatter3A_481[%and3A_413, %add3A_390], %gather3A_420 : memref<64x258xf32, #tpu.memory_space<vmem>>[vector<16xi32>, vector<16xi32>], vector<16xf32>,
        %add3A_482 = arith.constant 6 : i32
        %add3A_483 = vector.broadcast %add3A_482 : i32 to vector<16xi32>
        %add3A_484 = arith.addi %iota3A_314, %add3A_483 : vector<16xi32>
        %and3A_485 = arith.constant 63 : i32
        %and3A_486 = vector.broadcast %and3A_485 : i32 to vector<16xi32>
        %and3A_487 = arith.andi %add3A_484, %and3A_486 : vector<16xi32>
        %add3A_488 = arith.addi %get3A_395, %and3A_487 : vector<16xi32>
        %gather3A_489 = arith.constant 1 : i32
        %gather3A_490 = arith.constant 0 : i32
        %gather3A_491 = arith.constant 0 : i32
        %gather3A_492 = tpu.memref_slice %arg9[%gather3A_489, %gather3A_490, %gather3A_491] : memref<2x256x128xf32, #tpu.memory_space<vmem>> -> memref<1x256x128xf32, #tpu.memory_space<vmem>>
        %gather3A_493 = tpu.memref_squeeze %gather3A_492 : memref<1x256x128xf32, #tpu.memory_space<vmem>> -> memref<256x128xf32, #tpu.memory_space<vmem>>
        %gather3A_494 = tpu.vector_load_idx %gather3A_493[%add3A_390, %add3A_488] : memref<256x128xf32, #tpu.memory_space<vmem>>[vector<16xi32>, vector<16xi32>], vector<16xf32>,
        %scatter3A_495 = arith.constant 1 : i32
        %scatter3A_496 = arith.constant 0 : i32
        %scatter3A_497 = arith.constant 0 : i32
        %scatter3A_498 = tpu.memref_slice %arg10[%scatter3A_495, %scatter3A_496, %scatter3A_497] : memref<2x64x258xf32, #tpu.memory_space<vmem>> -> memref<1x64x258xf32, #tpu.memory_space<vmem>>
        %scatter3A_499 = tpu.memref_squeeze %scatter3A_498 : memref<1x64x258xf32, #tpu.memory_space<vmem>> -> memref<64x258xf32, #tpu.memory_space<vmem>>
        tpu.vector_store_idx %scatter3A_499[%and3A_426, %add3A_390], %gather3A_433 : memref<64x258xf32, #tpu.memory_space<vmem>>[vector<16xi32>, vector<16xi32>], vector<16xf32>,
        %add3A_500 = arith.constant 7 : i32
        %add3A_501 = vector.broadcast %add3A_500 : i32 to vector<16xi32>
        %add3A_502 = arith.addi %iota3A_314, %add3A_501 : vector<16xi32>
        %and3A_503 = arith.constant 63 : i32
        %and3A_504 = vector.broadcast %and3A_503 : i32 to vector<16xi32>
        %and3A_505 = arith.andi %add3A_502, %and3A_504 : vector<16xi32>
        %add3A_506 = arith.addi %get3A_395, %and3A_505 : vector<16xi32>
        %gather3A_507 = arith.constant 1 : i32
        %gather3A_508 = arith.constant 0 : i32
        %gather3A_509 = arith.constant 0 : i32
        %gather3A_510 = tpu.memref_slice %arg9[%gather3A_507, %gather3A_508, %gather3A_509] : memref<2x256x128xf32, #tpu.memory_space<vmem>> -> memref<1x256x128xf32, #tpu.memory_space<vmem>>
        %gather3A_511 = tpu.memref_squeeze %gather3A_510 : memref<1x256x128xf32, #tpu.memory_space<vmem>> -> memref<256x128xf32, #tpu.memory_space<vmem>>
        %gather3A_512 = tpu.vector_load_idx %gather3A_511[%add3A_390, %add3A_506] : memref<256x128xf32, #tpu.memory_space<vmem>>[vector<16xi32>, vector<16xi32>], vector<16xf32>,
        %scatter3A_513 = arith.constant 1 : i32
        %scatter3A_514 = arith.constant 0 : i32
        %scatter3A_515 = arith.constant 0 : i32
        %scatter3A_516 = tpu.memref_slice %arg10[%scatter3A_513, %scatter3A_514, %scatter3A_515] : memref<2x64x258xf32, #tpu.memory_space<vmem>> -> memref<1x64x258xf32, #tpu.memory_space<vmem>>
        %scatter3A_517 = tpu.memref_squeeze %scatter3A_516 : memref<1x64x258xf32, #tpu.memory_space<vmem>> -> memref<64x258xf32, #tpu.memory_space<vmem>>
        tpu.vector_store_idx %scatter3A_517[%and3A_439, %add3A_390], %gather3A_446 : memref<64x258xf32, #tpu.memory_space<vmem>>[vector<16xi32>, vector<16xi32>], vector<16xf32>,
        %add3A_518 = arith.constant 8 : i32
        %add3A_519 = vector.broadcast %add3A_518 : i32 to vector<16xi32>
        %add3A_520 = arith.addi %iota3A_314, %add3A_519 : vector<16xi32>
        %and3A_521 = arith.constant 63 : i32
        %and3A_522 = vector.broadcast %and3A_521 : i32 to vector<16xi32>
        %and3A_523 = arith.andi %add3A_520, %and3A_522 : vector<16xi32>
        %add3A_524 = arith.addi %get3A_395, %and3A_523 : vector<16xi32>
        %gather3A_525 = arith.constant 1 : i32
        %gather3A_526 = arith.constant 0 : i32
        %gather3A_527 = arith.constant 0 : i32
        %gather3A_528 = tpu.memref_slice %arg9[%gather3A_525, %gather3A_526, %gather3A_527] : memref<2x256x128xf32, #tpu.memory_space<vmem>> -> memref<1x256x128xf32, #tpu.memory_space<vmem>>
        %gather3A_529 = tpu.memref_squeeze %gather3A_528 : memref<1x256x128xf32, #tpu.memory_space<vmem>> -> memref<256x128xf32, #tpu.memory_space<vmem>>
        %gather3A_530 = tpu.vector_load_idx %gather3A_529[%add3A_390, %add3A_524] : memref<256x128xf32, #tpu.memory_space<vmem>>[vector<16xi32>, vector<16xi32>], vector<16xf32>,
        %scatter3A_531 = arith.constant 1 : i32
        %scatter3A_532 = arith.constant 0 : i32
        %scatter3A_533 = arith.constant 0 : i32
        %scatter3A_534 = tpu.memref_slice %arg10[%scatter3A_531, %scatter3A_532, %scatter3A_533] : memref<2x64x258xf32, #tpu.memory_space<vmem>> -> memref<1x64x258xf32, #tpu.memory_space<vmem>>
        %scatter3A_535 = tpu.memref_squeeze %scatter3A_534 : memref<1x64x258xf32, #tpu.memory_space<vmem>> -> memref<64x258xf32, #tpu.memory_space<vmem>>
        tpu.vector_store_idx %scatter3A_535[%and3A_452, %add3A_390], %gather3A_459 : memref<64x258xf32, #tpu.memory_space<vmem>>[vector<16xi32>, vector<16xi32>], vector<16xf32>,
        %add3A_536 = arith.constant 9 : i32
        %add3A_537 = vector.broadcast %add3A_536 : i32 to vector<16xi32>
        %add3A_538 = arith.addi %iota3A_314, %add3A_537 : vector<16xi32>
        %and3A_539 = arith.constant 63 : i32
        %and3A_540 = vector.broadcast %and3A_539 : i32 to vector<16xi32>
        %and3A_541 = arith.andi %add3A_538, %and3A_540 : vector<16xi32>
        %add3A_542 = arith.addi %get3A_395, %and3A_541 : vector<16xi32>
        %gather3A_543 = arith.constant 1 : i32
        %gather3A_544 = arith.constant 0 : i32
        %gather3A_545 = arith.constant 0 : i32
        %gather3A_546 = tpu.memref_slice %arg9[%gather3A_543, %gather3A_544, %gather3A_545] : memref<2x256x128xf32, #tpu.memory_space<vmem>> -> memref<1x256x128xf32, #tpu.memory_space<vmem>>
        %gather3A_547 = tpu.memref_squeeze %gather3A_546 : memref<1x256x128xf32, #tpu.memory_space<vmem>> -> memref<256x128xf32, #tpu.memory_space<vmem>>
        %gather3A_548 = tpu.vector_load_idx %gather3A_547[%add3A_390, %add3A_542] : memref<256x128xf32, #tpu.memory_space<vmem>>[vector<16xi32>, vector<16xi32>], vector<16xf32>,
        %scatter3A_549 = arith.constant 1 : i32
        %scatter3A_550 = arith.constant 0 : i32
        %scatter3A_551 = arith.constant 0 : i32
        %scatter3A_552 = tpu.memref_slice %arg10[%scatter3A_549, %scatter3A_550, %scatter3A_551] : memref<2x64x258xf32, #tpu.memory_space<vmem>> -> memref<1x64x258xf32, #tpu.memory_space<vmem>>
        %scatter3A_553 = tpu.memref_squeeze %scatter3A_552 : memref<1x64x258xf32, #tpu.memory_space<vmem>> -> memref<64x258xf32, #tpu.memory_space<vmem>>
        tpu.vector_store_idx %scatter3A_553[%and3A_469, %add3A_390], %gather3A_476 : memref<64x258xf32, #tpu.memory_space<vmem>>[vector<16xi32>, vector<16xi32>], vector<16xf32>,
        %add3A_554 = arith.constant 10 : i32
        %add3A_555 = vector.broadcast %add3A_554 : i32 to vector<16xi32>
        %add3A_556 = arith.addi %iota3A_314, %add3A_555 : vector<16xi32>
        %and3A_557 = arith.constant 63 : i32
        %and3A_558 = vector.broadcast %and3A_557 : i32 to vector<16xi32>
        %and3A_559 = arith.andi %add3A_556, %and3A_558 : vector<16xi32>
        %add3A_560 = arith.addi %get3A_395, %and3A_559 : vector<16xi32>
        %gather3A_561 = arith.constant 1 : i32
        %gather3A_562 = arith.constant 0 : i32
        %gather3A_563 = arith.constant 0 : i32
        %gather3A_564 = tpu.memref_slice %arg9[%gather3A_561, %gather3A_562, %gather3A_563] : memref<2x256x128xf32, #tpu.memory_space<vmem>> -> memref<1x256x128xf32, #tpu.memory_space<vmem>>
        %gather3A_565 = tpu.memref_squeeze %gather3A_564 : memref<1x256x128xf32, #tpu.memory_space<vmem>> -> memref<256x128xf32, #tpu.memory_space<vmem>>
        %gather3A_566 = tpu.vector_load_idx %gather3A_565[%add3A_390, %add3A_560] : memref<256x128xf32, #tpu.memory_space<vmem>>[vector<16xi32>, vector<16xi32>], vector<16xf32>,
        %scatter3A_567 = arith.constant 1 : i32
        %scatter3A_568 = arith.constant 0 : i32
        %scatter3A_569 = arith.constant 0 : i32
        %scatter3A_570 = tpu.memref_slice %arg10[%scatter3A_567, %scatter3A_568, %scatter3A_569] : memref<2x64x258xf32, #tpu.memory_space<vmem>> -> memref<1x64x258xf32, #tpu.memory_space<vmem>>
        %scatter3A_571 = tpu.memref_squeeze %scatter3A_570 : memref<1x64x258xf32, #tpu.memory_space<vmem>> -> memref<64x258xf32, #tpu.memory_space<vmem>>
        tpu.vector_store_idx %scatter3A_571[%and3A_487, %add3A_390], %gather3A_494 : memref<64x258xf32, #tpu.memory_space<vmem>>[vector<16xi32>, vector<16xi32>], vector<16xf32>,
        %add3A_572 = arith.constant 11 : i32
        %add3A_573 = vector.broadcast %add3A_572 : i32 to vector<16xi32>
        %add3A_574 = arith.addi %iota3A_314, %add3A_573 : vector<16xi32>
        %and3A_575 = arith.constant 63 : i32
        %and3A_576 = vector.broadcast %and3A_575 : i32 to vector<16xi32>
        %and3A_577 = arith.andi %add3A_574, %and3A_576 : vector<16xi32>
        %add3A_578 = arith.addi %get3A_395, %and3A_577 : vector<16xi32>
        %gather3A_579 = arith.constant 1 : i32
        %gather3A_580 = arith.constant 0 : i32
        %gather3A_581 = arith.constant 0 : i32
        %gather3A_582 = tpu.memref_slice %arg9[%gather3A_579, %gather3A_580, %gather3A_581] : memref<2x256x128xf32, #tpu.memory_space<vmem>> -> memref<1x256x128xf32, #tpu.memory_space<vmem>>
        %gather3A_583 = tpu.memref_squeeze %gather3A_582 : memref<1x256x128xf32, #tpu.memory_space<vmem>> -> memref<256x128xf32, #tpu.memory_space<vmem>>
        %gather3A_584 = tpu.vector_load_idx %gather3A_583[%add3A_390, %add3A_578] : memref<256x128xf32, #tpu.memory_space<vmem>>[vector<16xi32>, vector<16xi32>], vector<16xf32>,
        %scatter3A_585 = arith.constant 1 : i32
        %scatter3A_586 = arith.constant 0 : i32
        %scatter3A_587 = arith.constant 0 : i32
        %scatter3A_588 = tpu.memref_slice %arg10[%scatter3A_585, %scatter3A_586, %scatter3A_587] : memref<2x64x258xf32, #tpu.memory_space<vmem>> -> memref<1x64x258xf32, #tpu.memory_space<vmem>>
        %scatter3A_589 = tpu.memref_squeeze %scatter3A_588 : memref<1x64x258xf32, #tpu.memory_space<vmem>> -> memref<64x258xf32, #tpu.memory_space<vmem>>
        tpu.vector_store_idx %scatter3A_589[%and3A_505, %add3A_390], %gather3A_512 : memref<64x258xf32, #tpu.memory_space<vmem>>[vector<16xi32>, vector<16xi32>], vector<16xf32>,
        %add3A_590 = arith.constant 12 : i32
        %add3A_591 = vector.broadcast %add3A_590 : i32 to vector<16xi32>
        %add3A_592 = arith.addi %iota3A_314, %add3A_591 : vector<16xi32>
        %and3A_593 = arith.constant 63 : i32
        %and3A_594 = vector.broadcast %and3A_593 : i32 to vector<16xi32>
        %and3A_595 = arith.andi %add3A_592, %and3A_594 : vector<16xi32>
        %add3A_596 = arith.addi %get3A_395, %and3A_595 : vector<16xi32>
        %gather3A_597 = arith.constant 1 : i32
        %gather3A_598 = arith.constant 0 : i32
        %gather3A_599 = arith.constant 0 : i32
        %gather3A_600 = tpu.memref_slice %arg9[%gather3A_597, %gather3A_598, %gather3A_599] : memref<2x256x128xf32, #tpu.memory_space<vmem>> -> memref<1x256x128xf32, #tpu.memory_space<vmem>>
        %gather3A_601 = tpu.memref_squeeze %gather3A_600 : memref<1x256x128xf32, #tpu.memory_space<vmem>> -> memref<256x128xf32, #tpu.memory_space<vmem>>
        %gather3A_602 = tpu.vector_load_idx %gather3A_601[%add3A_390, %add3A_596] : memref<256x128xf32, #tpu.memory_space<vmem>>[vector<16xi32>, vector<16xi32>], vector<16xf32>,
        %scatter3A_603 = arith.constant 1 : i32
        %scatter3A_604 = arith.constant 0 : i32
        %scatter3A_605 = arith.constant 0 : i32
        %scatter3A_606 = tpu.memref_slice %arg10[%scatter3A_603, %scatter3A_604, %scatter3A_605] : memref<2x64x258xf32, #tpu.memory_space<vmem>> -> memref<1x64x258xf32, #tpu.memory_space<vmem>>
        %scatter3A_607 = tpu.memref_squeeze %scatter3A_606 : memref<1x64x258xf32, #tpu.memory_space<vmem>> -> memref<64x258xf32, #tpu.memory_space<vmem>>
        tpu.vector_store_idx %scatter3A_607[%and3A_523, %add3A_390], %gather3A_530 : memref<64x258xf32, #tpu.memory_space<vmem>>[vector<16xi32>, vector<16xi32>], vector<16xf32>,
        %add3A_608 = arith.constant 13 : i32
        %add3A_609 = vector.broadcast %add3A_608 : i32 to vector<16xi32>
        %add3A_610 = arith.addi %iota3A_314, %add3A_609 : vector<16xi32>
        %and3A_611 = arith.constant 63 : i32
        %and3A_612 = vector.broadcast %and3A_611 : i32 to vector<16xi32>
        %and3A_613 = arith.andi %add3A_610, %and3A_612 : vector<16xi32>
        %add3A_614 = arith.addi %get3A_395, %and3A_613 : vector<16xi32>
        %gather3A_615 = arith.constant 1 : i32
        %gather3A_616 = arith.constant 0 : i32
        %gather3A_617 = arith.constant 0 : i32
        %gather3A_618 = tpu.memref_slice %arg9[%gather3A_615, %gather3A_616, %gather3A_617] : memref<2x256x128xf32, #tpu.memory_space<vmem>> -> memref<1x256x128xf32, #tpu.memory_space<vmem>>
        %gather3A_619 = tpu.memref_squeeze %gather3A_618 : memref<1x256x128xf32, #tpu.memory_space<vmem>> -> memref<256x128xf32, #tpu.memory_space<vmem>>
        %gather3A_620 = tpu.vector_load_idx %gather3A_619[%add3A_390, %add3A_614] : memref<256x128xf32, #tpu.memory_space<vmem>>[vector<16xi32>, vector<16xi32>], vector<16xf32>,
        %scatter3A_621 = arith.constant 1 : i32
        %scatter3A_622 = arith.constant 0 : i32
        %scatter3A_623 = arith.constant 0 : i32
        %scatter3A_624 = tpu.memref_slice %arg10[%scatter3A_621, %scatter3A_622, %scatter3A_623] : memref<2x64x258xf32, #tpu.memory_space<vmem>> -> memref<1x64x258xf32, #tpu.memory_space<vmem>>
        %scatter3A_625 = tpu.memref_squeeze %scatter3A_624 : memref<1x64x258xf32, #tpu.memory_space<vmem>> -> memref<64x258xf32, #tpu.memory_space<vmem>>
        tpu.vector_store_idx %scatter3A_625[%and3A_541, %add3A_390], %gather3A_548 : memref<64x258xf32, #tpu.memory_space<vmem>>[vector<16xi32>, vector<16xi32>], vector<16xf32>,
        %add3A_626 = arith.constant 14 : i32
        %add3A_627 = vector.broadcast %add3A_626 : i32 to vector<16xi32>
        %add3A_628 = arith.addi %iota3A_314, %add3A_627 : vector<16xi32>
        %and3A_629 = arith.constant 63 : i32
        %and3A_630 = vector.broadcast %and3A_629 : i32 to vector<16xi32>
        %and3A_631 = arith.andi %add3A_628, %and3A_630 : vector<16xi32>
        %add3A_632 = arith.addi %get3A_395, %and3A_631 : vector<16xi32>
        %gather3A_633 = arith.constant 1 : i32
        %gather3A_634 = arith.constant 0 : i32
        %gather3A_635 = arith.constant 0 : i32
        %gather3A_636 = tpu.memref_slice %arg9[%gather3A_633, %gather3A_634, %gather3A_635] : memref<2x256x128xf32, #tpu.memory_space<vmem>> -> memref<1x256x128xf32, #tpu.memory_space<vmem>>
        %gather3A_637 = tpu.memref_squeeze %gather3A_636 : memref<1x256x128xf32, #tpu.memory_space<vmem>> -> memref<256x128xf32, #tpu.memory_space<vmem>>
        %gather3A_638 = tpu.vector_load_idx %gather3A_637[%add3A_390, %add3A_632] : memref<256x128xf32, #tpu.memory_space<vmem>>[vector<16xi32>, vector<16xi32>], vector<16xf32>,
        %scatter3A_639 = arith.constant 1 : i32
        %scatter3A_640 = arith.constant 0 : i32
        %scatter3A_641 = arith.constant 0 : i32
        %scatter3A_642 = tpu.memref_slice %arg10[%scatter3A_639, %scatter3A_640, %scatter3A_641] : memref<2x64x258xf32, #tpu.memory_space<vmem>> -> memref<1x64x258xf32, #tpu.memory_space<vmem>>
        %scatter3A_643 = tpu.memref_squeeze %scatter3A_642 : memref<1x64x258xf32, #tpu.memory_space<vmem>> -> memref<64x258xf32, #tpu.memory_space<vmem>>
        tpu.vector_store_idx %scatter3A_643[%and3A_559, %add3A_390], %gather3A_566 : memref<64x258xf32, #tpu.memory_space<vmem>>[vector<16xi32>, vector<16xi32>], vector<16xf32>,
        %add3A_644 = arith.constant 15 : i32
        %add3A_645 = vector.broadcast %add3A_644 : i32 to vector<16xi32>
        %add3A_646 = arith.addi %iota3A_314, %add3A_645 : vector<16xi32>
        %and3A_647 = arith.constant 63 : i32
        %and3A_648 = vector.broadcast %and3A_647 : i32 to vector<16xi32>
        %and3A_649 = arith.andi %add3A_646, %and3A_648 : vector<16xi32>
        %add3A_650 = arith.addi %get3A_395, %and3A_649 : vector<16xi32>
        %gather3A_651 = arith.constant 1 : i32
        %gather3A_652 = arith.constant 0 : i32
        %gather3A_653 = arith.constant 0 : i32
        %gather3A_654 = tpu.memref_slice %arg9[%gather3A_651, %gather3A_652, %gather3A_653] : memref<2x256x128xf32, #tpu.memory_space<vmem>> -> memref<1x256x128xf32, #tpu.memory_space<vmem>>
        %gather3A_655 = tpu.memref_squeeze %gather3A_654 : memref<1x256x128xf32, #tpu.memory_space<vmem>> -> memref<256x128xf32, #tpu.memory_space<vmem>>
        %gather3A_656 = tpu.vector_load_idx %gather3A_655[%add3A_390, %add3A_650] : memref<256x128xf32, #tpu.memory_space<vmem>>[vector<16xi32>, vector<16xi32>], vector<16xf32>,
        %scatter3A_657 = arith.constant 1 : i32
        %scatter3A_658 = arith.constant 0 : i32
        %scatter3A_659 = arith.constant 0 : i32
        %scatter3A_660 = tpu.memref_slice %arg10[%scatter3A_657, %scatter3A_658, %scatter3A_659] : memref<2x64x258xf32, #tpu.memory_space<vmem>> -> memref<1x64x258xf32, #tpu.memory_space<vmem>>
        %scatter3A_661 = tpu.memref_squeeze %scatter3A_660 : memref<1x64x258xf32, #tpu.memory_space<vmem>> -> memref<64x258xf32, #tpu.memory_space<vmem>>
        tpu.vector_store_idx %scatter3A_661[%and3A_577, %add3A_390], %gather3A_584 : memref<64x258xf32, #tpu.memory_space<vmem>>[vector<16xi32>, vector<16xi32>], vector<16xf32>,
        %add3A_662 = arith.constant 16 : i32
        %add3A_663 = vector.broadcast %add3A_662 : i32 to vector<16xi32>
        %add3A_664 = arith.addi %iota3A_314, %add3A_663 : vector<16xi32>
        %and3A_665 = arith.constant 63 : i32
        %and3A_666 = vector.broadcast %and3A_665 : i32 to vector<16xi32>
        %and3A_667 = arith.andi %add3A_664, %and3A_666 : vector<16xi32>
        %add3A_668 = arith.addi %get3A_395, %and3A_667 : vector<16xi32>
        %gather3A_669 = arith.constant 1 : i32
        %gather3A_670 = arith.constant 0 : i32
        %gather3A_671 = arith.constant 0 : i32
        %gather3A_672 = tpu.memref_slice %arg9[%gather3A_669, %gather3A_670, %gather3A_671] : memref<2x256x128xf32, #tpu.memory_space<vmem>> -> memref<1x256x128xf32, #tpu.memory_space<vmem>>
        %gather3A_673 = tpu.memref_squeeze %gather3A_672 : memref<1x256x128xf32, #tpu.memory_space<vmem>> -> memref<256x128xf32, #tpu.memory_space<vmem>>
        %gather3A_674 = tpu.vector_load_idx %gather3A_673[%add3A_390, %add3A_668] : memref<256x128xf32, #tpu.memory_space<vmem>>[vector<16xi32>, vector<16xi32>], vector<16xf32>,
        %scatter3A_675 = arith.constant 1 : i32
        %scatter3A_676 = arith.constant 0 : i32
        %scatter3A_677 = arith.constant 0 : i32
        %scatter3A_678 = tpu.memref_slice %arg10[%scatter3A_675, %scatter3A_676, %scatter3A_677] : memref<2x64x258xf32, #tpu.memory_space<vmem>> -> memref<1x64x258xf32, #tpu.memory_space<vmem>>
        %scatter3A_679 = tpu.memref_squeeze %scatter3A_678 : memref<1x64x258xf32, #tpu.memory_space<vmem>> -> memref<64x258xf32, #tpu.memory_space<vmem>>
        tpu.vector_store_idx %scatter3A_679[%and3A_595, %add3A_390], %gather3A_602 : memref<64x258xf32, #tpu.memory_space<vmem>>[vector<16xi32>, vector<16xi32>], vector<16xf32>,
        %add3A_680 = arith.constant 17 : i32
        %add3A_681 = vector.broadcast %add3A_680 : i32 to vector<16xi32>
        %add3A_682 = arith.addi %iota3A_314, %add3A_681 : vector<16xi32>
        %and3A_683 = arith.constant 63 : i32
        %and3A_684 = vector.broadcast %and3A_683 : i32 to vector<16xi32>
        %and3A_685 = arith.andi %add3A_682, %and3A_684 : vector<16xi32>
        %add3A_686 = arith.addi %get3A_395, %and3A_685 : vector<16xi32>
        %gather3A_687 = arith.constant 1 : i32
        %gather3A_688 = arith.constant 0 : i32
        %gather3A_689 = arith.constant 0 : i32
        %gather3A_690 = tpu.memref_slice %arg9[%gather3A_687, %gather3A_688, %gather3A_689] : memref<2x256x128xf32, #tpu.memory_space<vmem>> -> memref<1x256x128xf32, #tpu.memory_space<vmem>>
        %gather3A_691 = tpu.memref_squeeze %gather3A_690 : memref<1x256x128xf32, #tpu.memory_space<vmem>> -> memref<256x128xf32, #tpu.memory_space<vmem>>
        %gather3A_692 = tpu.vector_load_idx %gather3A_691[%add3A_390, %add3A_686] : memref<256x128xf32, #tpu.memory_space<vmem>>[vector<16xi32>, vector<16xi32>], vector<16xf32>,
        %scatter3A_693 = arith.constant 1 : i32
        %scatter3A_694 = arith.constant 0 : i32
        %scatter3A_695 = arith.constant 0 : i32
        %scatter3A_696 = tpu.memref_slice %arg10[%scatter3A_693, %scatter3A_694, %scatter3A_695] : memref<2x64x258xf32, #tpu.memory_space<vmem>> -> memref<1x64x258xf32, #tpu.memory_space<vmem>>
        %scatter3A_697 = tpu.memref_squeeze %scatter3A_696 : memref<1x64x258xf32, #tpu.memory_space<vmem>> -> memref<64x258xf32, #tpu.memory_space<vmem>>
        tpu.vector_store_idx %scatter3A_697[%and3A_613, %add3A_390], %gather3A_620 : memref<64x258xf32, #tpu.memory_space<vmem>>[vector<16xi32>, vector<16xi32>], vector<16xf32>,
        %add3A_698 = arith.constant 18 : i32
        %add3A_699 = vector.broadcast %add3A_698 : i32 to vector<16xi32>
        %add3A_700 = arith.addi %iota3A_314, %add3A_699 : vector<16xi32>
        %and3A_701 = arith.constant 63 : i32
        %and3A_702 = vector.broadcast %and3A_701 : i32 to vector<16xi32>
        %and3A_703 = arith.andi %add3A_700, %and3A_702 : vector<16xi32>
        %add3A_704 = arith.addi %get3A_395, %and3A_703 : vector<16xi32>
        %gather3A_705 = arith.constant 1 : i32
        %gather3A_706 = arith.constant 0 : i32
        %gather3A_707 = arith.constant 0 : i32
        %gather3A_708 = tpu.memref_slice %arg9[%gather3A_705, %gather3A_706, %gather3A_707] : memref<2x256x128xf32, #tpu.memory_space<vmem>> -> memref<1x256x128xf32, #tpu.memory_space<vmem>>
        %gather3A_709 = tpu.memref_squeeze %gather3A_708 : memref<1x256x128xf32, #tpu.memory_space<vmem>> -> memref<256x128xf32, #tpu.memory_space<vmem>>
        %gather3A_710 = tpu.vector_load_idx %gather3A_709[%add3A_390, %add3A_704] : memref<256x128xf32, #tpu.memory_space<vmem>>[vector<16xi32>, vector<16xi32>], vector<16xf32>,
        %scatter3A_711 = arith.constant 1 : i32
        %scatter3A_712 = arith.constant 0 : i32
        %scatter3A_713 = arith.constant 0 : i32
        %scatter3A_714 = tpu.memref_slice %arg10[%scatter3A_711, %scatter3A_712, %scatter3A_713] : memref<2x64x258xf32, #tpu.memory_space<vmem>> -> memref<1x64x258xf32, #tpu.memory_space<vmem>>
        %scatter3A_715 = tpu.memref_squeeze %scatter3A_714 : memref<1x64x258xf32, #tpu.memory_space<vmem>> -> memref<64x258xf32, #tpu.memory_space<vmem>>
        tpu.vector_store_idx %scatter3A_715[%and3A_631, %add3A_390], %gather3A_638 : memref<64x258xf32, #tpu.memory_space<vmem>>[vector<16xi32>, vector<16xi32>], vector<16xf32>,
        %add3A_716 = arith.constant 19 : i32
        %add3A_717 = vector.broadcast %add3A_716 : i32 to vector<16xi32>
        %add3A_718 = arith.addi %iota3A_314, %add3A_717 : vector<16xi32>
        %and3A_719 = arith.constant 63 : i32
        %and3A_720 = vector.broadcast %and3A_719 : i32 to vector<16xi32>
        %and3A_721 = arith.andi %add3A_718, %and3A_720 : vector<16xi32>
        %add3A_722 = arith.addi %get3A_395, %and3A_721 : vector<16xi32>
        %gather3A_723 = arith.constant 1 : i32
        %gather3A_724 = arith.constant 0 : i32
        %gather3A_725 = arith.constant 0 : i32
        %gather3A_726 = tpu.memref_slice %arg9[%gather3A_723, %gather3A_724, %gather3A_725] : memref<2x256x128xf32, #tpu.memory_space<vmem>> -> memref<1x256x128xf32, #tpu.memory_space<vmem>>
        %gather3A_727 = tpu.memref_squeeze %gather3A_726 : memref<1x256x128xf32, #tpu.memory_space<vmem>> -> memref<256x128xf32, #tpu.memory_space<vmem>>
        %gather3A_728 = tpu.vector_load_idx %gather3A_727[%add3A_390, %add3A_722] : memref<256x128xf32, #tpu.memory_space<vmem>>[vector<16xi32>, vector<16xi32>], vector<16xf32>,
        %scatter3A_729 = arith.constant 1 : i32
        %scatter3A_730 = arith.constant 0 : i32
        %scatter3A_731 = arith.constant 0 : i32
        %scatter3A_732 = tpu.memref_slice %arg10[%scatter3A_729, %scatter3A_730, %scatter3A_731] : memref<2x64x258xf32, #tpu.memory_space<vmem>> -> memref<1x64x258xf32, #tpu.memory_space<vmem>>
        %scatter3A_733 = tpu.memref_squeeze %scatter3A_732 : memref<1x64x258xf32, #tpu.memory_space<vmem>> -> memref<64x258xf32, #tpu.memory_space<vmem>>
        tpu.vector_store_idx %scatter3A_733[%and3A_649, %add3A_390], %gather3A_656 : memref<64x258xf32, #tpu.memory_space<vmem>>[vector<16xi32>, vector<16xi32>], vector<16xf32>,
        %add3A_734 = arith.constant 20 : i32
        %add3A_735 = vector.broadcast %add3A_734 : i32 to vector<16xi32>
        %add3A_736 = arith.addi %iota3A_314, %add3A_735 : vector<16xi32>
        %and3A_737 = arith.constant 63 : i32
        %and3A_738 = vector.broadcast %and3A_737 : i32 to vector<16xi32>
        %and3A_739 = arith.andi %add3A_736, %and3A_738 : vector<16xi32>
        %add3A_740 = arith.addi %get3A_395, %and3A_739 : vector<16xi32>
        %gather3A_741 = arith.constant 1 : i32
        %gather3A_742 = arith.constant 0 : i32
        %gather3A_743 = arith.constant 0 : i32
        %gather3A_744 = tpu.memref_slice %arg9[%gather3A_741, %gather3A_742, %gather3A_743] : memref<2x256x128xf32, #tpu.memory_space<vmem>> -> memref<1x256x128xf32, #tpu.memory_space<vmem>>
        %gather3A_745 = tpu.memref_squeeze %gather3A_744 : memref<1x256x128xf32, #tpu.memory_space<vmem>> -> memref<256x128xf32, #tpu.memory_space<vmem>>
        %gather3A_746 = tpu.vector_load_idx %gather3A_745[%add3A_390, %add3A_740] : memref<256x128xf32, #tpu.memory_space<vmem>>[vector<16xi32>, vector<16xi32>], vector<16xf32>,
        %scatter3A_747 = arith.constant 1 : i32
        %scatter3A_748 = arith.constant 0 : i32
        %scatter3A_749 = arith.constant 0 : i32
        %scatter3A_750 = tpu.memref_slice %arg10[%scatter3A_747, %scatter3A_748, %scatter3A_749] : memref<2x64x258xf32, #tpu.memory_space<vmem>> -> memref<1x64x258xf32, #tpu.memory_space<vmem>>
        %scatter3A_751 = tpu.memref_squeeze %scatter3A_750 : memref<1x64x258xf32, #tpu.memory_space<vmem>> -> memref<64x258xf32, #tpu.memory_space<vmem>>
        tpu.vector_store_idx %scatter3A_751[%and3A_667, %add3A_390], %gather3A_674 : memref<64x258xf32, #tpu.memory_space<vmem>>[vector<16xi32>, vector<16xi32>], vector<16xf32>,
        %add3A_752 = arith.constant 21 : i32
        %add3A_753 = vector.broadcast %add3A_752 : i32 to vector<16xi32>
        %add3A_754 = arith.addi %iota3A_314, %add3A_753 : vector<16xi32>
        %and3A_755 = arith.constant 63 : i32
        %and3A_756 = vector.broadcast %and3A_755 : i32 to vector<16xi32>
        %and3A_757 = arith.andi %add3A_754, %and3A_756 : vector<16xi32>
        %add3A_758 = arith.addi %get3A_395, %and3A_757 : vector<16xi32>
        %gather3A_759 = arith.constant 1 : i32
        %gather3A_760 = arith.constant 0 : i32
        %gather3A_761 = arith.constant 0 : i32
        %gather3A_762 = tpu.memref_slice %arg9[%gather3A_759, %gather3A_760, %gather3A_761] : memref<2x256x128xf32, #tpu.memory_space<vmem>> -> memref<1x256x128xf32, #tpu.memory_space<vmem>>
        %gather3A_763 = tpu.memref_squeeze %gather3A_762 : memref<1x256x128xf32, #tpu.memory_space<vmem>> -> memref<256x128xf32, #tpu.memory_space<vmem>>
        %gather3A_764 = tpu.vector_load_idx %gather3A_763[%add3A_390, %add3A_758] : memref<256x128xf32, #tpu.memory_space<vmem>>[vector<16xi32>, vector<16xi32>], vector<16xf32>,
        %scatter3A_765 = arith.constant 1 : i32
        %scatter3A_766 = arith.constant 0 : i32
        %scatter3A_767 = arith.constant 0 : i32
        %scatter3A_768 = tpu.memref_slice %arg10[%scatter3A_765, %scatter3A_766, %scatter3A_767] : memref<2x64x258xf32, #tpu.memory_space<vmem>> -> memref<1x64x258xf32, #tpu.memory_space<vmem>>
        %scatter3A_769 = tpu.memref_squeeze %scatter3A_768 : memref<1x64x258xf32, #tpu.memory_space<vmem>> -> memref<64x258xf32, #tpu.memory_space<vmem>>
        tpu.vector_store_idx %scatter3A_769[%and3A_685, %add3A_390], %gather3A_692 : memref<64x258xf32, #tpu.memory_space<vmem>>[vector<16xi32>, vector<16xi32>], vector<16xf32>,
        %add3A_770 = arith.constant 22 : i32
        %add3A_771 = vector.broadcast %add3A_770 : i32 to vector<16xi32>
        %add3A_772 = arith.addi %iota3A_314, %add3A_771 : vector<16xi32>
        %and3A_773 = arith.constant 63 : i32
        %and3A_774 = vector.broadcast %and3A_773 : i32 to vector<16xi32>
        %and3A_775 = arith.andi %add3A_772, %and3A_774 : vector<16xi32>
        %add3A_776 = arith.addi %get3A_395, %and3A_775 : vector<16xi32>
        %gather3A_777 = arith.constant 1 : i32
        %gather3A_778 = arith.constant 0 : i32
        %gather3A_779 = arith.constant 0 : i32
        %gather3A_780 = tpu.memref_slice %arg9[%gather3A_777, %gather3A_778, %gather3A_779] : memref<2x256x128xf32, #tpu.memory_space<vmem>> -> memref<1x256x128xf32, #tpu.memory_space<vmem>>
        %gather3A_781 = tpu.memref_squeeze %gather3A_780 : memref<1x256x128xf32, #tpu.memory_space<vmem>> -> memref<256x128xf32, #tpu.memory_space<vmem>>
        %gather3A_782 = tpu.vector_load_idx %gather3A_781[%add3A_390, %add3A_776] : memref<256x128xf32, #tpu.memory_space<vmem>>[vector<16xi32>, vector<16xi32>], vector<16xf32>,
        %scatter3A_783 = arith.constant 1 : i32
        %scatter3A_784 = arith.constant 0 : i32
        %scatter3A_785 = arith.constant 0 : i32
        %scatter3A_786 = tpu.memref_slice %arg10[%scatter3A_783, %scatter3A_784, %scatter3A_785] : memref<2x64x258xf32, #tpu.memory_space<vmem>> -> memref<1x64x258xf32, #tpu.memory_space<vmem>>
        %scatter3A_787 = tpu.memref_squeeze %scatter3A_786 : memref<1x64x258xf32, #tpu.memory_space<vmem>> -> memref<64x258xf32, #tpu.memory_space<vmem>>
        tpu.vector_store_idx %scatter3A_787[%and3A_703, %add3A_390], %gather3A_710 : memref<64x258xf32, #tpu.memory_space<vmem>>[vector<16xi32>, vector<16xi32>], vector<16xf32>,
        %add3A_788 = arith.constant 23 : i32
        %add3A_789 = vector.broadcast %add3A_788 : i32 to vector<16xi32>
        %add3A_790 = arith.addi %iota3A_314, %add3A_789 : vector<16xi32>
        %and3A_791 = arith.constant 63 : i32
        %and3A_792 = vector.broadcast %and3A_791 : i32 to vector<16xi32>
        %and3A_793 = arith.andi %add3A_790, %and3A_792 : vector<16xi32>
        %add3A_794 = arith.addi %get3A_395, %and3A_793 : vector<16xi32>
        %gather3A_795 = arith.constant 1 : i32
        %gather3A_796 = arith.constant 0 : i32
        %gather3A_797 = arith.constant 0 : i32
        %gather3A_798 = tpu.memref_slice %arg9[%gather3A_795, %gather3A_796, %gather3A_797] : memref<2x256x128xf32, #tpu.memory_space<vmem>> -> memref<1x256x128xf32, #tpu.memory_space<vmem>>
        %gather3A_799 = tpu.memref_squeeze %gather3A_798 : memref<1x256x128xf32, #tpu.memory_space<vmem>> -> memref<256x128xf32, #tpu.memory_space<vmem>>
        %gather3A_800 = tpu.vector_load_idx %gather3A_799[%add3A_390, %add3A_794] : memref<256x128xf32, #tpu.memory_space<vmem>>[vector<16xi32>, vector<16xi32>], vector<16xf32>,
        %scatter3A_801 = arith.constant 1 : i32
        %scatter3A_802 = arith.constant 0 : i32
        %scatter3A_803 = arith.constant 0 : i32
        %scatter3A_804 = tpu.memref_slice %arg10[%scatter3A_801, %scatter3A_802, %scatter3A_803] : memref<2x64x258xf32, #tpu.memory_space<vmem>> -> memref<1x64x258xf32, #tpu.memory_space<vmem>>
        %scatter3A_805 = tpu.memref_squeeze %scatter3A_804 : memref<1x64x258xf32, #tpu.memory_space<vmem>> -> memref<64x258xf32, #tpu.memory_space<vmem>>
        tpu.vector_store_idx %scatter3A_805[%and3A_721, %add3A_390], %gather3A_728 : memref<64x258xf32, #tpu.memory_space<vmem>>[vector<16xi32>, vector<16xi32>], vector<16xf32>,
        %add3A_806 = arith.constant 24 : i32
        %add3A_807 = vector.broadcast %add3A_806 : i32 to vector<16xi32>
        %add3A_808 = arith.addi %iota3A_314, %add3A_807 : vector<16xi32>
        %and3A_809 = arith.constant 63 : i32
        %and3A_810 = vector.broadcast %and3A_809 : i32 to vector<16xi32>
        %and3A_811 = arith.andi %add3A_808, %and3A_810 : vector<16xi32>
        %add3A_812 = arith.addi %get3A_395, %and3A_811 : vector<16xi32>
        %gather3A_813 = arith.constant 1 : i32
        %gather3A_814 = arith.constant 0 : i32
        %gather3A_815 = arith.constant 0 : i32
        %gather3A_816 = tpu.memref_slice %arg9[%gather3A_813, %gather3A_814, %gather3A_815] : memref<2x256x128xf32, #tpu.memory_space<vmem>> -> memref<1x256x128xf32, #tpu.memory_space<vmem>>
        %gather3A_817 = tpu.memref_squeeze %gather3A_816 : memref<1x256x128xf32, #tpu.memory_space<vmem>> -> memref<256x128xf32, #tpu.memory_space<vmem>>
        %gather3A_818 = tpu.vector_load_idx %gather3A_817[%add3A_390, %add3A_812] : memref<256x128xf32, #tpu.memory_space<vmem>>[vector<16xi32>, vector<16xi32>], vector<16xf32>,
        %scatter3A_819 = arith.constant 1 : i32
        %scatter3A_820 = arith.constant 0 : i32
        %scatter3A_821 = arith.constant 0 : i32
        %scatter3A_822 = tpu.memref_slice %arg10[%scatter3A_819, %scatter3A_820, %scatter3A_821] : memref<2x64x258xf32, #tpu.memory_space<vmem>> -> memref<1x64x258xf32, #tpu.memory_space<vmem>>
        %scatter3A_823 = tpu.memref_squeeze %scatter3A_822 : memref<1x64x258xf32, #tpu.memory_space<vmem>> -> memref<64x258xf32, #tpu.memory_space<vmem>>
        tpu.vector_store_idx %scatter3A_823[%and3A_739, %add3A_390], %gather3A_746 : memref<64x258xf32, #tpu.memory_space<vmem>>[vector<16xi32>, vector<16xi32>], vector<16xf32>,
        %add3A_824 = arith.constant 25 : i32
        %add3A_825 = vector.broadcast %add3A_824 : i32 to vector<16xi32>
        %add3A_826 = arith.addi %iota3A_314, %add3A_825 : vector<16xi32>
        %and3A_827 = arith.constant 63 : i32
        %and3A_828 = vector.broadcast %and3A_827 : i32 to vector<16xi32>
        %and3A_829 = arith.andi %add3A_826, %and3A_828 : vector<16xi32>
        %add3A_830 = arith.addi %get3A_395, %and3A_829 : vector<16xi32>
        %gather3A_831 = arith.constant 1 : i32
        %gather3A_832 = arith.constant 0 : i32
        %gather3A_833 = arith.constant 0 : i32
        %gather3A_834 = tpu.memref_slice %arg9[%gather3A_831, %gather3A_832, %gather3A_833] : memref<2x256x128xf32, #tpu.memory_space<vmem>> -> memref<1x256x128xf32, #tpu.memory_space<vmem>>
        %gather3A_835 = tpu.memref_squeeze %gather3A_834 : memref<1x256x128xf32, #tpu.memory_space<vmem>> -> memref<256x128xf32, #tpu.memory_space<vmem>>
        %gather3A_836 = tpu.vector_load_idx %gather3A_835[%add3A_390, %add3A_830] : memref<256x128xf32, #tpu.memory_space<vmem>>[vector<16xi32>, vector<16xi32>], vector<16xf32>,
        %scatter3A_837 = arith.constant 1 : i32
        %scatter3A_838 = arith.constant 0 : i32
        %scatter3A_839 = arith.constant 0 : i32
        %scatter3A_840 = tpu.memref_slice %arg10[%scatter3A_837, %scatter3A_838, %scatter3A_839] : memref<2x64x258xf32, #tpu.memory_space<vmem>> -> memref<1x64x258xf32, #tpu.memory_space<vmem>>
        %scatter3A_841 = tpu.memref_squeeze %scatter3A_840 : memref<1x64x258xf32, #tpu.memory_space<vmem>> -> memref<64x258xf32, #tpu.memory_space<vmem>>
        tpu.vector_store_idx %scatter3A_841[%and3A_757, %add3A_390], %gather3A_764 : memref<64x258xf32, #tpu.memory_space<vmem>>[vector<16xi32>, vector<16xi32>], vector<16xf32>,
        %add3A_842 = arith.constant 26 : i32
        %add3A_843 = vector.broadcast %add3A_842 : i32 to vector<16xi32>
        %add3A_844 = arith.addi %iota3A_314, %add3A_843 : vector<16xi32>
        %and3A_845 = arith.constant 63 : i32
        %and3A_846 = vector.broadcast %and3A_845 : i32 to vector<16xi32>
        %and3A_847 = arith.andi %add3A_844, %and3A_846 : vector<16xi32>
        %add3A_848 = arith.addi %get3A_395, %and3A_847 : vector<16xi32>
        %gather3A_849 = arith.constant 1 : i32
        %gather3A_850 = arith.constant 0 : i32
        %gather3A_851 = arith.constant 0 : i32
        %gather3A_852 = tpu.memref_slice %arg9[%gather3A_849, %gather3A_850, %gather3A_851] : memref<2x256x128xf32, #tpu.memory_space<vmem>> -> memref<1x256x128xf32, #tpu.memory_space<vmem>>
        %gather3A_853 = tpu.memref_squeeze %gather3A_852 : memref<1x256x128xf32, #tpu.memory_space<vmem>> -> memref<256x128xf32, #tpu.memory_space<vmem>>
        %gather3A_854 = tpu.vector_load_idx %gather3A_853[%add3A_390, %add3A_848] : memref<256x128xf32, #tpu.memory_space<vmem>>[vector<16xi32>, vector<16xi32>], vector<16xf32>,
        %scatter3A_855 = arith.constant 1 : i32
        %scatter3A_856 = arith.constant 0 : i32
        %scatter3A_857 = arith.constant 0 : i32
        %scatter3A_858 = tpu.memref_slice %arg10[%scatter3A_855, %scatter3A_856, %scatter3A_857] : memref<2x64x258xf32, #tpu.memory_space<vmem>> -> memref<1x64x258xf32, #tpu.memory_space<vmem>>
        %scatter3A_859 = tpu.memref_squeeze %scatter3A_858 : memref<1x64x258xf32, #tpu.memory_space<vmem>> -> memref<64x258xf32, #tpu.memory_space<vmem>>
        tpu.vector_store_idx %scatter3A_859[%and3A_775, %add3A_390], %gather3A_782 : memref<64x258xf32, #tpu.memory_space<vmem>>[vector<16xi32>, vector<16xi32>], vector<16xf32>,
        %add3A_860 = arith.constant 27 : i32
        %add3A_861 = vector.broadcast %add3A_860 : i32 to vector<16xi32>
        %add3A_862 = arith.addi %iota3A_314, %add3A_861 : vector<16xi32>
        %and3A_863 = arith.constant 63 : i32
        %and3A_864 = vector.broadcast %and3A_863 : i32 to vector<16xi32>
        %and3A_865 = arith.andi %add3A_862, %and3A_864 : vector<16xi32>
        %add3A_866 = arith.addi %get3A_395, %and3A_865 : vector<16xi32>
        %gather3A_867 = arith.constant 1 : i32
        %gather3A_868 = arith.constant 0 : i32
        %gather3A_869 = arith.constant 0 : i32
        %gather3A_870 = tpu.memref_slice %arg9[%gather3A_867, %gather3A_868, %gather3A_869] : memref<2x256x128xf32, #tpu.memory_space<vmem>> -> memref<1x256x128xf32, #tpu.memory_space<vmem>>
        %gather3A_871 = tpu.memref_squeeze %gather3A_870 : memref<1x256x128xf32, #tpu.memory_space<vmem>> -> memref<256x128xf32, #tpu.memory_space<vmem>>
        %gather3A_872 = tpu.vector_load_idx %gather3A_871[%add3A_390, %add3A_866] : memref<256x128xf32, #tpu.memory_space<vmem>>[vector<16xi32>, vector<16xi32>], vector<16xf32>,
        %scatter3A_873 = arith.constant 1 : i32
        %scatter3A_874 = arith.constant 0 : i32
        %scatter3A_875 = arith.constant 0 : i32
        %scatter3A_876 = tpu.memref_slice %arg10[%scatter3A_873, %scatter3A_874, %scatter3A_875] : memref<2x64x258xf32, #tpu.memory_space<vmem>> -> memref<1x64x258xf32, #tpu.memory_space<vmem>>
        %scatter3A_877 = tpu.memref_squeeze %scatter3A_876 : memref<1x64x258xf32, #tpu.memory_space<vmem>> -> memref<64x258xf32, #tpu.memory_space<vmem>>
        tpu.vector_store_idx %scatter3A_877[%and3A_793, %add3A_390], %gather3A_800 : memref<64x258xf32, #tpu.memory_space<vmem>>[vector<16xi32>, vector<16xi32>], vector<16xf32>,
        %add3A_878 = arith.constant 28 : i32
        %add3A_879 = vector.broadcast %add3A_878 : i32 to vector<16xi32>
        %add3A_880 = arith.addi %iota3A_314, %add3A_879 : vector<16xi32>
        %and3A_881 = arith.constant 63 : i32
        %and3A_882 = vector.broadcast %and3A_881 : i32 to vector<16xi32>
        %and3A_883 = arith.andi %add3A_880, %and3A_882 : vector<16xi32>
        %add3A_884 = arith.addi %get3A_395, %and3A_883 : vector<16xi32>
        %gather3A_885 = arith.constant 1 : i32
        %gather3A_886 = arith.constant 0 : i32
        %gather3A_887 = arith.constant 0 : i32
        %gather3A_888 = tpu.memref_slice %arg9[%gather3A_885, %gather3A_886, %gather3A_887] : memref<2x256x128xf32, #tpu.memory_space<vmem>> -> memref<1x256x128xf32, #tpu.memory_space<vmem>>
        %gather3A_889 = tpu.memref_squeeze %gather3A_888 : memref<1x256x128xf32, #tpu.memory_space<vmem>> -> memref<256x128xf32, #tpu.memory_space<vmem>>
        %gather3A_890 = tpu.vector_load_idx %gather3A_889[%add3A_390, %add3A_884] : memref<256x128xf32, #tpu.memory_space<vmem>>[vector<16xi32>, vector<16xi32>], vector<16xf32>,
        %scatter3A_891 = arith.constant 1 : i32
        %scatter3A_892 = arith.constant 0 : i32
        %scatter3A_893 = arith.constant 0 : i32
        %scatter3A_894 = tpu.memref_slice %arg10[%scatter3A_891, %scatter3A_892, %scatter3A_893] : memref<2x64x258xf32, #tpu.memory_space<vmem>> -> memref<1x64x258xf32, #tpu.memory_space<vmem>>
        %scatter3A_895 = tpu.memref_squeeze %scatter3A_894 : memref<1x64x258xf32, #tpu.memory_space<vmem>> -> memref<64x258xf32, #tpu.memory_space<vmem>>
        tpu.vector_store_idx %scatter3A_895[%and3A_811, %add3A_390], %gather3A_818 : memref<64x258xf32, #tpu.memory_space<vmem>>[vector<16xi32>, vector<16xi32>], vector<16xf32>,
        %add3A_896 = arith.constant 29 : i32
        %add3A_897 = vector.broadcast %add3A_896 : i32 to vector<16xi32>
        %add3A_898 = arith.addi %iota3A_314, %add3A_897 : vector<16xi32>
        %and3A_899 = arith.constant 63 : i32
        %and3A_900 = vector.broadcast %and3A_899 : i32 to vector<16xi32>
        %and3A_901 = arith.andi %add3A_898, %and3A_900 : vector<16xi32>
        %add3A_902 = arith.addi %get3A_395, %and3A_901 : vector<16xi32>
        %gather3A_903 = arith.constant 1 : i32
        %gather3A_904 = arith.constant 0 : i32
        %gather3A_905 = arith.constant 0 : i32
        %gather3A_906 = tpu.memref_slice %arg9[%gather3A_903, %gather3A_904, %gather3A_905] : memref<2x256x128xf32, #tpu.memory_space<vmem>> -> memref<1x256x128xf32, #tpu.memory_space<vmem>>
        %gather3A_907 = tpu.memref_squeeze %gather3A_906 : memref<1x256x128xf32, #tpu.memory_space<vmem>> -> memref<256x128xf32, #tpu.memory_space<vmem>>
        %gather3A_908 = tpu.vector_load_idx %gather3A_907[%add3A_390, %add3A_902] : memref<256x128xf32, #tpu.memory_space<vmem>>[vector<16xi32>, vector<16xi32>], vector<16xf32>,
        %scatter3A_909 = arith.constant 1 : i32
        %scatter3A_910 = arith.constant 0 : i32
        %scatter3A_911 = arith.constant 0 : i32
        %scatter3A_912 = tpu.memref_slice %arg10[%scatter3A_909, %scatter3A_910, %scatter3A_911] : memref<2x64x258xf32, #tpu.memory_space<vmem>> -> memref<1x64x258xf32, #tpu.memory_space<vmem>>
        %scatter3A_913 = tpu.memref_squeeze %scatter3A_912 : memref<1x64x258xf32, #tpu.memory_space<vmem>> -> memref<64x258xf32, #tpu.memory_space<vmem>>
        tpu.vector_store_idx %scatter3A_913[%and3A_829, %add3A_390], %gather3A_836 : memref<64x258xf32, #tpu.memory_space<vmem>>[vector<16xi32>, vector<16xi32>], vector<16xf32>,
        %add3A_914 = arith.constant 30 : i32
        %add3A_915 = vector.broadcast %add3A_914 : i32 to vector<16xi32>
        %add3A_916 = arith.addi %iota3A_314, %add3A_915 : vector<16xi32>
        %and3A_917 = arith.constant 63 : i32
        %and3A_918 = vector.broadcast %and3A_917 : i32 to vector<16xi32>
        %and3A_919 = arith.andi %add3A_916, %and3A_918 : vector<16xi32>
        %add3A_920 = arith.addi %get3A_395, %and3A_919 : vector<16xi32>
        %gather3A_921 = arith.constant 1 : i32
        %gather3A_922 = arith.constant 0 : i32
        %gather3A_923 = arith.constant 0 : i32
        %gather3A_924 = tpu.memref_slice %arg9[%gather3A_921, %gather3A_922, %gather3A_923] : memref<2x256x128xf32, #tpu.memory_space<vmem>> -> memref<1x256x128xf32, #tpu.memory_space<vmem>>
        %gather3A_925 = tpu.memref_squeeze %gather3A_924 : memref<1x256x128xf32, #tpu.memory_space<vmem>> -> memref<256x128xf32, #tpu.memory_space<vmem>>
        %gather3A_926 = tpu.vector_load_idx %gather3A_925[%add3A_390, %add3A_920] : memref<256x128xf32, #tpu.memory_space<vmem>>[vector<16xi32>, vector<16xi32>], vector<16xf32>,
        %scatter3A_927 = arith.constant 1 : i32
        %scatter3A_928 = arith.constant 0 : i32
        %scatter3A_929 = arith.constant 0 : i32
        %scatter3A_930 = tpu.memref_slice %arg10[%scatter3A_927, %scatter3A_928, %scatter3A_929] : memref<2x64x258xf32, #tpu.memory_space<vmem>> -> memref<1x64x258xf32, #tpu.memory_space<vmem>>
        %scatter3A_931 = tpu.memref_squeeze %scatter3A_930 : memref<1x64x258xf32, #tpu.memory_space<vmem>> -> memref<64x258xf32, #tpu.memory_space<vmem>>
        tpu.vector_store_idx %scatter3A_931[%and3A_847, %add3A_390], %gather3A_854 : memref<64x258xf32, #tpu.memory_space<vmem>>[vector<16xi32>, vector<16xi32>], vector<16xf32>,
        %add3A_932 = arith.constant 31 : i32
        %add3A_933 = vector.broadcast %add3A_932 : i32 to vector<16xi32>
        %add3A_934 = arith.addi %iota3A_314, %add3A_933 : vector<16xi32>
        %and3A_935 = arith.constant 63 : i32
        %and3A_936 = vector.broadcast %and3A_935 : i32 to vector<16xi32>
        %and3A_937 = arith.andi %add3A_934, %and3A_936 : vector<16xi32>
        %add3A_938 = arith.addi %get3A_395, %and3A_937 : vector<16xi32>
        %gather3A_939 = arith.constant 1 : i32
        %gather3A_940 = arith.constant 0 : i32
        %gather3A_941 = arith.constant 0 : i32
        %gather3A_942 = tpu.memref_slice %arg9[%gather3A_939, %gather3A_940, %gather3A_941] : memref<2x256x128xf32, #tpu.memory_space<vmem>> -> memref<1x256x128xf32, #tpu.memory_space<vmem>>
        %gather3A_943 = tpu.memref_squeeze %gather3A_942 : memref<1x256x128xf32, #tpu.memory_space<vmem>> -> memref<256x128xf32, #tpu.memory_space<vmem>>
        %gather3A_944 = tpu.vector_load_idx %gather3A_943[%add3A_390, %add3A_938] : memref<256x128xf32, #tpu.memory_space<vmem>>[vector<16xi32>, vector<16xi32>], vector<16xf32>,
        %scatter3A_945 = arith.constant 1 : i32
        %scatter3A_946 = arith.constant 0 : i32
        %scatter3A_947 = arith.constant 0 : i32
        %scatter3A_948 = tpu.memref_slice %arg10[%scatter3A_945, %scatter3A_946, %scatter3A_947] : memref<2x64x258xf32, #tpu.memory_space<vmem>> -> memref<1x64x258xf32, #tpu.memory_space<vmem>>
        %scatter3A_949 = tpu.memref_squeeze %scatter3A_948 : memref<1x64x258xf32, #tpu.memory_space<vmem>> -> memref<64x258xf32, #tpu.memory_space<vmem>>
        tpu.vector_store_idx %scatter3A_949[%and3A_865, %add3A_390], %gather3A_872 : memref<64x258xf32, #tpu.memory_space<vmem>>[vector<16xi32>, vector<16xi32>], vector<16xf32>,
        %add3A_950 = arith.constant 32 : i32
        %add3A_951 = vector.broadcast %add3A_950 : i32 to vector<16xi32>
        %add3A_952 = arith.addi %iota3A_314, %add3A_951 : vector<16xi32>
        %and3A_953 = arith.constant 63 : i32
        %and3A_954 = vector.broadcast %and3A_953 : i32 to vector<16xi32>
        %and3A_955 = arith.andi %add3A_952, %and3A_954 : vector<16xi32>
        %add3A_956 = arith.addi %get3A_395, %and3A_955 : vector<16xi32>
        %gather3A_957 = arith.constant 1 : i32
        %gather3A_958 = arith.constant 0 : i32
        %gather3A_959 = arith.constant 0 : i32
        %gather3A_960 = tpu.memref_slice %arg9[%gather3A_957, %gather3A_958, %gather3A_959] : memref<2x256x128xf32, #tpu.memory_space<vmem>> -> memref<1x256x128xf32, #tpu.memory_space<vmem>>
        %gather3A_961 = tpu.memref_squeeze %gather3A_960 : memref<1x256x128xf32, #tpu.memory_space<vmem>> -> memref<256x128xf32, #tpu.memory_space<vmem>>
        %gather3A_962 = tpu.vector_load_idx %gather3A_961[%add3A_390, %add3A_956] : memref<256x128xf32, #tpu.memory_space<vmem>>[vector<16xi32>, vector<16xi32>], vector<16xf32>,
        %scatter3A_963 = arith.constant 1 : i32
        %scatter3A_964 = arith.constant 0 : i32
        %scatter3A_965 = arith.constant 0 : i32
        %scatter3A_966 = tpu.memref_slice %arg10[%scatter3A_963, %scatter3A_964, %scatter3A_965] : memref<2x64x258xf32, #tpu.memory_space<vmem>> -> memref<1x64x258xf32, #tpu.memory_space<vmem>>
        %scatter3A_967 = tpu.memref_squeeze %scatter3A_966 : memref<1x64x258xf32, #tpu.memory_space<vmem>> -> memref<64x258xf32, #tpu.memory_space<vmem>>
        tpu.vector_store_idx %scatter3A_967[%and3A_883, %add3A_390], %gather3A_890 : memref<64x258xf32, #tpu.memory_space<vmem>>[vector<16xi32>, vector<16xi32>], vector<16xf32>,
        %add3A_968 = arith.constant 33 : i32
        %add3A_969 = vector.broadcast %add3A_968 : i32 to vector<16xi32>
        %add3A_970 = arith.addi %iota3A_314, %add3A_969 : vector<16xi32>
        %and3A_971 = arith.constant 63 : i32
        %and3A_972 = vector.broadcast %and3A_971 : i32 to vector<16xi32>
        %and3A_973 = arith.andi %add3A_970, %and3A_972 : vector<16xi32>
        %add3A_974 = arith.addi %get3A_395, %and3A_973 : vector<16xi32>
        %gather3A_975 = arith.constant 1 : i32
        %gather3A_976 = arith.constant 0 : i32
        %gather3A_977 = arith.constant 0 : i32
        %gather3A_978 = tpu.memref_slice %arg9[%gather3A_975, %gather3A_976, %gather3A_977] : memref<2x256x128xf32, #tpu.memory_space<vmem>> -> memref<1x256x128xf32, #tpu.memory_space<vmem>>
        %gather3A_979 = tpu.memref_squeeze %gather3A_978 : memref<1x256x128xf32, #tpu.memory_space<vmem>> -> memref<256x128xf32, #tpu.memory_space<vmem>>
        %gather3A_980 = tpu.vector_load_idx %gather3A_979[%add3A_390, %add3A_974] : memref<256x128xf32, #tpu.memory_space<vmem>>[vector<16xi32>, vector<16xi32>], vector<16xf32>,
        %scatter3A_981 = arith.constant 1 : i32
        %scatter3A_982 = arith.constant 0 : i32
        %scatter3A_983 = arith.constant 0 : i32
        %scatter3A_984 = tpu.memref_slice %arg10[%scatter3A_981, %scatter3A_982, %scatter3A_983] : memref<2x64x258xf32, #tpu.memory_space<vmem>> -> memref<1x64x258xf32, #tpu.memory_space<vmem>>
        %scatter3A_985 = tpu.memref_squeeze %scatter3A_984 : memref<1x64x258xf32, #tpu.memory_space<vmem>> -> memref<64x258xf32, #tpu.memory_space<vmem>>
        tpu.vector_store_idx %scatter3A_985[%and3A_901, %add3A_390], %gather3A_908 : memref<64x258xf32, #tpu.memory_space<vmem>>[vector<16xi32>, vector<16xi32>], vector<16xf32>,
        %add3A_986 = arith.constant 34 : i32
        %add3A_987 = vector.broadcast %add3A_986 : i32 to vector<16xi32>
        %add3A_988 = arith.addi %iota3A_314, %add3A_987 : vector<16xi32>
        %and3A_989 = arith.constant 63 : i32
        %and3A_990 = vector.broadcast %and3A_989 : i32 to vector<16xi32>
        %and3A_991 = arith.andi %add3A_988, %and3A_990 : vector<16xi32>
        %add3A_992 = arith.addi %get3A_395, %and3A_991 : vector<16xi32>
        %gather3A_993 = arith.constant 1 : i32
        %gather3A_994 = arith.constant 0 : i32
        %gather3A_995 = arith.constant 0 : i32
        %gather3A_996 = tpu.memref_slice %arg9[%gather3A_993, %gather3A_994, %gather3A_995] : memref<2x256x128xf32, #tpu.memory_space<vmem>> -> memref<1x256x128xf32, #tpu.memory_space<vmem>>
        %gather3A_997 = tpu.memref_squeeze %gather3A_996 : memref<1x256x128xf32, #tpu.memory_space<vmem>> -> memref<256x128xf32, #tpu.memory_space<vmem>>
        %gather3A_998 = tpu.vector_load_idx %gather3A_997[%add3A_390, %add3A_992] : memref<256x128xf32, #tpu.memory_space<vmem>>[vector<16xi32>, vector<16xi32>], vector<16xf32>,
        %scatter3A_999 = arith.constant 1 : i32
        %scatter3A_1000 = arith.constant 0 : i32
        %scatter3A_1001 = arith.constant 0 : i32
        %scatter3A_1002 = tpu.memref_slice %arg10[%scatter3A_999, %scatter3A_1000, %scatter3A_1001] : memref<2x64x258xf32, #tpu.memory_space<vmem>> -> memref<1x64x258xf32, #tpu.memory_space<vmem>>
        %scatter3A_1003 = tpu.memref_squeeze %scatter3A_1002 : memref<1x64x258xf32, #tpu.memory_space<vmem>> -> memref<64x258xf32, #tpu.memory_space<vmem>>
        tpu.vector_store_idx %scatter3A_1003[%and3A_919, %add3A_390], %gather3A_926 : memref<64x258xf32, #tpu.memory_space<vmem>>[vector<16xi32>, vector<16xi32>], vector<16xf32>,
        %add3A_1004 = arith.constant 35 : i32
        %add3A_1005 = vector.broadcast %add3A_1004 : i32 to vector<16xi32>
        %add3A_1006 = arith.addi %iota3A_314, %add3A_1005 : vector<16xi32>
        %and3A_1007 = arith.constant 63 : i32
        %and3A_1008 = vector.broadcast %and3A_1007 : i32 to vector<16xi32>
        %and3A_1009 = arith.andi %add3A_1006, %and3A_1008 : vector<16xi32>
        %add3A_1010 = arith.addi %get3A_395, %and3A_1009 : vector<16xi32>
        %gather3A_1011 = arith.constant 1 : i32
        %gather3A_1012 = arith.constant 0 : i32
        %gather3A_1013 = arith.constant 0 : i32
        %gather3A_1014 = tpu.memref_slice %arg9[%gather3A_1011, %gather3A_1012, %gather3A_1013] : memref<2x256x128xf32, #tpu.memory_space<vmem>> -> memref<1x256x128xf32, #tpu.memory_space<vmem>>
        %gather3A_1015 = tpu.memref_squeeze %gather3A_1014 : memref<1x256x128xf32, #tpu.memory_space<vmem>> -> memref<256x128xf32, #tpu.memory_space<vmem>>
        %gather3A_1016 = tpu.vector_load_idx %gather3A_1015[%add3A_390, %add3A_1010] : memref<256x128xf32, #tpu.memory_space<vmem>>[vector<16xi32>, vector<16xi32>], vector<16xf32>,
        %scatter3A_1017 = arith.constant 1 : i32
        %scatter3A_1018 = arith.constant 0 : i32
        %scatter3A_1019 = arith.constant 0 : i32
        %scatter3A_1020 = tpu.memref_slice %arg10[%scatter3A_1017, %scatter3A_1018, %scatter3A_1019] : memref<2x64x258xf32, #tpu.memory_space<vmem>> -> memref<1x64x258xf32, #tpu.memory_space<vmem>>
        %scatter3A_1021 = tpu.memref_squeeze %scatter3A_1020 : memref<1x64x258xf32, #tpu.memory_space<vmem>> -> memref<64x258xf32, #tpu.memory_space<vmem>>
        tpu.vector_store_idx %scatter3A_1021[%and3A_937, %add3A_390], %gather3A_944 : memref<64x258xf32, #tpu.memory_space<vmem>>[vector<16xi32>, vector<16xi32>], vector<16xf32>,
        %add3A_1022 = arith.constant 36 : i32
        %add3A_1023 = vector.broadcast %add3A_1022 : i32 to vector<16xi32>
        %add3A_1024 = arith.addi %iota3A_314, %add3A_1023 : vector<16xi32>
        %and3A_1025 = arith.constant 63 : i32
        %and3A_1026 = vector.broadcast %and3A_1025 : i32 to vector<16xi32>
        %and3A_1027 = arith.andi %add3A_1024, %and3A_1026 : vector<16xi32>
        %add3A_1028 = arith.addi %get3A_395, %and3A_1027 : vector<16xi32>
        %gather3A_1029 = arith.constant 1 : i32
        %gather3A_1030 = arith.constant 0 : i32
        %gather3A_1031 = arith.constant 0 : i32
        %gather3A_1032 = tpu.memref_slice %arg9[%gather3A_1029, %gather3A_1030, %gather3A_1031] : memref<2x256x128xf32, #tpu.memory_space<vmem>> -> memref<1x256x128xf32, #tpu.memory_space<vmem>>
        %gather3A_1033 = tpu.memref_squeeze %gather3A_1032 : memref<1x256x128xf32, #tpu.memory_space<vmem>> -> memref<256x128xf32, #tpu.memory_space<vmem>>
        %gather3A_1034 = tpu.vector_load_idx %gather3A_1033[%add3A_390, %add3A_1028] : memref<256x128xf32, #tpu.memory_space<vmem>>[vector<16xi32>, vector<16xi32>], vector<16xf32>,
        %scatter3A_1035 = arith.constant 1 : i32
        %scatter3A_1036 = arith.constant 0 : i32
        %scatter3A_1037 = arith.constant 0 : i32
        %scatter3A_1038 = tpu.memref_slice %arg10[%scatter3A_1035, %scatter3A_1036, %scatter3A_1037] : memref<2x64x258xf32, #tpu.memory_space<vmem>> -> memref<1x64x258xf32, #tpu.memory_space<vmem>>
        %scatter3A_1039 = tpu.memref_squeeze %scatter3A_1038 : memref<1x64x258xf32, #tpu.memory_space<vmem>> -> memref<64x258xf32, #tpu.memory_space<vmem>>
        tpu.vector_store_idx %scatter3A_1039[%and3A_955, %add3A_390], %gather3A_962 : memref<64x258xf32, #tpu.memory_space<vmem>>[vector<16xi32>, vector<16xi32>], vector<16xf32>,
        %add3A_1040 = arith.constant 37 : i32
        %add3A_1041 = vector.broadcast %add3A_1040 : i32 to vector<16xi32>
        %add3A_1042 = arith.addi %iota3A_314, %add3A_1041 : vector<16xi32>
        %and3A_1043 = arith.constant 63 : i32
        %and3A_1044 = vector.broadcast %and3A_1043 : i32 to vector<16xi32>
        %and3A_1045 = arith.andi %add3A_1042, %and3A_1044 : vector<16xi32>
        %add3A_1046 = arith.addi %get3A_395, %and3A_1045 : vector<16xi32>
        %gather3A_1047 = arith.constant 1 : i32
        %gather3A_1048 = arith.constant 0 : i32
        %gather3A_1049 = arith.constant 0 : i32
        %gather3A_1050 = tpu.memref_slice %arg9[%gather3A_1047, %gather3A_1048, %gather3A_1049] : memref<2x256x128xf32, #tpu.memory_space<vmem>> -> memref<1x256x128xf32, #tpu.memory_space<vmem>>
        %gather3A_1051 = tpu.memref_squeeze %gather3A_1050 : memref<1x256x128xf32, #tpu.memory_space<vmem>> -> memref<256x128xf32, #tpu.memory_space<vmem>>
        %gather3A_1052 = tpu.vector_load_idx %gather3A_1051[%add3A_390, %add3A_1046] : memref<256x128xf32, #tpu.memory_space<vmem>>[vector<16xi32>, vector<16xi32>], vector<16xf32>,
        %scatter3A_1053 = arith.constant 1 : i32
        %scatter3A_1054 = arith.constant 0 : i32
        %scatter3A_1055 = arith.constant 0 : i32
        %scatter3A_1056 = tpu.memref_slice %arg10[%scatter3A_1053, %scatter3A_1054, %scatter3A_1055] : memref<2x64x258xf32, #tpu.memory_space<vmem>> -> memref<1x64x258xf32, #tpu.memory_space<vmem>>
        %scatter3A_1057 = tpu.memref_squeeze %scatter3A_1056 : memref<1x64x258xf32, #tpu.memory_space<vmem>> -> memref<64x258xf32, #tpu.memory_space<vmem>>
        tpu.vector_store_idx %scatter3A_1057[%and3A_973, %add3A_390], %gather3A_980 : memref<64x258xf32, #tpu.memory_space<vmem>>[vector<16xi32>, vector<16xi32>], vector<16xf32>,
        %add3A_1058 = arith.constant 38 : i32
        %add3A_1059 = vector.broadcast %add3A_1058 : i32 to vector<16xi32>
        %add3A_1060 = arith.addi %iota3A_314, %add3A_1059 : vector<16xi32>
        %and3A_1061 = arith.constant 63 : i32
        %and3A_1062 = vector.broadcast %and3A_1061 : i32 to vector<16xi32>
        %and3A_1063 = arith.andi %add3A_1060, %and3A_1062 : vector<16xi32>
        %add3A_1064 = arith.addi %get3A_395, %and3A_1063 : vector<16xi32>
        %gather3A_1065 = arith.constant 1 : i32
        %gather3A_1066 = arith.constant 0 : i32
        %gather3A_1067 = arith.constant 0 : i32
        %gather3A_1068 = tpu.memref_slice %arg9[%gather3A_1065, %gather3A_1066, %gather3A_1067] : memref<2x256x128xf32, #tpu.memory_space<vmem>> -> memref<1x256x128xf32, #tpu.memory_space<vmem>>
        %gather3A_1069 = tpu.memref_squeeze %gather3A_1068 : memref<1x256x128xf32, #tpu.memory_space<vmem>> -> memref<256x128xf32, #tpu.memory_space<vmem>>
        %gather3A_1070 = tpu.vector_load_idx %gather3A_1069[%add3A_390, %add3A_1064] : memref<256x128xf32, #tpu.memory_space<vmem>>[vector<16xi32>, vector<16xi32>], vector<16xf32>,
        %scatter3A_1071 = arith.constant 1 : i32
        %scatter3A_1072 = arith.constant 0 : i32
        %scatter3A_1073 = arith.constant 0 : i32
        %scatter3A_1074 = tpu.memref_slice %arg10[%scatter3A_1071, %scatter3A_1072, %scatter3A_1073] : memref<2x64x258xf32, #tpu.memory_space<vmem>> -> memref<1x64x258xf32, #tpu.memory_space<vmem>>
        %scatter3A_1075 = tpu.memref_squeeze %scatter3A_1074 : memref<1x64x258xf32, #tpu.memory_space<vmem>> -> memref<64x258xf32, #tpu.memory_space<vmem>>
        tpu.vector_store_idx %scatter3A_1075[%and3A_991, %add3A_390], %gather3A_998 : memref<64x258xf32, #tpu.memory_space<vmem>>[vector<16xi32>, vector<16xi32>], vector<16xf32>,
        %add3A_1076 = arith.constant 39 : i32
        %add3A_1077 = vector.broadcast %add3A_1076 : i32 to vector<16xi32>
        %add3A_1078 = arith.addi %iota3A_314, %add3A_1077 : vector<16xi32>
        %and3A_1079 = arith.constant 63 : i32
        %and3A_1080 = vector.broadcast %and3A_1079 : i32 to vector<16xi32>
        %and3A_1081 = arith.andi %add3A_1078, %and3A_1080 : vector<16xi32>
        %add3A_1082 = arith.addi %get3A_395, %and3A_1081 : vector<16xi32>
        %gather3A_1083 = arith.constant 1 : i32
        %gather3A_1084 = arith.constant 0 : i32
        %gather3A_1085 = arith.constant 0 : i32
        %gather3A_1086 = tpu.memref_slice %arg9[%gather3A_1083, %gather3A_1084, %gather3A_1085] : memref<2x256x128xf32, #tpu.memory_space<vmem>> -> memref<1x256x128xf32, #tpu.memory_space<vmem>>
        %gather3A_1087 = tpu.memref_squeeze %gather3A_1086 : memref<1x256x128xf32, #tpu.memory_space<vmem>> -> memref<256x128xf32, #tpu.memory_space<vmem>>
        %gather3A_1088 = tpu.vector_load_idx %gather3A_1087[%add3A_390, %add3A_1082] : memref<256x128xf32, #tpu.memory_space<vmem>>[vector<16xi32>, vector<16xi32>], vector<16xf32>,
        %scatter3A_1089 = arith.constant 1 : i32
        %scatter3A_1090 = arith.constant 0 : i32
        %scatter3A_1091 = arith.constant 0 : i32
        %scatter3A_1092 = tpu.memref_slice %arg10[%scatter3A_1089, %scatter3A_1090, %scatter3A_1091] : memref<2x64x258xf32, #tpu.memory_space<vmem>> -> memref<1x64x258xf32, #tpu.memory_space<vmem>>
        %scatter3A_1093 = tpu.memref_squeeze %scatter3A_1092 : memref<1x64x258xf32, #tpu.memory_space<vmem>> -> memref<64x258xf32, #tpu.memory_space<vmem>>
        tpu.vector_store_idx %scatter3A_1093[%and3A_1009, %add3A_390], %gather3A_1016 : memref<64x258xf32, #tpu.memory_space<vmem>>[vector<16xi32>, vector<16xi32>], vector<16xf32>,
        %add3A_1094 = arith.constant 40 : i32
        %add3A_1095 = vector.broadcast %add3A_1094 : i32 to vector<16xi32>
        %add3A_1096 = arith.addi %iota3A_314, %add3A_1095 : vector<16xi32>
        %and3A_1097 = arith.constant 63 : i32
        %and3A_1098 = vector.broadcast %and3A_1097 : i32 to vector<16xi32>
        %and3A_1099 = arith.andi %add3A_1096, %and3A_1098 : vector<16xi32>
        %add3A_1100 = arith.addi %get3A_395, %and3A_1099 : vector<16xi32>
        %gather3A_1101 = arith.constant 1 : i32
        %gather3A_1102 = arith.constant 0 : i32
        %gather3A_1103 = arith.constant 0 : i32
        %gather3A_1104 = tpu.memref_slice %arg9[%gather3A_1101, %gather3A_1102, %gather3A_1103] : memref<2x256x128xf32, #tpu.memory_space<vmem>> -> memref<1x256x128xf32, #tpu.memory_space<vmem>>
        %gather3A_1105 = tpu.memref_squeeze %gather3A_1104 : memref<1x256x128xf32, #tpu.memory_space<vmem>> -> memref<256x128xf32, #tpu.memory_space<vmem>>
        %gather3A_1106 = tpu.vector_load_idx %gather3A_1105[%add3A_390, %add3A_1100] : memref<256x128xf32, #tpu.memory_space<vmem>>[vector<16xi32>, vector<16xi32>], vector<16xf32>,
        %scatter3A_1107 = arith.constant 1 : i32
        %scatter3A_1108 = arith.constant 0 : i32
        %scatter3A_1109 = arith.constant 0 : i32
        %scatter3A_1110 = tpu.memref_slice %arg10[%scatter3A_1107, %scatter3A_1108, %scatter3A_1109] : memref<2x64x258xf32, #tpu.memory_space<vmem>> -> memref<1x64x258xf32, #tpu.memory_space<vmem>>
        %scatter3A_1111 = tpu.memref_squeeze %scatter3A_1110 : memref<1x64x258xf32, #tpu.memory_space<vmem>> -> memref<64x258xf32, #tpu.memory_space<vmem>>
        tpu.vector_store_idx %scatter3A_1111[%and3A_1027, %add3A_390], %gather3A_1034 : memref<64x258xf32, #tpu.memory_space<vmem>>[vector<16xi32>, vector<16xi32>], vector<16xf32>,
        %add3A_1112 = arith.constant 41 : i32
        %add3A_1113 = vector.broadcast %add3A_1112 : i32 to vector<16xi32>
        %add3A_1114 = arith.addi %iota3A_314, %add3A_1113 : vector<16xi32>
        %and3A_1115 = arith.constant 63 : i32
        %and3A_1116 = vector.broadcast %and3A_1115 : i32 to vector<16xi32>
        %and3A_1117 = arith.andi %add3A_1114, %and3A_1116 : vector<16xi32>
        %add3A_1118 = arith.addi %get3A_395, %and3A_1117 : vector<16xi32>
        %gather3A_1119 = arith.constant 1 : i32
        %gather3A_1120 = arith.constant 0 : i32
        %gather3A_1121 = arith.constant 0 : i32
        %gather3A_1122 = tpu.memref_slice %arg9[%gather3A_1119, %gather3A_1120, %gather3A_1121] : memref<2x256x128xf32, #tpu.memory_space<vmem>> -> memref<1x256x128xf32, #tpu.memory_space<vmem>>
        %gather3A_1123 = tpu.memref_squeeze %gather3A_1122 : memref<1x256x128xf32, #tpu.memory_space<vmem>> -> memref<256x128xf32, #tpu.memory_space<vmem>>
        %gather3A_1124 = tpu.vector_load_idx %gather3A_1123[%add3A_390, %add3A_1118] : memref<256x128xf32, #tpu.memory_space<vmem>>[vector<16xi32>, vector<16xi32>], vector<16xf32>,
        %scatter3A_1125 = arith.constant 1 : i32
        %scatter3A_1126 = arith.constant 0 : i32
        %scatter3A_1127 = arith.constant 0 : i32
        %scatter3A_1128 = tpu.memref_slice %arg10[%scatter3A_1125, %scatter3A_1126, %scatter3A_1127] : memref<2x64x258xf32, #tpu.memory_space<vmem>> -> memref<1x64x258xf32, #tpu.memory_space<vmem>>
        %scatter3A_1129 = tpu.memref_squeeze %scatter3A_1128 : memref<1x64x258xf32, #tpu.memory_space<vmem>> -> memref<64x258xf32, #tpu.memory_space<vmem>>
        tpu.vector_store_idx %scatter3A_1129[%and3A_1045, %add3A_390], %gather3A_1052 : memref<64x258xf32, #tpu.memory_space<vmem>>[vector<16xi32>, vector<16xi32>], vector<16xf32>,
        %add3A_1130 = arith.constant 42 : i32
        %add3A_1131 = vector.broadcast %add3A_1130 : i32 to vector<16xi32>
        %add3A_1132 = arith.addi %iota3A_314, %add3A_1131 : vector<16xi32>
        %and3A_1133 = arith.constant 63 : i32
        %and3A_1134 = vector.broadcast %and3A_1133 : i32 to vector<16xi32>
        %and3A_1135 = arith.andi %add3A_1132, %and3A_1134 : vector<16xi32>
        %add3A_1136 = arith.addi %get3A_395, %and3A_1135 : vector<16xi32>
        %gather3A_1137 = arith.constant 1 : i32
        %gather3A_1138 = arith.constant 0 : i32
        %gather3A_1139 = arith.constant 0 : i32
        %gather3A_1140 = tpu.memref_slice %arg9[%gather3A_1137, %gather3A_1138, %gather3A_1139] : memref<2x256x128xf32, #tpu.memory_space<vmem>> -> memref<1x256x128xf32, #tpu.memory_space<vmem>>
        %gather3A_1141 = tpu.memref_squeeze %gather3A_1140 : memref<1x256x128xf32, #tpu.memory_space<vmem>> -> memref<256x128xf32, #tpu.memory_space<vmem>>
        %gather3A_1142 = tpu.vector_load_idx %gather3A_1141[%add3A_390, %add3A_1136] : memref<256x128xf32, #tpu.memory_space<vmem>>[vector<16xi32>, vector<16xi32>], vector<16xf32>,
        %scatter3A_1143 = arith.constant 1 : i32
        %scatter3A_1144 = arith.constant 0 : i32
        %scatter3A_1145 = arith.constant 0 : i32
        %scatter3A_1146 = tpu.memref_slice %arg10[%scatter3A_1143, %scatter3A_1144, %scatter3A_1145] : memref<2x64x258xf32, #tpu.memory_space<vmem>> -> memref<1x64x258xf32, #tpu.memory_space<vmem>>
        %scatter3A_1147 = tpu.memref_squeeze %scatter3A_1146 : memref<1x64x258xf32, #tpu.memory_space<vmem>> -> memref<64x258xf32, #tpu.memory_space<vmem>>
        tpu.vector_store_idx %scatter3A_1147[%and3A_1063, %add3A_390], %gather3A_1070 : memref<64x258xf32, #tpu.memory_space<vmem>>[vector<16xi32>, vector<16xi32>], vector<16xf32>,
        %add3A_1148 = arith.constant 43 : i32
        %add3A_1149 = vector.broadcast %add3A_1148 : i32 to vector<16xi32>
        %add3A_1150 = arith.addi %iota3A_314, %add3A_1149 : vector<16xi32>
        %and3A_1151 = arith.constant 63 : i32
        %and3A_1152 = vector.broadcast %and3A_1151 : i32 to vector<16xi32>
        %and3A_1153 = arith.andi %add3A_1150, %and3A_1152 : vector<16xi32>
        %add3A_1154 = arith.addi %get3A_395, %and3A_1153 : vector<16xi32>
        %gather3A_1155 = arith.constant 1 : i32
        %gather3A_1156 = arith.constant 0 : i32
        %gather3A_1157 = arith.constant 0 : i32
        %gather3A_1158 = tpu.memref_slice %arg9[%gather3A_1155, %gather3A_1156, %gather3A_1157] : memref<2x256x128xf32, #tpu.memory_space<vmem>> -> memref<1x256x128xf32, #tpu.memory_space<vmem>>
        %gather3A_1159 = tpu.memref_squeeze %gather3A_1158 : memref<1x256x128xf32, #tpu.memory_space<vmem>> -> memref<256x128xf32, #tpu.memory_space<vmem>>
        %gather3A_1160 = tpu.vector_load_idx %gather3A_1159[%add3A_390, %add3A_1154] : memref<256x128xf32, #tpu.memory_space<vmem>>[vector<16xi32>, vector<16xi32>], vector<16xf32>,
        %scatter3A_1161 = arith.constant 1 : i32
        %scatter3A_1162 = arith.constant 0 : i32
        %scatter3A_1163 = arith.constant 0 : i32
        %scatter3A_1164 = tpu.memref_slice %arg10[%scatter3A_1161, %scatter3A_1162, %scatter3A_1163] : memref<2x64x258xf32, #tpu.memory_space<vmem>> -> memref<1x64x258xf32, #tpu.memory_space<vmem>>
        %scatter3A_1165 = tpu.memref_squeeze %scatter3A_1164 : memref<1x64x258xf32, #tpu.memory_space<vmem>> -> memref<64x258xf32, #tpu.memory_space<vmem>>
        tpu.vector_store_idx %scatter3A_1165[%and3A_1081, %add3A_390], %gather3A_1088 : memref<64x258xf32, #tpu.memory_space<vmem>>[vector<16xi32>, vector<16xi32>], vector<16xf32>,
        %add3A_1166 = arith.constant 44 : i32
        %add3A_1167 = vector.broadcast %add3A_1166 : i32 to vector<16xi32>
        %add3A_1168 = arith.addi %iota3A_314, %add3A_1167 : vector<16xi32>
        %and3A_1169 = arith.constant 63 : i32
        %and3A_1170 = vector.broadcast %and3A_1169 : i32 to vector<16xi32>
        %and3A_1171 = arith.andi %add3A_1168, %and3A_1170 : vector<16xi32>
        %add3A_1172 = arith.addi %get3A_395, %and3A_1171 : vector<16xi32>
        %gather3A_1173 = arith.constant 1 : i32
        %gather3A_1174 = arith.constant 0 : i32
        %gather3A_1175 = arith.constant 0 : i32
        %gather3A_1176 = tpu.memref_slice %arg9[%gather3A_1173, %gather3A_1174, %gather3A_1175] : memref<2x256x128xf32, #tpu.memory_space<vmem>> -> memref<1x256x128xf32, #tpu.memory_space<vmem>>
        %gather3A_1177 = tpu.memref_squeeze %gather3A_1176 : memref<1x256x128xf32, #tpu.memory_space<vmem>> -> memref<256x128xf32, #tpu.memory_space<vmem>>
        %gather3A_1178 = tpu.vector_load_idx %gather3A_1177[%add3A_390, %add3A_1172] : memref<256x128xf32, #tpu.memory_space<vmem>>[vector<16xi32>, vector<16xi32>], vector<16xf32>,
        %scatter3A_1179 = arith.constant 1 : i32
        %scatter3A_1180 = arith.constant 0 : i32
        %scatter3A_1181 = arith.constant 0 : i32
        %scatter3A_1182 = tpu.memref_slice %arg10[%scatter3A_1179, %scatter3A_1180, %scatter3A_1181] : memref<2x64x258xf32, #tpu.memory_space<vmem>> -> memref<1x64x258xf32, #tpu.memory_space<vmem>>
        %scatter3A_1183 = tpu.memref_squeeze %scatter3A_1182 : memref<1x64x258xf32, #tpu.memory_space<vmem>> -> memref<64x258xf32, #tpu.memory_space<vmem>>
        tpu.vector_store_idx %scatter3A_1183[%and3A_1099, %add3A_390], %gather3A_1106 : memref<64x258xf32, #tpu.memory_space<vmem>>[vector<16xi32>, vector<16xi32>], vector<16xf32>,
        %add3A_1184 = arith.constant 45 : i32
        %add3A_1185 = vector.broadcast %add3A_1184 : i32 to vector<16xi32>
        %add3A_1186 = arith.addi %iota3A_314, %add3A_1185 : vector<16xi32>
        %and3A_1187 = arith.constant 63 : i32
        %and3A_1188 = vector.broadcast %and3A_1187 : i32 to vector<16xi32>
        %and3A_1189 = arith.andi %add3A_1186, %and3A_1188 : vector<16xi32>
        %add3A_1190 = arith.addi %get3A_395, %and3A_1189 : vector<16xi32>
        %gather3A_1191 = arith.constant 1 : i32
        %gather3A_1192 = arith.constant 0 : i32
        %gather3A_1193 = arith.constant 0 : i32
        %gather3A_1194 = tpu.memref_slice %arg9[%gather3A_1191, %gather3A_1192, %gather3A_1193] : memref<2x256x128xf32, #tpu.memory_space<vmem>> -> memref<1x256x128xf32, #tpu.memory_space<vmem>>
        %gather3A_1195 = tpu.memref_squeeze %gather3A_1194 : memref<1x256x128xf32, #tpu.memory_space<vmem>> -> memref<256x128xf32, #tpu.memory_space<vmem>>
        %gather3A_1196 = tpu.vector_load_idx %gather3A_1195[%add3A_390, %add3A_1190] : memref<256x128xf32, #tpu.memory_space<vmem>>[vector<16xi32>, vector<16xi32>], vector<16xf32>,
        %scatter3A_1197 = arith.constant 1 : i32
        %scatter3A_1198 = arith.constant 0 : i32
        %scatter3A_1199 = arith.constant 0 : i32
        %scatter3A_1200 = tpu.memref_slice %arg10[%scatter3A_1197, %scatter3A_1198, %scatter3A_1199] : memref<2x64x258xf32, #tpu.memory_space<vmem>> -> memref<1x64x258xf32, #tpu.memory_space<vmem>>
        %scatter3A_1201 = tpu.memref_squeeze %scatter3A_1200 : memref<1x64x258xf32, #tpu.memory_space<vmem>> -> memref<64x258xf32, #tpu.memory_space<vmem>>
        tpu.vector_store_idx %scatter3A_1201[%and3A_1117, %add3A_390], %gather3A_1124 : memref<64x258xf32, #tpu.memory_space<vmem>>[vector<16xi32>, vector<16xi32>], vector<16xf32>,
        %add3A_1202 = arith.constant 46 : i32
        %add3A_1203 = vector.broadcast %add3A_1202 : i32 to vector<16xi32>
        %add3A_1204 = arith.addi %iota3A_314, %add3A_1203 : vector<16xi32>
        %and3A_1205 = arith.constant 63 : i32
        %and3A_1206 = vector.broadcast %and3A_1205 : i32 to vector<16xi32>
        %and3A_1207 = arith.andi %add3A_1204, %and3A_1206 : vector<16xi32>
        %add3A_1208 = arith.addi %get3A_395, %and3A_1207 : vector<16xi32>
        %gather3A_1209 = arith.constant 1 : i32
        %gather3A_1210 = arith.constant 0 : i32
        %gather3A_1211 = arith.constant 0 : i32
        %gather3A_1212 = tpu.memref_slice %arg9[%gather3A_1209, %gather3A_1210, %gather3A_1211] : memref<2x256x128xf32, #tpu.memory_space<vmem>> -> memref<1x256x128xf32, #tpu.memory_space<vmem>>
        %gather3A_1213 = tpu.memref_squeeze %gather3A_1212 : memref<1x256x128xf32, #tpu.memory_space<vmem>> -> memref<256x128xf32, #tpu.memory_space<vmem>>
        %gather3A_1214 = tpu.vector_load_idx %gather3A_1213[%add3A_390, %add3A_1208] : memref<256x128xf32, #tpu.memory_space<vmem>>[vector<16xi32>, vector<16xi32>], vector<16xf32>,
        %scatter3A_1215 = arith.constant 1 : i32
        %scatter3A_1216 = arith.constant 0 : i32
        %scatter3A_1217 = arith.constant 0 : i32
        %scatter3A_1218 = tpu.memref_slice %arg10[%scatter3A_1215, %scatter3A_1216, %scatter3A_1217] : memref<2x64x258xf32, #tpu.memory_space<vmem>> -> memref<1x64x258xf32, #tpu.memory_space<vmem>>
        %scatter3A_1219 = tpu.memref_squeeze %scatter3A_1218 : memref<1x64x258xf32, #tpu.memory_space<vmem>> -> memref<64x258xf32, #tpu.memory_space<vmem>>
        tpu.vector_store_idx %scatter3A_1219[%and3A_1135, %add3A_390], %gather3A_1142 : memref<64x258xf32, #tpu.memory_space<vmem>>[vector<16xi32>, vector<16xi32>], vector<16xf32>,
        %add3A_1220 = arith.constant 47 : i32
        %add3A_1221 = vector.broadcast %add3A_1220 : i32 to vector<16xi32>
        %add3A_1222 = arith.addi %iota3A_314, %add3A_1221 : vector<16xi32>
        %and3A_1223 = arith.constant 63 : i32
        %and3A_1224 = vector.broadcast %and3A_1223 : i32 to vector<16xi32>
        %and3A_1225 = arith.andi %add3A_1222, %and3A_1224 : vector<16xi32>
        %add3A_1226 = arith.addi %get3A_395, %and3A_1225 : vector<16xi32>
        %gather3A_1227 = arith.constant 1 : i32
        %gather3A_1228 = arith.constant 0 : i32
        %gather3A_1229 = arith.constant 0 : i32
        %gather3A_1230 = tpu.memref_slice %arg9[%gather3A_1227, %gather3A_1228, %gather3A_1229] : memref<2x256x128xf32, #tpu.memory_space<vmem>> -> memref<1x256x128xf32, #tpu.memory_space<vmem>>
        %gather3A_1231 = tpu.memref_squeeze %gather3A_1230 : memref<1x256x128xf32, #tpu.memory_space<vmem>> -> memref<256x128xf32, #tpu.memory_space<vmem>>
        %gather3A_1232 = tpu.vector_load_idx %gather3A_1231[%add3A_390, %add3A_1226] : memref<256x128xf32, #tpu.memory_space<vmem>>[vector<16xi32>, vector<16xi32>], vector<16xf32>,
        %scatter3A_1233 = arith.constant 1 : i32
        %scatter3A_1234 = arith.constant 0 : i32
        %scatter3A_1235 = arith.constant 0 : i32
        %scatter3A_1236 = tpu.memref_slice %arg10[%scatter3A_1233, %scatter3A_1234, %scatter3A_1235] : memref<2x64x258xf32, #tpu.memory_space<vmem>> -> memref<1x64x258xf32, #tpu.memory_space<vmem>>
        %scatter3A_1237 = tpu.memref_squeeze %scatter3A_1236 : memref<1x64x258xf32, #tpu.memory_space<vmem>> -> memref<64x258xf32, #tpu.memory_space<vmem>>
        tpu.vector_store_idx %scatter3A_1237[%and3A_1153, %add3A_390], %gather3A_1160 : memref<64x258xf32, #tpu.memory_space<vmem>>[vector<16xi32>, vector<16xi32>], vector<16xf32>,
        %add3A_1238 = arith.constant 48 : i32
        %add3A_1239 = vector.broadcast %add3A_1238 : i32 to vector<16xi32>
        %add3A_1240 = arith.addi %iota3A_314, %add3A_1239 : vector<16xi32>
        %and3A_1241 = arith.constant 63 : i32
        %and3A_1242 = vector.broadcast %and3A_1241 : i32 to vector<16xi32>
        %and3A_1243 = arith.andi %add3A_1240, %and3A_1242 : vector<16xi32>
        %add3A_1244 = arith.addi %get3A_395, %and3A_1243 : vector<16xi32>
        %gather3A_1245 = arith.constant 1 : i32
        %gather3A_1246 = arith.constant 0 : i32
        %gather3A_1247 = arith.constant 0 : i32
        %gather3A_1248 = tpu.memref_slice %arg9[%gather3A_1245, %gather3A_1246, %gather3A_1247] : memref<2x256x128xf32, #tpu.memory_space<vmem>> -> memref<1x256x128xf32, #tpu.memory_space<vmem>>
        %gather3A_1249 = tpu.memref_squeeze %gather3A_1248 : memref<1x256x128xf32, #tpu.memory_space<vmem>> -> memref<256x128xf32, #tpu.memory_space<vmem>>
        %gather3A_1250 = tpu.vector_load_idx %gather3A_1249[%add3A_390, %add3A_1244] : memref<256x128xf32, #tpu.memory_space<vmem>>[vector<16xi32>, vector<16xi32>], vector<16xf32>,
        %scatter3A_1251 = arith.constant 1 : i32
        %scatter3A_1252 = arith.constant 0 : i32
        %scatter3A_1253 = arith.constant 0 : i32
        %scatter3A_1254 = tpu.memref_slice %arg10[%scatter3A_1251, %scatter3A_1252, %scatter3A_1253] : memref<2x64x258xf32, #tpu.memory_space<vmem>> -> memref<1x64x258xf32, #tpu.memory_space<vmem>>
        %scatter3A_1255 = tpu.memref_squeeze %scatter3A_1254 : memref<1x64x258xf32, #tpu.memory_space<vmem>> -> memref<64x258xf32, #tpu.memory_space<vmem>>
        tpu.vector_store_idx %scatter3A_1255[%and3A_1171, %add3A_390], %gather3A_1178 : memref<64x258xf32, #tpu.memory_space<vmem>>[vector<16xi32>, vector<16xi32>], vector<16xf32>,
        %add3A_1256 = arith.constant 49 : i32
        %add3A_1257 = vector.broadcast %add3A_1256 : i32 to vector<16xi32>
        %add3A_1258 = arith.addi %iota3A_314, %add3A_1257 : vector<16xi32>
        %and3A_1259 = arith.constant 63 : i32
        %and3A_1260 = vector.broadcast %and3A_1259 : i32 to vector<16xi32>
        %and3A_1261 = arith.andi %add3A_1258, %and3A_1260 : vector<16xi32>
        %add3A_1262 = arith.addi %get3A_395, %and3A_1261 : vector<16xi32>
        %gather3A_1263 = arith.constant 1 : i32
        %gather3A_1264 = arith.constant 0 : i32
        %gather3A_1265 = arith.constant 0 : i32
        %gather3A_1266 = tpu.memref_slice %arg9[%gather3A_1263, %gather3A_1264, %gather3A_1265] : memref<2x256x128xf32, #tpu.memory_space<vmem>> -> memref<1x256x128xf32, #tpu.memory_space<vmem>>
        %gather3A_1267 = tpu.memref_squeeze %gather3A_1266 : memref<1x256x128xf32, #tpu.memory_space<vmem>> -> memref<256x128xf32, #tpu.memory_space<vmem>>
        %gather3A_1268 = tpu.vector_load_idx %gather3A_1267[%add3A_390, %add3A_1262] : memref<256x128xf32, #tpu.memory_space<vmem>>[vector<16xi32>, vector<16xi32>], vector<16xf32>,
        %scatter3A_1269 = arith.constant 1 : i32
        %scatter3A_1270 = arith.constant 0 : i32
        %scatter3A_1271 = arith.constant 0 : i32
        %scatter3A_1272 = tpu.memref_slice %arg10[%scatter3A_1269, %scatter3A_1270, %scatter3A_1271] : memref<2x64x258xf32, #tpu.memory_space<vmem>> -> memref<1x64x258xf32, #tpu.memory_space<vmem>>
        %scatter3A_1273 = tpu.memref_squeeze %scatter3A_1272 : memref<1x64x258xf32, #tpu.memory_space<vmem>> -> memref<64x258xf32, #tpu.memory_space<vmem>>
        tpu.vector_store_idx %scatter3A_1273[%and3A_1189, %add3A_390], %gather3A_1196 : memref<64x258xf32, #tpu.memory_space<vmem>>[vector<16xi32>, vector<16xi32>], vector<16xf32>,
        %add3A_1274 = arith.constant 50 : i32
        %add3A_1275 = vector.broadcast %add3A_1274 : i32 to vector<16xi32>
        %add3A_1276 = arith.addi %iota3A_314, %add3A_1275 : vector<16xi32>
        %and3A_1277 = arith.constant 63 : i32
        %and3A_1278 = vector.broadcast %and3A_1277 : i32 to vector<16xi32>
        %and3A_1279 = arith.andi %add3A_1276, %and3A_1278 : vector<16xi32>
        %add3A_1280 = arith.addi %get3A_395, %and3A_1279 : vector<16xi32>
        %gather3A_1281 = arith.constant 1 : i32
        %gather3A_1282 = arith.constant 0 : i32
        %gather3A_1283 = arith.constant 0 : i32
        %gather3A_1284 = tpu.memref_slice %arg9[%gather3A_1281, %gather3A_1282, %gather3A_1283] : memref<2x256x128xf32, #tpu.memory_space<vmem>> -> memref<1x256x128xf32, #tpu.memory_space<vmem>>
        %gather3A_1285 = tpu.memref_squeeze %gather3A_1284 : memref<1x256x128xf32, #tpu.memory_space<vmem>> -> memref<256x128xf32, #tpu.memory_space<vmem>>
        %gather3A_1286 = tpu.vector_load_idx %gather3A_1285[%add3A_390, %add3A_1280] : memref<256x128xf32, #tpu.memory_space<vmem>>[vector<16xi32>, vector<16xi32>], vector<16xf32>,
        %scatter3A_1287 = arith.constant 1 : i32
        %scatter3A_1288 = arith.constant 0 : i32
        %scatter3A_1289 = arith.constant 0 : i32
        %scatter3A_1290 = tpu.memref_slice %arg10[%scatter3A_1287, %scatter3A_1288, %scatter3A_1289] : memref<2x64x258xf32, #tpu.memory_space<vmem>> -> memref<1x64x258xf32, #tpu.memory_space<vmem>>
        %scatter3A_1291 = tpu.memref_squeeze %scatter3A_1290 : memref<1x64x258xf32, #tpu.memory_space<vmem>> -> memref<64x258xf32, #tpu.memory_space<vmem>>
        tpu.vector_store_idx %scatter3A_1291[%and3A_1207, %add3A_390], %gather3A_1214 : memref<64x258xf32, #tpu.memory_space<vmem>>[vector<16xi32>, vector<16xi32>], vector<16xf32>,
        %add3A_1292 = arith.constant 51 : i32
        %add3A_1293 = vector.broadcast %add3A_1292 : i32 to vector<16xi32>
        %add3A_1294 = arith.addi %iota3A_314, %add3A_1293 : vector<16xi32>
        %and3A_1295 = arith.constant 63 : i32
        %and3A_1296 = vector.broadcast %and3A_1295 : i32 to vector<16xi32>
        %and3A_1297 = arith.andi %add3A_1294, %and3A_1296 : vector<16xi32>
        %add3A_1298 = arith.addi %get3A_395, %and3A_1297 : vector<16xi32>
        %gather3A_1299 = arith.constant 1 : i32
        %gather3A_1300 = arith.constant 0 : i32
        %gather3A_1301 = arith.constant 0 : i32
        %gather3A_1302 = tpu.memref_slice %arg9[%gather3A_1299, %gather3A_1300, %gather3A_1301] : memref<2x256x128xf32, #tpu.memory_space<vmem>> -> memref<1x256x128xf32, #tpu.memory_space<vmem>>
        %gather3A_1303 = tpu.memref_squeeze %gather3A_1302 : memref<1x256x128xf32, #tpu.memory_space<vmem>> -> memref<256x128xf32, #tpu.memory_space<vmem>>
        %gather3A_1304 = tpu.vector_load_idx %gather3A_1303[%add3A_390, %add3A_1298] : memref<256x128xf32, #tpu.memory_space<vmem>>[vector<16xi32>, vector<16xi32>], vector<16xf32>,
        %scatter3A_1305 = arith.constant 1 : i32
        %scatter3A_1306 = arith.constant 0 : i32
        %scatter3A_1307 = arith.constant 0 : i32
        %scatter3A_1308 = tpu.memref_slice %arg10[%scatter3A_1305, %scatter3A_1306, %scatter3A_1307] : memref<2x64x258xf32, #tpu.memory_space<vmem>> -> memref<1x64x258xf32, #tpu.memory_space<vmem>>
        %scatter3A_1309 = tpu.memref_squeeze %scatter3A_1308 : memref<1x64x258xf32, #tpu.memory_space<vmem>> -> memref<64x258xf32, #tpu.memory_space<vmem>>
        tpu.vector_store_idx %scatter3A_1309[%and3A_1225, %add3A_390], %gather3A_1232 : memref<64x258xf32, #tpu.memory_space<vmem>>[vector<16xi32>, vector<16xi32>], vector<16xf32>,
        %add3A_1310 = arith.constant 52 : i32
        %add3A_1311 = vector.broadcast %add3A_1310 : i32 to vector<16xi32>
        %add3A_1312 = arith.addi %iota3A_314, %add3A_1311 : vector<16xi32>
        %and3A_1313 = arith.constant 63 : i32
        %and3A_1314 = vector.broadcast %and3A_1313 : i32 to vector<16xi32>
        %and3A_1315 = arith.andi %add3A_1312, %and3A_1314 : vector<16xi32>
        %add3A_1316 = arith.addi %get3A_395, %and3A_1315 : vector<16xi32>
        %gather3A_1317 = arith.constant 1 : i32
        %gather3A_1318 = arith.constant 0 : i32
        %gather3A_1319 = arith.constant 0 : i32
        %gather3A_1320 = tpu.memref_slice %arg9[%gather3A_1317, %gather3A_1318, %gather3A_1319] : memref<2x256x128xf32, #tpu.memory_space<vmem>> -> memref<1x256x128xf32, #tpu.memory_space<vmem>>
        %gather3A_1321 = tpu.memref_squeeze %gather3A_1320 : memref<1x256x128xf32, #tpu.memory_space<vmem>> -> memref<256x128xf32, #tpu.memory_space<vmem>>
        %gather3A_1322 = tpu.vector_load_idx %gather3A_1321[%add3A_390, %add3A_1316] : memref<256x128xf32, #tpu.memory_space<vmem>>[vector<16xi32>, vector<16xi32>], vector<16xf32>,
        %scatter3A_1323 = arith.constant 1 : i32
        %scatter3A_1324 = arith.constant 0 : i32
        %scatter3A_1325 = arith.constant 0 : i32
        %scatter3A_1326 = tpu.memref_slice %arg10[%scatter3A_1323, %scatter3A_1324, %scatter3A_1325] : memref<2x64x258xf32, #tpu.memory_space<vmem>> -> memref<1x64x258xf32, #tpu.memory_space<vmem>>
        %scatter3A_1327 = tpu.memref_squeeze %scatter3A_1326 : memref<1x64x258xf32, #tpu.memory_space<vmem>> -> memref<64x258xf32, #tpu.memory_space<vmem>>
        tpu.vector_store_idx %scatter3A_1327[%and3A_1243, %add3A_390], %gather3A_1250 : memref<64x258xf32, #tpu.memory_space<vmem>>[vector<16xi32>, vector<16xi32>], vector<16xf32>,
        %add3A_1328 = arith.constant 53 : i32
        %add3A_1329 = vector.broadcast %add3A_1328 : i32 to vector<16xi32>
        %add3A_1330 = arith.addi %iota3A_314, %add3A_1329 : vector<16xi32>
        %and3A_1331 = arith.constant 63 : i32
        %and3A_1332 = vector.broadcast %and3A_1331 : i32 to vector<16xi32>
        %and3A_1333 = arith.andi %add3A_1330, %and3A_1332 : vector<16xi32>
        %add3A_1334 = arith.addi %get3A_395, %and3A_1333 : vector<16xi32>
        %gather3A_1335 = arith.constant 1 : i32
        %gather3A_1336 = arith.constant 0 : i32
        %gather3A_1337 = arith.constant 0 : i32
        %gather3A_1338 = tpu.memref_slice %arg9[%gather3A_1335, %gather3A_1336, %gather3A_1337] : memref<2x256x128xf32, #tpu.memory_space<vmem>> -> memref<1x256x128xf32, #tpu.memory_space<vmem>>
        %gather3A_1339 = tpu.memref_squeeze %gather3A_1338 : memref<1x256x128xf32, #tpu.memory_space<vmem>> -> memref<256x128xf32, #tpu.memory_space<vmem>>
        %gather3A_1340 = tpu.vector_load_idx %gather3A_1339[%add3A_390, %add3A_1334] : memref<256x128xf32, #tpu.memory_space<vmem>>[vector<16xi32>, vector<16xi32>], vector<16xf32>,
        %scatter3A_1341 = arith.constant 1 : i32
        %scatter3A_1342 = arith.constant 0 : i32
        %scatter3A_1343 = arith.constant 0 : i32
        %scatter3A_1344 = tpu.memref_slice %arg10[%scatter3A_1341, %scatter3A_1342, %scatter3A_1343] : memref<2x64x258xf32, #tpu.memory_space<vmem>> -> memref<1x64x258xf32, #tpu.memory_space<vmem>>
        %scatter3A_1345 = tpu.memref_squeeze %scatter3A_1344 : memref<1x64x258xf32, #tpu.memory_space<vmem>> -> memref<64x258xf32, #tpu.memory_space<vmem>>
        tpu.vector_store_idx %scatter3A_1345[%and3A_1261, %add3A_390], %gather3A_1268 : memref<64x258xf32, #tpu.memory_space<vmem>>[vector<16xi32>, vector<16xi32>], vector<16xf32>,
        %add3A_1346 = arith.constant 54 : i32
        %add3A_1347 = vector.broadcast %add3A_1346 : i32 to vector<16xi32>
        %add3A_1348 = arith.addi %iota3A_314, %add3A_1347 : vector<16xi32>
        %and3A_1349 = arith.constant 63 : i32
        %and3A_1350 = vector.broadcast %and3A_1349 : i32 to vector<16xi32>
        %and3A_1351 = arith.andi %add3A_1348, %and3A_1350 : vector<16xi32>
        %add3A_1352 = arith.addi %get3A_395, %and3A_1351 : vector<16xi32>
        %gather3A_1353 = arith.constant 1 : i32
        %gather3A_1354 = arith.constant 0 : i32
        %gather3A_1355 = arith.constant 0 : i32
        %gather3A_1356 = tpu.memref_slice %arg9[%gather3A_1353, %gather3A_1354, %gather3A_1355] : memref<2x256x128xf32, #tpu.memory_space<vmem>> -> memref<1x256x128xf32, #tpu.memory_space<vmem>>
        %gather3A_1357 = tpu.memref_squeeze %gather3A_1356 : memref<1x256x128xf32, #tpu.memory_space<vmem>> -> memref<256x128xf32, #tpu.memory_space<vmem>>
        %gather3A_1358 = tpu.vector_load_idx %gather3A_1357[%add3A_390, %add3A_1352] : memref<256x128xf32, #tpu.memory_space<vmem>>[vector<16xi32>, vector<16xi32>], vector<16xf32>,
        %scatter3A_1359 = arith.constant 1 : i32
        %scatter3A_1360 = arith.constant 0 : i32
        %scatter3A_1361 = arith.constant 0 : i32
        %scatter3A_1362 = tpu.memref_slice %arg10[%scatter3A_1359, %scatter3A_1360, %scatter3A_1361] : memref<2x64x258xf32, #tpu.memory_space<vmem>> -> memref<1x64x258xf32, #tpu.memory_space<vmem>>
        %scatter3A_1363 = tpu.memref_squeeze %scatter3A_1362 : memref<1x64x258xf32, #tpu.memory_space<vmem>> -> memref<64x258xf32, #tpu.memory_space<vmem>>
        tpu.vector_store_idx %scatter3A_1363[%and3A_1279, %add3A_390], %gather3A_1286 : memref<64x258xf32, #tpu.memory_space<vmem>>[vector<16xi32>, vector<16xi32>], vector<16xf32>,
        %add3A_1364 = arith.constant 55 : i32
        %add3A_1365 = vector.broadcast %add3A_1364 : i32 to vector<16xi32>
        %add3A_1366 = arith.addi %iota3A_314, %add3A_1365 : vector<16xi32>
        %and3A_1367 = arith.constant 63 : i32
        %and3A_1368 = vector.broadcast %and3A_1367 : i32 to vector<16xi32>
        %and3A_1369 = arith.andi %add3A_1366, %and3A_1368 : vector<16xi32>
        %add3A_1370 = arith.addi %get3A_395, %and3A_1369 : vector<16xi32>
        %gather3A_1371 = arith.constant 1 : i32
        %gather3A_1372 = arith.constant 0 : i32
        %gather3A_1373 = arith.constant 0 : i32
        %gather3A_1374 = tpu.memref_slice %arg9[%gather3A_1371, %gather3A_1372, %gather3A_1373] : memref<2x256x128xf32, #tpu.memory_space<vmem>> -> memref<1x256x128xf32, #tpu.memory_space<vmem>>
        %gather3A_1375 = tpu.memref_squeeze %gather3A_1374 : memref<1x256x128xf32, #tpu.memory_space<vmem>> -> memref<256x128xf32, #tpu.memory_space<vmem>>
        %gather3A_1376 = tpu.vector_load_idx %gather3A_1375[%add3A_390, %add3A_1370] : memref<256x128xf32, #tpu.memory_space<vmem>>[vector<16xi32>, vector<16xi32>], vector<16xf32>,
        %scatter3A_1377 = arith.constant 1 : i32
        %scatter3A_1378 = arith.constant 0 : i32
        %scatter3A_1379 = arith.constant 0 : i32
        %scatter3A_1380 = tpu.memref_slice %arg10[%scatter3A_1377, %scatter3A_1378, %scatter3A_1379] : memref<2x64x258xf32, #tpu.memory_space<vmem>> -> memref<1x64x258xf32, #tpu.memory_space<vmem>>
        %scatter3A_1381 = tpu.memref_squeeze %scatter3A_1380 : memref<1x64x258xf32, #tpu.memory_space<vmem>> -> memref<64x258xf32, #tpu.memory_space<vmem>>
        tpu.vector_store_idx %scatter3A_1381[%and3A_1297, %add3A_390], %gather3A_1304 : memref<64x258xf32, #tpu.memory_space<vmem>>[vector<16xi32>, vector<16xi32>], vector<16xf32>,
        %add3A_1382 = arith.constant 56 : i32
        %add3A_1383 = vector.broadcast %add3A_1382 : i32 to vector<16xi32>
        %add3A_1384 = arith.addi %iota3A_314, %add3A_1383 : vector<16xi32>
        %and3A_1385 = arith.constant 63 : i32
        %and3A_1386 = vector.broadcast %and3A_1385 : i32 to vector<16xi32>
        %and3A_1387 = arith.andi %add3A_1384, %and3A_1386 : vector<16xi32>
        %add3A_1388 = arith.addi %get3A_395, %and3A_1387 : vector<16xi32>
        %gather3A_1389 = arith.constant 1 : i32
        %gather3A_1390 = arith.constant 0 : i32
        %gather3A_1391 = arith.constant 0 : i32
        %gather3A_1392 = tpu.memref_slice %arg9[%gather3A_1389, %gather3A_1390, %gather3A_1391] : memref<2x256x128xf32, #tpu.memory_space<vmem>> -> memref<1x256x128xf32, #tpu.memory_space<vmem>>
        %gather3A_1393 = tpu.memref_squeeze %gather3A_1392 : memref<1x256x128xf32, #tpu.memory_space<vmem>> -> memref<256x128xf32, #tpu.memory_space<vmem>>
        %gather3A_1394 = tpu.vector_load_idx %gather3A_1393[%add3A_390, %add3A_1388] : memref<256x128xf32, #tpu.memory_space<vmem>>[vector<16xi32>, vector<16xi32>], vector<16xf32>,
        %scatter3A_1395 = arith.constant 1 : i32
        %scatter3A_1396 = arith.constant 0 : i32
        %scatter3A_1397 = arith.constant 0 : i32
        %scatter3A_1398 = tpu.memref_slice %arg10[%scatter3A_1395, %scatter3A_1396, %scatter3A_1397] : memref<2x64x258xf32, #tpu.memory_space<vmem>> -> memref<1x64x258xf32, #tpu.memory_space<vmem>>
        %scatter3A_1399 = tpu.memref_squeeze %scatter3A_1398 : memref<1x64x258xf32, #tpu.memory_space<vmem>> -> memref<64x258xf32, #tpu.memory_space<vmem>>
        tpu.vector_store_idx %scatter3A_1399[%and3A_1315, %add3A_390], %gather3A_1322 : memref<64x258xf32, #tpu.memory_space<vmem>>[vector<16xi32>, vector<16xi32>], vector<16xf32>,
        %add3A_1400 = arith.constant 57 : i32
        %add3A_1401 = vector.broadcast %add3A_1400 : i32 to vector<16xi32>
        %add3A_1402 = arith.addi %iota3A_314, %add3A_1401 : vector<16xi32>
        %and3A_1403 = arith.constant 63 : i32
        %and3A_1404 = vector.broadcast %and3A_1403 : i32 to vector<16xi32>
        %and3A_1405 = arith.andi %add3A_1402, %and3A_1404 : vector<16xi32>
        %add3A_1406 = arith.addi %get3A_395, %and3A_1405 : vector<16xi32>
        %gather3A_1407 = arith.constant 1 : i32
        %gather3A_1408 = arith.constant 0 : i32
        %gather3A_1409 = arith.constant 0 : i32
        %gather3A_1410 = tpu.memref_slice %arg9[%gather3A_1407, %gather3A_1408, %gather3A_1409] : memref<2x256x128xf32, #tpu.memory_space<vmem>> -> memref<1x256x128xf32, #tpu.memory_space<vmem>>
        %gather3A_1411 = tpu.memref_squeeze %gather3A_1410 : memref<1x256x128xf32, #tpu.memory_space<vmem>> -> memref<256x128xf32, #tpu.memory_space<vmem>>
        %gather3A_1412 = tpu.vector_load_idx %gather3A_1411[%add3A_390, %add3A_1406] : memref<256x128xf32, #tpu.memory_space<vmem>>[vector<16xi32>, vector<16xi32>], vector<16xf32>,
        %scatter3A_1413 = arith.constant 1 : i32
        %scatter3A_1414 = arith.constant 0 : i32
        %scatter3A_1415 = arith.constant 0 : i32
        %scatter3A_1416 = tpu.memref_slice %arg10[%scatter3A_1413, %scatter3A_1414, %scatter3A_1415] : memref<2x64x258xf32, #tpu.memory_space<vmem>> -> memref<1x64x258xf32, #tpu.memory_space<vmem>>
        %scatter3A_1417 = tpu.memref_squeeze %scatter3A_1416 : memref<1x64x258xf32, #tpu.memory_space<vmem>> -> memref<64x258xf32, #tpu.memory_space<vmem>>
        tpu.vector_store_idx %scatter3A_1417[%and3A_1333, %add3A_390], %gather3A_1340 : memref<64x258xf32, #tpu.memory_space<vmem>>[vector<16xi32>, vector<16xi32>], vector<16xf32>,
        %add3A_1418 = arith.constant 58 : i32
        %add3A_1419 = vector.broadcast %add3A_1418 : i32 to vector<16xi32>
        %add3A_1420 = arith.addi %iota3A_314, %add3A_1419 : vector<16xi32>
        %and3A_1421 = arith.constant 63 : i32
        %and3A_1422 = vector.broadcast %and3A_1421 : i32 to vector<16xi32>
        %and3A_1423 = arith.andi %add3A_1420, %and3A_1422 : vector<16xi32>
        %add3A_1424 = arith.addi %get3A_395, %and3A_1423 : vector<16xi32>
        %gather3A_1425 = arith.constant 1 : i32
        %gather3A_1426 = arith.constant 0 : i32
        %gather3A_1427 = arith.constant 0 : i32
        %gather3A_1428 = tpu.memref_slice %arg9[%gather3A_1425, %gather3A_1426, %gather3A_1427] : memref<2x256x128xf32, #tpu.memory_space<vmem>> -> memref<1x256x128xf32, #tpu.memory_space<vmem>>
        %gather3A_1429 = tpu.memref_squeeze %gather3A_1428 : memref<1x256x128xf32, #tpu.memory_space<vmem>> -> memref<256x128xf32, #tpu.memory_space<vmem>>
        %gather3A_1430 = tpu.vector_load_idx %gather3A_1429[%add3A_390, %add3A_1424] : memref<256x128xf32, #tpu.memory_space<vmem>>[vector<16xi32>, vector<16xi32>], vector<16xf32>,
        %scatter3A_1431 = arith.constant 1 : i32
        %scatter3A_1432 = arith.constant 0 : i32
        %scatter3A_1433 = arith.constant 0 : i32
        %scatter3A_1434 = tpu.memref_slice %arg10[%scatter3A_1431, %scatter3A_1432, %scatter3A_1433] : memref<2x64x258xf32, #tpu.memory_space<vmem>> -> memref<1x64x258xf32, #tpu.memory_space<vmem>>
        %scatter3A_1435 = tpu.memref_squeeze %scatter3A_1434 : memref<1x64x258xf32, #tpu.memory_space<vmem>> -> memref<64x258xf32, #tpu.memory_space<vmem>>
        tpu.vector_store_idx %scatter3A_1435[%and3A_1351, %add3A_390], %gather3A_1358 : memref<64x258xf32, #tpu.memory_space<vmem>>[vector<16xi32>, vector<16xi32>], vector<16xf32>,
        %add3A_1436 = arith.constant 59 : i32
        %add3A_1437 = vector.broadcast %add3A_1436 : i32 to vector<16xi32>
        %add3A_1438 = arith.addi %iota3A_314, %add3A_1437 : vector<16xi32>
        %and3A_1439 = arith.constant 63 : i32
        %and3A_1440 = vector.broadcast %and3A_1439 : i32 to vector<16xi32>
        %and3A_1441 = arith.andi %add3A_1438, %and3A_1440 : vector<16xi32>
        %add3A_1442 = arith.addi %get3A_395, %and3A_1441 : vector<16xi32>
        %gather3A_1443 = arith.constant 1 : i32
        %gather3A_1444 = arith.constant 0 : i32
        %gather3A_1445 = arith.constant 0 : i32
        %gather3A_1446 = tpu.memref_slice %arg9[%gather3A_1443, %gather3A_1444, %gather3A_1445] : memref<2x256x128xf32, #tpu.memory_space<vmem>> -> memref<1x256x128xf32, #tpu.memory_space<vmem>>
        %gather3A_1447 = tpu.memref_squeeze %gather3A_1446 : memref<1x256x128xf32, #tpu.memory_space<vmem>> -> memref<256x128xf32, #tpu.memory_space<vmem>>
        %gather3A_1448 = tpu.vector_load_idx %gather3A_1447[%add3A_390, %add3A_1442] : memref<256x128xf32, #tpu.memory_space<vmem>>[vector<16xi32>, vector<16xi32>], vector<16xf32>,
        %scatter3A_1449 = arith.constant 1 : i32
        %scatter3A_1450 = arith.constant 0 : i32
        %scatter3A_1451 = arith.constant 0 : i32
        %scatter3A_1452 = tpu.memref_slice %arg10[%scatter3A_1449, %scatter3A_1450, %scatter3A_1451] : memref<2x64x258xf32, #tpu.memory_space<vmem>> -> memref<1x64x258xf32, #tpu.memory_space<vmem>>
        %scatter3A_1453 = tpu.memref_squeeze %scatter3A_1452 : memref<1x64x258xf32, #tpu.memory_space<vmem>> -> memref<64x258xf32, #tpu.memory_space<vmem>>
        tpu.vector_store_idx %scatter3A_1453[%and3A_1369, %add3A_390], %gather3A_1376 : memref<64x258xf32, #tpu.memory_space<vmem>>[vector<16xi32>, vector<16xi32>], vector<16xf32>,
        %add3A_1454 = arith.constant 60 : i32
        %add3A_1455 = vector.broadcast %add3A_1454 : i32 to vector<16xi32>
        %add3A_1456 = arith.addi %iota3A_314, %add3A_1455 : vector<16xi32>
        %and3A_1457 = arith.constant 63 : i32
        %and3A_1458 = vector.broadcast %and3A_1457 : i32 to vector<16xi32>
        %and3A_1459 = arith.andi %add3A_1456, %and3A_1458 : vector<16xi32>
        %add3A_1460 = arith.addi %get3A_395, %and3A_1459 : vector<16xi32>
        %gather3A_1461 = arith.constant 1 : i32
        %gather3A_1462 = arith.constant 0 : i32
        %gather3A_1463 = arith.constant 0 : i32
        %gather3A_1464 = tpu.memref_slice %arg9[%gather3A_1461, %gather3A_1462, %gather3A_1463] : memref<2x256x128xf32, #tpu.memory_space<vmem>> -> memref<1x256x128xf32, #tpu.memory_space<vmem>>
        %gather3A_1465 = tpu.memref_squeeze %gather3A_1464 : memref<1x256x128xf32, #tpu.memory_space<vmem>> -> memref<256x128xf32, #tpu.memory_space<vmem>>
        %gather3A_1466 = tpu.vector_load_idx %gather3A_1465[%add3A_390, %add3A_1460] : memref<256x128xf32, #tpu.memory_space<vmem>>[vector<16xi32>, vector<16xi32>], vector<16xf32>,
        %scatter3A_1467 = arith.constant 1 : i32
        %scatter3A_1468 = arith.constant 0 : i32
        %scatter3A_1469 = arith.constant 0 : i32
        %scatter3A_1470 = tpu.memref_slice %arg10[%scatter3A_1467, %scatter3A_1468, %scatter3A_1469] : memref<2x64x258xf32, #tpu.memory_space<vmem>> -> memref<1x64x258xf32, #tpu.memory_space<vmem>>
        %scatter3A_1471 = tpu.memref_squeeze %scatter3A_1470 : memref<1x64x258xf32, #tpu.memory_space<vmem>> -> memref<64x258xf32, #tpu.memory_space<vmem>>
        tpu.vector_store_idx %scatter3A_1471[%and3A_1387, %add3A_390], %gather3A_1394 : memref<64x258xf32, #tpu.memory_space<vmem>>[vector<16xi32>, vector<16xi32>], vector<16xf32>,
        %add3A_1472 = arith.constant 61 : i32
        %add3A_1473 = vector.broadcast %add3A_1472 : i32 to vector<16xi32>
        %add3A_1474 = arith.addi %iota3A_314, %add3A_1473 : vector<16xi32>
        %and3A_1475 = arith.constant 63 : i32
        %and3A_1476 = vector.broadcast %and3A_1475 : i32 to vector<16xi32>
        %and3A_1477 = arith.andi %add3A_1474, %and3A_1476 : vector<16xi32>
        %add3A_1478 = arith.addi %get3A_395, %and3A_1477 : vector<16xi32>
        %gather3A_1479 = arith.constant 1 : i32
        %gather3A_1480 = arith.constant 0 : i32
        %gather3A_1481 = arith.constant 0 : i32
        %gather3A_1482 = tpu.memref_slice %arg9[%gather3A_1479, %gather3A_1480, %gather3A_1481] : memref<2x256x128xf32, #tpu.memory_space<vmem>> -> memref<1x256x128xf32, #tpu.memory_space<vmem>>
        %gather3A_1483 = tpu.memref_squeeze %gather3A_1482 : memref<1x256x128xf32, #tpu.memory_space<vmem>> -> memref<256x128xf32, #tpu.memory_space<vmem>>
        %gather3A_1484 = tpu.vector_load_idx %gather3A_1483[%add3A_390, %add3A_1478] : memref<256x128xf32, #tpu.memory_space<vmem>>[vector<16xi32>, vector<16xi32>], vector<16xf32>,
        %scatter3A_1485 = arith.constant 1 : i32
        %scatter3A_1486 = arith.constant 0 : i32
        %scatter3A_1487 = arith.constant 0 : i32
        %scatter3A_1488 = tpu.memref_slice %arg10[%scatter3A_1485, %scatter3A_1486, %scatter3A_1487] : memref<2x64x258xf32, #tpu.memory_space<vmem>> -> memref<1x64x258xf32, #tpu.memory_space<vmem>>
        %scatter3A_1489 = tpu.memref_squeeze %scatter3A_1488 : memref<1x64x258xf32, #tpu.memory_space<vmem>> -> memref<64x258xf32, #tpu.memory_space<vmem>>
        tpu.vector_store_idx %scatter3A_1489[%and3A_1405, %add3A_390], %gather3A_1412 : memref<64x258xf32, #tpu.memory_space<vmem>>[vector<16xi32>, vector<16xi32>], vector<16xf32>,
        %add3A_1490 = arith.constant 62 : i32
        %add3A_1491 = vector.broadcast %add3A_1490 : i32 to vector<16xi32>
        %add3A_1492 = arith.addi %iota3A_314, %add3A_1491 : vector<16xi32>
        %and3A_1493 = arith.constant 63 : i32
        %and3A_1494 = vector.broadcast %and3A_1493 : i32 to vector<16xi32>
        %and3A_1495 = arith.andi %add3A_1492, %and3A_1494 : vector<16xi32>
        %add3A_1496 = arith.addi %get3A_395, %and3A_1495 : vector<16xi32>
        %gather3A_1497 = arith.constant 1 : i32
        %gather3A_1498 = arith.constant 0 : i32
        %gather3A_1499 = arith.constant 0 : i32
        %gather3A_1500 = tpu.memref_slice %arg9[%gather3A_1497, %gather3A_1498, %gather3A_1499] : memref<2x256x128xf32, #tpu.memory_space<vmem>> -> memref<1x256x128xf32, #tpu.memory_space<vmem>>
        %gather3A_1501 = tpu.memref_squeeze %gather3A_1500 : memref<1x256x128xf32, #tpu.memory_space<vmem>> -> memref<256x128xf32, #tpu.memory_space<vmem>>
        %gather3A_1502 = tpu.vector_load_idx %gather3A_1501[%add3A_390, %add3A_1496] : memref<256x128xf32, #tpu.memory_space<vmem>>[vector<16xi32>, vector<16xi32>], vector<16xf32>,
        %scatter3A_1503 = arith.constant 1 : i32
        %scatter3A_1504 = arith.constant 0 : i32
        %scatter3A_1505 = arith.constant 0 : i32
        %scatter3A_1506 = tpu.memref_slice %arg10[%scatter3A_1503, %scatter3A_1504, %scatter3A_1505] : memref<2x64x258xf32, #tpu.memory_space<vmem>> -> memref<1x64x258xf32, #tpu.memory_space<vmem>>
        %scatter3A_1507 = tpu.memref_squeeze %scatter3A_1506 : memref<1x64x258xf32, #tpu.memory_space<vmem>> -> memref<64x258xf32, #tpu.memory_space<vmem>>
        tpu.vector_store_idx %scatter3A_1507[%and3A_1423, %add3A_390], %gather3A_1430 : memref<64x258xf32, #tpu.memory_space<vmem>>[vector<16xi32>, vector<16xi32>], vector<16xf32>,
        %add3A_1508 = arith.constant 63 : i32
        %add3A_1509 = vector.broadcast %add3A_1508 : i32 to vector<16xi32>
        %add3A_1510 = arith.addi %iota3A_314, %add3A_1509 : vector<16xi32>
        %and3A_1511 = arith.constant 63 : i32
        %and3A_1512 = vector.broadcast %and3A_1511 : i32 to vector<16xi32>
        %and3A_1513 = arith.andi %add3A_1510, %and3A_1512 : vector<16xi32>
        %add3A_1514 = arith.addi %get3A_395, %and3A_1513 : vector<16xi32>
        %gather3A_1515 = arith.constant 1 : i32
        %gather3A_1516 = arith.constant 0 : i32
        %gather3A_1517 = arith.constant 0 : i32
        %gather3A_1518 = tpu.memref_slice %arg9[%gather3A_1515, %gather3A_1516, %gather3A_1517] : memref<2x256x128xf32, #tpu.memory_space<vmem>> -> memref<1x256x128xf32, #tpu.memory_space<vmem>>
        %gather3A_1519 = tpu.memref_squeeze %gather3A_1518 : memref<1x256x128xf32, #tpu.memory_space<vmem>> -> memref<256x128xf32, #tpu.memory_space<vmem>>
        %gather3A_1520 = tpu.vector_load_idx %gather3A_1519[%add3A_390, %add3A_1514] : memref<256x128xf32, #tpu.memory_space<vmem>>[vector<16xi32>, vector<16xi32>], vector<16xf32>,
        %scatter3A_1521 = arith.constant 1 : i32
        %scatter3A_1522 = arith.constant 0 : i32
        %scatter3A_1523 = arith.constant 0 : i32
        %scatter3A_1524 = tpu.memref_slice %arg10[%scatter3A_1521, %scatter3A_1522, %scatter3A_1523] : memref<2x64x258xf32, #tpu.memory_space<vmem>> -> memref<1x64x258xf32, #tpu.memory_space<vmem>>
        %scatter3A_1525 = tpu.memref_squeeze %scatter3A_1524 : memref<1x64x258xf32, #tpu.memory_space<vmem>> -> memref<64x258xf32, #tpu.memory_space<vmem>>
        tpu.vector_store_idx %scatter3A_1525[%and3A_1441, %add3A_390], %gather3A_1448 : memref<64x258xf32, #tpu.memory_space<vmem>>[vector<16xi32>, vector<16xi32>], vector<16xf32>,
        %scatter3A_1526 = arith.constant 1 : i32
        %scatter3A_1527 = arith.constant 0 : i32
        %scatter3A_1528 = arith.constant 0 : i32
        %scatter3A_1529 = tpu.memref_slice %arg10[%scatter3A_1526, %scatter3A_1527, %scatter3A_1528] : memref<2x64x258xf32, #tpu.memory_space<vmem>> -> memref<1x64x258xf32, #tpu.memory_space<vmem>>
        %scatter3A_1530 = tpu.memref_squeeze %scatter3A_1529 : memref<1x64x258xf32, #tpu.memory_space<vmem>> -> memref<64x258xf32, #tpu.memory_space<vmem>>
        tpu.vector_store_idx %scatter3A_1530[%and3A_1459, %add3A_390], %gather3A_1466 : memref<64x258xf32, #tpu.memory_space<vmem>>[vector<16xi32>, vector<16xi32>], vector<16xf32>,
        %scatter3A_1531 = arith.constant 1 : i32
        %scatter3A_1532 = arith.constant 0 : i32
        %scatter3A_1533 = arith.constant 0 : i32
        %scatter3A_1534 = tpu.memref_slice %arg10[%scatter3A_1531, %scatter3A_1532, %scatter3A_1533] : memref<2x64x258xf32, #tpu.memory_space<vmem>> -> memref<1x64x258xf32, #tpu.memory_space<vmem>>
        %scatter3A_1535 = tpu.memref_squeeze %scatter3A_1534 : memref<1x64x258xf32, #tpu.memory_space<vmem>> -> memref<64x258xf32, #tpu.memory_space<vmem>>
        tpu.vector_store_idx %scatter3A_1535[%and3A_1477, %add3A_390], %gather3A_1484 : memref<64x258xf32, #tpu.memory_space<vmem>>[vector<16xi32>, vector<16xi32>], vector<16xf32>,
        %scatter3A_1536 = arith.constant 1 : i32
        %scatter3A_1537 = arith.constant 0 : i32
        %scatter3A_1538 = arith.constant 0 : i32
        %scatter3A_1539 = tpu.memref_slice %arg10[%scatter3A_1536, %scatter3A_1537, %scatter3A_1538] : memref<2x64x258xf32, #tpu.memory_space<vmem>> -> memref<1x64x258xf32, #tpu.memory_space<vmem>>
        %scatter3A_1540 = tpu.memref_squeeze %scatter3A_1539 : memref<1x64x258xf32, #tpu.memory_space<vmem>> -> memref<64x258xf32, #tpu.memory_space<vmem>>
        tpu.vector_store_idx %scatter3A_1540[%and3A_1495, %add3A_390], %gather3A_1502 : memref<64x258xf32, #tpu.memory_space<vmem>>[vector<16xi32>, vector<16xi32>], vector<16xf32>,
        %scatter3A_1541 = arith.constant 1 : i32
        %scatter3A_1542 = arith.constant 0 : i32
        %scatter3A_1543 = arith.constant 0 : i32
        %scatter3A_1544 = tpu.memref_slice %arg10[%scatter3A_1541, %scatter3A_1542, %scatter3A_1543] : memref<2x64x258xf32, #tpu.memory_space<vmem>> -> memref<1x64x258xf32, #tpu.memory_space<vmem>>
        %scatter3A_1545 = tpu.memref_squeeze %scatter3A_1544 : memref<1x64x258xf32, #tpu.memory_space<vmem>> -> memref<64x258xf32, #tpu.memory_space<vmem>>
        tpu.vector_store_idx %scatter3A_1545[%and3A_1513, %add3A_390], %gather3A_1520 : memref<64x258xf32, #tpu.memory_space<vmem>>[vector<16xi32>, vector<16xi32>], vector<16xf32>,
      }
      %scan3A_320 = arith.constant 16 : i32
      %jit3A_321 = arith.constant 2 : i32
      %div3A_322 = arith.divsi %add3A_239, %jit3A_321 : i32
      %sign3A_323 = arith.constant 0 : i32
      %sign3A_324 = arith.cmpi sgt, %add3A_239, %sign3A_323 : i32
      %sign3A_325 = arith.extui %sign3A_324 : i1 to i32
      %sign3A_326 = arith.constant 0 : i32
      %sign3A_327 = arith.cmpi slt, %add3A_239, %sign3A_326 : i32
      %sign3A_328 = arith.extui %sign3A_327 : i1 to i32
      %sign3A_329 = arith.subi %sign3A_325, %sign3A_328 : i32
      %sign3A_330 = arith.constant 0 : i32
      %sign3A_331 = arith.cmpi sgt, %jit3A_321, %sign3A_330 : i32
      %sign3A_332 = arith.extui %sign3A_331 : i1 to i32
      %sign3A_333 = arith.constant 0 : i32
      %sign3A_334 = arith.cmpi slt, %jit3A_321, %sign3A_333 : i32
      %sign3A_335 = arith.extui %sign3A_334 : i1 to i32
      %sign3A_336 = arith.subi %sign3A_332, %sign3A_335 : i32
      %ne3A_337 = arith.cmpi ne, %sign3A_329, %sign3A_336 : i32
      %rem3A_338 = arith.remsi %add3A_239, %jit3A_321 : i32
      %ne3A_339 = arith.constant 0 : i32
      %ne3A_340 = arith.cmpi ne, %rem3A_338, %ne3A_339 : i32
      %and3A_341 = arith.andi %ne3A_337, %ne3A_340 : i1
      %sub3A_342 = arith.constant 1 : i32
      %sub3A_343 = arith.subi %div3A_322, %sub3A_342 : i32
      %select_n3A_344 = arith.select %and3A_341, %sub3A_343, %div3A_322 : i32
      %jit3A_345 = arith.constant 2 : i32
      %eq3A_346 = arith.constant 0 : i32
      %eq3A_347 = arith.cmpi eq, %jit3A_345, %eq3A_346 : i32
      %jit3A_348 = arith.constant 1 : i32
      %select_n3A_349 = arith.select %eq3A_347, %jit3A_348, %jit3A_345 : i32
      %rem3A_350 = arith.remsi %add3A_239, %select_n3A_349 : i32
      %ne3A_351 = arith.constant 0 : i32
      %ne3A_352 = arith.cmpi ne, %rem3A_350, %ne3A_351 : i32
      %lt3A_353 = arith.constant 0 : i32
      %lt3A_354 = arith.cmpi slt, %rem3A_350, %lt3A_353 : i32
      %lt3A_355 = arith.constant 0 : i32
      %lt3A_356 = arith.cmpi slt, %select_n3A_349, %lt3A_355 : i32
      %ne3A_357 = arith.xori %lt3A_354, %lt3A_356 : i1
      %and3A_358 = arith.andi %ne3A_357, %ne3A_352 : i1
      %add3A_359 = arith.addi %rem3A_350, %select_n3A_349 : i32
      %select_n3A_360 = arith.select %and3A_358, %add3A_359, %rem3A_350 : i32
      %mul3A_361 = arith.constant 256 : i32
      %mul3A_362 = arith.muli %select_n3A_360, %mul3A_361 : i32
      %add3A_363 = arith.addi %mul3A_2, %mul3A_362 : i32
      %dma_start3A_364 = arith.constant 1 : i32
      %dma_start3A_365 = arith.constant 0 : i32
      %dma_start3A_366 = arith.constant 0 : i32
      %dma_start3A_367 = tpu.memref_slice %arg10[%dma_start3A_364, %dma_start3A_365, %dma_start3A_366] : memref<2x64x258xf32, #tpu.memory_space<vmem>> -> memref<1x64x256xf32, #tpu.memory_space<vmem>>
      %dma_start3A_368 = tpu.memref_squeeze %dma_start3A_367 : memref<1x64x256xf32, #tpu.memory_space<vmem>> -> memref<64x256xf32, #tpu.memory_space<vmem>>
      %dma_start3A_369 = arith.constant 0 : i32
      %dma_start3A_370 = tpu.memref_slice %arg5[%select_n3A_344, %dma_start3A_369, %add3A_363] : memref<50x64x16384xf32, #tpu.memory_space<hbm>> -> memref<1x64x256xf32, #tpu.memory_space<hbm>>
      %dma_start3A_371 = tpu.memref_squeeze %dma_start3A_370 : memref<1x64x256xf32, #tpu.memory_space<hbm>> -> memref<64x256xf32, #tpu.memory_space<hbm>>
      %dma_start3A_372 = arith.constant 0 : i32
      %dma_start3A_373 = tpu.memref_slice %arg5[%select_n3A_344, %dma_start3A_372, %add3A_363] : memref<50x64x16384xf32, #tpu.memory_space<hbm>> -> memref<1x64x256xf32, #tpu.memory_space<hbm>>
      %dma_start3A_374 = tpu.memref_squeeze %dma_start3A_373 : memref<1x64x256xf32, #tpu.memory_space<hbm>> -> memref<64x256xf32, #tpu.memory_space<hbm>>
      %dma_start3A_375 = arith.constant 0 : i32
      %dma_start3A_376 = arith.constant 0 : i32
      %dma_start3A_377 = tpu.memref_slice %arg10[%dma_start3A_364, %dma_start3A_375, %dma_start3A_376] : memref<2x64x258xf32, #tpu.memory_space<vmem>> -> memref<1x64x256xf32, #tpu.memory_space<vmem>>
      %dma_start3A_378 = tpu.memref_squeeze %dma_start3A_377 : memref<1x64x256xf32, #tpu.memory_space<vmem>> -> memref<64x256xf32, #tpu.memory_space<vmem>>
      tpu.enqueue_dma source(%dma_start3A_378 : memref<64x256xf32, #tpu.memory_space<vmem>>) target(%dma_start3A_374 : memref<64x256xf32, #tpu.memory_space<hbm>>) target_semaphore(%arg18 : memref<!tpu.dma_semaphore, #tpu.memory_space<semaphore_mem>>)
      %add3A_379 = arith.constant 2 : i32
      %add3A_380 = arith.addi %add3A_239, %add3A_379 : i32
      %lt3A_381 = arith.constant 100 : i32
      %lt3A_382 = arith.cmpi slt, %add3A_380, %lt3A_381 : i32
      %convert_element_type3A_383 = arith.extui %lt3A_382 : i1 to i32
      %cond3A_384 = arith.constant 0 : i32
      %cond3A_385 = arith.cmpi ne, %convert_element_type3A_383, %cond3A_384 : i32
      scf.if %cond3A_385 {
        %add3A_386 = arith.constant 2 : i32
        %add3A_387 = arith.addi %add3A_239, %add3A_386 : i32
        %jit3A_388 = arith.constant 2 : i32
        %div3A_389 = arith.divsi %add3A_387, %jit3A_388 : i32
        %sign3A_390 = arith.constant 0 : i32
        %sign3A_391 = arith.cmpi sgt, %add3A_387, %sign3A_390 : i32
        %sign3A_392 = arith.extui %sign3A_391 : i1 to i32
        %sign3A_393 = arith.constant 0 : i32
        %sign3A_394 = arith.cmpi slt, %add3A_387, %sign3A_393 : i32
        %sign3A_395 = arith.extui %sign3A_394 : i1 to i32
        %sign3A_396 = arith.subi %sign3A_392, %sign3A_395 : i32
        %sign3A_397 = arith.constant 0 : i32
        %sign3A_398 = arith.cmpi sgt, %jit3A_388, %sign3A_397 : i32
        %sign3A_399 = arith.extui %sign3A_398 : i1 to i32
        %sign3A_400 = arith.constant 0 : i32
        %sign3A_401 = arith.cmpi slt, %jit3A_388, %sign3A_400 : i32
        %sign3A_402 = arith.extui %sign3A_401 : i1 to i32
        %sign3A_403 = arith.subi %sign3A_399, %sign3A_402 : i32
        %ne3A_404 = arith.cmpi ne, %sign3A_396, %sign3A_403 : i32
        %rem3A_405 = arith.remsi %add3A_387, %jit3A_388 : i32
        %ne3A_406 = arith.constant 0 : i32
        %ne3A_407 = arith.cmpi ne, %rem3A_405, %ne3A_406 : i32
        %and3A_408 = arith.andi %ne3A_404, %ne3A_407 : i1
        %sub3A_409 = arith.constant 1 : i32
        %sub3A_410 = arith.subi %div3A_389, %sub3A_409 : i32
        %select_n3A_411 = arith.select %and3A_408, %sub3A_410, %div3A_389 : i32
        %jit3A_412 = arith.constant 2 : i32
        %eq3A_413 = arith.constant 0 : i32
        %eq3A_414 = arith.cmpi eq, %jit3A_412, %eq3A_413 : i32
        %jit3A_415 = arith.constant 1 : i32
        %select_n3A_416 = arith.select %eq3A_414, %jit3A_415, %jit3A_412 : i32
        %rem3A_417 = arith.remsi %add3A_387, %select_n3A_416 : i32
        %ne3A_418 = arith.constant 0 : i32
        %ne3A_419 = arith.cmpi ne, %rem3A_417, %ne3A_418 : i32
        %lt3A_420 = arith.constant 0 : i32
        %lt3A_421 = arith.cmpi slt, %rem3A_417, %lt3A_420 : i32
        %lt3A_422 = arith.constant 0 : i32
        %lt3A_423 = arith.cmpi slt, %select_n3A_416, %lt3A_422 : i32
        %ne3A_424 = arith.xori %lt3A_421, %lt3A_423 : i1
        %and3A_425 = arith.andi %ne3A_424, %ne3A_419 : i1
        %add3A_426 = arith.addi %rem3A_417, %select_n3A_416 : i32
        %select_n3A_427 = arith.select %and3A_425, %add3A_426, %rem3A_417 : i32
        %mul3A_428 = arith.constant 256 : i32
        %mul3A_429 = arith.muli %select_n3A_427, %mul3A_428 : i32
        %add3A_430 = arith.addi %mul3A_2, %mul3A_429 : i32
        %dma_start3A_431 = tpu.memref_slice %arg2[%select_n3A_411, %add3A_430] : memref<50x16384xi32, #tpu.memory_space<hbm>> -> memref<1x256xi32, #tpu.memory_space<hbm>>
        %dma_start3A_432 = tpu.memref_squeeze %dma_start3A_431 : memref<1x256xi32, #tpu.memory_space<hbm>> -> memref<256xi32, #tpu.memory_space<hbm>>
        %dma_start3A_433 = tpu.memref_slice %arg2[%select_n3A_411, %add3A_430] : memref<50x16384xi32, #tpu.memory_space<hbm>> -> memref<1x256xi32, #tpu.memory_space<hbm>>
        %dma_start3A_434 = tpu.memref_squeeze %dma_start3A_433 : memref<1x256xi32, #tpu.memory_space<hbm>> -> memref<256xi32, #tpu.memory_space<hbm>>
        tpu.enqueue_dma source(%dma_start3A_434 : memref<256xi32, #tpu.memory_space<hbm>>) target(%arg7 : memref<256xi32, #tpu.memory_space<vmem>>) target_semaphore(%arg12 : memref<!tpu.dma_semaphore, #tpu.memory_space<semaphore_mem>>)
        %add3A_435 = arith.constant 2 : i32
        %add3A_436 = arith.addi %add3A_239, %add3A_435 : i32
        %jit3A_437 = arith.constant 2 : i32
        %div3A_438 = arith.divsi %add3A_436, %jit3A_437 : i32
        %sign3A_439 = arith.constant 0 : i32
        %sign3A_440 = arith.cmpi sgt, %add3A_436, %sign3A_439 : i32
        %sign3A_441 = arith.extui %sign3A_440 : i1 to i32
        %sign3A_442 = arith.constant 0 : i32
        %sign3A_443 = arith.cmpi slt, %add3A_436, %sign3A_442 : i32
        %sign3A_444 = arith.extui %sign3A_443 : i1 to i32
        %sign3A_445 = arith.subi %sign3A_441, %sign3A_444 : i32
        %sign3A_446 = arith.constant 0 : i32
        %sign3A_447 = arith.cmpi sgt, %jit3A_437, %sign3A_446 : i32
        %sign3A_448 = arith.extui %sign3A_447 : i1 to i32
        %sign3A_449 = arith.constant 0 : i32
        %sign3A_450 = arith.cmpi slt, %jit3A_437, %sign3A_449 : i32
        %sign3A_451 = arith.extui %sign3A_450 : i1 to i32
        %sign3A_452 = arith.subi %sign3A_448, %sign3A_451 : i32
        %ne3A_453 = arith.cmpi ne, %sign3A_445, %sign3A_452 : i32
        %rem3A_454 = arith.remsi %add3A_436, %jit3A_437 : i32
        %ne3A_455 = arith.constant 0 : i32
        %ne3A_456 = arith.cmpi ne, %rem3A_454, %ne3A_455 : i32
        %and3A_457 = arith.andi %ne3A_453, %ne3A_456 : i1
        %sub3A_458 = arith.constant 1 : i32
        %sub3A_459 = arith.subi %div3A_438, %sub3A_458 : i32
        %select_n3A_460 = arith.select %and3A_457, %sub3A_459, %div3A_438 : i32
        %jit3A_461 = arith.constant 2 : i32
        %eq3A_462 = arith.constant 0 : i32
        %eq3A_463 = arith.cmpi eq, %jit3A_461, %eq3A_462 : i32
        %jit3A_464 = arith.constant 1 : i32
        %select_n3A_465 = arith.select %eq3A_463, %jit3A_464, %jit3A_461 : i32
        %rem3A_466 = arith.remsi %add3A_436, %select_n3A_465 : i32
        %ne3A_467 = arith.constant 0 : i32
        %ne3A_468 = arith.cmpi ne, %rem3A_466, %ne3A_467 : i32
        %lt3A_469 = arith.constant 0 : i32
        %lt3A_470 = arith.cmpi slt, %rem3A_466, %lt3A_469 : i32
        %lt3A_471 = arith.constant 0 : i32
        %lt3A_472 = arith.cmpi slt, %select_n3A_465, %lt3A_471 : i32
        %ne3A_473 = arith.xori %lt3A_470, %lt3A_472 : i1
        %and3A_474 = arith.andi %ne3A_473, %ne3A_468 : i1
        %add3A_475 = arith.addi %rem3A_466, %select_n3A_465 : i32
        %select_n3A_476 = arith.select %and3A_474, %add3A_475, %rem3A_466 : i32
        %mul3A_477 = arith.constant 256 : i32
        %mul3A_478 = arith.muli %select_n3A_476, %mul3A_477 : i32
        %add3A_479 = arith.addi %mul3A_2, %mul3A_478 : i32
        %dma_start3A_480 = arith.constant 1 : i32
        %dma_start3A_481 = arith.constant 0 : i32
        %dma_start3A_482 = tpu.memref_slice %arg8[%dma_start3A_480, %dma_start3A_481] : memref<2x256xi32, #tpu.memory_space<vmem>> -> memref<1x256xi32, #tpu.memory_space<vmem>>
        %dma_start3A_483 = tpu.memref_squeeze %dma_start3A_482 : memref<1x256xi32, #tpu.memory_space<vmem>> -> memref<256xi32, #tpu.memory_space<vmem>>
        %dma_start3A_484 = tpu.memref_slice %arg3[%select_n3A_460, %add3A_479] : memref<50x16384xi32, #tpu.memory_space<hbm>> -> memref<1x256xi32, #tpu.memory_space<hbm>>
        %dma_start3A_485 = tpu.memref_squeeze %dma_start3A_484 : memref<1x256xi32, #tpu.memory_space<hbm>> -> memref<256xi32, #tpu.memory_space<hbm>>
        %dma_start3A_486 = arith.constant 0 : i32
        %dma_start3A_487 = tpu.memref_slice %arg8[%dma_start3A_480, %dma_start3A_486] : memref<2x256xi32, #tpu.memory_space<vmem>> -> memref<1x256xi32, #tpu.memory_space<vmem>>
        %dma_start3A_488 = tpu.memref_squeeze %dma_start3A_487 : memref<1x256xi32, #tpu.memory_space<vmem>> -> memref<256xi32, #tpu.memory_space<vmem>>
        %dma_start3A_489 = tpu.memref_slice %arg3[%select_n3A_460, %add3A_479] : memref<50x16384xi32, #tpu.memory_space<hbm>> -> memref<1x256xi32, #tpu.memory_space<hbm>>
        %dma_start3A_490 = tpu.memref_squeeze %dma_start3A_489 : memref<1x256xi32, #tpu.memory_space<hbm>> -> memref<256xi32, #tpu.memory_space<hbm>>
        tpu.enqueue_dma source(%dma_start3A_490 : memref<256xi32, #tpu.memory_space<hbm>>) target(%dma_start3A_488 : memref<256xi32, #tpu.memory_space<vmem>>) target_semaphore(%arg14 : memref<!tpu.dma_semaphore, #tpu.memory_space<semaphore_mem>>)
      } else {
      }
    }
    %scan3A_62 = arith.constant 50 : i32
    %add3A_63 = arith.constant 0 : i32
    %add3A_64 = arith.addi %mul3A_2, %add3A_63 : i32
    %dma_wait3A_65 = arith.constant 0 : i32
    %dma_wait3A_66 = arith.constant 49 : i32
    %dma_wait3A_67 = arith.constant 0 : i32
    %dma_wait3A_68 = arith.constant 0 : i32
    %dma_wait3A_69 = tpu.memref_slice %arg10[%dma_wait3A_65, %dma_wait3A_67, %dma_wait3A_68] : memref<2x64x258xf32, #tpu.memory_space<vmem>> -> memref<1x64x256xf32, #tpu.memory_space<vmem>>
    %dma_wait3A_70 = tpu.memref_squeeze %dma_wait3A_69 : memref<1x64x256xf32, #tpu.memory_space<vmem>> -> memref<64x256xf32, #tpu.memory_space<vmem>>
    %dma_wait3A_71 = arith.constant 0 : i32
    %dma_wait3A_72 = tpu.memref_slice %arg5[%dma_wait3A_66, %dma_wait3A_71, %add3A_64] : memref<50x64x16384xf32, #tpu.memory_space<hbm>> -> memref<1x64x256xf32, #tpu.memory_space<hbm>>
    %dma_wait3A_73 = tpu.memref_squeeze %dma_wait3A_72 : memref<1x64x256xf32, #tpu.memory_space<hbm>> -> memref<64x256xf32, #tpu.memory_space<hbm>>
    %dma_wait3A_74 = arith.constant 0 : i32
    %dma_wait3A_75 = tpu.memref_slice %arg5[%dma_wait3A_66, %dma_wait3A_74, %add3A_64] : memref<50x64x16384xf32, #tpu.memory_space<hbm>> -> memref<1x64x256xf32, #tpu.memory_space<hbm>>
    %dma_wait3A_76 = tpu.memref_squeeze %dma_wait3A_75 : memref<1x64x256xf32, #tpu.memory_space<hbm>> -> memref<64x256xf32, #tpu.memory_space<hbm>>
    %dma_wait3A_77 = arith.constant 0 : i32
    %dma_wait3A_78 = arith.constant 0 : i32
    %dma_wait3A_79 = tpu.memref_slice %arg10[%dma_wait3A_65, %dma_wait3A_77, %dma_wait3A_78] : memref<2x64x258xf32, #tpu.memory_space<vmem>> -> memref<1x64x256xf32, #tpu.memory_space<vmem>>
    %dma_wait3A_80 = tpu.memref_squeeze %dma_wait3A_79 : memref<1x64x256xf32, #tpu.memory_space<vmem>> -> memref<64x256xf32, #tpu.memory_space<vmem>>
    tpu.wait_dma2 semaphore(%arg17 : memref<!tpu.dma_semaphore, #tpu.memory_space<semaphore_mem>>) src(%dma_wait3A_80 : memref<64x256xf32, #tpu.memory_space<vmem>>) dst(%dma_wait3A_76 : memref<64x256xf32, #tpu.memory_space<hbm>>)
    %add3A_81 = arith.constant 256 : i32
    %add3A_82 = arith.addi %mul3A_2, %add3A_81 : i32
    %dma_wait3A_83 = arith.constant 1 : i32
    %dma_wait3A_84 = arith.constant 49 : i32
    %dma_wait3A_85 = arith.constant 0 : i32
    %dma_wait3A_86 = arith.constant 0 : i32
    %dma_wait3A_87 = tpu.memref_slice %arg10[%dma_wait3A_83, %dma_wait3A_85, %dma_wait3A_86] : memref<2x64x258xf32, #tpu.memory_space<vmem>> -> memref<1x64x256xf32, #tpu.memory_space<vmem>>
    %dma_wait3A_88 = tpu.memref_squeeze %dma_wait3A_87 : memref<1x64x256xf32, #tpu.memory_space<vmem>> -> memref<64x256xf32, #tpu.memory_space<vmem>>
    %dma_wait3A_89 = arith.constant 0 : i32
    %dma_wait3A_90 = tpu.memref_slice %arg5[%dma_wait3A_84, %dma_wait3A_89, %add3A_82] : memref<50x64x16384xf32, #tpu.memory_space<hbm>> -> memref<1x64x256xf32, #tpu.memory_space<hbm>>
    %dma_wait3A_91 = tpu.memref_squeeze %dma_wait3A_90 : memref<1x64x256xf32, #tpu.memory_space<hbm>> -> memref<64x256xf32, #tpu.memory_space<hbm>>
    %dma_wait3A_92 = arith.constant 0 : i32
    %dma_wait3A_93 = tpu.memref_slice %arg5[%dma_wait3A_84, %dma_wait3A_92, %add3A_82] : memref<50x64x16384xf32, #tpu.memory_space<hbm>> -> memref<1x64x256xf32, #tpu.memory_space<hbm>>
    %dma_wait3A_94 = tpu.memref_squeeze %dma_wait3A_93 : memref<1x64x256xf32, #tpu.memory_space<hbm>> -> memref<64x256xf32, #tpu.memory_space<hbm>>
    %dma_wait3A_95 = arith.constant 0 : i32
    %dma_wait3A_96 = arith.constant 0 : i32
    %dma_wait3A_97 = tpu.memref_slice %arg10[%dma_wait3A_83, %dma_wait3A_95, %dma_wait3A_96] : memref<2x64x258xf32, #tpu.memory_space<vmem>> -> memref<1x64x256xf32, #tpu.memory_space<vmem>>
    %dma_wait3A_98 = tpu.memref_squeeze %dma_wait3A_97 : memref<1x64x256xf32, #tpu.memory_space<vmem>> -> memref<64x256xf32, #tpu.memory_space<vmem>>
    tpu.wait_dma2 semaphore(%arg18 : memref<!tpu.dma_semaphore, #tpu.memory_space<semaphore_mem>>) src(%dma_wait3A_98 : memref<64x256xf32, #tpu.memory_space<vmem>>) dst(%dma_wait3A_94 : memref<64x256xf32, #tpu.memory_space<hbm>>)
    return
  }
}

module attributes {stable_mosaic.version = 14 : i64} {
  func.func @body(%arg0: i32, %arg1: memref<64x16384xf32, #tpu.memory_space<vmem>>, %arg2: memref<8192x128xf32, #tpu.memory_space<vmem>>) attributes {dimension_semantics = [#tpu.dimension_semantics<arbitrary>], iteration_bounds = array<i64: 62>, scalar_prefetch = 0 : i64, scratch_operands = 0 : i64, tpu.core_type = #tpu.core_type<tc>, window_params = [{transform_indices = @transform_0, window_bounds = array<i64: 64, 16384>}, {transform_indices = @transform_1, window_bounds = array<i64: 8192, 128>}]} {
    %get3A = arith.constant 0 : index
    %get3A_0 = arith.constant 0 : index
    %get3A_1 = vector.load %arg1[%get3A, %get3A_0] : memref<64x16384xf32, #tpu.memory_space<vmem>>, vector<64x16384xf32>
    %slice3A = vector.extract_strided_slice %get3A_1 {offsets = [0, 0], sizes = [64, 8192], strides = [1, 1]} : vector<64x16384xf32> to vector<64x8192xf32>
    %transpose3A = tpu.transpose %slice3A, [1, 0] : vector<64x8192xf32> -> vector<8192x64xf32>
    %slice3A_2 = vector.extract_strided_slice %get3A_1 {offsets = [0, 8192], sizes = [64, 8192], strides = [1, 1]} : vector<64x16384xf32> to vector<64x8192xf32>
    %transpose3A_3 = tpu.transpose %slice3A_2, [1, 0] : vector<64x8192xf32> -> vector<8192x64xf32>
    %concatenate3A = tpu.concatenate %transpose3A, %transpose3A_3 in 1 : vector<8192x64xf32>, vector<8192x64xf32> -> vector<8192x128xf32>
    %swap3A = arith.constant 0 : index
    %swap3A_4 = arith.constant 0 : index
    %swap3A_5 = vector.load %arg2[%swap3A, %swap3A_4] : memref<8192x128xf32, #tpu.memory_space<vmem>>, vector<8192x128xf32>
    tpu.vector_store %arg2[%swap3A, %swap3A_4], %concatenate3A {strides = array<i32>} : memref<8192x128xf32, #tpu.memory_space<vmem>>, vector<8192x128xf32>,
    return
  }
  func.func @transform_0(%arg0: i32) -> (i32, i32) {
    %c0_i32 = arith.constant 0 : i32
    %c0_i32_0 = arith.constant 0 : i32
    return %c0_i32, %arg0 : i32, i32
  }
  func.func @transform_1(%arg0: i32) -> (i32, i32) {
    %c0_i32 = arith.constant 0 : i32
    %c0_i32_0 = arith.constant 0 : i32
    return %arg0, %c0_i32 : i32, i32
  }
}

</mosaic_0001>

<sc_bundles>
// kernel: kernel.4.cloned.1.call-start
scs
__scs_entry_jumppad:
0x0: {  	(pc) =	sbr.rel $0x88, $3  }
0x1: {  	(tag) =	ssettag $0x0;
	lr =	simm.s32 $0x1  }
0x2: {  	[smem:$0x3F9F] =	sst lr;
	_ =	strace $0xD0000000  }
0x3: {  	_ = 	snop  }
0x4: {  	_ = 	snop  }
0x5: {  	_ = 	snop  }
0x6: {  	_ = 	snop  }
0x7: {  	_ = 	snop  }
__scs_overlays_trampoline_lowered:
0x8: {  	[smem:$0x3FAE] =	sst s0  }
0x9: {  	[smem:$0x3FAF] =	sst s1  }
0xa: {  	[smem:$0x3FB0] =	sst s2  }
0xb: {  	[smem:$0x3FB1] =	sst s3  }
0xc: {  	[smem:$0x3FB2] =	sst s4  }
0xd: {  	[smem:$0x3FB3] =	sst s5  }
0xe: {  	[smem:$0x3FB4] =	sst s6  }
0xf: {  	[smem:$0x3FB5] =	sst s7  }
0x10: {  	[smem:$0x3FB6] =	sst s8  }
0x11: {  	[smem:$0x3FB7] =	sst s9;
	s0 =	simm.s32 @!p0 $0x0  }
0x12: {  	s1 =	sld [smem:$0x3F9D];
	s0 =	simm.s32 @p0 $0x1  }
0x13: {  	[smem:$0x3FB8] =	sst s0;
	s0 =	simm.s32 @!p1 $0x0  }
0x14: {  	s2 =	sld [smem:$0x3F9C];
	s0 =	simm.s32 @p1 $0x1  }
0x15: {  	[smem:$0x3FB9] =	sst s0;
	s0 =	simm.s32 @!p2 $0x0  }
0x16: {  	s3 =	sld [smem:$0x3FDB];
	s0 =	simm.s32 @p2 $0x1  }
0x17: {  	s4 =	simm.s32 $0x1BF5;
	[smem:$0x3FBB] =	sst s0  }
0x18: {  	s0 =	sld [smem:$0x3F9E];
	_ =	swait.ge [sflag:s4], $0x0  }
0x19: {  	s7 =	sld [smem:$0x3F9F]  }
0x1a: {  	s8 =	sadd.s32 $0xFFFFE003, lr  }
0x1b: {  	s9 =	sadd.s32 $0xFFFFFEF7, lr;
	s5 =	simm.s32 $0xFFFFFFFF;
	p2 =	slt.u32 s8, $0xFFFFF086  }
0x1c: {  	p1 =	slt.u32 s9, $0xF7A;
	s5 =	simm.s32 @!p2 $0x0  }
0x1d: {  	s5 =	simm.s32 @p1 $0x1;
	p0 =	seq.s32 s7, s2  }
0x1e: {  	s7 =	smul.u32 @!p0 $0xF7A, s2;
	p2 =	seq.s32 @!p0 s5, $0x0  }
0x1f: {  	s9 =	smul.u32 $0xF7A, s1;
	s8 =	simm.s32 @!p0 $0x1BF5;
	p2 =	por !p2, p0  }
0x20: {  	[sflag:s8] =	ssyncset.s32 @!p0 $0xFFFFF086;
	s6 =	sadd.s32 @!p0 s3, s7;
	s7 =	simm.s32 @!p0 $0x108  }
0x21: {  	s3 =	sadd.s32 s3, s9;
	s6 =	sadd.s32 @!p0 $0x88, s6;
	s7 =	simm.s32 @p2 $0x1082  }
0x22: {  	[simem:s7], [sflag:s8] =	dma.local @!p0 [hbm:s6], $0xF7A  }
0x23: {  	s9 =	sor.u32 $0xD0000000, s2;
	s6 =	simm.s32 $0x108;
	_ =	swait.ge @!p0 [sflag:s8], $0x0  }
0x24: {  	s3 =	sadd.s32 $0x88, s3;
	s6 =	simm.s32 @!p1 $0x1082;
	[sflag:s4] =	ssyncset.s32 $0xFFFFF086  }
0x25: {  	[simem:s6], [sflag:s4] =	dma.local [hbm:s3], $0xF7A  }
0x26: {  	[smem:$0x3F9F] =	sst s1;
	(tag) =	ssettag s2;
	_ =	strace s9  }
0x27: {  	s1 =	sld [smem:$0x3FAF]  }
0x28: {  	s2 =	sld [smem:$0x3FB0]  }
0x29: {  	s4 =	sld [smem:$0x3FB2]  }
0x2a: {  	p0 =	seq.s32 s5, $0x0;
	s5 =	sld [smem:$0x3FB3]  }
0x2b: {  	s6 =	sld [smem:$0x3FB4]  }
0x2c: {  	s7 =	sld [smem:$0x3FB5]  }
0x2d: {  	s3 =	simm.s32 $0x108;
	s8 =	sld [smem:$0x3FB6]  }
0x2e: {  	s3 =	simm.s32 @!p0 $0x1082;
	s9 =	sld [smem:$0x3FB7]  }
0x2f: {  	lr =	sadd.s32 s0, s3;
	s0 =	sld [smem:$0x3FAE]  }
0x30: {  	s3 =	sld [smem:$0x3FB1]  }
0x31: {  	[smem:$0x3FBA] =	sst s10  }
0x32: {  	s10 =	sld [smem:$0x3FB8];
	_ =	sdelay $0x3  }
0x33: {  	p0 =	seq.s32 s10, $0x1;
	s10 =	sld [smem:$0x3FBA];
	_ =	sdelay $0x3  }
0x34: {  	[smem:$0x3FBA] =	sst s10  }
0x35: {  	s10 =	sld [smem:$0x3FB9];
	_ =	sdelay $0x3  }
0x36: {  	p1 =	seq.s32 s10, $0x1;
	s10 =	sld [smem:$0x3FBA];
	_ =	sdelay $0x3  }
0x37: {  	[smem:$0x3FBA] =	sst s10  }
0x38: {  	s10 =	sld [smem:$0x3FBB]  }
0x39: {  	_ = 	snop;
	(pc) =	sbr.ind lr, $3  }
0x3a: {  	_ = 	snop  }
0x3b: {  	_ = 	snop  }
0x3c: {  	p2 =	seq.s32 s10, $0x1;
	s10 =	sld [smem:$0x3FBA]  }
0x3d: {  	_ =	shalt  }
0x3e: {  	_ =	shalt  }
0x3f: {  	_ =	shalt  }
0x40: {  	_ =	shalt  }
0x41: {  	_ =	shalt  }
0x42: {  	_ =	shalt  }
0x43: {  	_ =	shalt  }
0x44: {  	_ =	shalt  }
0x45: {  	_ =	shalt  }
0x46: {  	_ =	shalt  }
0x47: {  	_ =	shalt  }
0x48: {  	_ =	shalt  }
0x49: {  	_ =	shalt  }
0x4a: {  	_ =	shalt  }
0x4b: {  	_ =	shalt  }
0x4c: {  	_ =	shalt  }
0x4d: {  	_ =	shalt  }
0x4e: {  	_ =	shalt  }
0x4f: {  	_ =	shalt  }
0x50: {  	_ =	shalt  }
0x51: {  	_ =	shalt  }
0x52: {  	_ =	shalt  }
0x53: {  	_ =	shalt  }
0x54: {  	_ =	shalt  }
0x55: {  	_ =	shalt  }
0x56: {  	_ =	shalt  }
0x57: {  	_ =	shalt  }
0x58: {  	_ =	shalt  }
0x59: {  	_ =	shalt  }
0x5a: {  	_ =	shalt  }
0x5b: {  	_ =	shalt  }
0x5c: {  	_ =	shalt  }
0x5d: {  	_ =	shalt  }
0x5e: {  	_ =	shalt  }
0x5f: {  	_ =	shalt  }
0x60: {  	_ =	shalt  }
0x61: {  	_ =	shalt  }
0x62: {  	_ =	shalt  }
0x63: {  	_ =	shalt  }
0x64: {  	_ =	shalt  }
0x65: {  	_ =	shalt  }
0x66: {  	_ =	shalt  }
0x67: {  	_ =	shalt  }
0x68: {  	_ =	shalt  }
0x69: {  	_ =	shalt  }
0x6a: {  	_ =	shalt  }
0x6b: {  	_ =	shalt  }
0x6c: {  	_ =	shalt  }
0x6d: {  	_ =	shalt  }
0x6e: {  	_ =	shalt  }
0x6f: {  	_ =	shalt  }
0x70: {  	_ =	shalt  }
0x71: {  	_ =	shalt  }
0x72: {  	_ =	shalt  }
0x73: {  	_ =	shalt  }
0x74: {  	_ =	shalt  }
0x75: {  	_ =	shalt  }
0x76: {  	_ =	shalt  }
0x77: {  	_ =	shalt  }
0x78: {  	_ =	shalt  }
0x79: {  	_ =	shalt  }
0x7a: {  	_ =	shalt  }
0x7b: {  	_ =	shalt  }
0x7c: {  	_ =	shalt  }
0x7d: {  	_ =	shalt  }
0x7e: {  	_ =	shalt  }
0x7f: {  	_ =	shalt  }
0x80: {  	_ =	shalt  }
0x81: {  	_ =	shalt  }
0x82: {  	_ =	shalt  }
0x83: {  	_ =	shalt  }
0x84: {  	_ =	shalt  }
0x85: {  	_ =	shalt  }
0x86: {  	_ =	shalt  }
0x87: {  	_ =	shalt  }
.Lfunc_end0:
.L_simem_size_0:
called_computation_lowered:
.L_overlay_start_0:
0x88: {  	s2 =	sld [smem:$0x3FD9]  }
0x89: {  	s3 =	sld [smem:$0x3FFE];
	_ =	sdelay $0x1  }
0x8a: {  	s1 =	srdreg.scid  }
0x8b: {  	s0 =	sand.u32 $0x1, s1  }
0x8c: {  	s17 =	sshll.u32 s0, $0xA;
	s2 =	sadd.s32 s3, s2  }
0x8d: {  	s2 =	sadd.s32 s2, s17  }
0x8e: {  	[smem:$0x3FC6] =	sst s2  }
0x8f: {  	_ = 	snop  }
0x90: {  	s2 =	sld [smem:$0x3FD0];
	(tm) =	ssettm $0x1  }
0x91: {  	s18 =	sld [smem:$0x3FFB];
	_ =	sdelay $0x3  }
0x92: {  	_ =	strace s18  }
0x93: {  	s3 =	sld [smem:$0x3FFC];
	_ =	sdelay $0x3  }
0x94: {  	_ =	strace s3  }
0x95: {  	s3 =	sld [smem:$0x3FFD];
	_ =	sdelay $0x3  }
0x96: {  	_ =	strace s3  }
0x97: {  	_ =	strace $0x8FFFFFFF  }
0x98: {  	s19 =	sld [smem:$0x3FDB];
	_ =	sdelay $0x1  }
0x99: {  	s4 =	simm.s32 $_scs_section_size  }
0x9a: {  	s5 =	simm.s32 $_size__tile_overlayer_lowered;
	s6 =	simm.s32 $_tile_overlayer_lowered  }
0x9b: {  	s22 =	simm.s32 $0x1BFF;
	s21 =	sshll.u32 s6, $0x1;
	s3 =	sadd.s32 s4, s19  }
0x9c: {  	s7 =	simm.s32 $0x0;
	s20 =	sshll.u32 s5, $0x1;
	s5 =	sadd.s32 s21, s3  }
0x9d: {  	[timem:s7], [sflag:s22] =	dma.local [hbm:s5], s20  }
0x9e: {  	_ =	swait.ge [sflag:s22], s20  }
0x9f: {  	s4 =	ssub.s32 $0x0, s20;
	[sflag:s22] =	ssyncset.done $0x0  }
0xa0: {  	[sflag:s22] =	ssyncadd.s32 s4;
	_ =	sdelay $0x1  }
0xa1: {  	s23 =	simm.s32 $0x1B8B  }
0xa2: {  	_ =	swait.ge [sflag:s23], $0x1  }
0xa3: {  	[sflag:s23] =	ssyncset.done $0x0  }
0xa4: {  	s25 =	simm.s32 $0x1B8E;
	s24 =	sld [smem:$0x3FFE];
	[sflag:s23] =	ssyncadd.s32 $0xFFFFFFFF  }
0xa5: {  	s26 =	simm.s32 $execute0_lowered;
	[smem:$0x3FD2] =	sst s25  }
0xa6: {  	s5 =	sshll.u32 s26, $0x1;
	_ =	strace $0x80000046;
	[dreg:$0x1] =	wrdreg $0xFFFFFFFF  }
0xa7: {  	s28 =	simm.s32 $_size_execute0_lowered;
	s3 =	sadd.s32 s3, s5;
	[dreg:$0x0] =	wrdreg $0x0  }
0xa8: {  	s5 =	sshll.u32 s28, $0x1;
	[dreg:$0x2] =	wrdreg s3  }
0xa9: {  	[dreg:$0x3] =	wrdreg s5  }
0xaa: {  	[dreg:$0x4] =	wrdreg $0xC0  }
0xab: {  	_ =	task [dreg:s7], $0x5FFFF  }
0xac: {  	[dreg:$0x1] =	wrdreg $0xFFFFFFFF  }
0xad: {  	[dreg:$0x0] =	wrdreg $0x60  }
0xae: {  	[dreg:$0x2] =	wrdreg s24  }
0xaf: {  	[dreg:$0x3] =	wrdreg s2  }
0xb0: {  	[dreg:$0x4] =	wrdreg $0x9  }
0xb1: {  	_ =	task.clear_ibuf [dreg:s7], $0x5FFFF;
	_ =	strace $0x90000046  }
0xb2: {  	s29 =	simm.s32 $0x9;
	_ =	strace $0x80000048  }
0xb3: {  	_ =	swait.ge [sflag:s29], $0x1  }
0xb4: {  	[sflag:s29] =	ssyncadd.s32 $0xFFFFFFFF  }
0xb5: {  	_ =	strace $0x90000048  }
0xb6: {  	_ =	sfence  }
0xb7: {  	s30 =	sld [smem:$0x0];
	_ =	sdelay $0x2  }
0xb8: {  	s31 =	sshll.u32 s1, $0xD;
	s1 =	sshrl.u32 s1, $0x2  }
0xb9: {  	s3 =	sand.u32 $0x4000, s31;
	s1 =	sadd.s32 s1, s30  }
0xba: {  	s0 =	sor.u32 s3, s0;
	s1 =	sshll.u32 s1, $0x11  }
0xbb: {  	s0 =	sor.u32 s1, s0  }
0xbc: {  	s0 =	sadd.s32 $0x8F2B, s0  }
0xbd: {  	[sflag:s0] =	ssyncadd.remote.s32 $0x1  }
0xbe: {  	_ =	sfence.sel $0xFFFF  }
0xbf: {  	[dreg:$0x0] =	wrdreg $0xFFFFFFFF;
	(pc) =	sbr.abs _section_cstart, $3  }
0xc0: {  	[dreg:$0x1] =	wrdreg $0xFFFFFFFF  }
0xc1: {  	_ =	task.clear_ibuf [dreg:s7], $0x2FFFF;
	_ =	strace $0x9FFFFFFF  }
0xc2: {  	(tm) =	ssettm $0x7FFFFFFF  }
0xc3: {  	_ =	shalt  }
tec
execute0_lowered:
.L_overlay_start_1:
0x0: {  	(tag) =	ssettag $0x1  }
0x1: {  	vm3 =	vcmask $0x300  }
0x2: {  	v0 =	vimm.s32 $0xF80;
	vm7 =	vcmask $0x704;
	vm5 =	vcmask $0xB08  }
0x3: {  	vm6 =	vcmask $0xF0C;
	vm4 =	vcmask $0x1310;
	vm2 =	vcmask $0x1714  }
0x4: {  	vm1 =	vcmask $0x1B18;
	v1 =	vimm.s32 $0x1800;
	v2 =	vimm.s32 $0x1880  }
0x5: {  	v3 =	vimm.s32 $0x1900;
	v4 =	vimm.s32 $0x1980;
	v5 =	vimm.s32 $0x1A00  }
0x6: {  	v6 =	vimm.s32 $0x1A80;
	v7 =	vimm.s32 $0x1B00;
	v8 =	vimm.s32 $0x1B80  }
0x7: {  	v9 =	vimm.s32 $0x2400;
	v10 =	vimm.s32 $0x2480;
	v11 =	vimm.s32 $0x2500  }
0x8: {  	v12 =	vimm.s32 $0x2580;
	v13 =	vimm.s32 $0x2600;
	v14 =	vimm.s32 $0x2680  }
0x9: {  	v15 =	vimm.s32 $0x2700;
	v16 =	vimm.s32 $0x2780;
	v17 =	vimm.s32 $0x3000  }
0xa: {  	v18 =	vimm.s32 $0x3080;
	v19 =	vimm.s32 $0x3100;
	v20 =	vimm.s32 $0x3180  }
0xb: {  	v21 =	vimm.s32 $0x3200;
	v22 =	vimm.s32 $0x3280;
	v23 =	vimm.s32 $0x3300  }
0xc: {  	v24 =	vimm.s32 $0x3380;
	v25 =	vimm.s32 $0x3C00;
	v26 =	vimm.s32 $0x3C80  }
0xd: {  	v27 =	vimm.s32 $0x3D00;
	v28 =	vimm.s32 $0x3D80;
	v29 =	vimm.s32 $0x3E00  }
0xe: {  	v30 =	vimm.s32 $0x3E80;
	v31 =	vimm.s32 $0x3F00;
	v32 =	vimm.s32 $0x3F80  }
0xf: {  	v33 =	vimm.s32 $0x4800;
	v34 =	vimm.s32 $0x4880;
	v35 =	vimm.s32 $0x4900  }
0x10: {  	v36 =	vimm.s32 $0x4980;
	v37 =	vimm.s32 $0x4A00;
	v38 =	vimm.s32 $0x4A80  }
0x11: {  	v39 =	vimm.s32 $0x4B00;
	v40 =	vimm.s32 $0x4B80;
	v41 =	vimm.s32 $0x5400  }
0x12: {  	v42 =	vimm.s32 $0x5480;
	v43 =	vimm.s32 $0x5500;
	v44 =	vimm.s32 $0x5580  }
0x13: {  	v45 =	vimm.s32 $0x3F3E3D;
	v46 =	vimm.s32 $0x1003F3E;
	v47 =	vimm.s32 $0x201003F  }
0x14: {  	v48 =	vimm.s32 $0x32107654;
	v49 =	vimm.s32 $0x3020100;
	v50 =	vimm.s32 $0x3F3E3D3C  }
0x15: {  	v61 =	vimm.s32 $0x43218765;
	v51 =	vimm.s32 $0x54329876;
	v52 =	vimm.s32 $0x6543A987  }
0x16: {  	v53 =	vimm.s32 $0x3B3A3938;
	vm0 =	vcmask $0x2F10;
	v54 =	vimm.s32 $0xB0A0908  }
0x17: {  	v62 =	vimm.s32 $0xC0B0A09;
	v63 =	vimm.s32 $0xD0C0B0A;
	v60 =	vimm.s32 $0xE0D0C0B  }
0x18: {  	v59 =	vimm.s32 $0x280;
	vm14 =	vcmask $0x2320;
	vm15 =	vcmask $0x2724  }
0x19: {  	v0 =	vsel vm3, $0x0, v0;
	v1 =	vsel vm3, $0x80, v1;
	v2 =	vsel vm3, $0x100, v2  }
0x1a: {  	v3 =	vsel vm3, $0x180, v3;
	v4 =	vsel vm3, $0x200, v4;
	v5 =	vsel vm3, $0x280, v5  }
0x1b: {  	v6 =	vsel vm3, $0x300, v6;
	v7 =	vsel vm3, $0x380, v7;
	v8 =	vsel vm3, $0xC00, v8  }
0x1c: {  	v9 =	vsel vm3, $0xC80, v9;
	v10 =	vsel vm3, $0xD00, v10;
	v11 =	vsel vm3, $0xD80, v11  }
0x1d: {  	v12 =	vsel vm3, $0xE00, v12;
	v13 =	vsel vm3, $0xE80, v13;
	v14 =	vsel vm3, $0xF00, v14  }
0x1e: {  	v15 =	vsel vm3, $0xF80, v15;
	v16 =	vsel vm3, $0x1800, v16;
	v17 =	vsel vm3, $0x1880, v17  }
0x1f: {  	v18 =	vsel vm3, $0x1900, v18;
	v19 =	vsel vm3, $0x1980, v19;
	v20 =	vsel vm3, $0x1A00, v20  }
0x20: {  	v21 =	vsel vm3, $0x1A80, v21;
	v22 =	vsel vm3, $0x1B00, v22;
	v23 =	vsel vm3, $0x1B80, v23  }
0x21: {  	v24 =	vsel vm3, $0x2400, v24;
	v25 =	vsel vm3, $0x2480, v25;
	v26 =	vsel vm3, $0x2500, v26  }
0x22: {  	v27 =	vsel vm3, $0x2580, v27;
	v28 =	vsel vm3, $0x2600, v28;
	v29 =	vsel vm3, $0x2680, v29  }
0x23: {  	v30 =	vsel vm3, $0x2700, v30;
	v31 =	vsel vm3, $0x2780, v31;
	v32 =	vsel vm3, $0x3000, v32  }
0x24: {  	v33 =	vsel vm3, $0x3080, v33;
	v34 =	vsel vm3, $0x3100, v34;
	v35 =	vsel vm3, $0x3180, v35  }
0x25: {  	v36 =	vsel vm3, $0x3200, v36;
	v37 =	vsel vm3, $0x3280, v37;
	v38 =	vsel vm3, $0x3300, v38  }
0x26: {  	v39 =	vsel vm3, $0x3380, v39;
	v40 =	vsel vm3, $0x3C00, v40;
	v41 =	vsel vm3, $0x3C80, v41  }
0x27: {  	v42 =	vsel vm3, $0x3D00, v42;
	v43 =	vsel vm3, $0x3D80, v43;
	v44 =	vsel vm3, $0x3E00, v44  }
0x28: {  	v55 =	vunpack.c.0.s8.s32 v45;
	v45 =	vimm.s32 $0x5600;
	v56 =	vunpack.c.0.s8.s32 v46  }
0x29: {  	v46 =	vimm.s32 $0x5680;
	v48 =	vunpack.c.l.s4.s8 v48;
	v57 =	vunpack.c.0.s8.s32 v47  }
0x2a: {  	v47 =	vunpack.c.0.s8.s32 v49;
	v58 =	vunpack.c.0.s8.s32 v50;
	v49 =	vimm.s32 $0x37363534  }
0x2b: {  	v50 =	vunpack.c.l.s4.s8 v61;
	v51 =	vunpack.c.l.s4.s8 v51;
	v52 =	vunpack.c.l.s4.s8 v52  }
0x2c: {  	v54 =	vunpack.c.0.s8.s32 v54;
	v53 =	vunpack.c.0.s8.s32 v53;
	v0 =	vsel vm7, $0x80, v0  }
0x2d: {  	v49 =	vunpack.c.0.s8.s32 v49;
	v45 =	vsel vm3, $0x3E80, v45;
	v46 =	vsel vm3, $0x3F00, v46  }
0x2e: {  	v1 =	vsel vm7, $0x100, v1;
	v2 =	vsel vm7, $0x180, v2;
	v3 =	vsel vm7, $0x200, v3  }
0x2f: {  	v4 =	vsel vm7, $0x280, v4;
	v5 =	vsel vm7, $0x300, v5;
	v6 =	vsel vm7, $0x380, v6  }
0x30: {  	v7 =	vsel vm7, $0xC00, v7;
	v8 =	vsel vm7, $0xC80, v8;
	v9 =	vsel vm7, $0xD00, v9  }
0x31: {  	v10 =	vsel vm7, $0xD80, v10;
	v11 =	vsel vm7, $0xE00, v11;
	v12 =	vsel vm7, $0xE80, v12  }
0x32: {  	v13 =	vsel vm7, $0xF00, v13;
	v14 =	vsel vm7, $0xF80, v14;
	v15 =	vsel vm7, $0x1800, v15  }
0x33: {  	v16 =	vsel vm7, $0x1880, v16;
	v17 =	vsel vm7, $0x1900, v17;
	v18 =	vsel vm7, $0x1980, v18  }
0x34: {  	v19 =	vsel vm7, $0x1A00, v19;
	v20 =	vsel vm7, $0x1A80, v20;
	v21 =	vsel vm7, $0x1B00, v21  }
0x35: {  	v22 =	vsel vm7, $0x1B80, v22;
	v23 =	vsel vm7, $0x2400, v23;
	v24 =	vsel vm7, $0x2480, v24  }
0x36: {  	v25 =	vsel vm7, $0x2500, v25;
	v26 =	vsel vm7, $0x2580, v26;
	v27 =	vsel vm7, $0x2600, v27  }
0x37: {  	v28 =	vsel vm7, $0x2680, v28;
	v29 =	vsel vm7, $0x2700, v29;
	v30 =	vsel vm7, $0x2780, v30  }
0x38: {  	v31 =	vsel vm7, $0x3000, v31;
	v32 =	vsel vm7, $0x3080, v32;
	v33 =	vsel vm7, $0x3100, v33  }
0x39: {  	v34 =	vsel vm7, $0x3180, v34;
	v35 =	vsel vm7, $0x3200, v35;
	v36 =	vsel vm7, $0x3280, v36  }
0x3a: {  	v37 =	vsel vm7, $0x3300, v37;
	v38 =	vsel vm7, $0x3380, v38;
	v39 =	vsel vm7, $0x3C00, v39  }
0x3b: {  	v40 =	vsel vm7, $0x3C80, v40;
	v41 =	vsel vm7, $0x3D00, v41;
	v42 =	vsel vm7, $0x3D80, v42  }
0x3c: {  	v43 =	vsel vm7, $0x3E00, v43;
	v44 =	vsel vm7, $0x3E80, v44;
	v0 =	vsel vm5, $0x100, v0  }
0x3d: {  	v48 =	vunpack.c.0.s8.s32 v48;
	v50 =	vunpack.c.0.s8.s32 v50;
	v51 =	vunpack.c.0.s8.s32 v51  }
0x3e: {  	v52 =	vunpack.c.0.s8.s32 v52;
	v45 =	vsel vm7, $0x3F00, v45;
	v46 =	vsel vm7, $0x3F80, v46  }
0x3f: {  	v1 =	vsel vm5, $0x180, v1;
	v2 =	vsel vm5, $0x200, v2;
	v3 =	vsel vm5, $0x280, v3  }
0x40: {  	v4 =	vsel vm5, $0x300, v4;
	v5 =	vsel vm5, $0x380, v5;
	v6 =	vsel vm5, $0xC00, v6  }
0x41: {  	v7 =	vsel vm5, $0xC80, v7;
	v8 =	vsel vm5, $0xD00, v8;
	v9 =	vsel vm5, $0xD80, v9  }
0x42: {  	v10 =	vsel vm5, $0xE00, v10;
	v11 =	vsel vm5, $0xE80, v11;
	v12 =	vsel vm5, $0xF00, v12  }
0x43: {  	v13 =	vsel vm5, $0xF80, v13;
	v14 =	vsel vm5, $0x1800, v14;
	v15 =	vsel vm5, $0x1880, v15  }
0x44: {  	v16 =	vsel vm5, $0x1900, v16;
	v17 =	vsel vm5, $0x1980, v17;
	v18 =	vsel vm5, $0x1A00, v18  }
0x45: {  	v19 =	vsel vm5, $0x1A80, v19;
	v20 =	vsel vm5, $0x1B00, v20;
	v21 =	vsel vm5, $0x1B80, v21  }
0x46: {  	v22 =	vsel vm5, $0x2400, v22;
	v23 =	vsel vm5, $0x2480, v23;
	v24 =	vsel vm5, $0x2500, v24  }
0x47: {  	v25 =	vsel vm5, $0x2580, v25;
	v26 =	vsel vm5, $0x2600, v26;
	v27 =	vsel vm5, $0x2680, v27  }
0x48: {  	v28 =	vsel vm5, $0x2700, v28;
	v29 =	vsel vm5, $0x2780, v29;
	v30 =	vsel vm5, $0x3000, v30  }
0x49: {  	v31 =	vsel vm5, $0x3080, v31;
	v32 =	vsel vm5, $0x3100, v32;
	v33 =	vsel vm5, $0x3180, v33  }
0x4a: {  	v34 =	vsel vm5, $0x3200, v34;
	v35 =	vsel vm5, $0x3280, v35;
	v36 =	vsel vm5, $0x3300, v36  }
0x4b: {  	v37 =	vsel vm5, $0x3380, v37;
	v38 =	vsel vm5, $0x3C00, v38;
	v39 =	vsel vm5, $0x3C80, v39  }
0x4c: {  	v40 =	vsel vm5, $0x3D00, v40;
	v41 =	vsel vm5, $0x3D80, v41;
	v42 =	vsel vm5, $0x3E00, v42  }
0x4d: {  	v43 =	vsel vm5, $0x3E80, v43;
	v44 =	vsel vm5, $0x3F00, v44;
	v0 =	vsel vm6, $0x180, v0  }
0x4e: {  	v45 =	vsel vm5, $0x3F80, v45;
	v46 =	vsel vm5, $0x4800, v46;
	v1 =	vsel vm6, $0x200, v1  }
0x4f: {  	v2 =	vsel vm6, $0x280, v2;
	v3 =	vsel vm6, $0x300, v3;
	v4 =	vsel vm6, $0x380, v4  }
0x50: {  	v5 =	vsel vm6, $0xC00, v5;
	v6 =	vsel vm6, $0xC80, v6;
	v7 =	vsel vm6, $0xD00, v7  }
0x51: {  	v8 =	vsel vm6, $0xD80, v8;
	v9 =	vsel vm6, $0xE00, v9;
	v10 =	vsel vm6, $0xE80, v10  }
0x52: {  	v11 =	vsel vm6, $0xF00, v11;
	v12 =	vsel vm6, $0xF80, v12;
	v13 =	vsel vm6, $0x1800, v13  }
0x53: {  	v14 =	vsel vm6, $0x1880, v14;
	v15 =	vsel vm6, $0x1900, v15;
	v16 =	vsel vm6, $0x1980, v16  }
0x54: {  	v17 =	vsel vm6, $0x1A00, v17;
	v18 =	vsel vm6, $0x1A80, v18;
	v19 =	vsel vm6, $0x1B00, v19  }
0x55: {  	v20 =	vsel vm6, $0x1B80, v20;
	v21 =	vsel vm6, $0x2400, v21;
	v22 =	vsel vm6, $0x2480, v22  }
0x56: {  	v23 =	vsel vm6, $0x2500, v23;
	v24 =	vsel vm6, $0x2580, v24;
	v25 =	vsel vm6, $0x2600, v25  }
0x57: {  	v26 =	vsel vm6, $0x2680, v26;
	v27 =	vsel vm6, $0x2700, v27;
	v28 =	vsel vm6, $0x2780, v28  }
0x58: {  	v29 =	vsel vm6, $0x3000, v29;
	v30 =	vsel vm6, $0x3080, v30;
	v31 =	vsel vm6, $0x3100, v31  }
0x59: {  	v32 =	vsel vm6, $0x3180, v32;
	v33 =	vsel vm6, $0x3200, v33;
	v34 =	vsel vm6, $0x3280, v34  }
0x5a: {  	v35 =	vsel vm6, $0x3300, v35;
	v36 =	vsel vm6, $0x3380, v36;
	v37 =	vsel vm6, $0x3C00, v37  }
0x5b: {  	v38 =	vsel vm6, $0x3C80, v38;
	v39 =	vsel vm6, $0x3D00, v39;
	v40 =	vsel vm6, $0x3D80, v40  }
0x5c: {  	v41 =	vsel vm6, $0x3E00, v41;
	v42 =	vsel vm6, $0x3E80, v42;
	v43 =	vsel vm6, $0x3F00, v43  }
0x5d: {  	v44 =	vsel vm6, $0x3F80, v44;
	v0 =	vsel vm4, $0x200, v0;
	v48 =	vand.u32 $0xF, v48  }
0x5e: {  	v50 =	vand.u32 $0xF, v50;
	v51 =	vand.u32 $0xF, v51;
	v52 =	vand.u32 $0xF, v52  }
0x5f: {  	v45 =	vsel vm6, $0x4800, v45;
	v46 =	vsel vm6, $0x4880, v46;
	v1 =	vsel vm4, $0x280, v1  }
0x60: {  	v2 =	vsel vm4, $0x300, v2;
	v3 =	vsel vm4, $0x380, v3;
	v4 =	vsel vm4, $0xC00, v4  }
0x61: {  	v5 =	vsel vm4, $0xC80, v5;
	v6 =	vsel vm4, $0xD00, v6;
	v7 =	vsel vm4, $0xD80, v7  }
0x62: {  	v8 =	vsel vm4, $0xE00, v8;
	v9 =	vsel vm4, $0xE80, v9;
	v10 =	vsel vm4, $0xF00, v10  }
0x63: {  	v11 =	vsel vm4, $0xF80, v11;
	v12 =	vsel vm4, $0x1800, v12;
	v13 =	vsel vm4, $0x1880, v13  }
0x64: {  	v14 =	vsel vm4, $0x1900, v14;
	v15 =	vsel vm4, $0x1980, v15;
	v16 =	vsel vm4, $0x1A00, v16  }
0x65: {  	v17 =	vsel vm4, $0x1A80, v17;
	v18 =	vsel vm4, $0x1B00, v18;
	v19 =	vsel vm4, $0x1B80, v19  }
0x66: {  	v20 =	vsel vm4, $0x2400, v20;
	v21 =	vsel vm4, $0x2480, v21;
	v22 =	vsel vm4, $0x2500, v22  }
0x67: {  	v23 =	vsel vm4, $0x2580, v23;
	v24 =	vsel vm4, $0x2600, v24;
	v25 =	vsel vm4, $0x2680, v25  }
0x68: {  	v26 =	vsel vm4, $0x2700, v26;
	v27 =	vsel vm4, $0x2780, v27;
	v28 =	vsel vm4, $0x3000, v28  }
0x69: {  	v29 =	vsel vm4, $0x3080, v29;
	v30 =	vsel vm4, $0x3100, v30;
	v31 =	vsel vm4, $0x3180, v31  }
0x6a: {  	v32 =	vsel vm4, $0x3200, v32;
	v33 =	vsel vm4, $0x3280, v33;
	v34 =	vsel vm4, $0x3300, v34  }
0x6b: {  	v35 =	vsel vm4, $0x3380, v35;
	v36 =	vsel vm4, $0x3C00, v36;
	v37 =	vsel vm4, $0x3C80, v37  }
0x6c: {  	v38 =	vsel vm4, $0x3D00, v38;
	v39 =	vsel vm4, $0x3D80, v39;
	v40 =	vsel vm4, $0x3E00, v40  }
0x6d: {  	v41 =	vsel vm4, $0x3E80, v41;
	v42 =	vsel vm4, $0x3F00, v42;
	v43 =	vsel vm4, $0x3F80, v43  }
0x6e: {  	v44 =	vsel vm4, $0x4800, v44;
	v0 =	vsel vm2, $0x280, v0;
	v48 =	vsel vm0, v48, v58  }
0x6f: {  	[tilespmem:$0x1F870] =	vst v55;
	v50 =	vsel vm0, v50, v55;
	v51 =	vsel vm0, v51, v56;
	v52 =	vsel vm0, v52, v57  }
0x70: {  	[tilespmem:$0x1F860] =	vst v56;
	vm0 =	vcmask $0x3F30;
	v55 =	vunpack.c.0.s8.s32 v62;
	v56 =	vunpack.c.0.s8.s32 v63  }
0x71: {  	[tilespmem:$0x1F850] =	vst v57;
	v57 =	vunpack.c.0.s8.s32 v60;
	v60 =	vimm.s32 $0x300;
	v45 =	vsel vm4, $0x4880, v45  }
0x72: {  	v46 =	vsel vm4, $0x4900, v46;
	v1 =	vsel vm2, $0x300, v1;
	v2 =	vsel vm2, $0x380, v2  }
0x73: {  	v3 =	vsel vm2, $0xC00, v3;
	v4 =	vsel vm2, $0xC80, v4;
	v5 =	vsel vm2, $0xD00, v5  }
0x74: {  	v6 =	vsel vm2, $0xD80, v6;
	v7 =	vsel vm2, $0xE00, v7;
	v8 =	vsel vm2, $0xE80, v8  }
0x75: {  	v9 =	vsel vm2, $0xF00, v9;
	v10 =	vsel vm2, $0xF80, v10;
	v11 =	vsel vm2, $0x1800, v11  }
0x76: {  	v12 =	vsel vm2, $0x1880, v12;
	v13 =	vsel vm2, $0x1900, v13;
	v14 =	vsel vm2, $0x1980, v14  }
0x77: {  	v15 =	vsel vm2, $0x1A00, v15;
	v16 =	vsel vm2, $0x1A80, v16;
	v17 =	vsel vm2, $0x1B00, v17  }
0x78: {  	v18 =	vsel vm2, $0x1B80, v18;
	v19 =	vsel vm2, $0x2400, v19;
	v20 =	vsel vm2, $0x2480, v20  }
0x79: {  	v21 =	vsel vm2, $0x2500, v21;
	v22 =	vsel vm2, $0x2580, v22;
	v23 =	vsel vm2, $0x2600, v23  }
0x7a: {  	v24 =	vsel vm2, $0x2680, v24;
	v25 =	vsel vm2, $0x2700, v25;
	v26 =	vsel vm2, $0x2780, v26  }
0x7b: {  	v27 =	vsel vm2, $0x3000, v27;
	v28 =	vsel vm2, $0x3080, v28;
	v29 =	vsel vm2, $0x3100, v29  }
0x7c: {  	v30 =	vsel vm2, $0x3180, v30;
	v31 =	vsel vm2, $0x3200, v31;
	v32 =	vsel vm2, $0x3280, v32  }
0x7d: {  	v33 =	vsel vm2, $0x3300, v33;
	v34 =	vsel vm2, $0x3380, v34;
	v35 =	vsel vm2, $0x3C00, v35  }
0x7e: {  	v36 =	vsel vm2, $0x3C80, v36;
	v37 =	vsel vm2, $0x3D00, v37;
	v38 =	vsel vm2, $0x3D80, v38  }
0x7f: {  	v39 =	vsel vm2, $0x3E00, v39;
	v40 =	vsel vm2, $0x3E80, v40;
	v41 =	vsel vm2, $0x3F00, v41  }
0x80: {  	v42 =	vsel vm2, $0x3F80, v42;
	v43 =	vsel vm2, $0x4800, v43;
	v44 =	vsel vm2, $0x4880, v44  }
0x81: {  	v0 =	vsel vm1, $0x300, v0;
	v48 =	vsel vm0, v54, v48;
	v54 =	vimm.s32 $0x0  }
0x82: {  	v45 =	vsel vm2, $0x4900, v45;
	v46 =	vsel vm2, $0x4980, v46;
	v1 =	vsel vm1, $0x380, v1  }
0x83: {  	v2 =	vsel vm1, $0xC00, v2;
	v3 =	vsel vm1, $0xC80, v3;
	v4 =	vsel vm1, $0xD00, v4  }
0x84: {  	v5 =	vsel vm1, $0xD80, v5;
	v6 =	vsel vm1, $0xE00, v6;
	v7 =	vsel vm1, $0xE80, v7  }
0x85: {  	v8 =	vsel vm1, $0xF00, v8;
	v9 =	vsel vm1, $0xF80, v9;
	v10 =	vsel vm1, $0x1800, v10  }
0x86: {  	v11 =	vsel vm1, $0x1880, v11;
	v12 =	vsel vm1, $0x1900, v12;
	v13 =	vsel vm1, $0x1980, v13  }
0x87: {  	v14 =	vsel vm1, $0x1A00, v14;
	v15 =	vsel vm1, $0x1A80, v15;
	v16 =	vsel vm1, $0x1B00, v16  }
0x88: {  	v17 =	vsel vm1, $0x1B80, v17;
	v18 =	vsel vm1, $0x2400, v18;
	v19 =	vsel vm1, $0x2480, v19  }
0x89: {  	v20 =	vsel vm1, $0x2500, v20;
	v21 =	vsel vm1, $0x2580, v21;
	v22 =	vsel vm1, $0x2600, v22  }
0x8a: {  	v23 =	vsel vm1, $0x2680, v23;
	v24 =	vsel vm1, $0x2700, v24;
	v25 =	vsel vm1, $0x2780, v25  }
0x8b: {  	v26 =	vsel vm1, $0x3000, v26;
	v27 =	vsel vm1, $0x3080, v27;
	v28 =	vsel vm1, $0x3100, v28  }
0x8c: {  	v29 =	vsel vm1, $0x3180, v29;
	v30 =	vsel vm1, $0x3200, v30;
	v31 =	vsel vm1, $0x3280, v31  }
0x8d: {  	v32 =	vsel vm1, $0x3300, v32;
	v33 =	vsel vm1, $0x3380, v33;
	v34 =	vsel vm1, $0x3C00, v34  }
0x8e: {  	v35 =	vsel vm1, $0x3C80, v35;
	v36 =	vsel vm1, $0x3D00, v36;
	v37 =	vsel vm1, $0x3D80, v37  }
0x8f: {  	v38 =	vsel vm1, $0x3E00, v38;
	v39 =	vsel vm1, $0x3E80, v39;
	v40 =	vsel vm1, $0x3F00, v40  }
0x90: {  	v41 =	vsel vm1, $0x3F80, v41;
	v42 =	vsel vm1, $0x4800, v42;
	v43 =	vsel vm1, $0x4880, v43  }
0x91: {  	v44 =	vsel vm1, $0x4900, v44;
	v61 =	vsel vm0, v55, v50;
	v62 =	vsel vm0, v56, v51  }
0x92: {  	v63 =	vsel vm0, v57, v52;
	vm0 =	vcmask $0x1F10;
	v52 =	vimm.s32 $0x5700  }
0x93: {  	[tilespmem:$0x1F800] =	vst v58;
	v55 =	vimm.s32 $0x80;
	v56 =	vimm.s32 $0x100;
	v57 =	vimm.s32 $0x180  }
0x94: {  	[tilespmem:$0x1F810] =	vst v53;
	v45 =	vsel vm1, $0x4980, v45;
	v46 =	vsel vm1, $0x4A00, v46;
	v47 =	vsel vm0, v47, v58  }
0x95: {  	[tilespmem:$0x1F7C0] =	vst v48;
	v49 =	vsel vm0, v53, v49;
	v48 =	vsel vm3, $0x3F80, v52;
	v53 =	vimm.s32 $0x5780  }
0x96: {  	[tilespmem:$0x1F7D0] =	vst v61;
	v50 =	vsel vm3, $0x4900, v55;
	v51 =	vsel vm3, $0x4980, v56;
	v58 =	vimm.s32 $0x200  }
0x97: {  	[tilespmem:$0x1F7E0] =	vst v62;
	v52 =	vsel vm3, $0x4A00, v57;
	v61 =	vimm.s32 $0x380;
	v55 =	vsel vm3, $0x4B80, v60  }
0x98: {  	[tilespmem:$0x1F7F0] =	vst v63;
	v62 =	vimm.s32 $0xC00;
	v63 =	vimm.s32 $0xC80;
	v60 =	vimm.s32 $0xD80  }
0x99: {  	v47 =	vcombine.low v49, v47;
	v49 =	vsel vm3, $0x4880, v54;
	v54 =	vsel vm3, $0x4B00, v59  }
0x9a: {  	v56 =	vsel vm3, $0x5400, v61;
	v57 =	vsel vm3, $0x5480, v62;
	v59 =	vimm.s32 $0xD00  }
0x9b: {  	v60 =	vsel vm3, $0x5600, v60;
	v61 =	vimm.s32 $0xE00;
	v62 =	vimm.s32 $0xE80  }
0x9c: {  	v48 =	vsel vm7, $0x4800, v48;
	v50 =	vsel vm7, $0x4980, v50;
	v51 =	vsel vm7, $0x4A00, v51  }
0x9d: {  	v52 =	vsel vm7, $0x4A80, v52;
	v55 =	vsel vm7, $0x5400, v55;
	v59 =	vsel vm3, $0x5580, v59  }
0x9e: {  	v61 =	vsel vm3, $0x5680, v61;
	v62 =	vsel vm3, $0x5700, v62;
	v49 =	vsel vm7, $0x4900, v49  }
0x9f: {  	v54 =	vsel vm7, $0x4B80, v54;
	v56 =	vsel vm7, $0x5480, v56;
	v57 =	vsel vm7, $0x5500, v57  }
0xa0: {  	v60 =	vsel vm7, $0x5680, v60;
	v48 =	vsel vm5, $0x4880, v48;
	v50 =	vsel vm5, $0x4A00, v50  }
0xa1: {  	v51 =	vsel vm5, $0x4A80, v51;
	v52 =	vsel vm5, $0x4B00, v52;
	v55 =	vsel vm5, $0x5480, v55  }
0xa2: {  	[tilespmem:$0x1F820] =	vst v47;
	v47 =	vsel vm3, $0x4800, v53;
	v53 =	vsel vm3, $0x4A80, v58;
	v58 =	vsel vm3, $0x5500, v63  }
0xa3: {  	v63 =	vimm.s32 $0xF00;
	v59 =	vsel vm7, $0x5600, v59;
	v61 =	vsel vm7, $0x5700, v61  }
0xa4: {  	v62 =	vsel vm7, $0x5780, v62;
	v49 =	vsel vm5, $0x4980, v49;
	v54 =	vsel vm5, $0x5400, v54  }
0xa5: {  	v56 =	vsel vm5, $0x5500, v56;
	v57 =	vsel vm5, $0x5580, v57;
	v60 =	vsel vm5, $0x5700, v60  }
0xa6: {  	v48 =	vsel vm6, $0x4900, v48;
	v50 =	vsel vm6, $0x4A80, v50;
	v51 =	vsel vm6, $0x4B00, v51  }
0xa7: {  	v52 =	vsel vm6, $0x4B80, v52;
	v55 =	vsel vm6, $0x5500, v55;
	v63 =	vsel vm3, $0x5780, v63  }
0xa8: {  	vm3 =	vcmask $0x1F1C;
	v47 =	vsel vm7, $0x4880, v47;
	v53 =	vsel vm7, $0x4B00, v53  }
0xa9: {  	v58 =	vsel vm7, $0x5580, v58;
	v59 =	vsel vm5, $0x5680, v59;
	v61 =	vsel vm5, $0x5780, v61  }
0xaa: {  	v62 =	vsel vm5, $0x0, v62;
	v49 =	vsel vm6, $0x4A00, v49;
	v54 =	vsel vm6, $0x5480, v54  }
0xab: {  	v56 =	vsel vm6, $0x5580, v56;
	v57 =	vsel vm6, $0x5600, v57;
	v60 =	vsel vm6, $0x5780, v60  }
0xac: {  	v48 =	vsel vm4, $0x4980, v48;
	v50 =	vsel vm4, $0x4B00, v50;
	v51 =	vsel vm4, $0x4B80, v51  }
0xad: {  	v52 =	vsel vm4, $0x5400, v52;
	v55 =	vsel vm4, $0x5580, v55;
	v63 =	vsel vm7, $0x0, v63  }
0xae: {  	v0 =	vsel vm3, $0x380, v0;
	v47 =	vsel vm5, $0x4900, v47;
	v53 =	vsel vm5, $0x4B80, v53  }
0xaf: {  	v58 =	vsel vm5, $0x5600, v58;
	v59 =	vsel vm6, $0x5700, v59;
	v61 =	vsel vm6, $0x0, v61  }
0xb0: {  	v62 =	vsel vm6, $0x80, v62;
	v49 =	vsel vm4, $0x4A80, v49;
	v54 =	vsel vm4, $0x5500, v54  }
0xb1: {  	v56 =	vsel vm4, $0x5600, v56;
	v57 =	vsel vm4, $0x5680, v57;
	v60 =	vsel vm4, $0x0, v60  }
0xb2: {  	v48 =	vsel vm2, $0x4A00, v48;
	v50 =	vsel vm2, $0x4B80, v50;
	v51 =	vsel vm2, $0x5400, v51  }
0xb3: {  	v52 =	vsel vm2, $0x5480, v52;
	v55 =	vsel vm2, $0x5600, v55;
	v1 =	vsel vm3, $0xC00, v1  }
0xb4: {  	v2 =	vsel vm3, $0xC80, v2;
	v3 =	vsel vm3, $0xD00, v3;
	v4 =	vsel vm3, $0xD80, v4  }
0xb5: {  	v5 =	vsel vm3, $0xE00, v5;
	v6 =	vsel vm3, $0xE80, v6;
	v7 =	vsel vm3, $0xF00, v7  }
0xb6: {  	v8 =	vsel vm3, $0xF80, v8;
	v9 =	vsel vm3, $0x1800, v9;
	v10 =	vsel vm3, $0x1880, v10  }
0xb7: {  	v11 =	vsel vm3, $0x1900, v11;
	v12 =	vsel vm3, $0x1980, v12;
	v13 =	vsel vm3, $0x1A00, v13  }
0xb8: {  	v14 =	vsel vm3, $0x1A80, v14;
	v15 =	vsel vm3, $0x1B00, v15;
	v16 =	vsel vm3, $0x1B80, v16  }
0xb9: {  	v17 =	vsel vm3, $0x2400, v17;
	v18 =	vsel vm3, $0x2480, v18;
	v19 =	vsel vm3, $0x2500, v19  }
0xba: {  	v20 =	vsel vm3, $0x2580, v20;
	v21 =	vsel vm3, $0x2600, v21;
	v22 =	vsel vm3, $0x2680, v22  }
0xbb: {  	v23 =	vsel vm3, $0x2700, v23;
	v24 =	vsel vm3, $0x2780, v24;
	v25 =	vsel vm3, $0x3000, v25  }
0xbc: {  	v26 =	vsel vm3, $0x3080, v26;
	v27 =	vsel vm3, $0x3100, v27;
	v28 =	vsel vm3, $0x3180, v28  }
0xbd: {  	v29 =	vsel vm3, $0x3200, v29;
	v30 =	vsel vm3, $0x3280, v30;
	v31 =	vsel vm3, $0x3300, v31  }
0xbe: {  	v32 =	vsel vm3, $0x3380, v32;
	v33 =	vsel vm3, $0x3C00, v33;
	v34 =	vsel vm3, $0x3C80, v34  }
0xbf: {  	v35 =	vsel vm3, $0x3D00, v35;
	v36 =	vsel vm3, $0x3D80, v36;
	v37 =	vsel vm3, $0x3E00, v37  }
0xc0: {  	v38 =	vsel vm3, $0x3E80, v38;
	v39 =	vsel vm3, $0x3F00, v39;
	v40 =	vsel vm3, $0x3F80, v40  }
0xc1: {  	v41 =	vsel vm3, $0x4800, v41;
	v42 =	vsel vm3, $0x4880, v42;
	v43 =	vsel vm3, $0x4900, v43  }
0xc2: {  	v44 =	vsel vm3, $0x4980, v44;
	v45 =	vsel vm3, $0x4A00, v45;
	v46 =	vsel vm3, $0x4A80, v46  }
0xc3: {  	v63 =	vsel vm5, $0x80, v63;
	v47 =	vsel vm6, $0x4980, v47;
	v53 =	vsel vm6, $0x5400, v53  }
0xc4: {  	v58 =	vsel vm6, $0x5680, v58;
	v0 =	vsel vm14, $0xC00, v0;
	v59 =	vsel vm4, $0x5780, v59  }
0xc5: {  	v61 =	vsel vm4, $0x80, v61;
	v62 =	vsel vm4, $0x100, v62;
	v49 =	vsel vm2, $0x4B00, v49  }
0xc6: {  	v54 =	vsel vm2, $0x5580, v54;
	v56 =	vsel vm2, $0x5680, v56;
	v57 =	vsel vm2, $0x5700, v57  }
0xc7: {  	v60 =	vsel vm2, $0x80, v60;
	v48 =	vsel vm1, $0x4A80, v48;
	v50 =	vsel vm1, $0x5400, v50  }
0xc8: {  	v51 =	vsel vm1, $0x5480, v51;
	v52 =	vsel vm1, $0x5500, v52;
	v55 =	vsel vm1, $0x5680, v55  }
0xc9: {  	v1 =	vsel vm14, $0xC80, v1;
	v2 =	vsel vm14, $0xD00, v2;
	v3 =	vsel vm14, $0xD80, v3  }
0xca: {  	v4 =	vsel vm14, $0xE00, v4;
	v5 =	vsel vm14, $0xE80, v5;
	v6 =	vsel vm14, $0xF00, v6  }
0xcb: {  	v7 =	vsel vm14, $0xF80, v7;
	v8 =	vsel vm14, $0x1800, v8;
	v9 =	vsel vm14, $0x1880, v9  }
0xcc: {  	v10 =	vsel vm14, $0x1900, v10;
	v11 =	vsel vm14, $0x1980, v11;
	v12 =	vsel vm14, $0x1A00, v12  }
0xcd: {  	v13 =	vsel vm14, $0x1A80, v13;
	v14 =	vsel vm14, $0x1B00, v14;
	v15 =	vsel vm14, $0x1B80, v15  }
0xce: {  	v16 =	vsel vm14, $0x2400, v16;
	v17 =	vsel vm14, $0x2480, v17;
	v18 =	vsel vm14, $0x2500, v18  }
0xcf: {  	v19 =	vsel vm14, $0x2580, v19;
	v20 =	vsel vm14, $0x2600, v20;
	v21 =	vsel vm14, $0x2680, v21  }
0xd0: {  	v22 =	vsel vm14, $0x2700, v22;
	v23 =	vsel vm14, $0x2780, v23;
	v24 =	vsel vm14, $0x3000, v24  }
0xd1: {  	v25 =	vsel vm14, $0x3080, v25;
	v26 =	vsel vm14, $0x3100, v26;
	v27 =	vsel vm14, $0x3180, v27  }
0xd2: {  	v28 =	vsel vm14, $0x3200, v28;
	v29 =	vsel vm14, $0x3280, v29;
	v30 =	vsel vm14, $0x3300, v30  }
0xd3: {  	v31 =	vsel vm14, $0x3380, v31;
	v32 =	vsel vm14, $0x3C00, v32;
	v33 =	vsel vm14, $0x3C80, v33  }
0xd4: {  	v34 =	vsel vm14, $0x3D00, v34;
	v35 =	vsel vm14, $0x3D80, v35;
	v36 =	vsel vm14, $0x3E00, v36  }
0xd5: {  	v37 =	vsel vm14, $0x3E80, v37;
	v38 =	vsel vm14, $0x3F00, v38;
	v39 =	vsel vm14, $0x3F80, v39  }
0xd6: {  	v40 =	vsel vm14, $0x4800, v40;
	v41 =	vsel vm14, $0x4880, v41;
	v42 =	vsel vm14, $0x4900, v42  }
0xd7: {  	v43 =	vsel vm14, $0x4980, v43;
	v44 =	vsel vm14, $0x4A00, v44;
	v45 =	vsel vm14, $0x4A80, v45  }
0xd8: {  	v46 =	vsel vm14, $0x4B00, v46;
	v63 =	vsel vm6, $0x100, v63;
	v47 =	vsel vm4, $0x4A00, v47  }
0xd9: {  	v53 =	vsel vm4, $0x5480, v53;
	v58 =	vsel vm4, $0x5700, v58;
	v0 =	vsel vm15, $0xC80, v0  }
0xda: {  	v59 =	vsel vm2, $0x0, v59;
	v61 =	vsel vm2, $0x100, v61;
	v62 =	vsel vm2, $0x180, v62  }
0xdb: {  	v49 =	vsel vm1, $0x4B80, v49;
	v54 =	vsel vm1, $0x5600, v54;
	v56 =	vsel vm1, $0x5700, v56  }
0xdc: {  	v57 =	vsel vm1, $0x5780, v57;
	v60 =	vsel vm1, $0x100, v60;
	v48 =	vsel vm3, $0x4B00, v48  }
0xdd: {  	v50 =	vsel vm3, $0x5480, v50;
	v51 =	vsel vm3, $0x5500, v51;
	v52 =	vsel vm3, $0x5580, v52  }
0xde: {  	v55 =	vsel vm3, $0x5700, v55;
	v1 =	vsel vm15, $0xD00, v1;
	v2 =	vsel vm15, $0xD80, v2  }
0xdf: {  	v3 =	vsel vm15, $0xE00, v3;
	v4 =	vsel vm15, $0xE80, v4;
	v5 =	vsel vm15, $0xF00, v5  }
0xe0: {  	v6 =	vsel vm15, $0xF80, v6;
	v7 =	vsel vm15, $0x1800, v7;
	v8 =	vsel vm15, $0x1880, v8  }
0xe1: {  	v9 =	vsel vm15, $0x1900, v9;
	v10 =	vsel vm15, $0x1980, v10;
	v11 =	vsel vm15, $0x1A00, v11  }
0xe2: {  	v12 =	vsel vm15, $0x1A80, v12;
	v13 =	vsel vm15, $0x1B00, v13;
	v14 =	vsel vm15, $0x1B80, v14  }
0xe3: {  	v15 =	vsel vm15, $0x2400, v15;
	v16 =	vsel vm15, $0x2480, v16;
	v17 =	vsel vm15, $0x2500, v17  }
0xe4: {  	v18 =	vsel vm15, $0x2580, v18;
	v19 =	vsel vm15, $0x2600, v19;
	v20 =	vsel vm15, $0x2680, v20  }
0xe5: {  	v21 =	vsel vm15, $0x2700, v21;
	v22 =	vsel vm15, $0x2780, v22;
	v23 =	vsel vm15, $0x3000, v23  }
0xe6: {  	v24 =	vsel vm15, $0x3080, v24;
	v25 =	vsel vm15, $0x3100, v25;
	v26 =	vsel vm15, $0x3180, v26  }
0xe7: {  	v27 =	vsel vm15, $0x3200, v27;
	v28 =	vsel vm15, $0x3280, v28;
	v29 =	vsel vm15, $0x3300, v29  }
0xe8: {  	v30 =	vsel vm15, $0x3380, v30;
	v31 =	vsel vm15, $0x3C00, v31;
	v32 =	vsel vm15, $0x3C80, v32  }
0xe9: {  	v33 =	vsel vm15, $0x3D00, v33;
	v34 =	vsel vm15, $0x3D80, v34;
	v35 =	vsel vm15, $0x3E00, v35  }
0xea: {  	v36 =	vsel vm15, $0x3E80, v36;
	v37 =	vsel vm15, $0x3F00, v37;
	v38 =	vsel vm15, $0x3F80, v38  }
0xeb: {  	v39 =	vsel vm15, $0x4800, v39;
	v40 =	vsel vm15, $0x4880, v40;
	v41 =	vsel vm15, $0x4900, v41  }
0xec: {  	v42 =	vsel vm15, $0x4980, v42;
	v43 =	vsel vm15, $0x4A00, v43;
	v44 =	vsel vm15, $0x4A80, v44  }
0xed: {  	v45 =	vsel vm15, $0x4B00, v45;
	v46 =	vsel vm15, $0x4B80, v46;
	v63 =	vsel vm4, $0x180, v63  }
0xee: {  	v47 =	vsel vm2, $0x4A80, v47;
	v53 =	vsel vm2, $0x5500, v53;
	v58 =	vsel vm2, $0x5780, v58  }
0xef: {  	v59 =	vsel vm1, $0x80, v59;
	v61 =	vsel vm1, $0x180, v61;
	v62 =	vsel vm1, $0x200, v62  }
0xf0: {  	v49 =	vsel vm3, $0x5400, v49;
	v54 =	vsel vm3, $0x5680, v54;
	v56 =	vsel vm3, $0x5780, v56  }
0xf1: {  	v57 =	vsel vm3, $0x0, v57;
	v60 =	vsel vm3, $0x180, v60;
	v48 =	vsel vm14, $0x4B80, v48  }
0xf2: {  	v50 =	vsel vm14, $0x5500, v50;
	v51 =	vsel vm14, $0x5580, v51;
	v52 =	vsel vm14, $0x5600, v52  }
0xf3: {  	v55 =	vsel vm14, $0x5780, v55;
	v63 =	vsel vm2, $0x200, v63;
	vm2 =	vcmask $0x2B28  }
0xf4: {  	v47 =	vsel vm1, $0x4B00, v47;
	v53 =	vsel vm1, $0x5580, v53;
	v58 =	vsel vm1, $0x0, v58  }
0xf5: {  	v59 =	vsel vm3, $0x100, v59;
	v61 =	vsel vm3, $0x200, v61;
	v62 =	vsel vm3, $0x280, v62  }
0xf6: {  	v49 =	vsel vm14, $0x5480, v49;
	v54 =	vsel vm14, $0x5700, v54;
	v56 =	vsel vm14, $0x0, v56  }
0xf7: {  	v57 =	vsel vm14, $0x80, v57;
	v60 =	vsel vm14, $0x200, v60;
	v48 =	vsel vm15, $0x5400, v48  }
0xf8: {  	v50 =	vsel vm15, $0x5580, v50;
	v51 =	vsel vm15, $0x5600, v51;
	v52 =	vsel vm15, $0x5680, v52  }
0xf9: {  	v55 =	vsel vm15, $0x0, v55;
	v63 =	vsel vm1, $0x280, v63;
	v0 =	vsel vm2, $0xD00, v0  }
0xfa: {  	v47 =	vsel vm3, $0x4B80, v47;
	v53 =	vsel vm3, $0x5600, v53;
	v58 =	vsel vm3, $0x80, v58  }
0xfb: {  	vm1 =	vcmask $0x2F2C;
	v59 =	vsel vm14, $0x180, v59;
	v61 =	vsel vm14, $0x280, v61  }
0xfc: {  	v62 =	vsel vm14, $0x300, v62;
	v49 =	vsel vm15, $0x5500, v49;
	v54 =	vsel vm15, $0x5780, v54  }
0xfd: {  	v56 =	vsel vm15, $0x80, v56;
	v57 =	vsel vm15, $0x100, v57;
	v60 =	vsel vm15, $0x280, v60  }
0xfe: {  	v1 =	vsel vm2, $0xD80, v1;
	v2 =	vsel vm2, $0xE00, v2;
	v3 =	vsel vm2, $0xE80, v3  }
0xff: {  	v4 =	vsel vm2, $0xF00, v4;
	v5 =	vsel vm2, $0xF80, v5;
	v6 =	vsel vm2, $0x1800, v6  }
0x100: {  	v7 =	vsel vm2, $0x1880, v7;
	v8 =	vsel vm2, $0x1900, v8;
	v9 =	vsel vm2, $0x1980, v9  }
0x101: {  	v10 =	vsel vm2, $0x1A00, v10;
	v11 =	vsel vm2, $0x1A80, v11;
	v12 =	vsel vm2, $0x1B00, v12  }
0x102: {  	v13 =	vsel vm2, $0x1B80, v13;
	v14 =	vsel vm2, $0x2400, v14;
	v15 =	vsel vm2, $0x2480, v15  }
0x103: {  	v16 =	vsel vm2, $0x2500, v16;
	v17 =	vsel vm2, $0x2580, v17;
	v18 =	vsel vm2, $0x2600, v18  }
0x104: {  	v19 =	vsel vm2, $0x2680, v19;
	v20 =	vsel vm2, $0x2700, v20;
	v21 =	vsel vm2, $0x2780, v21  }
0x105: {  	v22 =	vsel vm2, $0x3000, v22;
	v23 =	vsel vm2, $0x3080, v23;
	v24 =	vsel vm2, $0x3100, v24  }
0x106: {  	v25 =	vsel vm2, $0x3180, v25;
	v26 =	vsel vm2, $0x3200, v26;
	v27 =	vsel vm2, $0x3280, v27  }
0x107: {  	v28 =	vsel vm2, $0x3300, v28;
	v29 =	vsel vm2, $0x3380, v29;
	v30 =	vsel vm2, $0x3C00, v30  }
0x108: {  	v31 =	vsel vm2, $0x3C80, v31;
	v32 =	vsel vm2, $0x3D00, v32;
	v33 =	vsel vm2, $0x3D80, v33  }
0x109: {  	v34 =	vsel vm2, $0x3E00, v34;
	v35 =	vsel vm2, $0x3E80, v35;
	v36 =	vsel vm2, $0x3F00, v36  }
0x10a: {  	v37 =	vsel vm2, $0x3F80, v37;
	v38 =	vsel vm2, $0x4800, v38;
	v39 =	vsel vm2, $0x4880, v39  }
0x10b: {  	v40 =	vsel vm2, $0x4900, v40;
	v41 =	vsel vm2, $0x4980, v41;
	v42 =	vsel vm2, $0x4A00, v42  }
0x10c: {  	v43 =	vsel vm2, $0x4A80, v43;
	v44 =	vsel vm2, $0x4B00, v44;
	v45 =	vsel vm2, $0x4B80, v45  }
0x10d: {  	v46 =	vsel vm2, $0x5400, v46;
	v48 =	vsel vm2, $0x5480, v48;
	v50 =	vsel vm2, $0x5600, v50  }
0x10e: {  	v51 =	vsel vm2, $0x5680, v51;
	v52 =	vsel vm2, $0x5700, v52;
	v55 =	vsel vm2, $0x80, v55  }
0x10f: {  	v63 =	vsel vm3, $0x300, v63;
	v47 =	vsel vm14, $0x5400, v47;
	v53 =	vsel vm14, $0x5680, v53  }
0x110: {  	v58 =	vsel vm14, $0x100, v58;
	v0 =	vsel vm1, $0xD80, v0;
	v59 =	vsel vm15, $0x200, v59  }
0x111: {  	v61 =	vsel vm15, $0x300, v61;
	v62 =	vsel vm15, $0x380, v62;
	vm3 =	vcmask $0x3330  }
0x112: {  	v49 =	vsel vm2, $0x5580, v49;
	v54 =	vsel vm2, $0x0, v54;
	v56 =	vsel vm2, $0x100, v56  }
0x113: {  	v57 =	vsel vm2, $0x180, v57;
	v60 =	vsel vm2, $0x300, v60;
	v1 =	vsel vm1, $0xE00, v1  }
0x114: {  	v2 =	vsel vm1, $0xE80, v2;
	v3 =	vsel vm1, $0xF00, v3;
	v4 =	vsel vm1, $0xF80, v4  }
0x115: {  	v5 =	vsel vm1, $0x1800, v5;
	v6 =	vsel vm1, $0x1880, v6;
	v7 =	vsel vm1, $0x1900, v7  }
0x116: {  	v8 =	vsel vm1, $0x1980, v8;
	v9 =	vsel vm1, $0x1A00, v9;
	v10 =	vsel vm1, $0x1A80, v10  }
0x117: {  	v11 =	vsel vm1, $0x1B00, v11;
	v12 =	vsel vm1, $0x1B80, v12;
	v13 =	vsel vm1, $0x2400, v13  }
0x118: {  	v14 =	vsel vm1, $0x2480, v14;
	v15 =	vsel vm1, $0x2500, v15;
	v16 =	vsel vm1, $0x2580, v16  }
0x119: {  	v17 =	vsel vm1, $0x2600, v17;
	v18 =	vsel vm1, $0x2680, v18;
	v19 =	vsel vm1, $0x2700, v19  }
0x11a: {  	v20 =	vsel vm1, $0x2780, v20;
	v21 =	vsel vm1, $0x3000, v21;
	v22 =	vsel vm1, $0x3080, v22  }
0x11b: {  	v23 =	vsel vm1, $0x3100, v23;
	v24 =	vsel vm1, $0x3180, v24;
	v25 =	vsel vm1, $0x3200, v25  }
0x11c: {  	v26 =	vsel vm1, $0x3280, v26;
	v27 =	vsel vm1, $0x3300, v27;
	v28 =	vsel vm1, $0x3380, v28  }
0x11d: {  	v29 =	vsel vm1, $0x3C00, v29;
	v30 =	vsel vm1, $0x3C80, v30;
	v31 =	vsel vm1, $0x3D00, v31  }
0x11e: {  	v32 =	vsel vm1, $0x3D80, v32;
	v33 =	vsel vm1, $0x3E00, v33;
	v34 =	vsel vm1, $0x3E80, v34  }
0x11f: {  	v35 =	vsel vm1, $0x3F00, v35;
	v36 =	vsel vm1, $0x3F80, v36;
	v37 =	vsel vm1, $0x4800, v37  }
0x120: {  	v38 =	vsel vm1, $0x4880, v38;
	v39 =	vsel vm1, $0x4900, v39;
	v40 =	vsel vm1, $0x4980, v40  }
0x121: {  	v41 =	vsel vm1, $0x4A00, v41;
	v42 =	vsel vm1, $0x4A80, v42;
	v43 =	vsel vm1, $0x4B00, v43  }
0x122: {  	v44 =	vsel vm1, $0x4B80, v44;
	v45 =	vsel vm1, $0x5400, v45;
	v46 =	vsel vm1, $0x5480, v46  }
0x123: {  	v48 =	vsel vm1, $0x5500, v48;
	v50 =	vsel vm1, $0x5680, v50;
	v51 =	vsel vm1, $0x5700, v51  }
0x124: {  	v52 =	vsel vm1, $0x5780, v52;
	v55 =	vsel vm1, $0x100, v55;
	v63 =	vsel vm14, $0x380, v63  }
0x125: {  	v47 =	vsel vm15, $0x5480, v47;
	v53 =	vsel vm15, $0x5700, v53;
	v58 =	vsel vm15, $0x180, v58  }
0x126: {  	v0 =	vsel vm3, $0xE00, v0;
	v59 =	vsel vm2, $0x280, v59;
	v61 =	vsel vm2, $0x380, v61  }
0x127: {  	v62 =	vsel vm2, $0xC00, v62;
	v49 =	vsel vm1, $0x5600, v49;
	v54 =	vsel vm1, $0x80, v54  }
0x128: {  	v56 =	vsel vm1, $0x180, v56;
	v57 =	vsel vm1, $0x200, v57;
	v60 =	vsel vm1, $0x380, v60  }
0x129: {  	v1 =	vsel vm3, $0xE80, v1;
	v2 =	vsel vm3, $0xF00, v2;
	v3 =	vsel vm3, $0xF80, v3  }
0x12a: {  	v4 =	vsel vm3, $0x1800, v4;
	v5 =	vsel vm3, $0x1880, v5;
	v6 =	vsel vm3, $0x1900, v6  }
0x12b: {  	v7 =	vsel vm3, $0x1980, v7;
	v8 =	vsel vm3, $0x1A00, v8;
	v9 =	vsel vm3, $0x1A80, v9  }
0x12c: {  	v10 =	vsel vm3, $0x1B00, v10;
	v11 =	vsel vm3, $0x1B80, v11;
	v12 =	vsel vm3, $0x2400, v12  }
0x12d: {  	v14 =	vsel vm3, $0x2500, v14;
	v15 =	vsel vm3, $0x2580, v15;
	v17 =	vsel vm3, $0x2680, v17  }
0x12e: {  	v19 =	vsel vm3, $0x2780, v19;
	v20 =	vsel vm3, $0x3000, v20;
	v21 =	vsel vm3, $0x3080, v21  }
0x12f: {  	v23 =	vsel vm3, $0x3180, v23;
	v24 =	vsel vm3, $0x3200, v24;
	v28 =	vsel vm3, $0x3C00, v28  }
0x130: {  	v29 =	vsel vm3, $0x3C80, v29;
	v30 =	vsel vm3, $0x3D00, v30;
	v31 =	vsel vm3, $0x3D80, v31  }
0x131: {  	v32 =	vsel vm3, $0x3E00, v32;
	v33 =	vsel vm3, $0x3E80, v33;
	v34 =	vsel vm3, $0x3F00, v34  }
0x132: {  	v35 =	vsel vm3, $0x3F80, v35;
	v36 =	vsel vm3, $0x4800, v36;
	v37 =	vsel vm3, $0x4880, v37  }
0x133: {  	v38 =	vsel vm3, $0x4900, v38;
	v39 =	vsel vm3, $0x4980, v39;
	v40 =	vsel vm3, $0x4A00, v40  }
0x134: {  	v41 =	vsel vm3, $0x4A80, v41;
	v42 =	vsel vm3, $0x4B00, v42;
	v43 =	vsel vm3, $0x4B80, v43  }
0x135: {  	v44 =	vsel vm3, $0x5400, v44;
	v45 =	vsel vm3, $0x5480, v45;
	v46 =	vsel vm3, $0x5500, v46  }
0x136: {  	v48 =	vsel vm3, $0x5580, v48;
	v50 =	vsel vm3, $0x5700, v50;
	v51 =	vsel vm3, $0x5780, v51  }
0x137: {  	v52 =	vsel vm3, $0x0, v52;
	v55 =	vsel vm3, $0x180, v55;
	v63 =	vsel vm15, $0xC00, v63  }
0x138: {  	v47 =	vsel vm2, $0x5500, v47;
	v53 =	vsel vm2, $0x5780, v53;
	v58 =	vsel vm2, $0x200, v58  }
0x139: {  	v59 =	vsel vm1, $0x300, v59;
	v61 =	vsel vm1, $0xC00, v61;
	v62 =	vsel vm1, $0xC80, v62  }
0x13a: {  	v49 =	vsel vm3, $0x5680, v49;
	v54 =	vsel vm3, $0x100, v54;
	v56 =	vsel vm3, $0x200, v56  }
0x13b: {  	v57 =	vsel vm3, $0x280, v57;
	v60 =	vsel vm3, $0xC00, v60;
	v63 =	vsel vm2, $0xC80, v63  }
0x13c: {  	vm2 =	vcmask $0x3734;
	v47 =	vsel vm1, $0x5580, v47;
	v53 =	vsel vm1, $0x0, v53  }
0x13d: {  	v58 =	vsel vm1, $0x280, v58;
	v59 =	vsel vm3, $0x380, v59;
	v61 =	vsel vm3, $0xC80, v61  }
0x13e: {  	v62 =	vsel vm3, $0xD00, v62;
	v63 =	vsel vm1, $0xD00, v63;
	v0 =	vsel vm2, $0xE80, v0  }
0x13f: {  	v47 =	vsel vm3, $0x5600, v47;
	v53 =	vsel vm3, $0x80, v53;
	v58 =	vsel vm3, $0x300, v58  }
0x140: {  	vm1 =	vcmask $0x3B38;
	v1 =	vsel vm2, $0xF00, v1;
	v2 =	vsel vm2, $0xF80, v2  }
0x141: {  	v3 =	vsel vm2, $0x1800, v3;
	v4 =	vsel vm2, $0x1880, v4;
	v5 =	vsel vm2, $0x1900, v5  }
0x142: {  	v6 =	vsel vm2, $0x1980, v6;
	v7 =	vsel vm2, $0x1A00, v7;
	v8 =	vsel vm2, $0x1A80, v8  }
0x143: {  	v9 =	vsel vm2, $0x1B00, v9;
	v10 =	vsel vm2, $0x1B80, v10;
	v11 =	vsel vm2, $0x2400, v11  }
0x144: {  	v12 =	vsel vm2, $0x2480, v12;
	v14 =	vsel vm2, $0x2580, v14;
	v15 =	vsel vm2, $0x2600, v15  }
0x145: {  	v17 =	vsel vm2, $0x2700, v17;
	v19 =	vsel vm2, $0x3000, v19;
	v20 =	vsel vm2, $0x3080, v20  }
0x146: {  	v21 =	vsel vm2, $0x3100, v21;
	v23 =	vsel vm2, $0x3200, v23;
	v28 =	vsel vm2, $0x3C80, v28  }
0x147: {  	v24 =	vsel vm2, $0x3280, v24;
	v29 =	vsel vm2, $0x3D00, v29;
	v34 =	vsel vm2, $0x3F80, v34;
	[tilespmem:$0x1F880] =	vst v28  }
0x148: {  	v30 =	vsel vm2, $0x3D80, v30;
	v31 =	vsel vm2, $0x3E00, v31;
	[tilespmem:$0x1F890] =	vst v34;
	v34 =	vsel vm2, $0x4800, v35  }
0x149: {  	v32 =	vsel vm2, $0x3E80, v32;
	v33 =	vsel vm2, $0x3F00, v33;
	v35 =	vsel vm2, $0x4880, v36;
	[tilespmem:$0x1F8A0] =	vst v34  }
0x14a: {  	v37 =	vsel vm2, $0x4900, v37;
	v38 =	vsel vm2, $0x4980, v38;
	v36 =	vsel vm2, $0x5600, v48;
	[tilespmem:$0x1F8B0] =	vst v35  }
0x14b: {  	v39 =	vsel vm2, $0x4A00, v39;
	v40 =	vsel vm2, $0x4A80, v40;
	v48 =	vsel vm2, $0x5700, v49;
	[tilespmem:$0x1F950] =	vst v36  }
0x14c: {  	v41 =	vsel vm2, $0x4B00, v41;
	v42 =	vsel vm2, $0x4B80, v42;
	v49 =	vsel vm2, $0x5780, v50;
	[tilespmem:$0x1F970] =	vst v48  }
0x14d: {  	v43 =	vsel vm2, $0x5400, v43;
	v44 =	vsel vm2, $0x5480, v44;
	v50 =	vsel vm2, $0x0, v51;
	[tilespmem:$0x1F990] =	vst v49  }
0x14e: {  	v45 =	vsel vm2, $0x5500, v45;
	v63 =	vsel vm3, $0xD80, v63;
	v51 =	vsel vm2, $0x80, v52;
	[tilespmem:$0x1F9A0] =	vst v50  }
0x14f: {  	v52 =	vsel vm2, $0x100, v53;
	v53 =	vsel vm2, $0x180, v54;
	v54 =	vsel vm2, $0x280, v56;
	[tilespmem:$0x1F9B0] =	vst v51  }
0x150: {  	v56 =	vsel vm2, $0x300, v57;
	v57 =	vsel vm2, $0x380, v58;
	v1 =	vsel vm1, $0xF80, v1;
	[tilespmem:$0x1F9C0] =	vst v52  }
0x151: {  	v2 =	vsel vm1, $0x1800, v2;
	v3 =	vsel vm1, $0x1880, v3;
	v41 =	vsel vm1, $0x4B80, v41;
	[tilespmem:$0x1FA30] =	vst v57  }
0x152: {  	v42 =	vsel vm1, $0x5400, v42;
	v58 =	vsel vm2, $0xE00, v63;
	[tilespmem:$0x1F830] =	vst v1;
	v57 =	vsel vm1, $0x3D80, v29;
	v29 =	vld [tilespmem:$0x1F8A0]  }
0x153: {  	[tilespmem:$0x1FA60] =	vst v58;
	v58 =	vsel vm1, $0x3E00, v30;
	v30 =	vmovc v2;
	v2 =	vsel vm1, $0x3E80, v31;
	v31 =	vmovc v3;
	v3 =	vsel vm1, $0x3F00, v32;
	v32 =	vld [tilespmem:$0x1F8B0]  }
0x154: {  	v46 =	vsel vm2, $0x5580, v46;
	v55 =	vsel vm2, $0x200, v55;
	v59 =	vsel vm2, $0xC00, v59;
	[tilespmem:$0x1F8F0] =	vst v41  }
0x155: {  	v63 =	vsel vm1, $0x1900, v4;
	v34 =	vsel vm1, $0x1A00, v6;
	v6 =	vsel vm1, $0x2600, v14;
	[tilespmem:$0x1F900] =	vst v42  }
0x156: {  	v60 =	vsel vm2, $0xC80, v60;
	v0 =	vsel vm1, $0xF00, v0;
	v28 =	vld [tilespmem:$0x1F850];
	[tilespmem:$0x1F840] =	vst v63;
	v42 =	vmovc v6;
	v6 =	vsel vm1, $0x5480, v43  }
0x157: {  	v48 =	vsel vm1, $0x3180, v21;
	v1 =	vld [tilespmem:$0x1F880];
	[tilespmem:$0x1F910] =	vst v6;
	v6 =	vsel vm1, $0x5580, v45;
	v63 =	vsel vm1, $0x4880, v29  }
0x158: {  	[tilespmem:$0x1F930] =	vst v6;
	v6 =	vld [tilespmem:$0x1F990];
	v21 =	vsel vm1, $0x4900, v32;
	v29 =	vsel vm1, $0x5500, v44;
	v32 =	vimm.s32 $0x34333231  }
0x159: {  	v35 =	vsel vm1, $0x1A80, v7;
	v7 =	vmovc v0;
	[tilespmem:$0x1F920] =	vst v29;
	v0 =	vunpack.c.0.s8.s32 v32;
	v29 =	vsel vm1, $0x5600, v46;
	v32 =	vld [tilespmem:$0x1F950]  }
0x15a: {  	v61 =	vsel vm2, $0xD00, v61;
	v39 =	vsel vm1, $0x4A80, v39;
	v41 =	vimm.s32 $0x38373635;
	[tilespmem:$0x1F940] =	vst v29;
	v29 =	vld [tilespmem:$0x1F9A0]  }
0x15b: {  	v62 =	vsel vm2, $0xD80, v62;
	[tilespmem:$0x1F9D0] =	vst v53;
	v51 =	vsel vm1, $0x3300, v24;
	v24 =	vunpack.c.0.s8.s32 v41;
	v41 =	vld [tilespmem:$0x1F970]  }
0x15c: {  	v47 =	vsel vm2, $0x5680, v47;
	v11 =	vsel vm1, $0x2480, v11;
	v40 =	vsel vm1, $0x4B00, v40;
	[tilespmem:$0x1F9F0] =	vst v54;
	v14 =	vld [tilespmem:$0x1F860]  }
0x15d: {  	v5 =	vsel vm1, $0x1980, v5;
	v9 =	vsel vm1, $0x1B80, v9;
	[tilespmem:$0x1F8D0] =	vst v39;
	v39 =	vmovc v11;
	v11 =	vsel vm1, $0x0, v6;
	v6 =	vld [tilespmem:$0x1F9D0]  }
0x15e: {  	v12 =	vsel vm1, $0x2500, v12;
	[tilespmem:$0x1FA10] =	vst v56;
	v56 =	vsel vm1, $0x3D00, v1;
	v1 =	vsel vm1, $0x5680, v32;
	v32 =	vld [tilespmem:$0x1F9B0]  }
0x15f: {  	v10 =	vsel vm1, $0x2400, v10;
	v61 =	vsel vm1, $0xD80, v61;
	[tilespmem:$0x1F8E0] =	vst v40;
	v40 =	vmovc v12;
	v12 =	vsel vm1, $0x80, v29;
	v29 =	vld [tilespmem:$0x1F9F0]  }
0x160: {  	v15 =	vsel vm1, $0x2680, v15;
	v17 =	vsel vm1, $0x2780, v17;
	[tilespmem:$0x1F960] =	vst v1;
	v1 =	vsel vm1, $0x5780, v41;
	v41 =	vld [tilespmem:$0x1F9C0]  }
0x161: {  	v19 =	vsel vm1, $0x3080, v19;
	v36 =	vsel vm1, $0x1B00, v8;
	v8 =	vld [tilespmem:$0x1F870];
	v4 =	vsel vm1, $0x3F80, v33  }
0x162: {  	v38 =	vsel vm1, $0x4A00, v38;
	[tilespmem:$0x1FA40] =	vst v61;
	v33 =	vmovc v5;
	v5 =	vld [tilespmem:$0x1F890];
	v43 =	vmovc v15;
	v15 =	vsel vm1, $0x280, v55;
	v61 =	vmov v4  }
0x163: {  	v4 =	vimm.s32 $0x39383736;
	v44 =	vmovc v17;
	v46 =	vmovc v19;
	[tilespmem:$0x1F980] =	vst v1;
	v1 =	vsel vm1, $0x200, v6;
	v17 =	vsel vm1, $0x100, v32;
	v32 =	vld [tilespmem:$0x1FA10]  }
0x164: {  	[tilespmem:$0x1F8C0] =	vst v38;
	v19 =	vsel vm1, $0xD00, v60;
	v60 =	vmovc v3;
	v3 =	vunpack.c.0.s8.s32 v4;
	v55 =	vmovc v1;
	v1 =	vsel vm1, $0x300, v29;
	v29 =	vld [tilespmem:$0x1FA60]  }
0x165: {  	v20 =	vsel vm1, $0x3100, v20;
	v50 =	vsel vm1, $0x3280, v23;
	v38 =	vmovc v10;
	[tilespmem:$0x1F9E0] =	vst v15;
	v10 =	vsel vm1, $0x180, v41;
	v41 =	vld [tilespmem:$0x1FA30]  }
0x166: {  	v23 =	vsel vm1, $0x4980, v37;
	v37 =	vmovc v9;
	v9 =	vsel vm1, $0x5700, v47;
	v0 =	vsel vm0, v24, v0;
	[tilespmem:$0x1FA90] =	vst v3  }
0x167: {  	v47 =	vmovc v20;
	v20 =	vsel vm1, $0xC80, v59;
	v5 =	vsel vm1, $0x4800, v5;
	[tilespmem:$0x1FA70] =	vst v0;
	v6 =	vsel vm1, $0xE00, v62  }
0x168: {  	v62 =	vmovc v5;
	v5 =	vimm.s32 $0x36353433;
	[tilespmem:$0x1FA00] =	vst v1;
	v1 =	vsel vm1, $0x380, v32;
	v32 =	vimm.s32 $0x3C3B3A39  }
0x169: {  	v15 =	vmovc v8;
	[tilespmem:$0x1FA50] =	vst v6;
	v6 =	vsel vm1, $0xE80, v29;
	v0 =	vunpack.c.0.s8.s32 v32;
	v29 =	vimm.s32 $0x3A393837  }
0x16a: {  	v8 =	vmovc v14;
	v14 =	vmovc v28;
	[tilespmem:$0x1FA20] =	vst v1;
	v28 =	vsel vm1, $0xC00, v41;
	v32 =	vunpack.c.0.s8.s32 v29;
	v29 =	vimm.s32 $0x3D3C3B3A  }
0x16b: {  	v59 =	vmovc v2;
	v41 =	vimm.s32 $0x35343332;
	v1 =	vunpack.c.0.s8.s32 v5;
	[tilespmem:$0x1FA80] =	vst v0;
	v2 =	vunpack.c.0.s8.s32 v29  }
0x16c: {  	v0 =	vunpack.c.0.s8.s32 v41;
	[tilespmem:$0x1FAC0] =	vst v32  }
0x16d: {  	v41 =	vimm.s32 $0x4030201;
	v1 =	vsel vm0, v32, v1;
	v32 =	vimm.s32 $0x3E3D3C3B;
	[tilespmem:$0x1FAB0] =	vst v2  }
0x16e: {  	v5 =	vunpack.c.0.s8.s32 v41;
	v0 =	vsel vm0, v3, v0;
	[tilespmem:$0x1FAD0] =	vst v1;
	v1 =	vunpack.c.0.s8.s32 v32  }
0x16f: {  	[tilespmem:$0x1FAA0] =	vst v0  }
0x170: {  	s0 =	rddreg [dreg:$0x0];
	s1 =	simm.s32 $0x0;
	v0 =	vsel vm0, v5, v15;
	[tilespmem:$0x1FAE0] =	vst v1  }
0x171: {  	[smem:$0x7FF] =	sst s1;
	[tilespmem:$0x1FAF0] =	vst v0  }
0x172: {  	s2 =	rddreg [dreg:$0x1];
	_ =	strace $0x80000047;
	[tilespmem:$0x1FD00] =	vst v21  }
0x173: {  	[tilespmem:$0x1FD10] =	vst v23  }
0x174: {  	[tilespmem:$0x1FD20] =	vst v24  }
0x175: {  	[tilespmem:$0x1FD80] =	vst v55  }
0x176: {  	[tilespmem:$0x1FE00] =	vst v6  }
0x177: {  	[tilespmem:$0x1FE10] =	vst v28  }
0x178: {  	[tilespmem:$0x1FE20] =	vst v30  }
0x179: {  	[tilespmem:$0x1FE30] =	vst v36  }
0x17a: {  	v16 =	vsel vm3, $0x2600, v16;
	[tilespmem:$0x1FE40] =	vst v7  }
0x17b: {  	v16 =	vsel vm2, $0x2680, v16;
	[tilespmem:$0x1FE50] =	vst v37  }
0x17c: {  	v16 =	vsel vm1, $0x2700, v16;
	[tilespmem:$0x1FE60] =	vst v38  }
0x17d: {  	[tilespmem:$0x1FE70] =	vst v16  }
0x17e: {  	[tilespmem:$0x1FE80] =	vst v20  }
0x17f: {  	v18 =	vsel vm3, $0x2700, v18;
	[tilespmem:$0x1FE90] =	vst v19  }
0x180: {  	v18 =	vsel vm2, $0x2780, v18;
	[tilespmem:$0x1FEA0] =	vst v39  }
0x181: {  	v18 =	vsel vm1, $0x3000, v18;
	[tilespmem:$0x1FEB0] =	vst v44  }
0x182: {  	v22 =	vsel vm3, $0x3100, v22;
	v45 =	vmov v18;
	[tilespmem:$0x1FEC0] =	vst v43  }
0x183: {  	v22 =	vsel vm2, $0x3180, v22;
	[tilespmem:$0x1FED0] =	vst v45  }
0x184: {  	v49 =	vsel vm1, $0x3200, v22;
	[tilespmem:$0x1FEE0] =	vst v47  }
0x185: {  	[tilespmem:$0x1FEF0] =	vst v49  }
0x186: {  	[tilespmem:$0x1FF00] =	vst v48  }
0x187: {  	[tilespmem:$0x1FF10] =	vst v46  }
0x188: {  	[tilespmem:$0x1FF20] =	vst v50  }
0x189: {  	v25 =	vsel vm3, $0x3280, v25;
	[tilespmem:$0x1FF30] =	vst v51  }
0x18a: {  	v26 =	vsel vm3, $0x3300, v26;
	v25 =	vsel vm2, $0x3300, v25;
	[tilespmem:$0x1FF40] =	vst v59  }
0x18b: {  	v26 =	vsel vm2, $0x3380, v26;
	v52 =	vsel vm1, $0x3380, v25;
	[tilespmem:$0x1FF50] =	vst v63  }
0x18c: {  	v27 =	vsel vm3, $0x3380, v27;
	v53 =	vsel vm1, $0x3C00, v26;
	[tilespmem:$0x1FF60] =	vst v52  }
0x18d: {  	v27 =	vsel vm2, $0x3C00, v27;
	[tilespmem:$0x1FF70] =	vst v53  }
0x18e: {  	v54 =	vsel vm1, $0x3C80, v27;
	[tilespmem:$0x1FF80] =	vst v61  }
0x18f: {  	[tilespmem:$0x1FF90] =	vst v54  }
0x190: {  	[tilespmem:$0x1FFA0] =	vst v56  }
0x191: {  	v18 =	vlaneseq.u32;
	v29 =	vimm.s32 $0xA9876543;
	[tilespmem:$0x1FFB0] =	vst v57  }
0x192: {  	v4 =	vimm.s32 $0x87654321;
	v41 =	vimm.s32 $0x5040302;
	v3 =	vunpack.c.l.s4.s8 v29;
	[tilespmem:$0x1FFC0] =	vst v40  }
0x193: {  	v32 =	vimm.s32 $0x6050403;
	v5 =	vimm.s32 $0x98765432;
	v0 =	vunpack.c.0.s8.s32 v41;
	[tilespmem:$0x1FFD0] =	vst v34  }
0x194: {  	v1 =	vunpack.c.l.s4.s8 v4;
	v2 =	vunpack.c.l.s4.s8 v5;
	v41 =	vimm.s32 $0x76543210;
	[tilespmem:$0x1FFE0] =	vst v31  }
0x195: {  	v4 =	vunpack.c.0.s8.s32 v32;
	v5 =	vunpack.c.l.s4.s8 v41;
	v41 =	vadd.s32 $0x7, v18;
	[tilespmem:$0x1FFF0] =	vst v33  }
0x196: {  	v32 =	vunpack.c.0.s8.s32 v3;
	v0 =	vsel vm0, v0, v8;
	[tilespmem:$0x1FDF0] =	vst v41  }
0x197: {  	v4 =	vsel vm0, v4, v14;
	[tilespmem:$0x1FB00] =	vst v0  }
0x198: {  	v29 =	vunpack.c.0.s8.s32 v2;
	v2 =	vand.u32 $0xF, v32;
	[tilespmem:$0x1FB10] =	vst v4  }
0x199: {  	v3 =	vmov v17;
	[tilespmem:$0x1FB50] =	vst v2  }
0x19a: {  	v1 =	vunpack.c.0.s8.s32 v1;
	v17 =	vadd.s32 $0x4, v18;
	v5 =	vunpack.c.0.s8.s32 v5;
	[tilespmem:$0x1FD60] =	vst v3  }
0x19b: {  	[tilespmem:$0x1FDC0] =	vst v17  }
0x19c: {  	v1 =	vand.u32 $0xF, v1;
	[tilespmem:$0x1FB20] =	vst v5  }
0x19d: {  	v0 =	vand.u32 $0xF, v29;
	[tilespmem:$0x1FB30] =	vst v1  }
0x19e: {  	v29 =	vadd.s32 $0x6, v18;
	[tilespmem:$0x1FB40] =	vst v0  }
0x19f: {  	v4 =	vmov v10;
	v10 =	vadd.s32 $0x8, v18;
	[tilespmem:$0x1FDE0] =	vst v29  }
0x1a0: {  	v2 =	vmov v12;
	[tilespmem:$0x1FB60] =	vst v10  }
0x1a1: {  	[tilespmem:$0x1FD50] =	vst v2  }
0x1a2: {  	v12 =	vadd.s32 $0x3, v18;
	[tilespmem:$0x1FD70] =	vst v4  }
0x1a3: {  	v5 =	vadd.s32 $0x5, v18;
	[tilespmem:$0x1FDB0] =	vst v12  }
0x1a4: {  	v10 =	vadd.s32 $0x9, v18;
	[tilespmem:$0x1FDD0] =	vst v5  }
0x1a5: {  	[tilespmem:$0x1FB70] =	vst v10;
	v10 =	vadd.s32 $0xA, v18  }
0x1a6: {  	v0 =	vmov v9;
	[tilespmem:$0x1FB80] =	vst v10  }
0x1a7: {  	v1 =	vmov v11;
	[tilespmem:$0x1FD30] =	vst v0  }
0x1a8: {  	v9 =	vadd.s32 $0x1, v18;
	[tilespmem:$0x1FD40] =	vst v1  }
0x1a9: {  	v11 =	vadd.s32 $0x2, v18;
	[tilespmem:$0x1FD90] =	vst v9  }
0x1aa: {  	v10 =	vadd.s32 $0xB, v18;
	[tilespmem:$0x1FDA0] =	vst v11  }
0x1ab: {  	[tilespmem:$0x1FB90] =	vst v10;
	v10 =	vadd.s32 $0xC, v18  }
0x1ac: {  	[tilespmem:$0x1FBA0] =	vst v10;
	v10 =	vadd.s32 $0xD, v18  }
0x1ad: {  	[tilespmem:$0x1FBB0] =	vst v10;
	v10 =	vadd.s32 $0xE, v18  }
0x1ae: {  	[tilespmem:$0x1FBC0] =	vst v10;
	v10 =	vadd.s32 $0xF, v18  }
0x1af: {  	[tilespmem:$0x1FBD0] =	vst v10;
	v10 =	vor.u32 $0x10, v18  }
0x1b0: {  	[tilespmem:$0x1FBE0] =	vst v10;
	v10 =	vadd.s32 $0x11, v18  }
0x1b1: {  	[tilespmem:$0x1FBF0] =	vst v10;
	v10 =	vadd.s32 $0x12, v18  }
0x1b2: {  	[tilespmem:$0x1FC00] =	vst v10;
	v10 =	vadd.s32 $0x13, v18  }
0x1b3: {  	[tilespmem:$0x1FC10] =	vst v10;
	v10 =	vadd.s32 $0x14, v18  }
0x1b4: {  	s4 =	srdreg.scid;
	[tilespmem:$0x1FC20] =	vst v10;
	v10 =	vadd.s32 $0x15, v18  }
0x1b5: {  	s5 =	stileid.u32;
	s14 =	simm.s32 $0x80;
	s15 =	simm.s32 $0x400;
	[tilespmem:$0x1FC30] =	vst v10;
	v10 =	vadd.s32 $0x16, v18  }
0x1b6: {  	s19 =	simm.s32 $0x100;
	s22 =	simm.s32 $0x2;
	s23 =	simm.s32 $0x8400;
	[tilespmem:$0x1FC40] =	vst v10;
	v10 =	vadd.s32 $0x17, v18  }
0x1b7: {  	s24 =	simm.s32 $0x5;
	s17 =	simm.s32 $0x6;
	s12 =	simm.s32 $0x16400;
	[tilespmem:$0x1FC50] =	vst v10;
	v10 =	vadd.s32 $0x18, v18  }
0x1b8: {  	s20 =	simm.s32 $0x19400;
	s21 =	simm.s32 $0x1A000;
	s28 =	simm.s32 $0x1AC00;
	[tilespmem:$0x1FC60] =	vst v10;
	v10 =	vadd.s32 $0x19, v18  }
0x1b9: {  	s29 =	simm.s32 $0x1B800;
	s3 =	sadd.s32 $0x1C600, s0;
	s4 =	sand.u32 $0x1, s4;
	[tilespmem:$0x1FC70] =	vst v10;
	v10 =	vadd.s32 $0x1A, v18  }
0x1ba: {  	s5 =	sshll.u32 s5, $0xA;
	s7 =	ssub.s32 $0x2, s4;
	s6 =	sshll.u32 s4, $0x9;
	[tilespmem:$0x1FC80] =	vst v10;
	v10 =	vadd.s32 $0x1B, v18  }
0x1bb: {  	s4 =	sadd.s32 $0x600, s0;
	s8 =	sshrl.u32 s7, $0x1;
	s5 =	sor.u32 s6, s5;
	[tilespmem:$0x1FC90] =	vst v10;
	v10 =	vadd.s32 $0x1C, v18  }
0x1bc: {  	s6 =	sadd.s32 $0x38600, s0;
	s25 =	ssub.s32 s7, s8;
	s26 =	sadd.s32 s3, s5;
	[tilespmem:$0x1FCA0] =	vst v10;
	v10 =	vadd.s32 $0x1D, v18  }
.Ltmp0:
0x1bd: {  	s30 =	sadd.s32 s4, s5;
	s9 =	sor.u32 $0x100, s5;
	[tilespmem:$0x1FCB0] =	vst v10;
	v10 =	vadd.s32 $0x1E, v18;
	(pc) =	sbr.rel .LBB2_1-.Ltmp0, $4  }
0x1be: {  	s10 =	sadd.s32 s2, s5;
	s0 =	smax.u32 s25, $0x1;
	[dreg:$0x3] =	wrdreg s26;
	[tilespmem:$0x1FCC0] =	vst v10;
	v10 =	vadd.s32 $0x1F, v18  }
0x1bf: {  	s7 =	simm.s32 $0x4;
	s8 =	simm.s32 $0x0;
	v13 =	vsel vm3, $0x2480, v13;
	[dreg:$0x5] =	wrdreg s0;
	[tilespmem:$0x1FCD0] =	vst v10;
	v10 =	vor.u32 $0x20, v18  }
0x1c0: {  	s11 =	sadd.s32 s2, s9;
	s31 =	sadd.s32 $0x80, s30;
	v13 =	vsel vm2, $0x2500, v13;
	[dreg:$0x4] =	wrdreg s30;
	[tilespmem:$0x1FCE0] =	vst v10;
	v10 =	vadd.s32 $0x21, v18  }
0x1c1: {  	s25 =	simm.s32 $0x3;
	v13 =	vsel vm1, $0x2580, v13;
	[dreg:$0x6] =	wrdreg s31;
	s26 =	simm.s32 $0x10400;
	[tilespmem:$0x1FCF0] =	vst v10  }
.LBB2_8:
0x1c2: {  	s0 =	simm.s32 $0x7  }
0x1c3: {  	_ =	swait.ge [sflag:s0], $0x4000  }
0x1c4: {  	[sflag:s0] =	ssyncset.done $0x0  }
0x1c5: {  	s2 =	simm.s32 $0x8;
	[sflag:s0] =	ssyncadd.s32 $0xFFFFC000  }
0x1c6: {  	_ =	swait.ge [sflag:s2], $0x4000  }
0x1c7: {  	s8 =	rddreg [dreg:$0x7]  }
0x1c8: {  	s31 =	rddreg [dreg:$0x5];
	v21 =	vld [tilespmem:$0x1FD00];
	s8 =	sadd.s32 $0x1, s8  }
0x1c9: {  	v23 =	vld [tilespmem:$0x1FD10];
	p0 =	sne.s32 s8, s31  }
.Ltmp1:
0x1ca: {  	v24 =	vld [tilespmem:$0x1FD20];
	(pc) =	sbr.rel @!p0 .LBB2_9-.Ltmp1, $4  }
0x1cb: {  	v9 =	vld [tilespmem:$0x1FD90]  }
0x1cc: {  	v11 =	vld [tilespmem:$0x1FDA0]  }
0x1cd: {  	[sflag:s2] =	ssyncset.done $0x0;
	v12 =	vld [tilespmem:$0x1FDB0]  }
0x1ce: {  	v13 =	vmov v41;
	v18 =	vlaneseq.u32;
	v17 =	vld [tilespmem:$0x1FDC0];
	[sflag:s2] =	ssyncadd.s32 $0xFFFFC000  }
.LBB2_1:
0x1cf: {  	[dreg:$0x7] =	wrdreg s8  }
0x1d0: {  	s0 =	rddreg [dreg:$0x3]  }
0x1d1: {  	[tilespmem:s1], [sflag:$0x1] =	stream.strided.gather [hbm4b:s0+s14], $0x100, s15, s14, $0x38;
	[tilespmem:$0x1C400] =	vst v63  }
0x1d2: {  	s13 =	rddreg [dreg:$0x4];
	s2 =	simm.s32 $0x200  }
0x1d3: {  	[tilespmem:s2], [sflag:$0x3] =	stream.linear.gather [hbm4b:s13+s1], $0x80, $0x38;
	[tilespmem:$0x1C400] =	vst v63  }
0x1d4: {  	s16 =	rddreg [dreg:$0x6];
	s18 =	simm.s32 $0x300;
	s31 =	simm.s32 $0x1  }
0x1d5: {  	[tilespmem:s18], [sflag:$0x3] =	stream.linear.gather [hbm4b:s16+s1], $0x80, $0x38;
	[tilespmem:$0x1C400] =	vst v63  }
0x1d6: {  	_ =	swait.ge [sflag:s31], $0x100  }
0x1d7: {  	[sflag:s31] =	ssyncset.done $0x0  }
0x1d8: {  	s30 =	simm.s32 $0x0;
	s0 =	smov.u32 s9;
	[sflag:s31] =	ssyncadd.s32 $0xFFFFFF00  }
0x1d9: {  	v41 =	vmovc v42;
	v7 =	vmovc v13;
	v13 =	vmov v40;
	v16 =	vmov v35;
	v40 =	vmov v58;
	[tilespmem:s15], [sflag:$0x5] =	stream.indirect.gather [hbm4b:s6+s19], $0x80, s1, s19, $0xb8;
	[tilespmem:$0x1C400] =	vst v63  }
.LBB2_2:
0x1da: {  	s2 =	sadd.s32 s3, s0  }
0x1db: {  	[tilespmem:s19], [sflag:$0x2] =	stream.strided.gather [hbm4b:s2+s14], $0x100, s15, s14, $0x38;
	[tilespmem:$0x1C400] =	vst v63  }
0x1dc: {  	s13 =	sadd.s32 s4, s0;
	s16 =	simm.s32 $0x280  }
0x1dd: {  	[tilespmem:s16], [sflag:$0x4] =	stream.linear.gather [hbm4b:s13+s1], $0x80, $0x38;
	[tilespmem:$0x1C400] =	vst v63  }
0x1de: {  	s18 =	simm.s32 $0x380;
	s0 =	sadd.s32 $0x80, s13  }
0x1df: {  	[tilespmem:s18], [sflag:$0x4] =	stream.linear.gather [hbm4b:s0+s1], $0x80, $0x38;
	[tilespmem:$0x1C400] =	vst v63  }
0x1e0: {  	_ =	swait.ge [sflag:s22], $0x100  }
0x1e1: {  	[sflag:s22] =	ssyncset.done $0x0  }
0x1e2: {  	[sflag:s22] =	ssyncadd.s32 $0xFFFFFF00  }
0x1e3: {  	[tilespmem:s23], [sflag:$0x6] =	stream.indirect.gather [hbm4b:s6+s19], $0x80, s19, s19, $0xb8;
	[tilespmem:$0x1C400] =	vst v63  }
0x1e4: {  	_ =	swait.ge [sflag:s24], $0x8000  }
0x1e5: {  	[sflag:s24] =	ssyncset.done $0x0  }
0x1e6: {  	[sflag:s24] =	ssyncadd.s32 $0xFFFF8000  }
0x1e7: {  	_ =	swait.ge [sflag:s25], $0x100  }
0x1e8: {  	p1 =	seq.s32 s30, $0x0;
	[sflag:s25] =	ssyncset.done $0x0  }
0x1e9: {  	s2 =	simm.s32 @!p1 $0x7;
	[sflag:s25] =	ssyncadd.s32 $0xFFFFFF00  }
0x1ea: {  	_ =	swait.ge @!p1 [sflag:s2], $0x4000  }
0x1eb: {  	v25 =	vld [tilespmem:$0x1FA70]  }
0x1ec: {  	v26 =	vld [tilespmem:$0x1FA80]  }
0x1ed: {  	v27 =	vld [tilespmem:$0x1FA90]  }
0x1ee: {  	v28 =	vld [tilespmem:$0x1FAC0]  }
0x1ef: {  	v29 =	vld [tilespmem:$0x1FAA0]  }
0x1f0: {  	v30 =	vld [tilespmem:$0x1FAB0]  }
0x1f1: {  	v31 =	vld [tilespmem:$0x1FAD0]  }
0x1f2: {  	v32 =	vld [tilespmem:$0x1FAE0]  }
0x1f3: {  	v33 =	vld [tilespmem:$0x1FAF0]  }
0x1f4: {  	v34 =	vld [tilespmem:$0x1FB00]  }
0x1f5: {  	v10 =	vld [tilespmem:$0x1FB10]  }
0x1f6: {  	v35 =	vld [tilespmem:$0x1FB20]  }
0x1f7: {  	v36 =	vld [tilespmem:$0x1FB30]  }
0x1f8: {  	v37 =	vld [tilespmem:$0x1FB40]  }
0x1f9: {  	v38 =	vld [tilespmem:$0x1FB50]  }
0x1fa: {  	v44 =	vld [tilespmem:$0x1FE40]  }
0x1fb: {  	v45 =	vld [tilespmem:$0x1F830]  }
0x1fc: {  	v49 =	vld [tilespmem:$0x1FE20]  }
0x1fd: {  	v47 =	vld [tilespmem:$0x1FFE0]  }
0x1fe: {  	v46 =	vld [tilespmem:$0x1F840]  }
0x1ff: {  	v43 =	vld [tilespmem:$0x1FFF0]  }
0x200: {  	v50 =	vld [tilespmem:$0x1FFD0]  }
0x201: {  	v59 =	vld [tilespmem:$0x1FE30]  }
0x202: {  	v61 =	vld [tilespmem:$0x1FE50]  }
0x203: {  	v57 =	vld [tilespmem:$0x1FE60]  }
0x204: {  	v52 =	vld [tilespmem:$0x1FEC0]  }
0x205: {  	v53 =	vld [tilespmem:$0x1FEA0]  }
0x206: {  	v63 =	vld [tilespmem:$0x1FEB0]  }
0x207: {  	v39 =	vld [tilespmem:$0x1FE70]  }
0x208: {  	s31 =	simm.s32 $0x0;
	[sflag:s2] =	ssyncset.done @!p1 $0x0;
	v56 =	vld [tilespmem:$0x1FED0]  }
0x209: {  	v48 =	vmovc v16;
	v42 =	vmov v13;
	v58 =	vmov v7;
	v51 =	vmov v41;
	s0 =	sshll.u32 s30, $0x1;
	v54 =	vld [tilespmem:$0x1FF10];
	[sflag:s2] =	ssyncadd.s32 @!p1 $0xFFFFC000;
	s2 =	simm.s32 $0x0  }
.LBB2_3:
0x20a: {  	s16 =	sand.u32 $0x70, s31;
	s13 =	sand.u32 $0x100, s2  }
0x20b: {  	s13 =	sor.u32 s16, s13  }
0x20c: {  	v6 =	vld [tilespmem:s13+$0x200];
	_ =	sdelay $0x3  }
0x20d: {  	v0 =	vor.u32 s31, v18  }
0x20e: {  	v5 =	vshll.u32 v0, $0x7;
	v1 =	vadd.s32 v18, v6;
	v3 =	vadd.s32 v9, v6  }
0x20f: {  	v7 =	vadd.s32 v11, v6;
	v8 =	vadd.s32 v12, v6;
	v2 =	vand.u32 $0xFFFFFF80, v1  }
0x210: {  	v11 =	vadd.s32 v17, v6;
	v1 =	vand.u32 $0x7F, v1;
	v2 =	vadd.s32 v5, v2  }
0x211: {  	v9 =	vand.u32 $0xFFFFFF80, v8;
	v1 =	vor.u32 v1, v2;
	v2 =	vand.u32 $0xFFFFFF80, v3  }
0x212: {  	v8 =	vand.u32 $0x7F, v8;
	v3 =	vand.u32 $0x7F, v3;
	v2 =	vadd.s32 v5, v2  }
0x213: {  	v9 =	vadd.s32 v5, v9;
	v2 =	vor.u32 v3, v2;
	v3 =	vand.u32 $0xFFFFFF80, v7  }
0x214: {  	v8 =	vor.u32 v8, v9;
	v7 =	vand.u32 $0x7F, v7;
	v3 =	vadd.s32 v5, v3  }
0x215: {  	v9 =	vand.u32 $0x7F, v11;
	v3 =	vor.u32 v7, v3;
	v7 =	vand.u32 $0xFFFFFF80, v11;
	v11 =	vld [tilespmem:$0x1FDD0];
	_ =	sdelay $0x2  }
0x216: {  	v4 =	vmov s31  }
0x217: {  	v4 =	vshll.u32 v4, $0x3;
	v0 =	vand.u32 $0x7F, v0;
	v7 =	vadd.s32 v5, v7  }
0x218: {  	v4 =	vand.u32 $0x400, v4;
	v9 =	vor.u32 v9, v7;
	v11 =	vadd.s32 v11, v6  }
0x219: {  	v7 =	vor.u32 v0, v4;
	v0 =	vand.u32 $0xFFFFFF80, v11;
	v4 =	vand.u32 $0x7F, v11;
	v11 =	vld [tilespmem:$0x1FDE0];
	_ =	sdelay $0x1  }
0x21a: {  	v13 =	vld [tilespmem:$0x1FDF0];
	_ =	sdelay $0x1  }
0x21b: {  	v15 =	vld [tilespmem:$0x1FB60]  }
0x21c: {  	v0 =	vadd.s32 v5, v0;
	v11 =	vadd.s32 v11, v6  }
0x21d: {  	v1 =	vld.idx.msk [tilespmem:v1+s15+$0x0], $0xffff;
	v12 =	vadd.s32 v44, v7;
	v0 =	vor.u32 v4, v0;
	v4 =	vand.u32 $0xFFFFFF80, v11  }
0x21e: {  	v13 =	vadd.s32 v13, v6;
	v8 =	vld.idx.msk [tilespmem:v8+s15+$0x0], $0xffff;
	v11 =	vand.u32 $0x7F, v11;
	v4 =	vadd.s32 v5, v4  }
0x21f: {  	v2 =	vld.idx.msk [tilespmem:v2+s15+$0x0], $0xffff;
	v4 =	vor.u32 v11, v4;
	v11 =	vand.u32 $0xFFFFFF80, v13  }
0x220: {  	v15 =	vadd.s32 v15, v6;
	v3 =	vld.idx.msk [tilespmem:v3+s15+$0x0], $0xffff;
	v13 =	vand.u32 $0x7F, v13;
	v11 =	vadd.s32 v5, v11  }
0x221: {  	v9 =	vld.idx.msk [tilespmem:v9+s15+$0x0], $0xffff;
	v11 =	vor.u32 v13, v11;
	v13 =	vand.u32 $0xFFFFFF80, v15  }
0x222: {  	[tilespmem:v12+s26+$0x0] =	vst.idx.msk $0xffff, v1;
	v12 =	vadd.s32 v5, v13;
	v13 =	vld [tilespmem:$0x1FB70]  }
0x223: {  	v14 =	vadd.s32 v45, v7;
	_ =	sdelay $0x3  }
0x224: {  	v1 =	vand.u32 $0x7F, v15;
	v0 =	vld.idx.msk [tilespmem:v0+s15+$0x0], $0xffff;
	v13 =	vadd.s32 v13, v6  }
0x225: {  	[tilespmem:v14+s26+$0x0] =	vst.idx.msk $0xffff, v2;
	v1 =	vor.u32 v1, v12;
	v12 =	vand.u32 $0xFFFFFF80, v13;
	v2 =	vand.u32 $0x7F, v13;
	v13 =	vld [tilespmem:$0x1FB80]  }
0x226: {  	v16 =	vadd.s32 v49, v7;
	_ =	sdelay $0x3  }
0x227: {  	v4 =	vld.idx.msk [tilespmem:v4+s15+$0x0], $0xffff;
	v12 =	vadd.s32 v5, v12;
	v13 =	vadd.s32 v13, v6  }
0x228: {  	[tilespmem:v16+s26+$0x0] =	vst.idx.msk $0xffff, v3;
	v2 =	vor.u32 v2, v12;
	v12 =	vand.u32 $0xFFFFFF80, v13;
	v3 =	vand.u32 $0x7F, v13;
	v13 =	vld [tilespmem:$0x1FB90]  }
0x229: {  	v15 =	vadd.s32 v47, v7;
	_ =	sdelay $0x3  }
0x22a: {  	v11 =	vld.idx.msk [tilespmem:v11+s15+$0x0], $0xffff;
	v12 =	vadd.s32 v5, v12;
	v13 =	vadd.s32 v13, v6  }
0x22b: {  	[tilespmem:v15+s26+$0x0] =	vst.idx.msk $0xffff, v8;
	v3 =	vor.u32 v3, v12;
	v12 =	vand.u32 $0xFFFFFF80, v13;
	v8 =	vand.u32 $0x7F, v13;
	v13 =	vld [tilespmem:$0x1FBA0]  }
0x22c: {  	v14 =	vadd.s32 v46, v7;
	_ =	sdelay $0x3  }
0x22d: {  	v1 =	vld.idx.msk [tilespmem:v1+s15+$0x0], $0xffff;
	v12 =	vadd.s32 v5, v12;
	v13 =	vadd.s32 v13, v6  }
0x22e: {  	[tilespmem:v14+s26+$0x0] =	vst.idx.msk $0xffff, v9;
	v8 =	vor.u32 v8, v12;
	v12 =	vand.u32 $0xFFFFFF80, v13;
	v9 =	vand.u32 $0x7F, v13;
	v13 =	vld [tilespmem:$0x1FBB0]  }
0x22f: {  	v16 =	vadd.s32 v43, v7;
	_ =	sdelay $0x3  }
0x230: {  	v2 =	vld.idx.msk [tilespmem:v2+s15+$0x0], $0xffff;
	v12 =	vadd.s32 v5, v12;
	v13 =	vadd.s32 v13, v6  }
0x231: {  	[tilespmem:v16+s26+$0x0] =	vst.idx.msk $0xffff, v0;
	v9 =	vor.u32 v9, v12;
	v12 =	vand.u32 $0xFFFFFF80, v13;
	v0 =	vand.u32 $0x7F, v13;
	v13 =	vld [tilespmem:$0x1FBC0]  }
0x232: {  	v15 =	vadd.s32 v50, v7;
	_ =	sdelay $0x3  }
0x233: {  	v3 =	vld.idx.msk [tilespmem:v3+s15+$0x0], $0xffff;
	v12 =	vadd.s32 v5, v12;
	v13 =	vadd.s32 v13, v6  }
0x234: {  	[tilespmem:v15+s26+$0x0] =	vst.idx.msk $0xffff, v4;
	v0 =	vor.u32 v0, v12;
	v12 =	vand.u32 $0xFFFFFF80, v13;
	v4 =	vand.u32 $0x7F, v13;
	v13 =	vld [tilespmem:$0x1FBD0]  }
0x235: {  	v14 =	vadd.s32 v48, v7;
	_ =	sdelay $0x3  }
0x236: {  	v8 =	vld.idx.msk [tilespmem:v8+s15+$0x0], $0xffff;
	v12 =	vadd.s32 v5, v12;
	v13 =	vadd.s32 v13, v6  }
0x237: {  	[tilespmem:v14+s26+$0x0] =	vst.idx.msk $0xffff, v11;
	v4 =	vor.u32 v4, v12;
	v12 =	vand.u32 $0xFFFFFF80, v13;
	v11 =	vand.u32 $0x7F, v13;
	v13 =	vld [tilespmem:$0x1FBE0]  }
0x238: {  	v16 =	vadd.s32 v59, v7;
	_ =	sdelay $0x3  }
0x239: {  	v9 =	vld.idx.msk [tilespmem:v9+s15+$0x0], $0xffff;
	v12 =	vadd.s32 v5, v12;
	v13 =	vadd.s32 v13, v6  }
0x23a: {  	[tilespmem:v16+s26+$0x0] =	vst.idx.msk $0xffff, v1;
	v11 =	vor.u32 v11, v12;
	v12 =	vand.u32 $0xFFFFFF80, v13;
	v1 =	vand.u32 $0x7F, v13;
	v13 =	vld [tilespmem:$0x1FBF0]  }
0x23b: {  	v15 =	vadd.s32 v61, v7;
	_ =	sdelay $0x3  }
0x23c: {  	v0 =	vld.idx.msk [tilespmem:v0+s15+$0x0], $0xffff;
	v12 =	vadd.s32 v5, v12;
	v13 =	vadd.s32 v13, v6  }
0x23d: {  	[tilespmem:v15+s26+$0x0] =	vst.idx.msk $0xffff, v2;
	v1 =	vor.u32 v1, v12;
	v12 =	vand.u32 $0xFFFFFF80, v13;
	v2 =	vand.u32 $0x7F, v13;
	v13 =	vld [tilespmem:$0x1FC00]  }
0x23e: {  	v14 =	vadd.s32 v57, v7;
	_ =	sdelay $0x3  }
0x23f: {  	v4 =	vld.idx.msk [tilespmem:v4+s15+$0x0], $0xffff;
	v12 =	vadd.s32 v5, v12;
	v13 =	vadd.s32 v13, v6  }
0x240: {  	[tilespmem:v14+s26+$0x0] =	vst.idx.msk $0xffff, v3;
	v2 =	vor.u32 v2, v12;
	v12 =	vand.u32 $0xFFFFFF80, v13;
	v3 =	vand.u32 $0x7F, v13;
	v13 =	vld [tilespmem:$0x1FC10]  }
0x241: {  	v16 =	vadd.s32 v53, v7;
	_ =	sdelay $0x3  }
0x242: {  	v11 =	vld.idx.msk [tilespmem:v11+s15+$0x0], $0xffff;
	v12 =	vadd.s32 v5, v12;
	v13 =	vadd.s32 v13, v6  }
0x243: {  	[tilespmem:v16+s26+$0x0] =	vst.idx.msk $0xffff, v8;
	v3 =	vor.u32 v3, v12;
	v12 =	vand.u32 $0xFFFFFF80, v13;
	v8 =	vand.u32 $0x7F, v13;
	v13 =	vld [tilespmem:$0x1FC20]  }
0x244: {  	v15 =	vadd.s32 v42, v7;
	_ =	sdelay $0x3  }
0x245: {  	v1 =	vld.idx.msk [tilespmem:v1+s15+$0x0], $0xffff;
	v12 =	vadd.s32 v5, v12;
	v13 =	vadd.s32 v13, v6  }
0x246: {  	[tilespmem:v15+s26+$0x0] =	vst.idx.msk $0xffff, v9;
	v8 =	vor.u32 v8, v12;
	v12 =	vand.u32 $0xFFFFFF80, v13;
	v9 =	vand.u32 $0x7F, v13;
	v13 =	vld [tilespmem:$0x1FC30]  }
0x247: {  	v14 =	vadd.s32 v58, v7;
	_ =	sdelay $0x3  }
0x248: {  	v2 =	vld.idx.msk [tilespmem:v2+s15+$0x0], $0xffff;
	v12 =	vadd.s32 v5, v12;
	v13 =	vadd.s32 v13, v6  }
0x249: {  	[tilespmem:v14+s26+$0x0] =	vst.idx.msk $0xffff, v0;
	v9 =	vor.u32 v9, v12;
	v12 =	vand.u32 $0xFFFFFF80, v13;
	v0 =	vand.u32 $0x7F, v13;
	v13 =	vld [tilespmem:$0x1FC40]  }
0x24a: {  	v16 =	vadd.s32 v51, v7;
	_ =	sdelay $0x3  }
0x24b: {  	v3 =	vld.idx.msk [tilespmem:v3+s15+$0x0], $0xffff;
	v12 =	vadd.s32 v5, v12;
	v13 =	vadd.s32 v13, v6  }
0x24c: {  	[tilespmem:v16+s26+$0x0] =	vst.idx.msk $0xffff, v4;
	v0 =	vor.u32 v0, v12;
	v12 =	vand.u32 $0xFFFFFF80, v13;
	v4 =	vand.u32 $0x7F, v13;
	v13 =	vld [tilespmem:$0x1FC50]  }
0x24d: {  	v15 =	vadd.s32 v52, v7;
	_ =	sdelay $0x3  }
0x24e: {  	v8 =	vld.idx.msk [tilespmem:v8+s15+$0x0], $0xffff;
	v12 =	vadd.s32 v5, v12;
	v13 =	vadd.s32 v13, v6  }
0x24f: {  	[tilespmem:v15+s26+$0x0] =	vst.idx.msk $0xffff, v11;
	v4 =	vor.u32 v4, v12;
	v12 =	vand.u32 $0xFFFFFF80, v13;
	v11 =	vand.u32 $0x7F, v13;
	v13 =	vld [tilespmem:$0x1FC60]  }
0x250: {  	v14 =	vadd.s32 v39, v7;
	_ =	sdelay $0x3  }
0x251: {  	v9 =	vld.idx.msk [tilespmem:v9+s15+$0x0], $0xffff;
	v12 =	vadd.s32 v5, v12;
	v13 =	vadd.s32 v13, v6  }
0x252: {  	[tilespmem:v14+s26+$0x0] =	vst.idx.msk $0xffff, v1;
	v11 =	vor.u32 v11, v12;
	v12 =	vand.u32 $0xFFFFFF80, v13;
	v1 =	vand.u32 $0x7F, v13;
	v13 =	vld [tilespmem:$0x1FC70]  }
0x253: {  	v16 =	vadd.s32 v63, v7;
	_ =	sdelay $0x3  }
0x254: {  	v0 =	vld.idx.msk [tilespmem:v0+s15+$0x0], $0xffff;
	v12 =	vadd.s32 v5, v12;
	v13 =	vadd.s32 v13, v6  }
0x255: {  	[tilespmem:v16+s26+$0x0] =	vst.idx.msk $0xffff, v2;
	v1 =	vor.u32 v1, v12;
	v12 =	vand.u32 $0xFFFFFF80, v13;
	v2 =	vand.u32 $0x7F, v13;
	v13 =	vld [tilespmem:$0x1FC80]  }
0x256: {  	v15 =	vadd.s32 v56, v7;
	_ =	sdelay $0x3  }
0x257: {  	v4 =	vld.idx.msk [tilespmem:v4+s15+$0x0], $0xffff;
	v12 =	vadd.s32 v5, v12;
	v13 =	vadd.s32 v13, v6  }
0x258: {  	[tilespmem:v15+s26+$0x0] =	vst.idx.msk $0xffff, v3;
	v2 =	vor.u32 v2, v12;
	v12 =	vand.u32 $0xFFFFFF80, v13;
	v3 =	vand.u32 $0x7F, v13;
	v13 =	vld [tilespmem:$0x1FC90]  }
0x259: {  	v14 =	vadd.s32 v54, v7  }
0x25a: {  	v16 =	vld [tilespmem:$0x1FEE0];
	_ =	sdelay $0x2  }
0x25b: {  	v11 =	vld.idx.msk [tilespmem:v11+s15+$0x0], $0xffff;
	v12 =	vadd.s32 v5, v12;
	v13 =	vadd.s32 v13, v6  }
0x25c: {  	[tilespmem:v14+s26+$0x0] =	vst.idx.msk $0xffff, v8;
	v3 =	vor.u32 v3, v12;
	v12 =	vand.u32 $0xFFFFFF80, v13;
	v8 =	vand.u32 $0x7F, v13;
	v13 =	vld [tilespmem:$0x1FCA0]  }
0x25d: {  	v16 =	vadd.s32 v16, v7  }
0x25e: {  	v15 =	vld [tilespmem:$0x1FF00];
	_ =	sdelay $0x2  }
0x25f: {  	v1 =	vld.idx.msk [tilespmem:v1+s15+$0x0], $0xffff;
	v12 =	vadd.s32 v5, v12;
	v13 =	vadd.s32 v13, v6  }
0x260: {  	[tilespmem:v16+s26+$0x0] =	vst.idx.msk $0xffff, v9;
	v8 =	vor.u32 v8, v12;
	v12 =	vand.u32 $0xFFFFFF80, v13;
	v9 =	vand.u32 $0x7F, v13;
	v13 =	vld [tilespmem:$0x1FCB0]  }
0x261: {  	v15 =	vadd.s32 v15, v7  }
0x262: {  	v14 =	vld [tilespmem:$0x1FEF0];
	_ =	sdelay $0x2  }
0x263: {  	v2 =	vld.idx.msk [tilespmem:v2+s15+$0x0], $0xffff;
	v12 =	vadd.s32 v5, v12;
	v13 =	vadd.s32 v13, v6  }
0x264: {  	[tilespmem:v15+s26+$0x0] =	vst.idx.msk $0xffff, v0;
	v9 =	vor.u32 v9, v12;
	v12 =	vand.u32 $0xFFFFFF80, v13;
	v0 =	vand.u32 $0x7F, v13;
	v13 =	vld [tilespmem:$0x1FCC0]  }
0x265: {  	v14 =	vadd.s32 v14, v7  }
0x266: {  	v16 =	vld [tilespmem:$0x1FF20];
	_ =	sdelay $0x2  }
0x267: {  	v3 =	vld.idx.msk [tilespmem:v3+s15+$0x0], $0xffff;
	v12 =	vadd.s32 v5, v12;
	v13 =	vadd.s32 v13, v6  }
0x268: {  	[tilespmem:v14+s26+$0x0] =	vst.idx.msk $0xffff, v4;
	v0 =	vor.u32 v0, v12;
	v12 =	vand.u32 $0xFFFFFF80, v13;
	v4 =	vand.u32 $0x7F, v13;
	v13 =	vld [tilespmem:$0x1FCD0]  }
0x269: {  	v16 =	vadd.s32 v16, v7  }
0x26a: {  	v15 =	vld [tilespmem:$0x1FF30];
	_ =	sdelay $0x2  }
0x26b: {  	v8 =	vld.idx.msk [tilespmem:v8+s15+$0x0], $0xffff;
	v12 =	vadd.s32 v5, v12;
	v13 =	vadd.s32 v13, v6  }
0x26c: {  	[tilespmem:v16+s26+$0x0] =	vst.idx.msk $0xffff, v11;
	v4 =	vor.u32 v4, v12;
	v12 =	vand.u32 $0xFFFFFF80, v13;
	v11 =	vand.u32 $0x7F, v13;
	v13 =	vld [tilespmem:$0x1FCE0]  }
0x26d: {  	v15 =	vadd.s32 v15, v7  }
0x26e: {  	v14 =	vld [tilespmem:$0x1FF60];
	_ =	sdelay $0x2  }
0x26f: {  	v9 =	vld.idx.msk [tilespmem:v9+s15+$0x0], $0xffff;
	v12 =	vadd.s32 v5, v12;
	v13 =	vadd.s32 v13, v6  }
0x270: {  	[tilespmem:v15+s26+$0x0] =	vst.idx.msk $0xffff, v1;
	v11 =	vor.u32 v11, v12;
	v12 =	vand.u32 $0xFFFFFF80, v13;
	v1 =	vand.u32 $0x7F, v13;
	v13 =	vld [tilespmem:$0x1FCF0]  }
0x271: {  	v14 =	vadd.s32 v14, v7;
	_ =	sdelay $0x1  }
0x272: {  	v16 =	vld [tilespmem:$0x1FF70]  }
0x273: {  	v15 =	vld [tilespmem:$0x1FF90]  }
0x274: {  	v0 =	vld.idx.msk [tilespmem:v0+s15+$0x0], $0xffff;
	v12 =	vadd.s32 v5, v12;
	v13 =	vadd.s32 v13, v6  }
0x275: {  	[tilespmem:v14+s26+$0x0] =	vst.idx.msk $0xffff, v2;
	v1 =	vor.u32 v1, v12;
	v12 =	vand.u32 $0xFFFFFF80, v13;
	v2 =	vand.u32 $0x7F, v13;
	v13 =	vld [tilespmem:$0x1FFA0];
	_ =	sdelay $0x1  }
0x276: {  	v16 =	vadd.s32 v16, v7  }
0x277: {  	v15 =	vadd.s32 v15, v7;
	v14 =	vadd.s32 $0x22, v18;
	v12 =	vadd.s32 v5, v12  }
0x278: {  	[tilespmem:$0x1F630] =	vst v14;
	v2 =	vor.u32 v2, v12;
	v12 =	vadd.s32 v14, v6;
	v14 =	vld [tilespmem:$0x1FFB0]  }
0x279: {  	v13 =	vadd.s32 v13, v7  }
0x27a: {  	v19 =	vadd.s32 $0x23, v18  }
0x27b: {  	v4 =	vld.idx.msk [tilespmem:v4+s15+$0x0], $0xffff;
	[tilespmem:v16+s26+$0x0] =	vst.idx.msk $0xffff, v3;
	v16 =	vadd.s32 v19, v6  }
0x27c: {  	v11 =	vld.idx.msk [tilespmem:v11+s15+$0x0], $0xffff;
	[tilespmem:v15+s26+$0x0] =	vst.idx.msk $0xffff, v8;
	v8 =	vand.u32 $0x7F, v16;
	v17 =	vand.u32 $0xFFFFFF80, v12  }
0x27d: {  	v1 =	vld.idx.msk [tilespmem:v1+s15+$0x0], $0xffff;
	v3 =	vand.u32 $0x7F, v12;
	v12 =	vadd.s32 v5, v17;
	v14 =	vadd.s32 v14, v7  }
0x27e: {  	v17 =	vadd.s32 $0x24, v18;
	v3 =	vor.u32 v3, v12;
	v12 =	vand.u32 $0xFFFFFF80, v16;
	[tilespmem:v13+s26+$0x0] =	vst.idx.msk $0xffff, v9;
	v13 =	vld [tilespmem:$0x1FF40]  }
0x27f: {  	v15 =	vadd.s32 v17, v6;
	v16 =	vadd.s32 v40, v7;
	v12 =	vadd.s32 v5, v12  }
0x280: {  	v8 =	vor.u32 v8, v12;
	v12 =	vand.u32 $0xFFFFFF80, v15  }
0x281: {  	[tilespmem:$0x1F640] =	vst v19;
	v12 =	vadd.s32 v5, v12;
	v9 =	vand.u32 $0x7F, v15;
	v15 =	vadd.s32 $0x25, v18  }
0x282: {  	v9 =	vor.u32 v9, v12;
	v12 =	vadd.s32 v15, v6;
	v2 =	vld.idx.msk [tilespmem:v2+s15+$0x0], $0xffff;
	[tilespmem:v14+s26+$0x0] =	vst.idx.msk $0xffff, v0  }
0x283: {  	v19 =	vadd.s32 $0x26, v18;
	[tilespmem:$0x1F650] =	vst v17;
	v17 =	vand.u32 $0xFFFFFF80, v12;
	v3 =	vld.idx.msk [tilespmem:v3+s15+$0x0], $0xffff;
	v13 =	vadd.s32 v13, v7  }
0x284: {  	v0 =	vand.u32 $0x7F, v12;
	v14 =	vadd.s32 v19, v6;
	v12 =	vadd.s32 v5, v17;
	[tilespmem:v16+s26+$0x0] =	vst.idx.msk $0xffff, v4;
	v16 =	vld [tilespmem:$0x1FF80]  }
0x285: {  	v17 =	vadd.s32 $0x27, v18;
	v0 =	vor.u32 v0, v12;
	v12 =	vand.u32 $0xFFFFFF80, v14  }
0x286: {  	v4 =	vand.u32 $0x7F, v14;
	v14 =	vadd.s32 v17, v6;
	v12 =	vadd.s32 v5, v12  }
0x287: {  	[tilespmem:$0x1F660] =	vst v15;
	v15 =	vadd.s32 v60, v7;
	v4 =	vor.u32 v4, v12;
	v12 =	vand.u32 $0xFFFFFF80, v14  }
0x288: {  	v8 =	vld.idx.msk [tilespmem:v8+s15+$0x0], $0xffff;
	v12 =	vadd.s32 v5, v12;
	[tilespmem:v13+s26+$0x0] =	vst.idx.msk $0xffff, v11;
	v11 =	vand.u32 $0x7F, v14;
	v14 =	vadd.s32 $0x28, v18  }
0x289: {  	v16 =	vadd.s32 v16, v7;
	v11 =	vor.u32 v11, v12;
	[tilespmem:$0x1F690] =	vst v14;
	v12 =	vadd.s32 v14, v6;
	v14 =	vld [tilespmem:$0x1FF50]  }
0x28a: {  	[tilespmem:$0x1F670] =	vst v19  }
0x28b: {  	v19 =	vadd.s32 $0x29, v18;
	[tilespmem:$0x1F680] =	vst v17;
	v13 =	vadd.s32 v62, v7  }
0x28c: {  	v9 =	vld.idx.msk [tilespmem:v9+s15+$0x0], $0xffff;
	[tilespmem:v15+s26+$0x0] =	vst.idx.msk $0xffff, v1;
	v15 =	vadd.s32 v19, v6;
	v17 =	vand.u32 $0xFFFFFF80, v12  }
0x28d: {  	v1 =	vand.u32 $0x7F, v12;
	v0 =	vld.idx.msk [tilespmem:v0+s15+$0x0], $0xffff;
	v12 =	vadd.s32 v5, v17;
	v17 =	vadd.s32 $0x2A, v18  }
0x28e: {  	[tilespmem:v16+s26+$0x0] =	vst.idx.msk $0xffff, v2;
	v2 =	vand.u32 $0x7F, v15;
	v16 =	vadd.s32 v21, v7;
	v14 =	vadd.s32 v14, v7  }
0x28f: {  	v1 =	vor.u32 v1, v12;
	v12 =	vand.u32 $0xFFFFFF80, v15;
	v15 =	vadd.s32 v17, v6  }
0x290: {  	v4 =	vld.idx.msk [tilespmem:v4+s15+$0x0], $0xffff;
	v12 =	vadd.s32 v5, v12;
	[tilespmem:v13+s26+$0x0] =	vst.idx.msk $0xffff, v3;
	v3 =	vand.u32 $0x7F, v15  }
0x291: {  	v2 =	vor.u32 v2, v12;
	v12 =	vand.u32 $0xFFFFFF80, v15;
	v15 =	vadd.s32 $0x2B, v18  }
0x292: {  	v13 =	vadd.s32 v23, v7;
	v11 =	vld.idx.msk [tilespmem:v11+s15+$0x0], $0xffff;
	v12 =	vadd.s32 v5, v12;
	[tilespmem:$0x1F6C0] =	vst v15  }
0x293: {  	v3 =	vor.u32 v3, v12;
	v12 =	vadd.s32 v15, v6;
	v15 =	vld [tilespmem:$0x1F8C0];
	[tilespmem:v14+s26+$0x0] =	vst.idx.msk $0xffff, v8  }
0x294: {  	[tilespmem:$0x1F6A0] =	vst v19;
	v1 =	vld.idx.msk [tilespmem:v1+s15+$0x0], $0xffff  }
0x295: {  	[tilespmem:v16+s26+$0x0] =	vst.idx.msk $0xffff, v9;
	v16 =	vld [tilespmem:$0x1F8D0]  }
0x296: {  	v19 =	vadd.s32 $0x2C, v18;
	[tilespmem:$0x1F6B0] =	vst v17;
	v17 =	vand.u32 $0xFFFFFF80, v12;
	v8 =	vand.u32 $0x7F, v12  }
0x297: {  	v12 =	vadd.s32 v5, v17;
	v14 =	vadd.s32 v19, v6;
	v17 =	vadd.s32 $0x2D, v18;
	v2 =	vld.idx.msk [tilespmem:v2+s15+$0x0], $0xffff  }
0x298: {  	v8 =	vor.u32 v8, v12;
	v12 =	vand.u32 $0xFFFFFF80, v14;
	v15 =	vadd.s32 v15, v7;
	[tilespmem:v13+s26+$0x0] =	vst.idx.msk $0xffff, v0;
	v13 =	vld [tilespmem:$0x1F8E0]  }
0x299: {  	v9 =	vand.u32 $0x7F, v14;
	v14 =	vadd.s32 v17, v6;
	v12 =	vadd.s32 v5, v12  }
0x29a: {  	v9 =	vor.u32 v9, v12;
	v12 =	vand.u32 $0xFFFFFF80, v14;
	v16 =	vadd.s32 v16, v7  }
0x29b: {  	[tilespmem:$0x1F6D0] =	vst v19;
	v0 =	vand.u32 $0x7F, v14;
	v14 =	vadd.s32 $0x2E, v18;
	v12 =	vadd.s32 v5, v12  }
0x29c: {  	v19 =	vadd.s32 $0x2F, v18;
	[tilespmem:$0x1F6E0] =	vst v17;
	v3 =	vld.idx.msk [tilespmem:v3+s15+$0x0], $0xffff;
	v0 =	vor.u32 v0, v12;
	v12 =	vadd.s32 v14, v6  }
0x29d: {  	v17 =	vand.u32 $0xFFFFFF80, v12;
	v13 =	vadd.s32 v13, v7;
	[tilespmem:v15+s26+$0x0] =	vst.idx.msk $0xffff, v4;
	v15 =	vadd.s32 v19, v6  }
0x29e: {  	[tilespmem:$0x1F6F0] =	vst v14;
	v14 =	vld [tilespmem:$0x1F8F0];
	v4 =	vand.u32 $0x7F, v12;
	v12 =	vadd.s32 v5, v17;
	v17 =	vand.u32 $0xFFFFFF80, v15  }
0x29f: {  	v8 =	vld.idx.msk [tilespmem:v8+s15+$0x0], $0xffff;
	[tilespmem:v16+s26+$0x0] =	vst.idx.msk $0xffff, v11;
	v11 =	vand.u32 $0x7F, v15;
	v15 =	vadd.s32 v5, v17;
	v16 =	vor.u32 $0x30, v18  }
0x2a0: {  	v11 =	vor.u32 v11, v15;
	[tilespmem:$0x1F710] =	vst v16;
	v15 =	vadd.s32 v16, v6;
	v16 =	vld [tilespmem:$0x1F870]  }
0x2a1: {  	v9 =	vld.idx.msk [tilespmem:v9+s15+$0x0], $0xffff  }
0x2a2: {  	[tilespmem:v13+s26+$0x0] =	vst.idx.msk $0xffff, v1;
	v55 =	vand.u32 $0xFFFFFF80, v15;
	v1 =	vand.u32 $0x7F, v15;
	v15 =	vld [tilespmem:$0x1F860];
	_ =	sdelay $0x1  }
0x2a3: {  	v4 =	vor.u32 v4, v12;
	v12 =	vld [tilespmem:$0x1F900]  }
0x2a4: {  	v16 =	vsel vm0, v16, v26  }
0x2a5: {  	v17 =	vld [tilespmem:$0x1F910];
	v18 =	vcombine.low v25, v16  }
0x2a6: {  	v14 =	vadd.s32 v14, v7;
	v13 =	vadd.s32 v5, v55;
	v15 =	vsel vm0, v15, v30  }
0x2a7: {  	v1 =	vor.u32 v1, v13;
	[tilespmem:$0x1F720] =	vst v18;
	v13 =	vadd.s32 v18, v6;
	v18 =	vcombine.low v29, v15  }
0x2a8: {  	v12 =	vadd.s32 v12, v7  }
0x2a9: {  	[tilespmem:$0x1F730] =	vst v18;
	v41 =	vadd.s32 v18, v6;
	v18 =	vld [tilespmem:$0x1F850]  }
0x2aa: {  	v17 =	vadd.s32 v17, v7  }
0x2ab: {  	v0 =	vld.idx.msk [tilespmem:v0+s15+$0x0], $0xffff  }
0x2ac: {  	[tilespmem:v14+s26+$0x0] =	vst.idx.msk $0xffff, v2;
	v2 =	vld [tilespmem:$0x1F920]  }
0x2ad: {  	v4 =	vld.idx.msk [tilespmem:v4+s15+$0x0], $0xffff;
	[tilespmem:v12+s26+$0x0] =	vst.idx.msk $0xffff, v3  }
0x2ae: {  	[tilespmem:$0x1F700] =	vst v19;
	v11 =	vld.idx.msk [tilespmem:v11+s15+$0x0], $0xffff;
	v14 =	vand.u32 $0xFFFFFF80, v13;
	v18 =	vsel vm0, v18, v32  }
0x2af: {  	v13 =	vand.u32 $0x7F, v13;
	[tilespmem:v17+s26+$0x0] =	vst.idx.msk $0xffff, v8;
	v14 =	vadd.s32 v5, v14;
	v19 =	vcombine.low v31, v18  }
0x2b0: {  	v55 =	vld.idx.msk [tilespmem:v1+s15+$0x0], $0xffff;
	v13 =	vor.u32 v13, v14  }
0x2b1: {  	v14 =	vand.u32 $0xFFFFFF80, v41;
	v12 =	vand.u32 $0x7F, v41;
	[tilespmem:$0x1F740] =	vst v19;
	v41 =	vadd.s32 v19, v6;
	v19 =	vld [tilespmem:$0x1F820]  }
0x2b2: {  	v1 =	vld [tilespmem:$0x1F960]  }
0x2b3: {  	v3 =	vld [tilespmem:$0x1F930];
	v2 =	vadd.s32 v2, v7;
	v14 =	vadd.s32 v5, v14  }
0x2b4: {  	v12 =	vor.u32 v12, v14;
	v14 =	vld [tilespmem:$0x1F940]  }
0x2b5: {  	v8 =	vand.u32 $0xFFFFFF80, v41  }
0x2b6: {  	v17 =	vand.u32 $0x7F, v41;
	v8 =	vadd.s32 v5, v8;
	v19 =	vadd.s32 v19, v6  }
0x2b7: {  	v8 =	vor.u32 v17, v8;
	v17 =	vadd.s32 v1, v7;
	v1 =	vand.u32 $0xFFFFFF80, v19  }
0x2b8: {  	v3 =	vadd.s32 v3, v7;
	[tilespmem:v2+s26+$0x0] =	vst.idx.msk $0xffff, v9;
	v2 =	vand.u32 $0x7F, v19;
	v1 =	vadd.s32 v5, v1  }
0x2b9: {  	v14 =	vadd.s32 v14, v7;
	v19 =	vor.u32 v2, v1;
	v2 =	vsel vm0, v30, v27  }
0x2ba: {  	v41 =	vsel vm0, v26, v24;
	v22 =	vcombine.low v2, v34;
	v2 =	vld [tilespmem:$0x1F980]  }
0x2bb: {  	v20 =	vcombine.low v41, v33  }
0x2bc: {  	v13 =	vld.idx.msk [tilespmem:v13+s15+$0x0], $0xffff  }
0x2bd: {  	[tilespmem:v3+s26+$0x0] =	vst.idx.msk $0xffff, v0;
	v0 =	vld [tilespmem:$0x1FD30];
	v9 =	vadd.s32 v20, v6  }
0x2be: {  	v12 =	vld.idx.msk [tilespmem:v12+s15+$0x0], $0xffff;
	v3 =	vand.u32 $0x7F, v9;
	[tilespmem:v14+s26+$0x0] =	vst.idx.msk $0xffff, v4;
	v1 =	vand.u32 $0xFFFFFF80, v9  }
0x2bf: {  	v14 =	vld [tilespmem:$0x1F810];
	v1 =	vadd.s32 v5, v1;
	v21 =	vadd.s32 v2, v7;
	v2 =	vadd.s32 v22, v6  }
0x2c0: {  	[tilespmem:$0x1F750] =	vst v20;
	v20 =	vor.u32 v3, v1;
	v3 =	vand.u32 $0xFFFFFF80, v2;
	v4 =	vand.u32 $0x7F, v2;
	v2 =	vld [tilespmem:$0x1F800];
	_ =	sdelay $0x1  }
0x2c1: {  	v9 =	vadd.s32 v0, v7  }
0x2c2: {  	v1 =	vsel vm0, v32, v28  }
0x2c3: {  	v8 =	vld.idx.msk [tilespmem:v8+s15+$0x0], $0xffff;
	[tilespmem:$0x1F760] =	vst v22;
	v22 =	vcombine.low v1, v10  }
0x2c4: {  	v41 =	vmovc v62;
	v62 =	vmov v60;
	v60 =	vmov v40;
	[tilespmem:v17+s26+$0x0] =	vst.idx.msk $0xffff, v11;
	v1 =	vld [tilespmem:$0x1FD40];
	v2 =	vsel vm0, v2, v14  }
0x2c5: {  	v3 =	vadd.s32 v5, v3;
	[tilespmem:$0x1F770] =	vst v22;
	v14 =	vadd.s32 v22, v6;
	v40 =	vcombine.low v2, v35;
	v2 =	vld [tilespmem:$0x1FD50]  }
0x2c6: {  	v22 =	vor.u32 v4, v3;
	v3 =	vand.u32 $0xFFFFFF80, v14;
	v4 =	vand.u32 $0x7F, v14;
	v14 =	vld.idx.msk [tilespmem:v19+s15+$0x0], $0xffff;
	[tilespmem:v9+s26+$0x0] =	vst.idx.msk $0xffff, v55  }
0x2c7: {  	v19 =	vcombine.low v16, v36;
	v3 =	vadd.s32 v5, v3;
	v16 =	vld.idx.msk [tilespmem:v20+s15+$0x0], $0xffff;
	[tilespmem:v21+s26+$0x0] =	vst.idx.msk $0xffff, v13  }
0x2c8: {  	[tilespmem:$0x1F780] =	vst v40;
	v11 =	vadd.s32 v40, v6;
	v17 =	vor.u32 v4, v3;
	v3 =	vld [tilespmem:$0x1FD60]  }
0x2c9: {  	v23 =	vadd.s32 v1, v7;
	[tilespmem:$0x1F790] =	vst v19;
	v4 =	vand.u32 $0xFFFFFF80, v11  }
0x2ca: {  	v19 =	vadd.s32 v19, v6;
	v11 =	vand.u32 $0x7F, v11;
	v40 =	vmovc v60;
	v60 =	vmovc v62;
	v4 =	vadd.s32 v5, v4  }
0x2cb: {  	v62 =	vmovc v41;
	v41 =	vcombine.low v15, v37;
	v15 =	vand.u32 $0xFFFFFF80, v19;
	v20 =	vld.idx.msk [tilespmem:v22+s15+$0x0], $0xffff;
	v9 =	vadd.s32 v2, v7  }
0x2cc: {  	v19 =	vand.u32 $0x7F, v19;
	v22 =	vld [tilespmem:$0x1F7C0];
	v11 =	vor.u32 v11, v4;
	v15 =	vadd.s32 v5, v15  }
0x2cd: {  	[tilespmem:$0x1F7A0] =	vst v41;
	v21 =	vadd.s32 v41, v6;
	v41 =	vcombine.low v18, v38;
	v13 =	vadd.s32 v3, v7  }
0x2ce: {  	[tilespmem:v23+s26+$0x0] =	vst.idx.msk $0xffff, v12;
	v4 =	vld [tilespmem:$0x1FD70];
	v12 =	vor.u32 v19, v15;
	v18 =	vand.u32 $0xFFFFFF80, v21  }
0x2cf: {  	v55 =	vld [tilespmem:$0x1FD80];
	v19 =	vand.u32 $0x7F, v21;
	v18 =	vadd.s32 v5, v18;
	v21 =	vadd.s32 v41, v6  }
0x2d0: {  	v17 =	vld.idx.msk [tilespmem:v17+s15+$0x0], $0xffff;
	[tilespmem:v9+s26+$0x0] =	vst.idx.msk $0xffff, v8;
	v8 =	vor.u32 v19, v18;
	v18 =	vand.u32 $0xFFFFFF80, v21  }
0x2d1: {  	v19 =	vand.u32 $0x7F, v21;
	v21 =	vadd.s32 v22, v6;
	v11 =	vld.idx.msk [tilespmem:v11+s15+$0x0], $0xffff;
	v18 =	vadd.s32 v5, v18  }
0x2d2: {  	[tilespmem:v13+s26+$0x0] =	vst.idx.msk $0xffff, v14;
	v13 =	vor.u32 v19, v18;
	v18 =	vand.u32 $0xFFFFFF80, v21;
	v19 =	vand.u32 $0x7F, v21;
	v21 =	vld [tilespmem:$0x1F7D0]  }
0x2d3: {  	v15 =	vadd.s32 v4, v7  }
0x2d4: {  	v14 =	vld [tilespmem:$0x1F9E0];
	_ =	sdelay $0x1  }
0x2d5: {  	[tilespmem:$0x1F7B0] =	vst v41;
	v41 =	vld [tilespmem:$0x1F7F0]  }
0x2d6: {  	v9 =	vadd.s32 v55, v7;
	v12 =	vld.idx.msk [tilespmem:v12+s15+$0x0], $0xffff;
	v18 =	vadd.s32 v5, v18;
	v21 =	vadd.s32 v21, v6  }
0x2d7: {  	[tilespmem:v15+s26+$0x0] =	vst.idx.msk $0xffff, v16;
	v15 =	vor.u32 v19, v18;
	v18 =	vand.u32 $0xFFFFFF80, v21;
	v19 =	vand.u32 $0x7F, v21;
	v21 =	vld [tilespmem:$0x1F7E0]  }
0x2d8: {  	v14 =	vadd.s32 v14, v7  }
0x2d9: {  	v16 =	vld [tilespmem:$0x1FA00]  }
0x2da: {  	v8 =	vld.idx.msk [tilespmem:v8+s15+$0x0], $0xffff;
	v18 =	vadd.s32 v5, v18  }
0x2db: {  	[tilespmem:v9+s26+$0x0] =	vst.idx.msk $0xffff, v20;
	v9 =	vor.u32 v19, v18;
	v18 =	vld [tilespmem:$0x1FA20]  }
0x2dc: {  	v21 =	vadd.s32 v21, v6;
	v6 =	vadd.s32 v41, v6  }
0x2dd: {  	v13 =	vld.idx.msk [tilespmem:v13+s15+$0x0], $0xffff;
	[tilespmem:v14+s26+$0x0] =	vst.idx.msk $0xffff, v17;
	v19 =	vand.u32 $0xFFFFFF80, v21;
	v17 =	vand.u32 $0xFFFFFF80, v6  }
0x2de: {  	v16 =	vadd.s32 v16, v7;
	v19 =	vadd.s32 v5, v19;
	v5 =	vadd.s32 v5, v17;
	v17 =	vld [tilespmem:$0x1FE10];
	_ =	sdelay $0x1  }
0x2df: {  	v20 =	vand.u32 $0x7F, v21;
	v18 =	vadd.s32 v18, v7  }
0x2e0: {  	v14 =	vor.u32 v20, v19  }
0x2e1: {  	v15 =	vld.idx.msk [tilespmem:v15+s15+$0x0], $0xffff  }
0x2e2: {  	v6 =	vand.u32 $0x7F, v6;
	[tilespmem:v16+s26+$0x0] =	vst.idx.msk $0xffff, v11;
	v11 =	vld [tilespmem:$0x1FE90];
	v17 =	vadd.s32 v17, v7  }
0x2e3: {  	v5 =	vor.u32 v6, v5;
	v6 =	vld.idx.msk [tilespmem:v9+s15+$0x0], $0xffff  }
0x2e4: {  	v9 =	vld [tilespmem:$0x1FE80];
	[tilespmem:v18+s26+$0x0] =	vst.idx.msk $0xffff, v12  }
0x2e5: {  	v12 =	vld.idx.msk [tilespmem:v14+s15+$0x0], $0xffff  }
0x2e6: {  	v14 =	vld [tilespmem:$0x1FA40]  }
0x2e7: {  	[tilespmem:v17+s26+$0x0] =	vst.idx.msk $0xffff, v8;
	v8 =	vld [tilespmem:$0x1FA50]  }
0x2e8: {  	v16 =	vld [tilespmem:$0x1FE00]  }
0x2e9: {  	v9 =	vadd.s32 v9, v7  }
0x2ea: {  	v11 =	vadd.s32 v11, v7  }
0x2eb: {  	v14 =	vadd.s32 v14, v7  }
0x2ec: {  	v23 =	vld [tilespmem:$0x1FD10];
	v8 =	vadd.s32 v8, v7  }
0x2ed: {  	p0 =	sne.s32 s31, $0xF0;
	v5 =	vld.idx.msk [tilespmem:v5+s15+$0x0], $0xffff;
	v7 =	vadd.s32 v16, v7  }
.Ltmp2:
0x2ee: {  	v21 =	vld [tilespmem:$0x1FD00];
	[tilespmem:v9+s26+$0x0] =	vst.idx.msk $0xffff, v13;
	(pc) =	sbr.rel @p0 .LBB2_3-.Ltmp2, $4  }
0x2ef: {  	v17 =	vld [tilespmem:$0x1FDC0];
	[tilespmem:v11+s26+$0x0] =	vst.idx.msk $0xffff, v15  }
0x2f0: {  	v9 =	vld [tilespmem:$0x1FD90];
	[tilespmem:v14+s26+$0x0] =	vst.idx.msk $0xffff, v6  }
0x2f1: {  	v11 =	vld [tilespmem:$0x1FDA0];
	[tilespmem:v8+s26+$0x0] =	vst.idx.msk $0xffff, v12  }
0x2f2: {  	s2 =	sadd.s32 $0x20, s2;
	s31 =	sadd.s32 $0x10, s31;
	v18 =	vlaneseq.u32;
	v12 =	vld [tilespmem:$0x1FDB0];
	[tilespmem:v7+s26+$0x0] =	vst.idx.msk $0xffff, v5  }
0x2f3: {  	s31 =	sshll.u32 s30, $0x11  }
0x2f4: {  	s2 =	sadd.s32 s31, s10  }
0x2f5: {  	[hbm4b:s2+s1] =	stream.linear.scatter [tilespmem:s26], [sflag:$0x7], $0x800, $0x38;
	[tilespmem:$0x1C400] =	vst v63  }
0x2f6: {  	s8 =	simm.s32 $0x11000;
	s13 =	sadd.s32 $0x4000, s2  }
0x2f7: {  	[hbm4b:s13+s1] =	stream.linear.scatter [tilespmem:s8], [sflag:$0x7], $0x800, $0x38;
	[tilespmem:$0x1C400] =	vst v63  }
0x2f8: {  	s18 =	simm.s32 $0x11C00;
	s16 =	sadd.s32 $0x8000, s2  }
0x2f9: {  	[hbm4b:s16+s1] =	stream.linear.scatter [tilespmem:s18], [sflag:$0x7], $0x800, $0x38;
	[tilespmem:$0x1C400] =	vst v63  }
0x2fa: {  	s16 =	sadd.s32 $0xC000, s2;
	s18 =	simm.s32 $0x12800  }
0x2fb: {  	[hbm4b:s16+s1] =	stream.linear.scatter [tilespmem:s18], [sflag:$0x7], $0x800, $0x38;
	[tilespmem:$0x1C400] =	vst v63  }
0x2fc: {  	s16 =	sadd.s32 $0x10000, s2;
	s18 =	simm.s32 $0x13400  }
0x2fd: {  	[hbm4b:s16+s1] =	stream.linear.scatter [tilespmem:s18], [sflag:$0x7], $0x800, $0x38;
	[tilespmem:$0x1C400] =	vst v63  }
0x2fe: {  	s16 =	sadd.s32 $0x14000, s2;
	s18 =	simm.s32 $0x14000  }
0x2ff: {  	[hbm4b:s16+s1] =	stream.linear.scatter [tilespmem:s18], [sflag:$0x7], $0x800, $0x38;
	[tilespmem:$0x1C400] =	vst v63  }
0x300: {  	p0 =	seq.s32 s30, $0x31;
	s8 =	sadd.s32 $0x18000, s2;
	s16 =	simm.s32 $0x14C00  }
0x301: {  	[hbm4b:s8+s1] =	stream.linear.scatter [tilespmem:s16], [sflag:$0x7], $0x800, $0x38;
	[tilespmem:$0x1C400] =	vst v63  }
0x302: {  	s0 =	sadd.s32 @!p0 $0x2, s0;
	s2 =	sadd.s32 $0x1C000, s2;
	s18 =	simm.s32 $0x15800  }
0x303: {  	[hbm4b:s2+s1] =	stream.linear.scatter [tilespmem:s18], [sflag:$0x7], $0x800, $0x38;
	[tilespmem:$0x1C400] =	vst v63  }
0x304: {  	s2 =	sshll.u32 @!p0 s0, $0xA;
	s0 =	sshll.u32 @!p0 s0, $0x3  }
0x305: {  	s2 =	sand.u32 @!p0 $0x3C000, s2;
	s0 =	sand.u32 @!p0 $0x70, s0  }
0x306: {  	s0 =	sor.u32 @!p0 s2, s0  }
0x307: {  	s13 =	simm.s32 @!p0 $0x80;
	s0 =	sor.u32 @!p0 s5, s0  }
0x308: {  	s16 =	simm.s32 @!p0 $0x400;
	s8 =	simm.s32 @!p0 $0x0;
	s2 =	sadd.s32 @!p0 s3, s0  }
0x309: {  	[tilespmem:s8], [sflag:$0x1] =	stream.strided.gather @!p0 [hbm4b:s2+s13], $0x100, s16, s13, $0x38;
	[tilespmem:$0x1C400] =	vst v63  }
0x30a: {  	s0 =	sadd.s32 @!p0 s4, s0;
	s2 =	simm.s32 @!p0 $0x200  }
0x30b: {  	[tilespmem:s2], [sflag:$0x3] =	stream.linear.gather @!p0 [hbm4b:s0+s8], $0x80, $0x38;
	[tilespmem:$0x1C400] =	vst v63  }
0x30c: {  	s0 =	sadd.s32 @!p0 $0x80, s0;
	s2 =	simm.s32 @!p0 $0x300  }
0x30d: {  	[tilespmem:s2], [sflag:$0x3] =	stream.linear.gather @!p0 [hbm4b:s0+s8], $0x80, $0x38;
	[tilespmem:$0x1C400] =	vst v63  }
0x30e: {  	s0 =	simm.s32 @!p0 $0x1  }
0x30f: {  	_ =	swait.ge @!p0 [sflag:s0], $0x100  }
0x310: {  	[sflag:s0] =	ssyncset.done @!p0 $0x0  }
0x311: {  	[sflag:s0] =	ssyncadd.s32 @!p0 $0xFFFFFF00;
	s0 =	simm.s32 @!p0 $0x100  }
0x312: {  	[tilespmem:s16], [sflag:$0x5] =	stream.indirect.gather @!p0 [hbm4b:s6+s0], $0x80, s8, s0, $0xb8;
	[tilespmem:$0x1C400] =	vst v63  }
0x313: {  	_ =	swait.ge [sflag:s17], $0x8000  }
0x314: {  	[sflag:s17] =	ssyncset.done $0x0  }
0x315: {  	[sflag:s17] =	ssyncadd.s32 $0xFFFF8000  }
0x316: {  	_ =	swait.ge [sflag:s7], $0x100  }
0x317: {  	[sflag:s7] =	ssyncset.done $0x0  }
0x318: {  	s0 =	simm.s32 @!p1 $0x8;
	[sflag:s7] =	ssyncadd.s32 $0xFFFFFF00  }
0x319: {  	s2 =	simm.s32 $0x0;
	_ =	swait.ge @!p1 [sflag:s0], $0x4000  }
0x31a: {  	s13 =	sand.u32 $0x70, s2;
	s16 =	sand.u32 $0x100, s2;
	[sflag:s0] =	ssyncset.done @!p1 $0x0  }
0x31b: {  	s18 =	sor.u32 s13, s16;
	[sflag:s0] =	ssyncadd.s32 @!p1 $0xFFFFC000  }
0x31c: {  	v6 =	vld [tilespmem:s18+$0x280];
	_ =	sdelay $0x1  }
0x31d: {  	v5 =	vmov s2  }
0x31e: {  	v7 =	vor.u32 s2, v18;
	v5 =	vshll.u32 v5, $0x3  }
0x31f: {  	v8 =	vand.u32 $0x7F, v7;
	v5 =	vand.u32 $0x400, v5  }
0x320: {  	v25 =	vshll.u32 v7, $0x7;
	v5 =	vor.u32 v8, v5;
	v7 =	vadd.s32 v18, v6  }
0x321: {  	v10 =	vld [tilespmem:$0x1FDD0];
	v8 =	vadd.s32 v9, v6;
	v9 =	vadd.s32 v11, v6;
	v12 =	vadd.s32 v12, v6  }
0x322: {  	v11 =	vand.u32 $0xFFFFFF80, v7;
	v7 =	vand.u32 $0x7F, v7;
	v13 =	vand.u32 $0x7F, v8  }
0x323: {  	v14 =	vand.u32 $0xFFFFFF80, v9;
	v9 =	vand.u32 $0x7F, v9;
	v11 =	vadd.s32 v25, v11  }
0x324: {  	v7 =	vor.u32 v7, v11;
	v11 =	vadd.s32 v25, v14;
	v14 =	vand.u32 $0xFFFFFF80, v12  }
0x325: {  	v8 =	vand.u32 $0xFFFFFF80, v8;
	v12 =	vand.u32 $0x7F, v12;
	v14 =	vadd.s32 v25, v14  }
0x326: {  	v9 =	vor.u32 v9, v11;
	v11 =	vor.u32 v12, v14;
	v14 =	vadd.s32 v10, v6;
	v10 =	vld [tilespmem:$0x1FDE0]  }
0x327: {  	v8 =	vadd.s32 v25, v8  }
0x328: {  	v8 =	vor.u32 v13, v8;
	v13 =	vadd.s32 v17, v6  }
0x329: {  	v12 =	vand.u32 $0xFFFFFF80, v13  }
0x32a: {  	v13 =	vand.u32 $0x7F, v13;
	v12 =	vadd.s32 v25, v12  }
0x32b: {  	v12 =	vor.u32 v13, v12;
	v13 =	vadd.s32 v10, v6;
	v10 =	vld [tilespmem:$0x1FDF0];
	_ =	sdelay $0x2  }
0x32c: {  	v16 =	vand.u32 $0xFFFFFF80, v14  }
0x32d: {  	v14 =	vand.u32 $0x7F, v14;
	v16 =	vadd.s32 v25, v16;
	v18 =	vand.u32 $0xFFFFFF80, v13  }
0x32e: {  	v14 =	vor.u32 v14, v16;
	v16 =	vadd.s32 v25, v18;
	v18 =	vadd.s32 v10, v6;
	v10 =	vld [tilespmem:$0x1FB60];
	_ =	sdelay $0x3  }
0x32f: {  	v7 =	vld.idx.msk [tilespmem:v7+s23+$0x0], $0xffff  }
0x330: {  	v15 =	vadd.s32 v44, v5;
	v20 =	vadd.s32 v10, v6;
	v10 =	vld [tilespmem:$0x1FB70]  }
0x331: {  	v8 =	vld.idx.msk [tilespmem:v8+s23+$0x0], $0xffff  }
0x332: {  	v9 =	vld.idx.msk [tilespmem:v9+s23+$0x0], $0xffff  }
0x333: {  	v11 =	vld.idx.msk [tilespmem:v11+s23+$0x0], $0xffff  }
0x334: {  	v12 =	vld.idx.msk [tilespmem:v12+s23+$0x0], $0xffff  }
0x335: {  	v17 =	vadd.s32 v45, v5;
	[tilespmem:v15+s12+$0x0] =	vst.idx.msk $0xffff, v7;
	v15 =	vadd.s32 v10, v6;
	v10 =	vld [tilespmem:$0x1FB80];
	_ =	sdelay $0x1  }
0x336: {  	v13 =	vand.u32 $0x7F, v13  }
0x337: {  	v13 =	vor.u32 v13, v16;
	v16 =	vand.u32 $0xFFFFFF80, v18  }
0x338: {  	v19 =	vadd.s32 v49, v5;
	v14 =	vld.idx.msk [tilespmem:v14+s23+$0x0], $0xffff;
	v18 =	vand.u32 $0x7F, v18;
	v16 =	vadd.s32 v25, v16  }
0x339: {  	[tilespmem:v17+s12+$0x0] =	vst.idx.msk $0xffff, v8;
	v16 =	vor.u32 v18, v16;
	v18 =	vand.u32 $0xFFFFFF80, v20;
	v17 =	vadd.s32 v10, v6;
	v10 =	vld [tilespmem:$0x1FB90]  }
0x33a: {  	v20 =	vand.u32 $0x7F, v20;
	v7 =	vadd.s32 v25, v18  }
0x33b: {  	v7 =	vor.u32 v20, v7;
	v20 =	vand.u32 $0xFFFFFF80, v15  }
0x33c: {  	v15 =	vand.u32 $0x7F, v15;
	v8 =	vadd.s32 v25, v20  }
0x33d: {  	v13 =	vld.idx.msk [tilespmem:v13+s23+$0x0], $0xffff;
	[tilespmem:v19+s12+$0x0] =	vst.idx.msk $0xffff, v9;
	v8 =	vor.u32 v15, v8;
	v15 =	vand.u32 $0xFFFFFF80, v17  }
0x33e: {  	v18 =	vadd.s32 v47, v5;
	v9 =	vadd.s32 v25, v15;
	v15 =	vadd.s32 v10, v6;
	v10 =	vld [tilespmem:$0x1FBA0];
	_ =	sdelay $0x2  }
0x33f: {  	v17 =	vand.u32 $0x7F, v17  }
0x340: {  	v16 =	vld.idx.msk [tilespmem:v16+s23+$0x0], $0xffff;
	v20 =	vadd.s32 v46, v5;
	v9 =	vor.u32 v17, v9;
	v17 =	vand.u32 $0xFFFFFF80, v15  }
0x341: {  	[tilespmem:v18+s12+$0x0] =	vst.idx.msk $0xffff, v11;
	v11 =	vadd.s32 v25, v17;
	v17 =	vadd.s32 v10, v6;
	v10 =	vld [tilespmem:$0x1FBB0];
	_ =	sdelay $0x2  }
0x342: {  	v15 =	vand.u32 $0x7F, v15  }
0x343: {  	v19 =	vadd.s32 v43, v5;
	v7 =	vld.idx.msk [tilespmem:v7+s23+$0x0], $0xffff;
	v11 =	vor.u32 v15, v11;
	v15 =	vand.u32 $0xFFFFFF80, v17  }
0x344: {  	[tilespmem:v20+s12+$0x0] =	vst.idx.msk $0xffff, v12;
	v12 =	vadd.s32 v25, v15;
	v15 =	vadd.s32 v10, v6;
	v10 =	vld [tilespmem:$0x1FBC0];
	_ =	sdelay $0x2  }
0x345: {  	v17 =	vand.u32 $0x7F, v17  }
0x346: {  	v18 =	vadd.s32 v50, v5;
	v8 =	vld.idx.msk [tilespmem:v8+s23+$0x0], $0xffff;
	v12 =	vor.u32 v17, v12;
	v17 =	vand.u32 $0xFFFFFF80, v15  }
0x347: {  	[tilespmem:v19+s12+$0x0] =	vst.idx.msk $0xffff, v14;
	v14 =	vadd.s32 v25, v17;
	v17 =	vadd.s32 v10, v6;
	v10 =	vld [tilespmem:$0x1FBD0];
	_ =	sdelay $0x2  }
0x348: {  	v15 =	vand.u32 $0x7F, v15  }
0x349: {  	v20 =	vadd.s32 v48, v5;
	v9 =	vld.idx.msk [tilespmem:v9+s23+$0x0], $0xffff;
	v14 =	vor.u32 v15, v14;
	v15 =	vand.u32 $0xFFFFFF80, v17  }
0x34a: {  	[tilespmem:v18+s12+$0x0] =	vst.idx.msk $0xffff, v13;
	v13 =	vadd.s32 v25, v15;
	v15 =	vadd.s32 v10, v6;
	v10 =	vld [tilespmem:$0x1FBE0];
	_ =	sdelay $0x2  }
0x34b: {  	v17 =	vand.u32 $0x7F, v17  }
0x34c: {  	v19 =	vadd.s32 v59, v5;
	v11 =	vld.idx.msk [tilespmem:v11+s23+$0x0], $0xffff;
	v13 =	vor.u32 v17, v13;
	v17 =	vand.u32 $0xFFFFFF80, v15  }
0x34d: {  	[tilespmem:v20+s12+$0x0] =	vst.idx.msk $0xffff, v16;
	v16 =	vadd.s32 v25, v17;
	v17 =	vadd.s32 v10, v6;
	v10 =	vld [tilespmem:$0x1FBF0];
	_ =	sdelay $0x2  }
0x34e: {  	v15 =	vand.u32 $0x7F, v15  }
0x34f: {  	v18 =	vadd.s32 v61, v5;
	v12 =	vld.idx.msk [tilespmem:v12+s23+$0x0], $0xffff;
	v15 =	vor.u32 v15, v16;
	v16 =	vand.u32 $0xFFFFFF80, v17  }
0x350: {  	[tilespmem:v19+s12+$0x0] =	vst.idx.msk $0xffff, v7;
	v7 =	vadd.s32 v25, v16;
	v16 =	vadd.s32 v10, v6;
	v10 =	vld [tilespmem:$0x1FC00];
	_ =	sdelay $0x2  }
0x351: {  	v17 =	vand.u32 $0x7F, v17  }
0x352: {  	v20 =	vadd.s32 v57, v5;
	v14 =	vld.idx.msk [tilespmem:v14+s23+$0x0], $0xffff;
	v7 =	vor.u32 v17, v7;
	v17 =	vand.u32 $0xFFFFFF80, v16  }
0x353: {  	[tilespmem:v18+s12+$0x0] =	vst.idx.msk $0xffff, v8;
	v8 =	vadd.s32 v25, v17;
	v17 =	vadd.s32 v10, v6;
	v10 =	vld [tilespmem:$0x1FC10];
	_ =	sdelay $0x2  }
0x354: {  	v16 =	vand.u32 $0x7F, v16  }
0x355: {  	v19 =	vadd.s32 v53, v5;
	v13 =	vld.idx.msk [tilespmem:v13+s23+$0x0], $0xffff;
	v8 =	vor.u32 v16, v8;
	v16 =	vand.u32 $0xFFFFFF80, v17  }
0x356: {  	[tilespmem:v20+s12+$0x0] =	vst.idx.msk $0xffff, v9;
	v9 =	vadd.s32 v25, v16;
	v16 =	vadd.s32 v10, v6;
	v10 =	vld [tilespmem:$0x1FC20];
	_ =	sdelay $0x2  }
0x357: {  	v17 =	vand.u32 $0x7F, v17  }
0x358: {  	v18 =	vadd.s32 v42, v5;
	v15 =	vld.idx.msk [tilespmem:v15+s23+$0x0], $0xffff;
	v9 =	vor.u32 v17, v9;
	v17 =	vand.u32 $0xFFFFFF80, v16  }
0x359: {  	[tilespmem:v19+s12+$0x0] =	vst.idx.msk $0xffff, v11;
	v11 =	vadd.s32 v25, v17;
	v17 =	vadd.s32 v10, v6;
	v10 =	vld [tilespmem:$0x1FC30];
	_ =	sdelay $0x2  }
0x35a: {  	v16 =	vand.u32 $0x7F, v16  }
0x35b: {  	v20 =	vadd.s32 v58, v5;
	v7 =	vld.idx.msk [tilespmem:v7+s23+$0x0], $0xffff;
	v11 =	vor.u32 v16, v11;
	v16 =	vand.u32 $0xFFFFFF80, v17  }
0x35c: {  	[tilespmem:v18+s12+$0x0] =	vst.idx.msk $0xffff, v12;
	v12 =	vadd.s32 v25, v16;
	v16 =	vadd.s32 v10, v6;
	v10 =	vld [tilespmem:$0x1FC40];
	_ =	sdelay $0x2  }
0x35d: {  	v17 =	vand.u32 $0x7F, v17  }
0x35e: {  	v19 =	vadd.s32 v51, v5;
	v8 =	vld.idx.msk [tilespmem:v8+s23+$0x0], $0xffff;
	v12 =	vor.u32 v17, v12;
	v17 =	vand.u32 $0xFFFFFF80, v16  }
0x35f: {  	[tilespmem:v20+s12+$0x0] =	vst.idx.msk $0xffff, v14;
	v14 =	vadd.s32 v25, v17;
	v17 =	vadd.s32 v10, v6;
	v10 =	vld [tilespmem:$0x1FC50];
	_ =	sdelay $0x2  }
0x360: {  	v16 =	vand.u32 $0x7F, v16  }
0x361: {  	v18 =	vadd.s32 v52, v5;
	v9 =	vld.idx.msk [tilespmem:v9+s23+$0x0], $0xffff;
	v14 =	vor.u32 v16, v14;
	v16 =	vand.u32 $0xFFFFFF80, v17  }
0x362: {  	[tilespmem:v19+s12+$0x0] =	vst.idx.msk $0xffff, v13;
	v13 =	vadd.s32 v25, v16;
	v16 =	vadd.s32 v10, v6;
	v10 =	vld [tilespmem:$0x1FC60];
	_ =	sdelay $0x2  }
0x363: {  	v17 =	vand.u32 $0x7F, v17  }
0x364: {  	v20 =	vadd.s32 v39, v5;
	v11 =	vld.idx.msk [tilespmem:v11+s23+$0x0], $0xffff;
	v13 =	vor.u32 v17, v13;
	v17 =	vand.u32 $0xFFFFFF80, v16  }
0x365: {  	[tilespmem:v18+s12+$0x0] =	vst.idx.msk $0xffff, v15;
	v15 =	vadd.s32 v25, v17;
	v17 =	vadd.s32 v10, v6;
	v10 =	vld [tilespmem:$0x1FC70];
	_ =	sdelay $0x2  }
0x366: {  	v16 =	vand.u32 $0x7F, v16  }
0x367: {  	v19 =	vadd.s32 v63, v5;
	v12 =	vld.idx.msk [tilespmem:v12+s23+$0x0], $0xffff;
	v15 =	vor.u32 v16, v15;
	v16 =	vand.u32 $0xFFFFFF80, v17  }
0x368: {  	[tilespmem:v20+s12+$0x0] =	vst.idx.msk $0xffff, v7;
	v7 =	vadd.s32 v25, v16;
	v16 =	vadd.s32 v10, v6;
	v10 =	vld [tilespmem:$0x1FC80];
	_ =	sdelay $0x2  }
0x369: {  	v17 =	vand.u32 $0x7F, v17  }
0x36a: {  	v18 =	vadd.s32 v56, v5;
	v14 =	vld.idx.msk [tilespmem:v14+s23+$0x0], $0xffff;
	v7 =	vor.u32 v17, v7;
	v17 =	vand.u32 $0xFFFFFF80, v16  }
0x36b: {  	[tilespmem:v19+s12+$0x0] =	vst.idx.msk $0xffff, v8;
	v8 =	vadd.s32 v25, v17;
	v17 =	vadd.s32 v10, v6;
	v10 =	vld [tilespmem:$0x1FC90];
	_ =	sdelay $0x2  }
0x36c: {  	v31 =	vmov v47;
	v47 =	vld [tilespmem:$0x1FEE0];
	v16 =	vand.u32 $0x7F, v16  }
0x36d: {  	v20 =	vadd.s32 v54, v5;
	v13 =	vld.idx.msk [tilespmem:v13+s23+$0x0], $0xffff;
	v8 =	vor.u32 v16, v8;
	v16 =	vand.u32 $0xFFFFFF80, v17  }
0x36e: {  	[tilespmem:v18+s12+$0x0] =	vst.idx.msk $0xffff, v9;
	v9 =	vadd.s32 v25, v16;
	v16 =	vadd.s32 v10, v6;
	v10 =	vld [tilespmem:$0x1FCA0];
	_ =	sdelay $0x2  }
0x36f: {  	v35 =	vmov v48;
	v48 =	vld [tilespmem:$0x1FF00];
	v17 =	vand.u32 $0x7F, v17  }
0x370: {  	v19 =	vadd.s32 v47, v5;
	v15 =	vld.idx.msk [tilespmem:v15+s23+$0x0], $0xffff;
	v9 =	vor.u32 v17, v9;
	v17 =	vand.u32 $0xFFFFFF80, v16  }
0x371: {  	[tilespmem:v20+s12+$0x0] =	vst.idx.msk $0xffff, v11;
	v11 =	vadd.s32 v25, v17;
	v17 =	vadd.s32 v10, v6;
	v10 =	vld [tilespmem:$0x1FCB0];
	_ =	sdelay $0x2  }
0x372: {  	v30 =	vmov v49;
	v49 =	vld [tilespmem:$0x1FEF0];
	v16 =	vand.u32 $0x7F, v16  }
0x373: {  	v18 =	vadd.s32 v48, v5;
	v7 =	vld.idx.msk [tilespmem:v7+s23+$0x0], $0xffff;
	v11 =	vor.u32 v16, v11;
	v16 =	vand.u32 $0xFFFFFF80, v17  }
0x374: {  	[tilespmem:v19+s12+$0x0] =	vst.idx.msk $0xffff, v12;
	v12 =	vadd.s32 v25, v16;
	v16 =	vadd.s32 v10, v6;
	v10 =	vld [tilespmem:$0x1FCC0];
	_ =	sdelay $0x2  }
0x375: {  	v34 =	vmov v50;
	v50 =	vld [tilespmem:$0x1FF20];
	v17 =	vand.u32 $0x7F, v17  }
0x376: {  	v20 =	vadd.s32 v49, v5;
	v8 =	vld.idx.msk [tilespmem:v8+s23+$0x0], $0xffff;
	v12 =	vor.u32 v17, v12;
	v17 =	vand.u32 $0xFFFFFF80, v16  }
0x377: {  	[tilespmem:v18+s12+$0x0] =	vst.idx.msk $0xffff, v14;
	v14 =	vadd.s32 v25, v17;
	v17 =	vadd.s32 v10, v6;
	v10 =	vld [tilespmem:$0x1FCD0];
	_ =	sdelay $0x2  }
0x378: {  	v42 =	vmov v51;
	v51 =	vld [tilespmem:$0x1FF30];
	v16 =	vand.u32 $0x7F, v16  }
0x379: {  	v19 =	vadd.s32 v50, v5;
	v9 =	vld.idx.msk [tilespmem:v9+s23+$0x0], $0xffff;
	v14 =	vor.u32 v16, v14;
	v16 =	vand.u32 $0xFFFFFF80, v17  }
0x37a: {  	[tilespmem:v20+s12+$0x0] =	vst.idx.msk $0xffff, v13;
	v13 =	vadd.s32 v25, v16;
	v16 =	vadd.s32 v10, v6;
	v10 =	vld [tilespmem:$0x1FCE0];
	_ =	sdelay $0x2  }
0x37b: {  	v33 =	vmov v43;
	v43 =	vmov v52;
	v52 =	vld [tilespmem:$0x1FF60];
	v17 =	vand.u32 $0x7F, v17  }
0x37c: {  	v18 =	vadd.s32 v51, v5;
	v11 =	vld.idx.msk [tilespmem:v11+s23+$0x0], $0xffff;
	v13 =	vor.u32 v17, v13;
	v17 =	vand.u32 $0xFFFFFF80, v16  }
0x37d: {  	[tilespmem:v19+s12+$0x0] =	vst.idx.msk $0xffff, v15;
	v15 =	vadd.s32 v25, v17;
	v17 =	vadd.s32 v10, v6;
	v10 =	vld [tilespmem:$0x1FCF0];
	_ =	sdelay $0x2  }
0x37e: {  	v24 =	vld [tilespmem:$0x1FF70];
	v16 =	vand.u32 $0x7F, v16  }
0x37f: {  	v20 =	vadd.s32 v52, v5;
	v12 =	vld.idx.msk [tilespmem:v12+s23+$0x0], $0xffff;
	v15 =	vor.u32 v16, v15;
	v16 =	vand.u32 $0xFFFFFF80, v17  }
0x380: {  	[tilespmem:v18+s12+$0x0] =	vst.idx.msk $0xffff, v7;
	v7 =	vadd.s32 v25, v16;
	v16 =	vadd.s32 v10, v6;
	v10 =	vld [tilespmem:$0x1F630];
	_ =	sdelay $0x2  }
0x381: {  	v32 =	vmov v46;
	v46 =	vmov v54;
	v54 =	vld [tilespmem:$0x1FF90];
	v17 =	vand.u32 $0x7F, v17  }
0x382: {  	v19 =	vadd.s32 v24, v5;
	v14 =	vld.idx.msk [tilespmem:v14+s23+$0x0], $0xffff;
	v7 =	vor.u32 v17, v7;
	v17 =	vand.u32 $0xFFFFFF80, v16  }
0x383: {  	[tilespmem:v20+s12+$0x0] =	vst.idx.msk $0xffff, v8;
	v8 =	vadd.s32 v25, v17;
	v17 =	vadd.s32 v10, v6;
	v10 =	vld [tilespmem:$0x1F640];
	_ =	sdelay $0x2  }
0x384: {  	v29 =	vmov v45;
	v45 =	vmov v56;
	v56 =	vld [tilespmem:$0x1FFA0];
	v16 =	vand.u32 $0x7F, v16  }
0x385: {  	v18 =	vadd.s32 v54, v5;
	v13 =	vld.idx.msk [tilespmem:v13+s23+$0x0], $0xffff;
	v8 =	vor.u32 v16, v8;
	v16 =	vand.u32 $0xFFFFFF80, v17  }
0x386: {  	[tilespmem:v19+s12+$0x0] =	vst.idx.msk $0xffff, v9;
	v9 =	vadd.s32 v25, v16;
	v16 =	vadd.s32 v10, v6;
	v10 =	vld [tilespmem:$0x1F650];
	_ =	sdelay $0x2  }
0x387: {  	v38 =	vmov v57;
	v57 =	vld [tilespmem:$0x1FFB0];
	v17 =	vand.u32 $0x7F, v17  }
0x388: {  	v20 =	vadd.s32 v56, v5;
	v15 =	vld.idx.msk [tilespmem:v15+s23+$0x0], $0xffff;
	v9 =	vor.u32 v17, v9;
	v17 =	vand.u32 $0xFFFFFF80, v16  }
0x389: {  	[tilespmem:v18+s12+$0x0] =	vst.idx.msk $0xffff, v11;
	v11 =	vadd.s32 v25, v17;
	v17 =	vadd.s32 v10, v6;
	v10 =	vld [tilespmem:$0x1F660];
	_ =	sdelay $0x2  }
0x38a: {  	v16 =	vand.u32 $0x7F, v16  }
0x38b: {  	v19 =	vadd.s32 v57, v5;
	v7 =	vld.idx.msk [tilespmem:v7+s23+$0x0], $0xffff;
	v11 =	vor.u32 v16, v11;
	v16 =	vand.u32 $0xFFFFFF80, v17  }
0x38c: {  	[tilespmem:v20+s12+$0x0] =	vst.idx.msk $0xffff, v12;
	v12 =	vadd.s32 v25, v16;
	v16 =	vadd.s32 v10, v6;
	v10 =	vld [tilespmem:$0x1F670];
	_ =	sdelay $0x2  }
0x38d: {  	v36 =	vmov v59;
	v59 =	vld [tilespmem:$0x1FF40];
	v17 =	vand.u32 $0x7F, v17  }
0x38e: {  	v18 =	vadd.s32 v40, v5;
	v8 =	vld.idx.msk [tilespmem:v8+s23+$0x0], $0xffff;
	v12 =	vor.u32 v17, v12;
	v17 =	vand.u32 $0xFFFFFF80, v16  }
0x38f: {  	[tilespmem:v19+s12+$0x0] =	vst.idx.msk $0xffff, v14;
	v14 =	vadd.s32 v25, v17;
	v17 =	vadd.s32 v10, v6;
	v10 =	vld [tilespmem:$0x1F680];
	_ =	sdelay $0x2  }
0x390: {  	v16 =	vand.u32 $0x7F, v16  }
0x391: {  	v20 =	vadd.s32 v59, v5;
	v9 =	vld.idx.msk [tilespmem:v9+s23+$0x0], $0xffff;
	v14 =	vor.u32 v16, v14;
	v16 =	vand.u32 $0xFFFFFF80, v17  }
0x392: {  	[tilespmem:v18+s12+$0x0] =	vst.idx.msk $0xffff, v13;
	v13 =	vadd.s32 v25, v16;
	v16 =	vadd.s32 v10, v6;
	v10 =	vld [tilespmem:$0x1F690];
	_ =	sdelay $0x2  }
0x393: {  	v37 =	vmov v61;
	v61 =	vld [tilespmem:$0x1FF80];
	v17 =	vand.u32 $0x7F, v17  }
0x394: {  	v19 =	vadd.s32 v60, v5;
	v11 =	vld.idx.msk [tilespmem:v11+s23+$0x0], $0xffff;
	v13 =	vor.u32 v17, v13;
	v17 =	vand.u32 $0xFFFFFF80, v16  }
0x395: {  	[tilespmem:v20+s12+$0x0] =	vst.idx.msk $0xffff, v15;
	v15 =	vadd.s32 v25, v17;
	v17 =	vadd.s32 v10, v6;
	v10 =	vld [tilespmem:$0x1F6A0];
	_ =	sdelay $0x2  }
0x396: {  	v16 =	vand.u32 $0x7F, v16  }
0x397: {  	v18 =	vadd.s32 v61, v5;
	v12 =	vld.idx.msk [tilespmem:v12+s23+$0x0], $0xffff;
	v15 =	vor.u32 v16, v15;
	v16 =	vand.u32 $0xFFFFFF80, v17  }
0x398: {  	[tilespmem:v19+s12+$0x0] =	vst.idx.msk $0xffff, v7;
	v7 =	vadd.s32 v25, v16;
	v16 =	vadd.s32 v10, v6;
	v10 =	vld [tilespmem:$0x1F6B0];
	_ =	sdelay $0x2  }
0x399: {  	v28 =	vmov v44;
	v44 =	vmov v63;
	v63 =	vld [tilespmem:$0x1FF50];
	v17 =	vand.u32 $0x7F, v17  }
0x39a: {  	v20 =	vadd.s32 v62, v5;
	v14 =	vld.idx.msk [tilespmem:v14+s23+$0x0], $0xffff;
	v7 =	vor.u32 v17, v7;
	v17 =	vand.u32 $0xFFFFFF80, v16  }
0x39b: {  	[tilespmem:v18+s12+$0x0] =	vst.idx.msk $0xffff, v8;
	v8 =	vadd.s32 v25, v17;
	v17 =	vadd.s32 v10, v6;
	v10 =	vld [tilespmem:$0x1F6C0];
	_ =	sdelay $0x2  }
0x39c: {  	v16 =	vand.u32 $0x7F, v16  }
0x39d: {  	v19 =	vadd.s32 v63, v5;
	v13 =	vld.idx.msk [tilespmem:v13+s23+$0x0], $0xffff;
	v8 =	vor.u32 v16, v8;
	v16 =	vand.u32 $0xFFFFFF80, v17  }
0x39e: {  	[tilespmem:v20+s12+$0x0] =	vst.idx.msk $0xffff, v9;
	v9 =	vadd.s32 v25, v16;
	v16 =	vadd.s32 v10, v6;
	v10 =	vld [tilespmem:$0x1F6D0];
	_ =	sdelay $0x2  }
0x39f: {  	v17 =	vand.u32 $0x7F, v17  }
0x3a0: {  	v15 =	vld.idx.msk [tilespmem:v15+s23+$0x0], $0xffff;
	v9 =	vor.u32 v17, v9;
	v17 =	vand.u32 $0xFFFFFF80, v16  }
0x3a1: {  	[tilespmem:v19+s12+$0x0] =	vst.idx.msk $0xffff, v11;
	v11 =	vadd.s32 v25, v17;
	v17 =	vadd.s32 v10, v6;
	v10 =	vld [tilespmem:$0x1F8C0];
	_ =	sdelay $0x4  }
0x3a2: {  	v18 =	vadd.s32 v21, v5;
	v19 =	vadd.s32 v10, v5;
	v10 =	vld [tilespmem:$0x1F6E0];
	_ =	sdelay $0x2  }
0x3a3: {  	v16 =	vand.u32 $0x7F, v16  }
0x3a4: {  	v7 =	vld.idx.msk [tilespmem:v7+s23+$0x0], $0xffff;
	v11 =	vor.u32 v16, v11;
	v16 =	vand.u32 $0xFFFFFF80, v17  }
0x3a5: {  	[tilespmem:v18+s12+$0x0] =	vst.idx.msk $0xffff, v12;
	v12 =	vadd.s32 v25, v16;
	v16 =	vadd.s32 v10, v6;
	v10 =	vld [tilespmem:$0x1F8D0];
	_ =	sdelay $0x4  }
0x3a6: {  	v20 =	vadd.s32 v23, v5;
	v18 =	vadd.s32 v10, v5;
	v10 =	vld [tilespmem:$0x1F6F0];
	_ =	sdelay $0x2  }
0x3a7: {  	v17 =	vand.u32 $0x7F, v17  }
0x3a8: {  	v8 =	vld.idx.msk [tilespmem:v8+s23+$0x0], $0xffff;
	v12 =	vor.u32 v17, v12;
	v17 =	vand.u32 $0xFFFFFF80, v16  }
0x3a9: {  	[tilespmem:v20+s12+$0x0] =	vst.idx.msk $0xffff, v14;
	v14 =	vadd.s32 v25, v17;
	v17 =	vadd.s32 v10, v6;
	v10 =	vld [tilespmem:$0x1F8E0];
	_ =	sdelay $0x4  }
0x3aa: {  	v20 =	vadd.s32 v10, v5;
	v10 =	vld [tilespmem:$0x1F700];
	_ =	sdelay $0x2  }
0x3ab: {  	v16 =	vand.u32 $0x7F, v16  }
0x3ac: {  	v9 =	vld.idx.msk [tilespmem:v9+s23+$0x0], $0xffff;
	v14 =	vor.u32 v16, v14;
	v16 =	vand.u32 $0xFFFFFF80, v17  }
0x3ad: {  	[tilespmem:v19+s12+$0x0] =	vst.idx.msk $0xffff, v13;
	v13 =	vadd.s32 v25, v16;
	v16 =	vadd.s32 v10, v6;
	v10 =	vld [tilespmem:$0x1F8F0];
	_ =	sdelay $0x4  }
0x3ae: {  	v19 =	vadd.s32 v10, v5;
	v10 =	vld [tilespmem:$0x1F710];
	_ =	sdelay $0x2  }
0x3af: {  	v17 =	vand.u32 $0x7F, v17  }
0x3b0: {  	v11 =	vld.idx.msk [tilespmem:v11+s23+$0x0], $0xffff;
	v13 =	vor.u32 v17, v13;
	v17 =	vand.u32 $0xFFFFFF80, v16  }
0x3b1: {  	[tilespmem:v18+s12+$0x0] =	vst.idx.msk $0xffff, v15;
	v15 =	vadd.s32 v25, v17;
	v17 =	vadd.s32 v10, v6;
	v10 =	vld [tilespmem:$0x1F900];
	_ =	sdelay $0x4  }
0x3b2: {  	v18 =	vadd.s32 v10, v5;
	v10 =	vld [tilespmem:$0x1F720];
	_ =	sdelay $0x2  }
0x3b3: {  	v16 =	vand.u32 $0x7F, v16  }
0x3b4: {  	v12 =	vld.idx.msk [tilespmem:v12+s23+$0x0], $0xffff;
	v15 =	vor.u32 v16, v15;
	v16 =	vand.u32 $0xFFFFFF80, v17  }
0x3b5: {  	[tilespmem:v20+s12+$0x0] =	vst.idx.msk $0xffff, v7;
	v7 =	vadd.s32 v25, v16;
	v16 =	vadd.s32 v10, v6;
	v10 =	vld [tilespmem:$0x1F910];
	_ =	sdelay $0x4  }
0x3b6: {  	v20 =	vadd.s32 v10, v5;
	v10 =	vld [tilespmem:$0x1F730];
	_ =	sdelay $0x2  }
0x3b7: {  	v17 =	vand.u32 $0x7F, v17  }
0x3b8: {  	v14 =	vld.idx.msk [tilespmem:v14+s23+$0x0], $0xffff;
	v7 =	vor.u32 v17, v7;
	v17 =	vand.u32 $0xFFFFFF80, v16  }
0x3b9: {  	[tilespmem:v19+s12+$0x0] =	vst.idx.msk $0xffff, v8;
	v8 =	vadd.s32 v25, v17;
	v17 =	vadd.s32 v10, v6;
	v10 =	vld [tilespmem:$0x1F920];
	_ =	sdelay $0x4  }
0x3ba: {  	v19 =	vadd.s32 v10, v5;
	v10 =	vld [tilespmem:$0x1F740];
	_ =	sdelay $0x2  }
0x3bb: {  	v16 =	vand.u32 $0x7F, v16  }
0x3bc: {  	v13 =	vld.idx.msk [tilespmem:v13+s23+$0x0], $0xffff;
	v8 =	vor.u32 v16, v8;
	v16 =	vand.u32 $0xFFFFFF80, v17  }
0x3bd: {  	[tilespmem:v18+s12+$0x0] =	vst.idx.msk $0xffff, v9;
	v9 =	vadd.s32 v25, v16;
	v16 =	vadd.s32 v10, v6;
	v10 =	vld [tilespmem:$0x1F930];
	_ =	sdelay $0x4  }
0x3be: {  	v18 =	vadd.s32 v10, v5;
	v10 =	vld [tilespmem:$0x1F940];
	_ =	sdelay $0x2  }
0x3bf: {  	v27 =	vld [tilespmem:$0x1F820]  }
0x3c0: {  	v15 =	vld.idx.msk [tilespmem:v15+s23+$0x0], $0xffff  }
0x3c1: {  	[tilespmem:v20+s12+$0x0] =	vst.idx.msk $0xffff, v11;
	v20 =	vadd.s32 v10, v5;
	v10 =	vld [tilespmem:$0x1F750]  }
0x3c2: {  	v17 =	vand.u32 $0x7F, v17  }
0x3c3: {  	v9 =	vor.u32 v17, v9;
	v17 =	vand.u32 $0xFFFFFF80, v16  }
0x3c4: {  	v16 =	vand.u32 $0x7F, v16;
	v11 =	vadd.s32 v25, v17;
	v17 =	vadd.s32 v27, v6  }
0x3c5: {  	v7 =	vld.idx.msk [tilespmem:v7+s23+$0x0], $0xffff;
	v11 =	vor.u32 v16, v11;
	v16 =	vand.u32 $0xFFFFFF80, v17  }
0x3c6: {  	[tilespmem:v19+s12+$0x0] =	vst.idx.msk $0xffff, v12;
	v12 =	vadd.s32 v25, v16;
	v16 =	vadd.s32 v10, v6;
	v10 =	vld [tilespmem:$0x1F960];
	_ =	sdelay $0x4  }
0x3c7: {  	v19 =	vadd.s32 v10, v5;
	v10 =	vld [tilespmem:$0x1F760];
	_ =	sdelay $0x2  }
0x3c8: {  	v17 =	vand.u32 $0x7F, v17  }
0x3c9: {  	v8 =	vld.idx.msk [tilespmem:v8+s23+$0x0], $0xffff;
	v12 =	vor.u32 v17, v12;
	v17 =	vand.u32 $0xFFFFFF80, v16  }
0x3ca: {  	[tilespmem:v18+s12+$0x0] =	vst.idx.msk $0xffff, v14;
	v14 =	vadd.s32 v25, v17;
	v17 =	vadd.s32 v10, v6;
	v10 =	vld [tilespmem:$0x1F770];
	_ =	sdelay $0x2  }
0x3cb: {  	v16 =	vand.u32 $0x7F, v16  }
0x3cc: {  	v9 =	vld.idx.msk [tilespmem:v9+s23+$0x0], $0xffff;
	v14 =	vor.u32 v16, v14;
	v16 =	vand.u32 $0xFFFFFF80, v17  }
0x3cd: {  	[tilespmem:v20+s12+$0x0] =	vst.idx.msk $0xffff, v13;
	v13 =	vadd.s32 v25, v16;
	v16 =	vadd.s32 v10, v6;
	v10 =	vld [tilespmem:$0x1F980];
	_ =	sdelay $0x4  }
0x3ce: {  	v20 =	vadd.s32 v10, v5;
	v10 =	vld [tilespmem:$0x1F780];
	_ =	sdelay $0x2  }
0x3cf: {  	v17 =	vand.u32 $0x7F, v17  }
0x3d0: {  	v18 =	vadd.s32 v0, v5;
	v11 =	vld.idx.msk [tilespmem:v11+s23+$0x0], $0xffff;
	v13 =	vor.u32 v17, v13;
	v17 =	vand.u32 $0xFFFFFF80, v16  }
0x3d1: {  	[tilespmem:v19+s12+$0x0] =	vst.idx.msk $0xffff, v15;
	v15 =	vadd.s32 v25, v17;
	v17 =	vadd.s32 v10, v6;
	v10 =	vld [tilespmem:$0x1F790];
	_ =	sdelay $0x1  }
0x3d2: {  	v19 =	vadd.s32 v1, v5;
	v1 =	vld [tilespmem:$0x1F9E0]  }
0x3d3: {  	v16 =	vand.u32 $0x7F, v16  }
0x3d4: {  	v12 =	vld.idx.msk [tilespmem:v12+s23+$0x0], $0xffff;
	v15 =	vor.u32 v16, v15;
	v16 =	vand.u32 $0xFFFFFF80, v17  }
0x3d5: {  	[tilespmem:v18+s12+$0x0] =	vst.idx.msk $0xffff, v7;
	v7 =	vadd.s32 v25, v16;
	v16 =	vadd.s32 v10, v6;
	v10 =	vld [tilespmem:$0x1F7A0]  }
0x3d6: {  	v18 =	vadd.s32 v2, v5;
	v17 =	vand.u32 $0x7F, v17  }
0x3d7: {  	v14 =	vld.idx.msk [tilespmem:v14+s23+$0x0], $0xffff;
	v21 =	vadd.s32 v1, v5;
	v7 =	vor.u32 v17, v7;
	v17 =	vand.u32 $0xFFFFFF80, v16  }
0x3d8: {  	v1 =	vld [tilespmem:$0x1F7E0];
	[tilespmem:v20+s12+$0x0] =	vst.idx.msk $0xffff, v8;
	v20 =	vadd.s32 v3, v5;
	v16 =	vand.u32 $0x7F, v16;
	v8 =	vadd.s32 v25, v17  }
0x3d9: {  	v13 =	vld.idx.msk [tilespmem:v13+s23+$0x0], $0xffff;
	v8 =	vor.u32 v16, v8  }
0x3da: {  	[tilespmem:v19+s12+$0x0] =	vst.idx.msk $0xffff, v9;
	v19 =	vadd.s32 v4, v5;
	v17 =	vadd.s32 v10, v6;
	v10 =	vld [tilespmem:$0x1F7B0];
	_ =	sdelay $0x1  }
0x3db: {  	v15 =	vld.idx.msk [tilespmem:v15+s23+$0x0], $0xffff;
	[tilespmem:v18+s12+$0x0] =	vst.idx.msk $0xffff, v11  }
0x3dc: {  	v18 =	vld.idx.msk [tilespmem:v7+s23+$0x0], $0xffff;
	[tilespmem:v20+s12+$0x0] =	vst.idx.msk $0xffff, v12;
	v16 =	vand.u32 $0xFFFFFF80, v17  }
0x3dd: {  	v9 =	vadd.s32 v25, v16;
	v20 =	vld.idx.msk [tilespmem:v8+s23+$0x0], $0xffff  }
0x3de: {  	v17 =	vand.u32 $0x7F, v17;
	[tilespmem:v19+s12+$0x0] =	vst.idx.msk $0xffff, v14;
	v14 =	vadd.s32 v1, v6;
	v1 =	vld [tilespmem:$0x1FA00];
	v16 =	vadd.s32 v10, v6  }
0x3df: {  	v9 =	vor.u32 v17, v9;
	v10 =	vld [tilespmem:$0x1F7D0];
	v17 =	vand.u32 $0xFFFFFF80, v16  }
0x3e0: {  	v16 =	vand.u32 $0x7F, v16;
	v11 =	vadd.s32 v25, v17;
	v17 =	vadd.s32 v22, v6  }
0x3e1: {  	v11 =	vor.u32 v16, v11;
	v16 =	vand.u32 $0xFFFFFF80, v17  }
0x3e2: {  	v7 =	vadd.s32 v55, v5;
	v17 =	vand.u32 $0x7F, v17;
	v12 =	vadd.s32 v25, v16  }
0x3e3: {  	v12 =	vor.u32 v17, v12;
	v17 =	vadd.s32 v1, v5;
	v1 =	vld [tilespmem:$0x1FA20]  }
0x3e4: {  	v16 =	vadd.s32 v10, v6  }
0x3e5: {  	v26 =	vld [tilespmem:$0x1F7F0];
	v8 =	vand.u32 $0xFFFFFF80, v16  }
0x3e6: {  	v19 =	vld [tilespmem:$0x1FE90];
	v16 =	vand.u32 $0x7F, v16;
	v8 =	vadd.s32 v25, v8  }
0x3e7: {  	v9 =	vld.idx.msk [tilespmem:v9+s23+$0x0], $0xffff;
	[tilespmem:v7+s12+$0x0] =	vst.idx.msk $0xffff, v13;
	v16 =	vor.u32 v16, v8  }
0x3e8: {  	v7 =	vand.u32 $0xFFFFFF80, v14;
	v13 =	vand.u32 $0x7F, v14;
	v8 =	vld.idx.msk [tilespmem:v11+s23+$0x0], $0xffff;
	v14 =	vadd.s32 v1, v5  }
0x3e9: {  	v1 =	vld [tilespmem:$0x1FE10]  }
0x3ea: {  	v7 =	vadd.s32 v25, v7;
	[tilespmem:v21+s12+$0x0] =	vst.idx.msk $0xffff, v15;
	v21 =	vld [tilespmem:$0x1FA50]  }
0x3eb: {  	v13 =	vor.u32 v13, v7;
	v11 =	vadd.s32 v26, v6;
	v7 =	vld.idx.msk [tilespmem:v12+s23+$0x0], $0xffff;
	[tilespmem:v17+s12+$0x0] =	vst.idx.msk $0xffff, v18  }
0x3ec: {  	v15 =	vand.u32 $0x7F, v11;
	v12 =	vand.u32 $0xFFFFFF80, v11;
	v11 =	vld.idx.msk [tilespmem:v16+s23+$0x0], $0xffff  }
0x3ed: {  	[tilespmem:v14+s12+$0x0] =	vst.idx.msk $0xffff, v20;
	v20 =	vld [tilespmem:$0x1FE80]  }
0x3ee: {  	v17 =	vadd.s32 v1, v5;
	v1 =	vld [tilespmem:$0x1FA40]  }
0x3ef: {  	v53 =	vmov v39;
	_ =	sdelay $0x1  }
0x3f0: {  	v41 =	vmov v58;
	v58 =	vmov v40;
	v39 =	vld [tilespmem:$0x1FEA0];
	v12 =	vadd.s32 v25, v12  }
0x3f1: {  	v40 =	vld [tilespmem:$0x1FFC0];
	v10 =	vmovc v53;
	v53 =	vmovc v24;
	v25 =	vmov v23;
	v12 =	vor.u32 v15, v12;
	v15 =	vadd.s32 v19, v5  }
0x3f2: {  	s2 =	simm.s32 $0x10;
	s0 =	simm.s32 $0x20;
	v6 =	vadd.s32 v21, v5;
	v13 =	vld.idx.msk [tilespmem:v13+s23+$0x0], $0xffff;
	v14 =	vadd.s32 v20, v5;
	v16 =	vadd.s32 v1, v5  }
.LBB2_5:
0x3f3: {  	v1 =	vld [tilespmem:$0x1FE00];
	_ =	sdelay $0x3  }
0x3f4: {  	[tilespmem:v17+s12+$0x0] =	vst.idx.msk $0xffff, v9  }
0x3f5: {  	v12 =	vld.idx.msk [tilespmem:v12+s23+$0x0], $0xffff;
	v5 =	vadd.s32 v1, v5  }
0x3f6: {  	[tilespmem:v14+s12+$0x0] =	vst.idx.msk $0xffff, v8  }
0x3f7: {  	[tilespmem:v15+s12+$0x0] =	vst.idx.msk $0xffff, v7  }
0x3f8: {  	[tilespmem:v16+s12+$0x0] =	vst.idx.msk $0xffff, v11  }
0x3f9: {  	s8 =	sand.u32 $0x70, s2;
	s13 =	sand.u32 $0x100, s0;
	[tilespmem:v6+s12+$0x0] =	vst.idx.msk $0xffff, v13  }
0x3fa: {  	s8 =	sor.u32 s8, s13;
	[tilespmem:v5+s12+$0x0] =	vst.idx.msk $0xffff, v12  }
0x3fb: {  	v8 =	vld [tilespmem:s8+$0x280];
	_ =	sdelay $0x3  }
0x3fc: {  	s18 =	smov.u32 s2;
	v1 =	vlaneseq.u32  }
0x3fd: {  	v6 =	vor.u32 s18, v1;
	v13 =	vadd.s32 v1, v8;
	v1 =	vld [tilespmem:$0x1FD90];
	_ =	sdelay $0x4  }
0x3fe: {  	v14 =	vadd.s32 v1, v8;
	v1 =	vld [tilespmem:$0x1FDA0];
	_ =	sdelay $0x4  }
0x3ff: {  	v15 =	vadd.s32 v1, v8;
	v1 =	vld [tilespmem:$0x1FDB0]  }
0x400: {  	v18 =	vmov s2  }
0x401: {  	v9 =	vshll.u32 v18, $0x3  }
0x402: {  	v9 =	vand.u32 $0x400, v9;
	v7 =	vand.u32 $0x7F, v6  }
0x403: {  	v5 =	vor.u32 v7, v9  }
0x404: {  	v7 =	vshll.u32 v6, $0x7;
	v16 =	vand.u32 $0xFFFFFF80, v13;
	v17 =	vadd.s32 v1, v8;
	v1 =	vld [tilespmem:$0x1FDC0]  }
0x405: {  	v24 =	vmovc v19;
	v13 =	vand.u32 $0x7F, v13;
	v16 =	vadd.s32 v7, v16;
	v19 =	vand.u32 $0xFFFFFF80, v15  }
0x406: {  	v13 =	vor.u32 v13, v16;
	v15 =	vand.u32 $0x7F, v15;
	v16 =	vadd.s32 v7, v19  }
0x407: {  	v15 =	vor.u32 v15, v16;
	v16 =	vand.u32 $0xFFFFFF80, v17  }
0x408: {  	v6 =	vadd.s32 v21, v5;
	v21 =	vld [tilespmem:$0x1FDE0];
	v17 =	vand.u32 $0x7F, v17;
	v16 =	vadd.s32 v7, v16  }
0x409: {  	v16 =	vor.u32 v17, v16;
	v17 =	vadd.s32 v1, v8;
	v1 =	vld [tilespmem:$0x1FDD0];
	_ =	sdelay $0x2  }
0x40a: {  	v18 =	vand.u32 $0x7F, v14;
	v14 =	vand.u32 $0xFFFFFF80, v14  }
0x40b: {  	v21 =	vadd.s32 v21, v8;
	v14 =	vadd.s32 v7, v14  }
0x40c: {  	v14 =	vor.u32 v18, v14;
	v18 =	vand.u32 $0xFFFFFF80, v17;
	v19 =	vadd.s32 v1, v8  }
0x40d: {  	v17 =	vand.u32 $0x7F, v17;
	v18 =	vadd.s32 v7, v18;
	v1 =	vmovc v20;
	v20 =	vand.u32 $0xFFFFFF80, v19  }
0x40e: {  	v17 =	vor.u32 v17, v18;
	v18 =	vadd.s32 v7, v20;
	v20 =	vand.u32 $0xFFFFFF80, v21  }
0x40f: {  	v19 =	vand.u32 $0x7F, v19;
	v21 =	vand.u32 $0x7F, v21;
	v20 =	vadd.s32 v7, v20  }
0x410: {  	v18 =	vor.u32 v19, v18;
	v19 =	vor.u32 v21, v20;
	v20 =	vld [tilespmem:$0x1FDF0]  }
0x411: {  	v22 =	vld [tilespmem:$0x1FB60];
	_ =	sdelay $0x3  }
0x412: {  	v20 =	vadd.s32 v20, v8  }
0x413: {  	v22 =	vadd.s32 v22, v8;
	v21 =	vand.u32 $0xFFFFFF80, v20  }
0x414: {  	v23 =	vand.u32 $0xFFFFFF80, v22;
	v20 =	vand.u32 $0x7F, v20;
	v21 =	vadd.s32 v7, v21  }
0x415: {  	v20 =	vor.u32 v20, v21;
	v21 =	vadd.s32 v7, v23;
	v23 =	vld [tilespmem:$0x1FB70]  }
0x416: {  	v9 =	vadd.s32 v28, v5;
	v13 =	vld.idx.msk [tilespmem:v13+s23+$0x0], $0xffff  }
0x417: {  	v14 =	vld.idx.msk [tilespmem:v14+s23+$0x0], $0xffff  }
0x418: {  	v15 =	vld.idx.msk [tilespmem:v15+s23+$0x0], $0xffff  }
0x419: {  	v16 =	vld.idx.msk [tilespmem:v16+s23+$0x0], $0xffff  }
0x41a: {  	v22 =	vand.u32 $0x7F, v22;
	v17 =	vld.idx.msk [tilespmem:v17+s23+$0x0], $0xffff;
	v23 =	vadd.s32 v23, v8  }
0x41b: {  	[tilespmem:v9+s12+$0x0] =	vst.idx.msk $0xffff, v13;
	v9 =	vor.u32 v22, v21;
	v13 =	vand.u32 $0xFFFFFF80, v23;
	v21 =	vand.u32 $0x7F, v23;
	v23 =	vld [tilespmem:$0x1FB80]  }
0x41c: {  	v11 =	vadd.s32 v29, v5;
	_ =	sdelay $0x3  }
0x41d: {  	v18 =	vld.idx.msk [tilespmem:v18+s23+$0x0], $0xffff;
	v13 =	vadd.s32 v7, v13;
	v23 =	vadd.s32 v23, v8  }
0x41e: {  	[tilespmem:v11+s12+$0x0] =	vst.idx.msk $0xffff, v14;
	v11 =	vor.u32 v21, v13;
	v13 =	vand.u32 $0xFFFFFF80, v23;
	v14 =	vand.u32 $0x7F, v23;
	v23 =	vld [tilespmem:$0x1FB90]  }
0x41f: {  	v12 =	vadd.s32 v30, v5;
	_ =	sdelay $0x3  }
0x420: {  	v19 =	vld.idx.msk [tilespmem:v19+s23+$0x0], $0xffff;
	v13 =	vadd.s32 v7, v13;
	v23 =	vadd.s32 v23, v8  }
0x421: {  	[tilespmem:v12+s12+$0x0] =	vst.idx.msk $0xffff, v15;
	v12 =	vor.u32 v14, v13;
	v13 =	vand.u32 $0xFFFFFF80, v23;
	v14 =	vand.u32 $0x7F, v23;
	v23 =	vld [tilespmem:$0x1FBA0]  }
0x422: {  	v22 =	vadd.s32 v31, v5;
	_ =	sdelay $0x3  }
0x423: {  	v15 =	vld.idx.msk [tilespmem:v20+s23+$0x0], $0xffff;
	v13 =	vadd.s32 v7, v13;
	v23 =	vadd.s32 v23, v8  }
0x424: {  	[tilespmem:v22+s12+$0x0] =	vst.idx.msk $0xffff, v16;
	v13 =	vor.u32 v14, v13;
	v14 =	vand.u32 $0xFFFFFF80, v23;
	v16 =	vand.u32 $0x7F, v23;
	v23 =	vld [tilespmem:$0x1FBB0]  }
0x425: {  	v21 =	vadd.s32 v32, v5;
	_ =	sdelay $0x3  }
0x426: {  	v9 =	vld.idx.msk [tilespmem:v9+s23+$0x0], $0xffff;
	v14 =	vadd.s32 v7, v14;
	v23 =	vadd.s32 v23, v8  }
0x427: {  	[tilespmem:v21+s12+$0x0] =	vst.idx.msk $0xffff, v17;
	v14 =	vor.u32 v16, v14;
	v16 =	vand.u32 $0xFFFFFF80, v23;
	v17 =	vand.u32 $0x7F, v23;
	v23 =	vld [tilespmem:$0x1FBC0]  }
0x428: {  	v20 =	vadd.s32 v33, v5;
	_ =	sdelay $0x3  }
0x429: {  	v11 =	vld.idx.msk [tilespmem:v11+s23+$0x0], $0xffff;
	v16 =	vadd.s32 v7, v16;
	v23 =	vadd.s32 v23, v8  }
0x42a: {  	[tilespmem:v20+s12+$0x0] =	vst.idx.msk $0xffff, v18;
	v16 =	vor.u32 v17, v16;
	v17 =	vand.u32 $0xFFFFFF80, v23;
	v18 =	vand.u32 $0x7F, v23;
	v23 =	vld [tilespmem:$0x1FBD0]  }
0x42b: {  	v22 =	vadd.s32 v34, v5;
	_ =	sdelay $0x3  }
0x42c: {  	v12 =	vld.idx.msk [tilespmem:v12+s23+$0x0], $0xffff;
	v17 =	vadd.s32 v7, v17;
	v23 =	vadd.s32 v23, v8  }
0x42d: {  	[tilespmem:v22+s12+$0x0] =	vst.idx.msk $0xffff, v19;
	v17 =	vor.u32 v18, v17;
	v18 =	vand.u32 $0xFFFFFF80, v23;
	v19 =	vand.u32 $0x7F, v23;
	v23 =	vld [tilespmem:$0x1FBE0]  }
0x42e: {  	v21 =	vadd.s32 v35, v5;
	_ =	sdelay $0x3  }
0x42f: {  	v13 =	vld.idx.msk [tilespmem:v13+s23+$0x0], $0xffff;
	v18 =	vadd.s32 v7, v18;
	v23 =	vadd.s32 v23, v8  }
0x430: {  	[tilespmem:v21+s12+$0x0] =	vst.idx.msk $0xffff, v15;
	v15 =	vor.u32 v19, v18;
	v18 =	vand.u32 $0xFFFFFF80, v23;
	v19 =	vand.u32 $0x7F, v23;
	v23 =	vld [tilespmem:$0x1FBF0]  }
0x431: {  	v20 =	vadd.s32 v36, v5;
	_ =	sdelay $0x3  }
0x432: {  	v14 =	vld.idx.msk [tilespmem:v14+s23+$0x0], $0xffff;
	v18 =	vadd.s32 v7, v18;
	v23 =	vadd.s32 v23, v8  }
0x433: {  	[tilespmem:v20+s12+$0x0] =	vst.idx.msk $0xffff, v9;
	v9 =	vor.u32 v19, v18;
	v18 =	vand.u32 $0xFFFFFF80, v23;
	v19 =	vand.u32 $0x7F, v23;
	v23 =	vld [tilespmem:$0x1FC00]  }
0x434: {  	v22 =	vadd.s32 v37, v5;
	_ =	sdelay $0x3  }
0x435: {  	v16 =	vld.idx.msk [tilespmem:v16+s23+$0x0], $0xffff;
	v18 =	vadd.s32 v7, v18;
	v23 =	vadd.s32 v23, v8  }
0x436: {  	[tilespmem:v22+s12+$0x0] =	vst.idx.msk $0xffff, v11;
	v11 =	vor.u32 v19, v18;
	v18 =	vand.u32 $0xFFFFFF80, v23;
	v19 =	vand.u32 $0x7F, v23;
	v23 =	vld [tilespmem:$0x1FC10]  }
0x437: {  	v21 =	vadd.s32 v38, v5;
	_ =	sdelay $0x3  }
0x438: {  	v17 =	vld.idx.msk [tilespmem:v17+s23+$0x0], $0xffff;
	v18 =	vadd.s32 v7, v18;
	v23 =	vadd.s32 v23, v8  }
0x439: {  	[tilespmem:v21+s12+$0x0] =	vst.idx.msk $0xffff, v12;
	v12 =	vor.u32 v19, v18;
	v18 =	vand.u32 $0xFFFFFF80, v23;
	v19 =	vand.u32 $0x7F, v23;
	v23 =	vld [tilespmem:$0x1FC20]  }
0x43a: {  	v20 =	vadd.s32 v39, v5;
	_ =	sdelay $0x3  }
0x43b: {  	v15 =	vld.idx.msk [tilespmem:v15+s23+$0x0], $0xffff;
	v18 =	vadd.s32 v7, v18;
	v23 =	vadd.s32 v23, v8  }
0x43c: {  	[tilespmem:v20+s12+$0x0] =	vst.idx.msk $0xffff, v13;
	v13 =	vor.u32 v19, v18;
	v18 =	vand.u32 $0xFFFFFF80, v23;
	v19 =	vand.u32 $0x7F, v23;
	v23 =	vld [tilespmem:$0x1FC30]  }
0x43d: {  	v22 =	vadd.s32 v40, v5;
	_ =	sdelay $0x3  }
0x43e: {  	v9 =	vld.idx.msk [tilespmem:v9+s23+$0x0], $0xffff;
	v18 =	vadd.s32 v7, v18;
	v23 =	vadd.s32 v23, v8  }
0x43f: {  	[tilespmem:v22+s12+$0x0] =	vst.idx.msk $0xffff, v14;
	v14 =	vor.u32 v19, v18;
	v18 =	vand.u32 $0xFFFFFF80, v23;
	v19 =	vand.u32 $0x7F, v23;
	v23 =	vld [tilespmem:$0x1FC40]  }
0x440: {  	v21 =	vadd.s32 v41, v5;
	_ =	sdelay $0x3  }
0x441: {  	v11 =	vld.idx.msk [tilespmem:v11+s23+$0x0], $0xffff;
	v18 =	vadd.s32 v7, v18;
	v23 =	vadd.s32 v23, v8  }
0x442: {  	[tilespmem:v21+s12+$0x0] =	vst.idx.msk $0xffff, v16;
	v16 =	vor.u32 v19, v18;
	v18 =	vand.u32 $0xFFFFFF80, v23;
	v19 =	vand.u32 $0x7F, v23;
	v23 =	vld [tilespmem:$0x1FC50]  }
0x443: {  	v20 =	vadd.s32 v42, v5;
	_ =	sdelay $0x3  }
0x444: {  	v12 =	vld.idx.msk [tilespmem:v12+s23+$0x0], $0xffff;
	v18 =	vadd.s32 v7, v18;
	v23 =	vadd.s32 v23, v8  }
0x445: {  	[tilespmem:v20+s12+$0x0] =	vst.idx.msk $0xffff, v17;
	v17 =	vor.u32 v19, v18;
	v18 =	vand.u32 $0xFFFFFF80, v23;
	v19 =	vand.u32 $0x7F, v23;
	v23 =	vld [tilespmem:$0x1FC60]  }
0x446: {  	v22 =	vadd.s32 v43, v5;
	_ =	sdelay $0x3  }
0x447: {  	v13 =	vld.idx.msk [tilespmem:v13+s23+$0x0], $0xffff;
	v18 =	vadd.s32 v7, v18;
	v23 =	vadd.s32 v23, v8  }
0x448: {  	[tilespmem:v22+s12+$0x0] =	vst.idx.msk $0xffff, v15;
	v15 =	vor.u32 v19, v18;
	v18 =	vand.u32 $0xFFFFFF80, v23;
	v19 =	vand.u32 $0x7F, v23;
	v23 =	vld [tilespmem:$0x1FC70]  }
0x449: {  	v21 =	vadd.s32 v10, v5;
	_ =	sdelay $0x3  }
0x44a: {  	v14 =	vld.idx.msk [tilespmem:v14+s23+$0x0], $0xffff;
	v18 =	vadd.s32 v7, v18;
	v23 =	vadd.s32 v23, v8  }
0x44b: {  	[tilespmem:v21+s12+$0x0] =	vst.idx.msk $0xffff, v9;
	v9 =	vor.u32 v19, v18;
	v18 =	vand.u32 $0xFFFFFF80, v23;
	v19 =	vand.u32 $0x7F, v23;
	v23 =	vld [tilespmem:$0x1FC80]  }
0x44c: {  	v20 =	vadd.s32 v44, v5;
	_ =	sdelay $0x3  }
0x44d: {  	v16 =	vld.idx.msk [tilespmem:v16+s23+$0x0], $0xffff;
	v18 =	vadd.s32 v7, v18;
	v23 =	vadd.s32 v23, v8  }
0x44e: {  	[tilespmem:v20+s12+$0x0] =	vst.idx.msk $0xffff, v11;
	v11 =	vor.u32 v19, v18;
	v18 =	vand.u32 $0xFFFFFF80, v23;
	v19 =	vand.u32 $0x7F, v23;
	v23 =	vld [tilespmem:$0x1FC90]  }
0x44f: {  	v22 =	vadd.s32 v45, v5;
	_ =	sdelay $0x3  }
0x450: {  	v17 =	vld.idx.msk [tilespmem:v17+s23+$0x0], $0xffff;
	v18 =	vadd.s32 v7, v18;
	v23 =	vadd.s32 v23, v8  }
0x451: {  	[tilespmem:v22+s12+$0x0] =	vst.idx.msk $0xffff, v12;
	v12 =	vor.u32 v19, v18;
	v18 =	vand.u32 $0xFFFFFF80, v23;
	v19 =	vand.u32 $0x7F, v23;
	v23 =	vld [tilespmem:$0x1FCA0]  }
0x452: {  	v21 =	vadd.s32 v46, v5;
	_ =	sdelay $0x3  }
0x453: {  	v15 =	vld.idx.msk [tilespmem:v15+s23+$0x0], $0xffff;
	v18 =	vadd.s32 v7, v18;
	v23 =	vadd.s32 v23, v8  }
0x454: {  	[tilespmem:v21+s12+$0x0] =	vst.idx.msk $0xffff, v13;
	v13 =	vor.u32 v19, v18;
	v18 =	vand.u32 $0xFFFFFF80, v23;
	v19 =	vand.u32 $0x7F, v23;
	v23 =	vld [tilespmem:$0x1FCB0]  }
0x455: {  	v20 =	vadd.s32 v47, v5;
	_ =	sdelay $0x3  }
0x456: {  	v9 =	vld.idx.msk [tilespmem:v9+s23+$0x0], $0xffff;
	v18 =	vadd.s32 v7, v18;
	v23 =	vadd.s32 v23, v8  }
0x457: {  	[tilespmem:v20+s12+$0x0] =	vst.idx.msk $0xffff, v14;
	v14 =	vor.u32 v19, v18;
	v18 =	vand.u32 $0xFFFFFF80, v23;
	v19 =	vand.u32 $0x7F, v23;
	v23 =	vld [tilespmem:$0x1FCC0]  }
0x458: {  	v22 =	vadd.s32 v48, v5;
	_ =	sdelay $0x3  }
0x459: {  	v11 =	vld.idx.msk [tilespmem:v11+s23+$0x0], $0xffff;
	v18 =	vadd.s32 v7, v18;
	v23 =	vadd.s32 v23, v8  }
0x45a: {  	[tilespmem:v22+s12+$0x0] =	vst.idx.msk $0xffff, v16;
	v16 =	vor.u32 v19, v18;
	v18 =	vand.u32 $0xFFFFFF80, v23;
	v19 =	vand.u32 $0x7F, v23;
	v23 =	vld [tilespmem:$0x1FCD0]  }
0x45b: {  	v21 =	vadd.s32 v49, v5;
	_ =	sdelay $0x3  }
0x45c: {  	v12 =	vld.idx.msk [tilespmem:v12+s23+$0x0], $0xffff;
	v18 =	vadd.s32 v7, v18;
	v23 =	vadd.s32 v23, v8  }
0x45d: {  	[tilespmem:v21+s12+$0x0] =	vst.idx.msk $0xffff, v17;
	v17 =	vor.u32 v19, v18;
	v18 =	vand.u32 $0xFFFFFF80, v23;
	v19 =	vand.u32 $0x7F, v23;
	v23 =	vld [tilespmem:$0x1FCE0]  }
0x45e: {  	v20 =	vadd.s32 v50, v5;
	_ =	sdelay $0x3  }
0x45f: {  	v13 =	vld.idx.msk [tilespmem:v13+s23+$0x0], $0xffff;
	v18 =	vadd.s32 v7, v18;
	v23 =	vadd.s32 v23, v8  }
0x460: {  	[tilespmem:v20+s12+$0x0] =	vst.idx.msk $0xffff, v15;
	v15 =	vor.u32 v19, v18;
	v18 =	vand.u32 $0xFFFFFF80, v23;
	v19 =	vand.u32 $0x7F, v23;
	v23 =	vld [tilespmem:$0x1FCF0]  }
0x461: {  	v22 =	vadd.s32 v51, v5;
	_ =	sdelay $0x3  }
0x462: {  	v14 =	vld.idx.msk [tilespmem:v14+s23+$0x0], $0xffff;
	v18 =	vadd.s32 v7, v18;
	v23 =	vadd.s32 v23, v8  }
0x463: {  	[tilespmem:v22+s12+$0x0] =	vst.idx.msk $0xffff, v9;
	v9 =	vor.u32 v19, v18;
	v18 =	vand.u32 $0xFFFFFF80, v23;
	v19 =	vand.u32 $0x7F, v23;
	v23 =	vld [tilespmem:$0x1F630]  }
0x464: {  	v21 =	vadd.s32 v52, v5;
	_ =	sdelay $0x3  }
0x465: {  	v16 =	vld.idx.msk [tilespmem:v16+s23+$0x0], $0xffff;
	v18 =	vadd.s32 v7, v18;
	v23 =	vadd.s32 v23, v8  }
0x466: {  	[tilespmem:v21+s12+$0x0] =	vst.idx.msk $0xffff, v11;
	v11 =	vor.u32 v19, v18;
	v18 =	vand.u32 $0xFFFFFF80, v23;
	v19 =	vand.u32 $0x7F, v23;
	v23 =	vld [tilespmem:$0x1F640]  }
0x467: {  	v20 =	vadd.s32 v53, v5;
	_ =	sdelay $0x3  }
0x468: {  	v17 =	vld.idx.msk [tilespmem:v17+s23+$0x0], $0xffff;
	v18 =	vadd.s32 v7, v18;
	v23 =	vadd.s32 v23, v8  }
0x469: {  	[tilespmem:v20+s12+$0x0] =	vst.idx.msk $0xffff, v12;
	v12 =	vor.u32 v19, v18;
	v18 =	vand.u32 $0xFFFFFF80, v23;
	v19 =	vand.u32 $0x7F, v23;
	v23 =	vld [tilespmem:$0x1F650]  }
0x46a: {  	v22 =	vadd.s32 v54, v5;
	_ =	sdelay $0x3  }
0x46b: {  	v15 =	vld.idx.msk [tilespmem:v15+s23+$0x0], $0xffff;
	v18 =	vadd.s32 v7, v18;
	v23 =	vadd.s32 v23, v8  }
0x46c: {  	[tilespmem:v22+s12+$0x0] =	vst.idx.msk $0xffff, v13;
	v13 =	vor.u32 v19, v18;
	v18 =	vand.u32 $0xFFFFFF80, v23;
	v19 =	vand.u32 $0x7F, v23;
	v23 =	vld [tilespmem:$0x1F660]  }
0x46d: {  	v21 =	vadd.s32 v56, v5;
	_ =	sdelay $0x3  }
0x46e: {  	v9 =	vld.idx.msk [tilespmem:v9+s23+$0x0], $0xffff;
	v18 =	vadd.s32 v7, v18;
	v23 =	vadd.s32 v23, v8  }
0x46f: {  	[tilespmem:v21+s12+$0x0] =	vst.idx.msk $0xffff, v14;
	v14 =	vor.u32 v19, v18;
	v18 =	vand.u32 $0xFFFFFF80, v23;
	v19 =	vand.u32 $0x7F, v23;
	v23 =	vld [tilespmem:$0x1F670]  }
0x470: {  	v20 =	vadd.s32 v57, v5;
	_ =	sdelay $0x3  }
0x471: {  	v11 =	vld.idx.msk [tilespmem:v11+s23+$0x0], $0xffff;
	v18 =	vadd.s32 v7, v18;
	v23 =	vadd.s32 v23, v8  }
0x472: {  	[tilespmem:v20+s12+$0x0] =	vst.idx.msk $0xffff, v16;
	v16 =	vor.u32 v19, v18;
	v18 =	vand.u32 $0xFFFFFF80, v23;
	v19 =	vand.u32 $0x7F, v23;
	v23 =	vld [tilespmem:$0x1F680]  }
0x473: {  	v22 =	vadd.s32 v58, v5;
	_ =	sdelay $0x3  }
0x474: {  	v12 =	vld.idx.msk [tilespmem:v12+s23+$0x0], $0xffff;
	v18 =	vadd.s32 v7, v18;
	v23 =	vadd.s32 v23, v8  }
0x475: {  	[tilespmem:v22+s12+$0x0] =	vst.idx.msk $0xffff, v17;
	v17 =	vor.u32 v19, v18;
	v18 =	vand.u32 $0xFFFFFF80, v23;
	v19 =	vand.u32 $0x7F, v23;
	v23 =	vld [tilespmem:$0x1F690]  }
0x476: {  	v21 =	vadd.s32 v59, v5;
	_ =	sdelay $0x3  }
0x477: {  	v13 =	vld.idx.msk [tilespmem:v13+s23+$0x0], $0xffff;
	v18 =	vadd.s32 v7, v18;
	v23 =	vadd.s32 v23, v8  }
0x478: {  	[tilespmem:v21+s12+$0x0] =	vst.idx.msk $0xffff, v15;
	v15 =	vor.u32 v19, v18;
	v18 =	vand.u32 $0xFFFFFF80, v23;
	v19 =	vand.u32 $0x7F, v23;
	v23 =	vld [tilespmem:$0x1F6A0]  }
0x479: {  	v20 =	vadd.s32 v60, v5;
	_ =	sdelay $0x3  }
0x47a: {  	v14 =	vld.idx.msk [tilespmem:v14+s23+$0x0], $0xffff;
	v18 =	vadd.s32 v7, v18;
	v23 =	vadd.s32 v23, v8  }
0x47b: {  	[tilespmem:v20+s12+$0x0] =	vst.idx.msk $0xffff, v9;
	v9 =	vor.u32 v19, v18;
	v18 =	vand.u32 $0xFFFFFF80, v23;
	v19 =	vand.u32 $0x7F, v23;
	v23 =	vld [tilespmem:$0x1F6B0]  }
0x47c: {  	v22 =	vadd.s32 v61, v5;
	_ =	sdelay $0x3  }
0x47d: {  	v16 =	vld.idx.msk [tilespmem:v16+s23+$0x0], $0xffff;
	v18 =	vadd.s32 v7, v18;
	v23 =	vadd.s32 v23, v8  }
0x47e: {  	[tilespmem:v22+s12+$0x0] =	vst.idx.msk $0xffff, v11;
	v11 =	vor.u32 v19, v18;
	v18 =	vand.u32 $0xFFFFFF80, v23;
	v19 =	vand.u32 $0x7F, v23;
	v23 =	vld [tilespmem:$0x1F6C0]  }
0x47f: {  	v21 =	vadd.s32 v62, v5;
	_ =	sdelay $0x3  }
0x480: {  	v17 =	vld.idx.msk [tilespmem:v17+s23+$0x0], $0xffff;
	v18 =	vadd.s32 v7, v18;
	v23 =	vadd.s32 v23, v8  }
0x481: {  	[tilespmem:v21+s12+$0x0] =	vst.idx.msk $0xffff, v12;
	v12 =	vor.u32 v19, v18;
	v18 =	vand.u32 $0xFFFFFF80, v23;
	v19 =	vand.u32 $0x7F, v23;
	v23 =	vld [tilespmem:$0x1F6D0]  }
0x482: {  	v20 =	vadd.s32 v63, v5  }
0x483: {  	v22 =	vld [tilespmem:$0x1FD00];
	_ =	sdelay $0x2  }
0x484: {  	v15 =	vld.idx.msk [tilespmem:v15+s23+$0x0], $0xffff;
	v18 =	vadd.s32 v7, v18;
	v23 =	vadd.s32 v23, v8  }
0x485: {  	[tilespmem:v20+s12+$0x0] =	vst.idx.msk $0xffff, v13;
	v13 =	vor.u32 v19, v18;
	v18 =	vand.u32 $0xFFFFFF80, v23;
	v19 =	vand.u32 $0x7F, v23;
	v23 =	vld [tilespmem:$0x1F6E0]  }
0x486: {  	v22 =	vadd.s32 v22, v5;
	_ =	sdelay $0x3  }
0x487: {  	v9 =	vld.idx.msk [tilespmem:v9+s23+$0x0], $0xffff;
	v18 =	vadd.s32 v7, v18;
	v23 =	vadd.s32 v23, v8  }
0x488: {  	[tilespmem:v22+s12+$0x0] =	vst.idx.msk $0xffff, v14;
	v14 =	vor.u32 v19, v18;
	v18 =	vand.u32 $0xFFFFFF80, v23;
	v19 =	vand.u32 $0x7F, v23;
	v23 =	vld [tilespmem:$0x1F6F0]  }
0x489: {  	v21 =	vadd.s32 v25, v5  }
0x48a: {  	v20 =	vld [tilespmem:$0x1F8C0];
	_ =	sdelay $0x2  }
0x48b: {  	v11 =	vld.idx.msk [tilespmem:v11+s23+$0x0], $0xffff;
	v18 =	vadd.s32 v7, v18;
	v23 =	vadd.s32 v23, v8  }
0x48c: {  	[tilespmem:v21+s12+$0x0] =	vst.idx.msk $0xffff, v16;
	v16 =	vor.u32 v19, v18;
	v18 =	vand.u32 $0xFFFFFF80, v23;
	v19 =	vand.u32 $0x7F, v23;
	v23 =	vld [tilespmem:$0x1F700]  }
0x48d: {  	v20 =	vadd.s32 v20, v5  }
0x48e: {  	v22 =	vld [tilespmem:$0x1F8D0];
	_ =	sdelay $0x2  }
0x48f: {  	v12 =	vld.idx.msk [tilespmem:v12+s23+$0x0], $0xffff;
	v18 =	vadd.s32 v7, v18;
	v23 =	vadd.s32 v23, v8  }
0x490: {  	[tilespmem:v20+s12+$0x0] =	vst.idx.msk $0xffff, v17;
	v17 =	vor.u32 v19, v18;
	v18 =	vand.u32 $0xFFFFFF80, v23;
	v19 =	vand.u32 $0x7F, v23;
	v23 =	vld [tilespmem:$0x1F710]  }
0x491: {  	v22 =	vadd.s32 v22, v5  }
0x492: {  	v21 =	vld [tilespmem:$0x1F8E0];
	_ =	sdelay $0x2  }
0x493: {  	v13 =	vld.idx.msk [tilespmem:v13+s23+$0x0], $0xffff;
	v18 =	vadd.s32 v7, v18;
	v23 =	vadd.s32 v23, v8  }
0x494: {  	[tilespmem:v22+s12+$0x0] =	vst.idx.msk $0xffff, v15;
	v15 =	vor.u32 v19, v18;
	v18 =	vand.u32 $0xFFFFFF80, v23;
	v19 =	vand.u32 $0x7F, v23;
	v23 =	vld [tilespmem:$0x1F720]  }
0x495: {  	v21 =	vadd.s32 v21, v5  }
0x496: {  	v20 =	vld [tilespmem:$0x1F8F0];
	_ =	sdelay $0x2  }
0x497: {  	v14 =	vld.idx.msk [tilespmem:v14+s23+$0x0], $0xffff;
	v18 =	vadd.s32 v7, v18;
	v23 =	vadd.s32 v23, v8  }
0x498: {  	[tilespmem:v21+s12+$0x0] =	vst.idx.msk $0xffff, v9;
	v9 =	vor.u32 v19, v18;
	v18 =	vand.u32 $0xFFFFFF80, v23;
	v19 =	vand.u32 $0x7F, v23;
	v23 =	vld [tilespmem:$0x1F730]  }
0x499: {  	v20 =	vadd.s32 v20, v5  }
0x49a: {  	v22 =	vld [tilespmem:$0x1F900];
	_ =	sdelay $0x1  }
0x49b: {  	v21 =	vld [tilespmem:$0x1F910]  }
0x49c: {  	v16 =	vld.idx.msk [tilespmem:v16+s23+$0x0], $0xffff;
	v18 =	vadd.s32 v7, v18;
	v23 =	vadd.s32 v23, v8  }
0x49d: {  	[tilespmem:v20+s12+$0x0] =	vst.idx.msk $0xffff, v11;
	v11 =	vor.u32 v19, v18;
	v18 =	vand.u32 $0xFFFFFF80, v23;
	v19 =	vand.u32 $0x7F, v23;
	v23 =	vld [tilespmem:$0x1F740]  }
0x49e: {  	v22 =	vadd.s32 v22, v5;
	_ =	sdelay $0x1  }
0x49f: {  	v21 =	vadd.s32 v21, v5  }
0x4a0: {  	v20 =	vld [tilespmem:$0x1F920]  }
0x4a1: {  	v18 =	vadd.s32 v7, v18;
	v23 =	vadd.s32 v23, v8  }
0x4a2: {  	v17 =	vld.idx.msk [tilespmem:v17+s23+$0x0], $0xffff;
	[tilespmem:v22+s12+$0x0] =	vst.idx.msk $0xffff, v12;
	v12 =	vor.u32 v19, v18;
	v18 =	vand.u32 $0xFFFFFF80, v23  }
0x4a3: {  	v15 =	vld.idx.msk [tilespmem:v15+s23+$0x0], $0xffff;
	v19 =	vand.u32 $0x7F, v23;
	v23 =	vadd.s32 v27, v8;
	v18 =	vadd.s32 v7, v18  }
0x4a4: {  	[tilespmem:v21+s12+$0x0] =	vst.idx.msk $0xffff, v13;
	v13 =	vor.u32 v19, v18;
	v18 =	vand.u32 $0xFFFFFF80, v23;
	v19 =	vand.u32 $0x7F, v23;
	v23 =	vld [tilespmem:$0x1F750]  }
0x4a5: {  	v20 =	vadd.s32 v20, v5  }
0x4a6: {  	v22 =	vld [tilespmem:$0x1F930];
	_ =	sdelay $0x2  }
0x4a7: {  	v9 =	vld.idx.msk [tilespmem:v9+s23+$0x0], $0xffff;
	v18 =	vadd.s32 v7, v18;
	v23 =	vadd.s32 v23, v8  }
0x4a8: {  	[tilespmem:v20+s12+$0x0] =	vst.idx.msk $0xffff, v14;
	v14 =	vor.u32 v19, v18;
	v18 =	vand.u32 $0xFFFFFF80, v23;
	v19 =	vand.u32 $0x7F, v23;
	v23 =	vld [tilespmem:$0x1F760]  }
0x4a9: {  	v22 =	vadd.s32 v22, v5  }
0x4aa: {  	v21 =	vld [tilespmem:$0x1F940];
	_ =	sdelay $0x2  }
0x4ab: {  	v11 =	vld.idx.msk [tilespmem:v11+s23+$0x0], $0xffff;
	v18 =	vadd.s32 v7, v18;
	v23 =	vadd.s32 v23, v8  }
0x4ac: {  	[tilespmem:v22+s12+$0x0] =	vst.idx.msk $0xffff, v16;
	v16 =	vor.u32 v19, v18;
	v18 =	vand.u32 $0xFFFFFF80, v23;
	v19 =	vand.u32 $0x7F, v23;
	v23 =	vld [tilespmem:$0x1F770]  }
0x4ad: {  	v21 =	vadd.s32 v21, v5  }
0x4ae: {  	v20 =	vld [tilespmem:$0x1F960];
	_ =	sdelay $0x2  }
0x4af: {  	v12 =	vld.idx.msk [tilespmem:v12+s23+$0x0], $0xffff;
	v18 =	vadd.s32 v7, v18;
	v23 =	vadd.s32 v23, v8  }
0x4b0: {  	[tilespmem:v21+s12+$0x0] =	vst.idx.msk $0xffff, v17;
	v17 =	vor.u32 v19, v18;
	v18 =	vand.u32 $0xFFFFFF80, v23;
	v19 =	vand.u32 $0x7F, v23;
	v23 =	vld [tilespmem:$0x1F780]  }
0x4b1: {  	v20 =	vadd.s32 v20, v5;
	_ =	sdelay $0x3  }
0x4b2: {  	v13 =	vld.idx.msk [tilespmem:v13+s23+$0x0], $0xffff;
	v18 =	vadd.s32 v7, v18;
	v23 =	vadd.s32 v23, v8  }
0x4b3: {  	[tilespmem:v20+s12+$0x0] =	vst.idx.msk $0xffff, v15;
	v15 =	vor.u32 v19, v18;
	v18 =	vand.u32 $0xFFFFFF80, v23;
	v19 =	vand.u32 $0x7F, v23;
	v23 =	vld [tilespmem:$0x1F790]  }
0x4b4: {  	v22 =	vadd.s32 v0, v5  }
0x4b5: {  	v21 =	vld [tilespmem:$0x1F980];
	_ =	sdelay $0x2  }
0x4b6: {  	v14 =	vld.idx.msk [tilespmem:v14+s23+$0x0], $0xffff;
	v18 =	vadd.s32 v7, v18;
	v23 =	vadd.s32 v23, v8  }
0x4b7: {  	[tilespmem:v22+s12+$0x0] =	vst.idx.msk $0xffff, v9;
	v9 =	vor.u32 v19, v18;
	v18 =	vand.u32 $0xFFFFFF80, v23;
	v19 =	vand.u32 $0x7F, v23;
	v23 =	vld [tilespmem:$0x1F7A0]  }
0x4b8: {  	v21 =	vadd.s32 v21, v5  }
0x4b9: {  	v20 =	vld [tilespmem:$0x1FD40];
	_ =	sdelay $0x2  }
0x4ba: {  	v16 =	vld.idx.msk [tilespmem:v16+s23+$0x0], $0xffff;
	v18 =	vadd.s32 v7, v18;
	v23 =	vadd.s32 v23, v8  }
0x4bb: {  	[tilespmem:v21+s12+$0x0] =	vst.idx.msk $0xffff, v11;
	v11 =	vor.u32 v19, v18;
	v18 =	vand.u32 $0xFFFFFF80, v23;
	v19 =	vand.u32 $0x7F, v23;
	v23 =	vld [tilespmem:$0x1F7B0]  }
0x4bc: {  	v20 =	vadd.s32 v20, v5;
	_ =	sdelay $0x3  }
0x4bd: {  	v22 =	vadd.s32 v2, v5;
	v17 =	vld.idx.msk [tilespmem:v17+s23+$0x0], $0xffff;
	v18 =	vadd.s32 v7, v18;
	v23 =	vadd.s32 v23, v8  }
0x4be: {  	[tilespmem:v20+s12+$0x0] =	vst.idx.msk $0xffff, v12;
	v12 =	vor.u32 v19, v18;
	v18 =	vand.u32 $0xFFFFFF80, v23;
	v19 =	vand.u32 $0x7F, v23;
	v23 =	vld [tilespmem:$0x1F7C0];
	_ =	sdelay $0x4  }
0x4bf: {  	v15 =	vld.idx.msk [tilespmem:v15+s23+$0x0], $0xffff;
	[tilespmem:v22+s12+$0x0] =	vst.idx.msk $0xffff, v13;
	v18 =	vadd.s32 v7, v18;
	v23 =	vadd.s32 v23, v8  }
0x4c0: {  	v22 =	vld.idx.msk [tilespmem:v9+s23+$0x0], $0xffff;
	v13 =	vor.u32 v19, v18;
	v18 =	vand.u32 $0xFFFFFF80, v23  }
0x4c1: {  	v9 =	vadd.s32 v7, v18;
	v18 =	vld [tilespmem:$0x1F7D0]  }
0x4c2: {  	v21 =	vadd.s32 v3, v5  }
0x4c3: {  	v20 =	vadd.s32 v4, v5;
	_ =	sdelay $0x2  }
0x4c4: {  	v19 =	vand.u32 $0x7F, v23;
	v18 =	vadd.s32 v18, v8  }
0x4c5: {  	[tilespmem:v21+s12+$0x0] =	vst.idx.msk $0xffff, v14;
	v21 =	vld [tilespmem:$0x1F7E0];
	v14 =	vor.u32 v19, v9;
	v9 =	vand.u32 $0xFFFFFF80, v18  }
0x4c6: {  	v19 =	vld.idx.msk [tilespmem:v11+s23+$0x0], $0xffff;
	[tilespmem:v20+s12+$0x0] =	vst.idx.msk $0xffff, v16;
	v18 =	vand.u32 $0x7F, v18;
	v9 =	vadd.s32 v7, v9  }
0x4c7: {  	v16 =	vor.u32 v18, v9;
	v9 =	vld.idx.msk [tilespmem:v12+s23+$0x0], $0xffff  }
0x4c8: {  	v12 =	vld [tilespmem:$0x1FA00];
	_ =	sdelay $0x1  }
0x4c9: {  	v21 =	vadd.s32 v21, v8  }
0x4ca: {  	v20 =	vand.u32 $0x7F, v21  }
0x4cb: {  	v23 =	vadd.s32 v55, v5;
	v18 =	vand.u32 $0xFFFFFF80, v21  }
0x4cc: {  	v21 =	vadd.s32 v12, v5;
	v12 =	vadd.s32 v7, v18  }
0x4cd: {  	v18 =	vor.u32 v20, v12;
	v20 =	vmov v1;
	v1 =	vld [tilespmem:$0x1FA20]  }
0x4ce: {  	v11 =	vld [tilespmem:$0x1F9E0];
	_ =	sdelay $0x1  }
0x4cf: {  	v8 =	vadd.s32 v26, v8;
	[tilespmem:v23+s12+$0x0] =	vst.idx.msk $0xffff, v17  }
0x4d0: {  	v17 =	vand.u32 $0x7F, v8;
	v12 =	vand.u32 $0xFFFFFF80, v8;
	v8 =	vld.idx.msk [tilespmem:v13+s23+$0x0], $0xffff  }
0x4d1: {  	v13 =	vadd.s32 v1, v5;
	v1 =	vld [tilespmem:$0x1FE10]  }
0x4d2: {  	v11 =	vadd.s32 v11, v5;
	_ =	sdelay $0x2  }
0x4d3: {  	v7 =	vadd.s32 v7, v12  }
0x4d4: {  	p1 =	sne.s32 s2, $0xF0;
	v12 =	vor.u32 v17, v7;
	v17 =	vadd.s32 v1, v5;
	v1 =	vld [tilespmem:$0x1FA40]  }
.Ltmp3:
0x4d5: {  	[tilespmem:v11+s12+$0x0] =	vst.idx.msk $0xffff, v15;
	(pc) =	sbr.rel @p1 .LBB2_5-.Ltmp3, $4  }
0x4d6: {  	v7 =	vld.idx.msk [tilespmem:v14+s23+$0x0], $0xffff  }
0x4d7: {  	[tilespmem:v21+s12+$0x0] =	vst.idx.msk $0xffff, v22;
	v21 =	vld [tilespmem:$0x1FA50]  }
0x4d8: {  	s16 =	sadd.s32 $0x10, s2;
	v15 =	vadd.s32 v24, v5;
	v11 =	vld.idx.msk [tilespmem:v16+s23+$0x0], $0xffff;
	[tilespmem:v13+s12+$0x0] =	vst.idx.msk $0xffff, v19  }
0x4d9: {  	s0 =	sadd.s32 $0x20, s0;
	s2 =	smov.u32 s16;
	v14 =	vadd.s32 v20, v5;
	v19 =	vmov v24;
	v13 =	vld.idx.msk [tilespmem:v18+s23+$0x0], $0xffff;
	v16 =	vadd.s32 v1, v5  }
0x4da: {  	v2 =	vld [tilespmem:$0x1FE00];
	_ =	sdelay $0x3  }
0x4db: {  	[tilespmem:v17+s12+$0x0] =	vst.idx.msk $0xffff, v9  }
0x4dc: {  	v0 =	vld.idx.msk [tilespmem:v12+s23+$0x0], $0xffff;
	v1 =	vadd.s32 v2, v5  }
0x4dd: {  	[tilespmem:v14+s12+$0x0] =	vst.idx.msk $0xffff, v8  }
0x4de: {  	[tilespmem:v15+s12+$0x0] =	vst.idx.msk $0xffff, v7  }
0x4df: {  	[tilespmem:v16+s12+$0x0] =	vst.idx.msk $0xffff, v11  }
0x4e0: {  	[tilespmem:v6+s12+$0x0] =	vst.idx.msk $0xffff, v13  }
0x4e1: {  	s0 =	sadd.s32 s31, s11;
	[tilespmem:v1+s12+$0x0] =	vst.idx.msk $0xffff, v0  }
0x4e2: {  	[hbm4b:s0+s1] =	stream.linear.scatter [tilespmem:s12], [sflag:$0x8], $0x800, $0x38;
	[tilespmem:$0x1C400] =	vst v63  }
0x4e3: {  	s8 =	simm.s32 $0x17000;
	s2 =	sadd.s32 $0x4000, s0  }
0x4e4: {  	[hbm4b:s2+s1] =	stream.linear.scatter [tilespmem:s8], [sflag:$0x8], $0x800, $0x38;
	[tilespmem:$0x1C400] =	vst v63  }
0x4e5: {  	s31 =	simm.s32 $0x17C00;
	s18 =	sadd.s32 $0x8000, s0  }
0x4e6: {  	[hbm4b:s18+s1] =	stream.linear.scatter [tilespmem:s31], [sflag:$0x8], $0x800, $0x38;
	[tilespmem:$0x1C400] =	vst v63  }
0x4e7: {  	s13 =	simm.s32 $0x18800;
	s8 =	sadd.s32 $0xC000, s0  }
0x4e8: {  	[hbm4b:s8+s1] =	stream.linear.scatter [tilespmem:s13], [sflag:$0x8], $0x800, $0x38;
	[tilespmem:$0x1C400] =	vst v63  }
0x4e9: {  	s16 =	sadd.s32 $0x10000, s0  }
0x4ea: {  	[hbm4b:s16+s1] =	stream.linear.scatter [tilespmem:s20], [sflag:$0x8], $0x800, $0x38;
	[tilespmem:$0x1C400] =	vst v63  }
0x4eb: {  	s18 =	sadd.s32 $0x14000, s0  }
0x4ec: {  	[hbm4b:s18+s1] =	stream.linear.scatter [tilespmem:s21], [sflag:$0x8], $0x800, $0x38;
	[tilespmem:$0x1C400] =	vst v63  }
.Ltmp4:
0x4ed: {  	_ = 	snop;
	(pc) =	sbr.rel @p0 .LBB2_8-.Ltmp4, $4  }
0x4ee: {  	s31 =	sadd.s32 $0x18000, s0  }
0x4ef: {  	[hbm4b:s31+s1] =	stream.linear.scatter [tilespmem:s28], [sflag:$0x8], $0x800, $0x38;
	[tilespmem:$0x1C400] =	vst v63  }
0x4f0: {  	s0 =	sadd.s32 $0x1C000, s0  }
0x4f1: {  	[hbm4b:s0+s1] =	stream.linear.scatter [tilespmem:s29], [sflag:$0x8], $0x800, $0x38;
	[tilespmem:$0x1C400] =	vst v63  }
0x4f2: {  	v21 =	vld [tilespmem:$0x1FD00]  }
0x4f3: {  	v23 =	vld [tilespmem:$0x1FD10]  }
.Ltmp5:
0x4f4: {  	s30 =	sadd.s32 $0x1, s30;
	v24 =	vld [tilespmem:$0x1FD20];
	(pc) =	sbr.rel .LBB2_2-.Ltmp5, $4  }
0x4f5: {  	v9 =	vld [tilespmem:$0x1FD90];
	s0 =	sshll.u32 s30, $0xB;
	s2 =	sshll.u32 s30, $0x4  }
0x4f6: {  	v11 =	vld [tilespmem:$0x1FDA0];
	s0 =	sand.u32 $0x3C000, s0;
	s2 =	sand.u32 $0x70, s2  }
0x4f7: {  	v16 =	vmov v35;
	v12 =	vld [tilespmem:$0x1FDB0];
	s0 =	sor.u32 s0, s2  }
0x4f8: {  	v13 =	vmovc v40;
	v7 =	vmovc v41;
	v41 =	vmov v42;
	v40 =	vmov v58;
	v18 =	vlaneseq.u32;
	v17 =	vld [tilespmem:$0x1FDC0];
	s0 =	sor.u32 s9, s0  }
.LBB2_9:
0x4f9: {  	_ =	sfence.sel $0x180000  }
0x4fa: {  	[bflag:$0x0] =	sbarrier.arrive $0xFFFF  }
0x4fb: {  	_ =	strace $0x90000047  }
0x4fc: {  	s0 =	stileid.u32;
	[bflag:$0x2] =	sbarrier.arrive $0xFFFF  }
0x4fd: {  	p0 =	sne.s32 s0, $0x0;
	s0 =	rddreg [dreg:$0x2]  }
0x4fe: {  	s0 =	sadd.s32 @!p0 $0x100000, s0  }
0x4ff: {  	[sflag:s0] =	ssyncadd.tile.s32 @!p0 $0x1;
	_ =	shalt  }
.Lfunc_end2:
_tile_overlayer_lowered:
.L_overlay_start_2:
0x500: {  	(tag) =	ssettag $0x2  }
0x501: {  	s0 =	rddreg [dreg:$0x0];
	s2 =	stileid.u32  }
0x502: {  	s1 =	rddreg [dreg:$0x1];
	p0 =	sne.s32 s2, $0x0  }
0x503: {  	s3 =	rddreg [dreg:$0x2];
	[bflag:$0x3] =	sbarrier.arrive $0xFFFF;
	s2 =	simm.s32 @!p0 $0x1C09  }
0x504: {  	[timem:s3], [sflag:s2] =	dma.local @!p0 [hbm:s0], s1  }
0x505: {  	s0 =	simm.s32 @!p0 $0x9  }
0x506: {  	_ =	swait.ge @!p0 [sflag:s0], s1  }
0x507: {  	s1 =	ssub.s32 @!p0 $0x0, s1;
	[sflag:s0] =	ssyncset.done @!p0 $0x0  }
0x508: {  	[sflag:s0] =	ssyncadd.s32 @!p0 s1  }
0x509: {  	[bflag:$0x3] =	sbarrier.arrive $0xFFFF  }
0x50a: {  	_ =	shalt  }

</sc_bundles>
